<compile_context>
chip_gen: v7x
topology: tpu7x:2x2x1
jax: 0.10.2.dev20260603
libtpu: 0.0.44.dev20260713+nightly
codegen_flags: <defaults>
</compile_context>

<pallas_src>
import functools

import jax
import jax.numpy as jnp
from jax import lax
from jax.experimental import pallas as pl
from jax.experimental.pallas import tpu as pltpu
from jax.experimental.pallas import tpu_sc as plsc

_N_RAW = 10000
_NP = 10240
_NG = 16
_NC, _NS = 2, 16
_CH = 128
_TOT = 160
_K0, _K1 = 120, 40
_STAGES0 = (40, 40, 40)
_STAGES1 = (40,)
_IDXROWS = 40
_EP = _NS * _TOT * _CH
_RPT = _NP // _NS
_D = 128
_DOUT = 64
_TRASH = 10200
_ZROWS = 64

_BLK = 512
_GRID = _NP // _BLK

_HIGH = lax.Precision.HIGHEST

@functools.cache
def _mesh():
    return plsc.VectorSubcoreMesh(core_axis_name="c", subcore_axis_name="s",
                                  num_cores=_NC, num_subcores=_NS)



def _sc_degree(dsts):

    @functools.partial(
        pl.kernel,
        out_type=jax.ShapeDtypeStruct((_NC, _NP, _D), jnp.float32),
        mesh=_mesh(),
        scratch_types=[
            pltpu.VMEM((_TOT // 2, _CH), jnp.int32),
            pltpu.VMEM((_CH, _D), jnp.float32),
            pltpu.VMEM((_ZROWS, _D), jnp.float32),
            pltpu.VMEM_SHARED((_NP, _D), jnp.float32),
        ],
    )
    def deg_kernel(dst_hbm, out_hbm, dst_v, ones_v, zbuf, acc_sh):
        c = lax.axis_index("c")
        s = lax.axis_index("s")
        pltpu.sync_copy(dst_hbm.at[s, pl.ds(c * (_TOT // 2), _TOT // 2)],
                        dst_v)

        one = jnp.full((16,), 1.0, jnp.float32)
        zero = jnp.zeros((16,), jnp.float32)

        @pl.loop(0, _CH)
        def _(r):
            @pl.loop(0, _D, step=16)
            def _(k):
                ones_v[r, pl.ds(k, 16)] = one

        @pl.loop(0, _ZROWS)
        def _(r):
            @pl.loop(0, _D, step=16)
            def _(k):
                zbuf[r, pl.ds(k, 16)] = zero

        @pl.loop(0, _RPT, step=_ZROWS)
        def _(i):
            pltpu.sync_copy(zbuf, acc_sh.at[pl.ds(s * _RPT + i, _ZROWS)])

        plsc.subcore_barrier()

        @pl.loop(0, _TOT // 2)
        def _(j):
            pltpu.sync_copy(ones_v, acc_sh.at[dst_v.at[j]], add=True)

        plsc.subcore_barrier()
        pltpu.sync_copy(acc_sh.at[pl.ds(s * _RPT, _RPT)],
                        out_hbm.at[c, pl.ds(s * _RPT, _RPT)])

    return deg_kernel(dsts)


def _sc_aggregate(h2, srcs, dsts):

    @functools.partial(
        pl.kernel,
        out_type=jax.ShapeDtypeStruct((_NC, _NP, _D), jnp.float32),
        mesh=_mesh(),
        scratch_types=[
            pltpu.VMEM((_IDXROWS, _CH), jnp.int32),
            pltpu.VMEM((_IDXROWS, _CH), jnp.int32),
            pltpu.VMEM((_CH, _D), jnp.float32),
            pltpu.VMEM((_CH, _D), jnp.float32),
            pltpu.VMEM_SHARED((_NP, _D), jnp.float32),
            pltpu.SemaphoreType.DMA,
            pltpu.SemaphoreType.DMA,
            pltpu.SemaphoreType.DMA,
            pltpu.SemaphoreType.DMA,
        ],
    )
    def agg_kernel(h0_hbm, h1_hbm, src_hbm, dst_hbm, out_hbm,
                   src_v, dst_v, rows_a, rows_b, acc_sh,
                   gs_a, gs_b, ss_a, ss_b):
        c = lax.axis_index("c")
        s = lax.axis_index("s")

        zero = jnp.zeros((16,), jnp.float32)

        @pl.loop(0, _CH)
        def _(r):
            @pl.loop(0, _D, step=16)
            def _(k):
                rows_a[r, pl.ds(k, 16)] = zero

        @pl.loop(0, _RPT, step=_CH)
        def _(i):
            pltpu.sync_copy(rows_a, acc_sh.at[pl.ds(s * _RPT + i, _CH)])

        plsc.subcore_barrier()

        def stage(h_hbm, base, stsz):
            pltpu.sync_copy(src_hbm.at[s, pl.ds(base, stsz)],
                            src_v.at[pl.ds(0, stsz)])
            pltpu.sync_copy(dst_hbm.at[s, pl.ds(base, stsz)],
                            dst_v.at[pl.ds(0, stsz)])
            pltpu.async_copy(h_hbm.at[src_v.at[0]], rows_a, gs_a)
            pltpu.async_copy(h_hbm.at[src_v.at[1]], rows_b, gs_b)

            @pl.loop(0, stsz, step=2)
            def _(j):
                pltpu.make_async_copy(
                    h_hbm.at[src_v.at[j]], rows_a, gs_a).wait()
                pltpu.async_copy(rows_a, acc_sh.at[dst_v.at[j]], ss_a,
                                 add=True)
                pltpu.make_async_copy(
                    h_hbm.at[src_v.at[j + 1]], rows_b, gs_b).wait()
                pltpu.make_async_copy(
                    rows_a, acc_sh.at[dst_v.at[j]], ss_a).wait()

                @pl.when(j + 2 < stsz)
                def _():
                    pltpu.async_copy(h_hbm.at[src_v.at[j + 2]], rows_a, gs_a)

                pltpu.async_copy(rows_b, acc_sh.at[dst_v.at[j + 1]], ss_b,
                                 add=True)
                pltpu.make_async_copy(
                    rows_b, acc_sh.at[dst_v.at[j + 1]], ss_b).wait()

                @pl.when(j + 3 < stsz)
                def _():
                    pltpu.async_copy(h_hbm.at[src_v.at[j + 3]], rows_b, gs_b)

        @pl.when(c == 0)
        def _():
            base = 0
            for stsz in _STAGES0:
                stage(h0_hbm, base, stsz)
                base += stsz

        @pl.when(c == 1)
        def _():
            base = _K0
            for stsz in _STAGES1:
                stage(h1_hbm, base, stsz)
                base += stsz

        plsc.subcore_barrier()
        pltpu.sync_copy(acc_sh.at[pl.ds(s * _RPT, _RPT)],
                        out_hbm.at[c, pl.ds(s * _RPT, _RPT)])

    return agg_kernel(h2[0], h2[1], srcs, dsts)



def _dinv_block(d0, d1):
    cnt = d0[:, 0:1] + d1[:, 0:1]
    return lax.rsqrt(jnp.maximum(cnt + 1.0, 1.0))


def _t_first_body(x_ref, w_ref, d0_ref, d1_ref, o_ref, o2_ref):
    dinv = _dinv_block(d0_ref[...], d1_ref[...])
    h = jnp.dot(x_ref[...], w_ref[...],
                preferred_element_type=jnp.float32, precision=_HIGH)
    v = h * dinv
    o_ref[...] = v
    o2_ref[...] = v


def _t_mid_body(a0_ref, a1_ref, hp_ref, d0_ref, d1_ref, b_ref, w_ref,
                o_ref, o2_ref):
    dinv = _dinv_block(d0_ref[...], d1_ref[...])
    z = dinv * (a0_ref[...] + a1_ref[...] + hp_ref[...]) + b_ref[...]
    z = jnp.maximum(z, 0.0)
    h = jnp.dot(z, w_ref[...],
                preferred_element_type=jnp.float32, precision=_HIGH)
    v = h * dinv
    o_ref[...] = v
    o2_ref[...] = v


def _t_final_body(a0_ref, a1_ref, hp_ref, d0_ref, d1_ref, b_ref, bat_ref,
                  fcw_ref, fcb_ref, o_ref, sums_s, cnts_s):
    j = pl.program_id(0)

    @pl.when(j == 0)
    def _():
        sums_s[...] = jnp.zeros_like(sums_s)
        cnts_s[...] = jnp.zeros_like(cnts_s)

    dinv = _dinv_block(d0_ref[...], d1_ref[...])
    z = dinv * (a0_ref[...] + a1_ref[...] + hp_ref[...]) + b_ref[...]
    z = jnp.maximum(z, 0.0)

    gids = lax.broadcasted_iota(jnp.int32, (_NG, _BLK), 0).astype(jnp.float32)
    maskt = (gids == bat_ref[...]).astype(jnp.float32)
    sums_s[...] += jnp.dot(maskt, z,
                           preferred_element_type=jnp.float32, precision=_HIGH)
    cnts_s[...] += jnp.sum(maskt, axis=1, keepdims=True)

    @pl.when(j == pl.num_programs(0) - 1)
    def _():
        pooled = sums_s[...] / jnp.maximum(cnts_s[...], 1.0)
        o_ref[...] = jnp.dot(pooled, fcw_ref[...],
                             preferred_element_type=jnp.float32,
                             precision=_HIGH) + fcb_ref[...]


def _row_spec():
    return pl.BlockSpec((_BLK, _D), lambda i: (i, 0))


def _fixed(shape):
    return pl.BlockSpec(shape, lambda i: (0,) * len(shape))


def _t_first(x, w, d0, d1):
    return pl.pallas_call(
        _t_first_body,
        grid=(_GRID,),
        in_specs=[_row_spec(), _fixed((_D, _D)), _row_spec(), _row_spec()],
        out_specs=[_row_spec(), _row_spec()],
        out_shape=[jax.ShapeDtypeStruct((_NP, _D), jnp.float32)] * 2,
    )(x, w, d0, d1)


def _t_mid(a0, a1, hp, d0, d1, b, w):
    return pl.pallas_call(
        _t_mid_body,
        grid=(_GRID,),
        in_specs=[_row_spec(), _row_spec(), _row_spec(), _row_spec(),
                  _row_spec(), _fixed((1, _D)), _fixed((_D, _D))],
        out_specs=[_row_spec(), _row_spec()],
        out_shape=[jax.ShapeDtypeStruct((_NP, _D), jnp.float32)] * 2,
    )(a0, a1, hp, d0, d1, b, w)


def _t_final(a0, a1, hp, d0, d1, b, bat, fcw, fcb):
    return pl.pallas_call(
        _t_final_body,
        grid=(_GRID,),
        in_specs=[_row_spec(), _row_spec(), _row_spec(), _row_spec(),
                  _row_spec(), _fixed((1, _D)),
                  pl.BlockSpec((1, _BLK), lambda i: (0, i)),
                  _fixed((_D, _DOUT)), _fixed((1, _DOUT))],
        out_specs=_fixed((_NG, _DOUT)),
        out_shape=jax.ShapeDtypeStruct((_NG, _DOUT), jnp.float32),
        scratch_shapes=[pltpu.VMEM((_NG, _D), jnp.float32),
                        pltpu.VMEM((_NG, 1), jnp.float32)],
    )(a0, a1, hp, d0, d1, b, bat, fcw, fcb)



def kernel(x, edge_index, batch, W1, b1, W2, b2, W3, b3, fcW, fcb):
    src = edge_index[0].astype(jnp.int32)
    dst = edge_index[1].astype(jnp.int32)
    npad = _EP - src.shape[0]
    srcs = jnp.concatenate(
        [src, jnp.full((npad,), _N_RAW, jnp.int32)]).reshape(
            _NS, _TOT, _CH)
    dsts = jnp.concatenate(
        [dst, jnp.full((npad,), _TRASH, jnp.int32)]).reshape(
            _NS, _TOT, _CH)

    xp = jnp.pad(x, ((0, _NP - _N_RAW), (0, 0)))
    bat = jnp.pad(batch.astype(jnp.float32), (0, _NP - _N_RAW),
                  constant_values=float(_NG)).reshape(1, _NP)

    b1r = b1.reshape(1, _D)
    b2r = b2.reshape(1, _D)
    b3r = b3.reshape(1, _D)
    fcbr = fcb.reshape(1, _DOUT)

    deg = _sc_degree(dsts)
    d0, d1 = deg[0], deg[1]

    h1 = _t_first(xp, W1, d0, d1)
    a = _sc_aggregate(h1, srcs, dsts)
    h2 = _t_mid(a[0], a[1], h1[0], d0, d1, b1r, W2)
    a = _sc_aggregate(h2, srcs, dsts)
    h3 = _t_mid(a[0], a[1], h2[0], d0, d1, b2r, W3)
    a = _sc_aggregate(h3, srcs, dsts)
    return _t_final(a[0], a[1], h3[0], d0, d1, b3r, bat, fcW, fcbr)

# --- scband reference (transcript-rebuilt; emitter-appended) ---
"""Pipeline reference for scband-graph-convolutional-network-84971632984099 (READ-ONLY COPY).

The authoritative reference and input builder live on the scoring server;
editing this copy changes nothing except your own understanding.
"""

import jax, jax.numpy as jnp
import numpy as np

N_NODES = 10000
N_EDGES = 320000
D_IN = 128
D_HID = 128
D_OUT = 64
N_GRAPHS = 16


def setup_inputs(seed: int = 0) -> dict:
    key = jax.random.key(seed)
    ks = jax.random.split(key, 12)
    x = jax.random.normal(ks[0], (N_NODES, D_IN), dtype=jnp.float32)
    edge_index = jax.random.randint(ks[1], (2, N_EDGES), 0, N_NODES, dtype=jnp.int64)
    batch = jnp.sort(jax.random.randint(ks[2], (N_NODES,), 0, N_GRAPHS, dtype=jnp.int64))
    def glorot(k, shape):
        fan_in, fan_out = shape
        lim = jnp.sqrt(6.0 / (fan_in + fan_out))
        return jax.random.uniform(k, shape, dtype=jnp.float32, minval=-lim, maxval=lim)
    W1 = glorot(ks[3], (D_IN, D_HID)); b1 = jnp.zeros((D_HID,), dtype=jnp.float32)
    W2 = glorot(ks[4], (D_HID, D_HID)); b2 = jnp.zeros((D_HID,), dtype=jnp.float32)
    W3 = glorot(ks[5], (D_HID, D_HID)); b3 = jnp.zeros((D_HID,), dtype=jnp.float32)
    fcW = glorot(ks[6], (D_HID, D_OUT)); fcb = jnp.zeros((D_OUT,), dtype=jnp.float32)
    return {"x": x, "edge_index": edge_index, "batch": batch,
            "W1": W1, "b1": b1, "W2": W2, "b2": b2, "W3": W3, "b3": b3,
            "fcW": fcW, "fcb": fcb}


def _gcn_conv(x, W, b, src, dst, num_nodes):
    # GCNConv: add self loops, symmetric normalization D^-1/2 (A+I) D^-1/2 X W + b
    loop = jnp.arange(num_nodes, dtype=src.dtype)
    src_ = jnp.concatenate([src, loop])
    dst_ = jnp.concatenate([dst, loop])
    deg = jnp.zeros((num_nodes,), dtype=x.dtype).at[dst_].add(1.0)
    dinv = jax.lax.rsqrt(jnp.maximum(deg, 1.0))
    norm = dinv[src_] * dinv[dst_]
    h = x @ W
    msg = h[src_] * norm[:, None]
    out = jnp.zeros((num_nodes, W.shape[1]), dtype=x.dtype).at[dst_].add(msg)
    return out + b


def reference(x, edge_index, batch, W1, b1, W2, b2, W3, b3, fcW, fcb):
    src = edge_index[0]
    dst = edge_index[1]
    h = jax.nn.relu(_gcn_conv(x, W1, b1, src, dst, N_NODES))
    h = jax.nn.relu(_gcn_conv(h, W2, b2, src, dst, N_NODES))
    h = jax.nn.relu(_gcn_conv(h, W3, b3, src, dst, N_NODES))
    sums = jax.ops.segment_sum(h, batch, num_segments=N_GRAPHS)
    counts = jax.ops.segment_sum(jnp.ones((N_NODES,), dtype=h.dtype), batch, num_segments=N_GRAPHS)
    pooled = sums / jnp.maximum(counts, 1.0)[:, None]
    return pooled @ fcW + fcb

if __name__ == "__main__":
    import jax
    _d = setup_inputs()
    print(jax.jit(kernel)(*tuple(_d.values())))

</pallas_src>

<mosaic_0001>
#map = affine_map<(d0, d1) -> (0, 0, 0)>
module attributes {stable_mosaic.version = 14 : i64} {
  func.func @deg_kernel(%arg0: i32, %arg1: i32, %arg2: memref<16x160x128xi32, #tpu.memory_space<hbm>>, %arg3: memref<2x10240x128xf32, #tpu.memory_space<hbm>>, %arg4: memref<80x128xi32, #tpu.memory_space<vmem>>, %arg5: memref<128x128xf32, #tpu.memory_space<vmem>>, %arg6: memref<64x128xf32, #tpu.memory_space<vmem>>, %arg7: memref<10240x128xf32, #tpu.memory_space<vmem_shared>>) attributes {dimension_semantics = [#tpu.dimension_semantics<core_parallel>, #tpu.dimension_semantics<subcore_parallel>], iteration_bounds = array<i64: 2, 16>, scalar_prefetch = 0 : i64, scratch_operands = 4 : i64, tpu.core_type = #tpu.core_type<sc_vector_subcore>, window_params = [{transform_indices = #map}, {transform_indices = #map}]} {
    %mul3A = arith.constant 80 : i32
    %mul3A_0 = arith.muli %arg0, %mul3A : i32
    "tpu.region"() ({
      %run_scoped3A = tpu.sem_alloc : memref<!tpu.dma_semaphore, #tpu.memory_space<semaphore_mem>>
      %dma_start3A = arith.constant 0 : i32
      %dma_start3A_28 = tpu.memref_slice %arg2[%arg1, %mul3A_0, %dma_start3A] : memref<16x160x128xi32, #tpu.memory_space<hbm>> -> memref<1x80x128xi32, #tpu.memory_space<hbm>>
      %dma_start3A_29 = tpu.memref_squeeze %dma_start3A_28 : memref<1x80x128xi32, #tpu.memory_space<hbm>> -> memref<80x128xi32, #tpu.memory_space<hbm>>
      %dma_start3A_30 = arith.constant 0 : i32
      %dma_start3A_31 = tpu.memref_slice %arg2[%arg1, %mul3A_0, %dma_start3A_30] : memref<16x160x128xi32, #tpu.memory_space<hbm>> -> memref<1x80x128xi32, #tpu.memory_space<hbm>>
      %dma_start3A_32 = tpu.memref_squeeze %dma_start3A_31 : memref<1x80x128xi32, #tpu.memory_space<hbm>> -> memref<80x128xi32, #tpu.memory_space<hbm>>
      tpu.enqueue_dma source(%dma_start3A_32 : memref<80x128xi32, #tpu.memory_space<hbm>>) target(%arg4 : memref<80x128xi32, #tpu.memory_space<vmem>>) target_semaphore(%run_scoped3A : memref<!tpu.dma_semaphore, #tpu.memory_space<semaphore_mem>>)
      %dma_wait3A = arith.constant 0 : i32
      %dma_wait3A_33 = tpu.memref_slice %arg2[%arg1, %mul3A_0, %dma_wait3A] : memref<16x160x128xi32, #tpu.memory_space<hbm>> -> memref<1x80x128xi32, #tpu.memory_space<hbm>>
      %dma_wait3A_34 = tpu.memref_squeeze %dma_wait3A_33 : memref<1x80x128xi32, #tpu.memory_space<hbm>> -> memref<80x128xi32, #tpu.memory_space<hbm>>
      %dma_wait3A_35 = arith.constant 0 : i32
      %dma_wait3A_36 = tpu.memref_slice %arg2[%arg1, %mul3A_0, %dma_wait3A_35] : memref<16x160x128xi32, #tpu.memory_space<hbm>> -> memref<1x80x128xi32, #tpu.memory_space<hbm>>
      %dma_wait3A_37 = tpu.memref_squeeze %dma_wait3A_36 : memref<1x80x128xi32, #tpu.memory_space<hbm>> -> memref<80x128xi32, #tpu.memory_space<hbm>>
      tpu.wait_dma2 semaphore(%run_scoped3A : memref<!tpu.dma_semaphore, #tpu.memory_space<semaphore_mem>>) src(%dma_wait3A_37 : memref<80x128xi32, #tpu.memory_space<hbm>>) dst(%arg4 : memref<80x128xi32, #tpu.memory_space<vmem>>)
      tpu.yield
    }) : () -> ()
    %broadcast_in_dim3A = arith.constant 1.000000e+00 : f32
    %broadcast_in_dim3A_1 = vector.broadcast %broadcast_in_dim3A : f32 to vector<16xf32>
    %broadcast_in_dim3A_2 = arith.constant 0.000000e+00 : f32
    %broadcast_in_dim3A_3 = vector.broadcast %broadcast_in_dim3A_2 : f32 to vector<16xf32>
    %scan3A = arith.constant 0 : i32
    %scan3A_4 = arith.constant 128 : i32
    %scan3A_5 = arith.addi %scan3A, %scan3A_4 : i32
    %scan3A_6 = arith.constant 1 : i32
    scf.for %scan3A_28 = %scan3A to %scan3A_5 step %scan3A_6  : i32 {
      %mul3A_29 = arith.constant 1 : i32
      %mul3A_30 = arith.muli %scan3A_28, %mul3A_29 : i32
      %add3A = arith.constant 0 : i32
      %add3A_31 = arith.addi %add3A, %mul3A_30 : i32
      %scan3A_32 = arith.constant 0 : i32
      %scan3A_33 = arith.constant 8 : i32
      %scan3A_34 = arith.addi %scan3A_32, %scan3A_33 : i32
      %scan3A_35 = arith.constant 1 : i32
      scf.for %scan3A_37 = %scan3A_32 to %scan3A_34 step %scan3A_35  : i32 {
        %mul3A_38 = arith.constant 16 : i32
        %mul3A_39 = arith.muli %scan3A_37, %mul3A_38 : i32
        %add3A_40 = arith.constant 0 : i32
        %add3A_41 = arith.addi %add3A_40, %mul3A_39 : i32
        %swap3A = arith.index_cast %add3A_31 : i32 to index
        %swap3A_42 = arith.index_cast %add3A_41 : i32 to index
        %swap3A_43 = tpu.vector_load %arg5[%swap3A, %swap3A_42] {strides = array<i32>} : memref<128x128xf32, #tpu.memory_space<vmem>>, vector<1x16xf32>,
        %swap3A_44 = vector.shape_cast %swap3A_43 : vector<1x16xf32> to vector<16xf32>
        %swap3A_45 = vector.shape_cast %broadcast_in_dim3A_1 : vector<16xf32> to vector<1x16xf32>
        tpu.vector_store %arg5[%swap3A, %swap3A_42], %swap3A_45 {strides = array<i32>} : memref<128x128xf32, #tpu.memory_space<vmem>>, vector<1x16xf32>,
      }
      %scan3A_36 = arith.constant 8 : i32
    }
    %scan3A_7 = arith.constant 128 : i32
    %scan3A_8 = arith.constant 0 : i32
    %scan3A_9 = arith.constant 64 : i32
    %scan3A_10 = arith.addi %scan3A_8, %scan3A_9 : i32
    %scan3A_11 = arith.constant 1 : i32
    scf.for %scan3A_28 = %scan3A_8 to %scan3A_10 step %scan3A_11  : i32 {
      %mul3A_29 = arith.constant 1 : i32
      %mul3A_30 = arith.muli %scan3A_28, %mul3A_29 : i32
      %add3A = arith.constant 0 : i32
      %add3A_31 = arith.addi %add3A, %mul3A_30 : i32
      %scan3A_32 = arith.constant 0 : i32
      %scan3A_33 = arith.constant 8 : i32
      %scan3A_34 = arith.addi %scan3A_32, %scan3A_33 : i32
      %scan3A_35 = arith.constant 1 : i32
      scf.for %scan3A_37 = %scan3A_32 to %scan3A_34 step %scan3A_35  : i32 {
        %mul3A_38 = arith.constant 16 : i32
        %mul3A_39 = arith.muli %scan3A_37, %mul3A_38 : i32
        %add3A_40 = arith.constant 0 : i32
        %add3A_41 = arith.addi %add3A_40, %mul3A_39 : i32
        %swap3A = arith.index_cast %add3A_31 : i32 to index
        %swap3A_42 = arith.index_cast %add3A_41 : i32 to index
        %swap3A_43 = tpu.vector_load %arg6[%swap3A, %swap3A_42] {strides = array<i32>} : memref<64x128xf32, #tpu.memory_space<vmem>>, vector<1x16xf32>,
        %swap3A_44 = vector.shape_cast %swap3A_43 : vector<1x16xf32> to vector<16xf32>
        %swap3A_45 = vector.shape_cast %broadcast_in_dim3A_3 : vector<16xf32> to vector<1x16xf32>
        tpu.vector_store %arg6[%swap3A, %swap3A_42], %swap3A_45 {strides = array<i32>} : memref<64x128xf32, #tpu.memory_space<vmem>>, vector<1x16xf32>,
      }
      %scan3A_36 = arith.constant 8 : i32
    }
    %scan3A_12 = arith.constant 64 : i32
    %scan3A_13 = arith.constant 0 : i32
    %scan3A_14 = arith.constant 10 : i32
    %scan3A_15 = arith.addi %scan3A_13, %scan3A_14 : i32
    %scan3A_16 = arith.constant 1 : i32
    scf.for %scan3A_28 = %scan3A_13 to %scan3A_15 step %scan3A_16  : i32 {
      %mul3A_29 = arith.constant 64 : i32
      %mul3A_30 = arith.muli %scan3A_28, %mul3A_29 : i32
      %add3A = arith.constant 0 : i32
      %add3A_31 = arith.addi %add3A, %mul3A_30 : i32
      %mul3A_32 = arith.constant 640 : i32
      %mul3A_33 = arith.muli %arg1, %mul3A_32 : i32
      %add3A_34 = arith.addi %mul3A_33, %add3A_31 : i32
      "tpu.region"() ({
        %run_scoped3A = tpu.sem_alloc : memref<!tpu.dma_semaphore, #tpu.memory_space<semaphore_mem>>
        %dma_start3A = arith.constant 0 : i32
        %dma_start3A_35 = tpu.memref_slice %arg7[%add3A_34, %dma_start3A] : memref<10240x128xf32, #tpu.memory_space<vmem_shared>> -> memref<64x128xf32, #tpu.memory_space<vmem_shared>>
        %dma_start3A_36 = arith.constant 0 : i32
        %dma_start3A_37 = tpu.memref_slice %arg7[%add3A_34, %dma_start3A_36] : memref<10240x128xf32, #tpu.memory_space<vmem_shared>> -> memref<64x128xf32, #tpu.memory_space<vmem_shared>>
        tpu.enqueue_dma source(%arg6 : memref<64x128xf32, #tpu.memory_space<vmem>>) target(%dma_start3A_37 : memref<64x128xf32, #tpu.memory_space<vmem_shared>>) target_semaphore(%run_scoped3A : memref<!tpu.dma_semaphore, #tpu.memory_space<semaphore_mem>>)
        %dma_wait3A = arith.constant 0 : i32
        %dma_wait3A_38 = tpu.memref_slice %arg7[%add3A_34, %dma_wait3A] : memref<10240x128xf32, #tpu.memory_space<vmem_shared>> -> memref<64x128xf32, #tpu.memory_space<vmem_shared>>
        %dma_wait3A_39 = arith.constant 0 : i32
        %dma_wait3A_40 = tpu.memref_slice %arg7[%add3A_34, %dma_wait3A_39] : memref<10240x128xf32, #tpu.memory_space<vmem_shared>> -> memref<64x128xf32, #tpu.memory_space<vmem_shared>>
        tpu.wait_dma2 semaphore(%run_scoped3A : memref<!tpu.dma_semaphore, #tpu.memory_space<semaphore_mem>>) src(%arg6 : memref<64x128xf32, #tpu.memory_space<vmem>>) dst(%dma_wait3A_40 : memref<64x128xf32, #tpu.memory_space<vmem_shared>>)
        tpu.yield
      }) : () -> ()
    }
    %scan3A_17 = arith.constant 10 : i32
    %barrier3A = arith.constant 0 : index
    tpu.barrier barrier_id(%barrier3A)
    %scan3A_18 = arith.constant 0 : i32
    %scan3A_19 = arith.constant 80 : i32
    %scan3A_20 = arith.addi %scan3A_18, %scan3A_19 : i32
    %scan3A_21 = arith.constant 1 : i32
    scf.for %scan3A_28 = %scan3A_18 to %scan3A_20 step %scan3A_21  : i32 {
      %mul3A_29 = arith.constant 1 : i32
      %mul3A_30 = arith.muli %scan3A_28, %mul3A_29 : i32
      %add3A = arith.constant 0 : i32
      %add3A_31 = arith.addi %add3A, %mul3A_30 : i32
      "tpu.region"() ({
        %run_scoped3A = tpu.sem_alloc : memref<!tpu.dma_semaphore, #tpu.memory_space<semaphore_mem>>
        %dma_start3A = arith.constant 0 : i32
        %dma_start3A_32 = tpu.memref_slice %arg4[%add3A_31, %dma_start3A] : memref<80x128xi32, #tpu.memory_space<vmem>> -> memref<1x128xi32, #tpu.memory_space<vmem>>
        %dma_start3A_33 = tpu.memref_squeeze %dma_start3A_32 : memref<1x128xi32, #tpu.memory_space<vmem>> -> memref<128xi32, #tpu.memory_space<vmem>>
        %dma_start3A_34 = arith.constant 0 : i32
        %dma_start3A_35 = arith.constant 0 : i32
        %dma_start3A_36 = tpu.memref_slice %arg7[%dma_start3A_34, %dma_start3A_35] : memref<10240x128xf32, #tpu.memory_space<vmem_shared>> -> memref<10240x128xf32, #tpu.memory_space<vmem_shared>>
        tpu.enqueue_indirect_dma source(%arg5 : memref<128x128xf32, #tpu.memory_space<vmem>>) target(%dma_start3A_36 : memref<10240x128xf32, #tpu.memory_space<vmem_shared>>) offsets(%dma_start3A_33 : memref<128xi32, #tpu.memory_space<vmem>>) semaphore(%run_scoped3A : memref<!tpu.dma_semaphore, #tpu.memory_space<semaphore_mem>>) {add = true}
        %dma_wait3A = arith.constant 0 : i32
        %dma_wait3A_37 = tpu.memref_slice %arg4[%add3A_31, %dma_wait3A] : memref<80x128xi32, #tpu.memory_space<vmem>> -> memref<1x128xi32, #tpu.memory_space<vmem>>
        %dma_wait3A_38 = tpu.memref_squeeze %dma_wait3A_37 : memref<1x128xi32, #tpu.memory_space<vmem>> -> memref<128xi32, #tpu.memory_space<vmem>>
        %dma_wait3A_39 = arith.constant 0 : i32
        %dma_wait3A_40 = arith.constant 0 : i32
        %dma_wait3A_41 = tpu.memref_slice %arg7[%dma_wait3A_39, %dma_wait3A_40] : memref<10240x128xf32, #tpu.memory_space<vmem_shared>> -> memref<10240x128xf32, #tpu.memory_space<vmem_shared>>
        tpu.wait_indirect_dma semaphore(%run_scoped3A : memref<!tpu.dma_semaphore, #tpu.memory_space<semaphore_mem>>) src(%arg5 : memref<128x128xf32, #tpu.memory_space<vmem>>) dst(%dma_wait3A_41 : memref<10240x128xf32, #tpu.memory_space<vmem_shared>>)
        tpu.yield
      }) : () -> ()
    }
    %scan3A_22 = arith.constant 80 : i32
    %barrier3A_23 = arith.constant 0 : index
    tpu.barrier barrier_id(%barrier3A_23)
    %mul3A_24 = arith.constant 640 : i32
    %mul3A_25 = arith.muli %arg1, %mul3A_24 : i32
    %mul3A_26 = arith.constant 640 : i32
    %mul3A_27 = arith.muli %arg1, %mul3A_26 : i32
    "tpu.region"() ({
      %run_scoped3A = tpu.sem_alloc : memref<!tpu.dma_semaphore, #tpu.memory_space<semaphore_mem>>
      %dma_start3A = arith.constant 0 : i32
      %dma_start3A_28 = tpu.memref_slice %arg3[%arg0, %mul3A_27, %dma_start3A] : memref<2x10240x128xf32, #tpu.memory_space<hbm>> -> memref<1x640x128xf32, #tpu.memory_space<hbm>>
      %dma_start3A_29 = tpu.memref_squeeze %dma_start3A_28 : memref<1x640x128xf32, #tpu.memory_space<hbm>> -> memref<640x128xf32, #tpu.memory_space<hbm>>
      %dma_start3A_30 = arith.constant 0 : i32
      %dma_start3A_31 = tpu.memref_slice %arg7[%mul3A_25, %dma_start3A_30] : memref<10240x128xf32, #tpu.memory_space<vmem_shared>> -> memref<640x128xf32, #tpu.memory_space<vmem_shared>>
      tpu.enqueue_dma source(%dma_start3A_31 : memref<640x128xf32, #tpu.memory_space<vmem_shared>>) target(%dma_start3A_29 : memref<640x128xf32, #tpu.memory_space<hbm>>) target_semaphore(%run_scoped3A : memref<!tpu.dma_semaphore, #tpu.memory_space<semaphore_mem>>)
      %dma_wait3A = arith.constant 0 : i32
      %dma_wait3A_32 = tpu.memref_slice %arg3[%arg0, %mul3A_27, %dma_wait3A] : memref<2x10240x128xf32, #tpu.memory_space<hbm>> -> memref<1x640x128xf32, #tpu.memory_space<hbm>>
      %dma_wait3A_33 = tpu.memref_squeeze %dma_wait3A_32 : memref<1x640x128xf32, #tpu.memory_space<hbm>> -> memref<640x128xf32, #tpu.memory_space<hbm>>
      %dma_wait3A_34 = arith.constant 0 : i32
      %dma_wait3A_35 = tpu.memref_slice %arg7[%mul3A_25, %dma_wait3A_34] : memref<10240x128xf32, #tpu.memory_space<vmem_shared>> -> memref<640x128xf32, #tpu.memory_space<vmem_shared>>
      tpu.wait_dma2 semaphore(%run_scoped3A : memref<!tpu.dma_semaphore, #tpu.memory_space<semaphore_mem>>) src(%dma_wait3A_35 : memref<640x128xf32, #tpu.memory_space<vmem_shared>>) dst(%dma_wait3A_33 : memref<640x128xf32, #tpu.memory_space<hbm>>)
      tpu.yield
    }) : () -> ()
    return
  }
}

#map = affine_map<(d0, d1) -> (0, 0)>
#map1 = affine_map<(d0, d1) -> (0, 0, 0)>
module attributes {stable_mosaic.version = 14 : i64} {
  func.func @agg_kernel(%arg0: i32, %arg1: i32, %arg2: memref<10240x128xf32, #tpu.memory_space<hbm>>, %arg3: memref<10240x128xf32, #tpu.memory_space<hbm>>, %arg4: memref<16x160x128xi32, #tpu.memory_space<hbm>>, %arg5: memref<16x160x128xi32, #tpu.memory_space<hbm>>, %arg6: memref<2x10240x128xf32, #tpu.memory_space<hbm>>, %arg7: memref<40x128xi32, #tpu.memory_space<vmem>>, %arg8: memref<40x128xi32, #tpu.memory_space<vmem>>, %arg9: memref<128x128xf32, #tpu.memory_space<vmem>>, %arg10: memref<128x128xf32, #tpu.memory_space<vmem>>, %arg11: memref<10240x128xf32, #tpu.memory_space<vmem_shared>>, %arg12: memref<!tpu.dma_semaphore, #tpu.memory_space<semaphore_mem>>, %arg13: memref<!tpu.dma_semaphore, #tpu.memory_space<semaphore_mem>>, %arg14: memref<!tpu.dma_semaphore, #tpu.memory_space<semaphore_mem>>, %arg15: memref<!tpu.dma_semaphore, #tpu.memory_space<semaphore_mem>>) attributes {dimension_semantics = [#tpu.dimension_semantics<core_parallel>, #tpu.dimension_semantics<subcore_parallel>], iteration_bounds = array<i64: 2, 16>, scalar_prefetch = 0 : i64, scratch_operands = 9 : i64, tpu.core_type = #tpu.core_type<sc_vector_subcore>, window_params = [{transform_indices = #map}, {transform_indices = #map}, {transform_indices = #map1}, {transform_indices = #map1}, {transform_indices = #map1}]} {
    %broadcast_in_dim3A = arith.constant 0.000000e+00 : f32
    %broadcast_in_dim3A_0 = vector.broadcast %broadcast_in_dim3A : f32 to vector<16xf32>
    %scan3A = arith.constant 0 : i32
    %scan3A_1 = arith.constant 128 : i32
    %scan3A_2 = arith.addi %scan3A, %scan3A_1 : i32
    %scan3A_3 = arith.constant 1 : i32
    scf.for %scan3A_21 = %scan3A to %scan3A_2 step %scan3A_3  : i32 {
      %mul3A_22 = arith.constant 1 : i32
      %mul3A_23 = arith.muli %scan3A_21, %mul3A_22 : i32
      %add3A = arith.constant 0 : i32
      %add3A_24 = arith.addi %add3A, %mul3A_23 : i32
      %scan3A_25 = arith.constant 0 : i32
      %scan3A_26 = arith.constant 8 : i32
      %scan3A_27 = arith.addi %scan3A_25, %scan3A_26 : i32
      %scan3A_28 = arith.constant 1 : i32
      scf.for %scan3A_30 = %scan3A_25 to %scan3A_27 step %scan3A_28  : i32 {
        %mul3A_31 = arith.constant 16 : i32
        %mul3A_32 = arith.muli %scan3A_30, %mul3A_31 : i32
        %add3A_33 = arith.constant 0 : i32
        %add3A_34 = arith.addi %add3A_33, %mul3A_32 : i32
        %swap3A = arith.index_cast %add3A_24 : i32 to index
        %swap3A_35 = arith.index_cast %add3A_34 : i32 to index
        %swap3A_36 = tpu.vector_load %arg9[%swap3A, %swap3A_35] {strides = array<i32>} : memref<128x128xf32, #tpu.memory_space<vmem>>, vector<1x16xf32>,
        %swap3A_37 = vector.shape_cast %swap3A_36 : vector<1x16xf32> to vector<16xf32>
        %swap3A_38 = vector.shape_cast %broadcast_in_dim3A_0 : vector<16xf32> to vector<1x16xf32>
        tpu.vector_store %arg9[%swap3A, %swap3A_35], %swap3A_38 {strides = array<i32>} : memref<128x128xf32, #tpu.memory_space<vmem>>, vector<1x16xf32>,
      }
      %scan3A_29 = arith.constant 8 : i32
    }
    %scan3A_4 = arith.constant 128 : i32
    %scan3A_5 = arith.constant 0 : i32
    %scan3A_6 = arith.constant 5 : i32
    %scan3A_7 = arith.addi %scan3A_5, %scan3A_6 : i32
    %scan3A_8 = arith.constant 1 : i32
    scf.for %scan3A_21 = %scan3A_5 to %scan3A_7 step %scan3A_8  : i32 {
      %mul3A_22 = arith.constant 128 : i32
      %mul3A_23 = arith.muli %scan3A_21, %mul3A_22 : i32
      %add3A = arith.constant 0 : i32
      %add3A_24 = arith.addi %add3A, %mul3A_23 : i32
      %mul3A_25 = arith.constant 640 : i32
      %mul3A_26 = arith.muli %arg1, %mul3A_25 : i32
      %add3A_27 = arith.addi %mul3A_26, %add3A_24 : i32
      "tpu.region"() ({
        %run_scoped3A = tpu.sem_alloc : memref<!tpu.dma_semaphore, #tpu.memory_space<semaphore_mem>>
        %dma_start3A = arith.constant 0 : i32
        %dma_start3A_28 = tpu.memref_slice %arg11[%add3A_27, %dma_start3A] : memref<10240x128xf32, #tpu.memory_space<vmem_shared>> -> memref<128x128xf32, #tpu.memory_space<vmem_shared>>
        %dma_start3A_29 = arith.constant 0 : i32
        %dma_start3A_30 = tpu.memref_slice %arg11[%add3A_27, %dma_start3A_29] : memref<10240x128xf32, #tpu.memory_space<vmem_shared>> -> memref<128x128xf32, #tpu.memory_space<vmem_shared>>
        tpu.enqueue_dma source(%arg9 : memref<128x128xf32, #tpu.memory_space<vmem>>) target(%dma_start3A_30 : memref<128x128xf32, #tpu.memory_space<vmem_shared>>) target_semaphore(%run_scoped3A : memref<!tpu.dma_semaphore, #tpu.memory_space<semaphore_mem>>)
        %dma_wait3A = arith.constant 0 : i32
        %dma_wait3A_31 = tpu.memref_slice %arg11[%add3A_27, %dma_wait3A] : memref<10240x128xf32, #tpu.memory_space<vmem_shared>> -> memref<128x128xf32, #tpu.memory_space<vmem_shared>>
        %dma_wait3A_32 = arith.constant 0 : i32
        %dma_wait3A_33 = tpu.memref_slice %arg11[%add3A_27, %dma_wait3A_32] : memref<10240x128xf32, #tpu.memory_space<vmem_shared>> -> memref<128x128xf32, #tpu.memory_space<vmem_shared>>
        tpu.wait_dma2 semaphore(%run_scoped3A : memref<!tpu.dma_semaphore, #tpu.memory_space<semaphore_mem>>) src(%arg9 : memref<128x128xf32, #tpu.memory_space<vmem>>) dst(%dma_wait3A_33 : memref<128x128xf32, #tpu.memory_space<vmem_shared>>)
        tpu.yield
      }) : () -> ()
    }
    %scan3A_9 = arith.constant 5 : i32
    %barrier3A = arith.constant 0 : index
    tpu.barrier barrier_id(%barrier3A)
    %eq3A = arith.constant 0 : i32
    %eq3A_10 = arith.cmpi eq, %arg0, %eq3A : i32
    %convert_element_type3A = arith.extui %eq3A_10 : i1 to i32
    %cond3A = arith.constant 0 : i32
    %cond3A_11 = arith.cmpi ne, %convert_element_type3A, %cond3A : i32
    scf.if %cond3A_11 {
      "tpu.region"() ({
        %run_scoped3A = tpu.sem_alloc : memref<!tpu.dma_semaphore, #tpu.memory_space<semaphore_mem>>
        %dma_start3A_77 = arith.constant 0 : i32
        %dma_start3A_78 = arith.constant 0 : i32
        %dma_start3A_79 = tpu.memref_slice %arg7[%dma_start3A_77, %dma_start3A_78] : memref<40x128xi32, #tpu.memory_space<vmem>> -> memref<40x128xi32, #tpu.memory_space<vmem>>
        %dma_start3A_80 = arith.constant 0 : i32
        %dma_start3A_81 = arith.constant 0 : i32
        %dma_start3A_82 = tpu.memref_slice %arg4[%arg1, %dma_start3A_80, %dma_start3A_81] : memref<16x160x128xi32, #tpu.memory_space<hbm>> -> memref<1x40x128xi32, #tpu.memory_space<hbm>>
        %dma_start3A_83 = tpu.memref_squeeze %dma_start3A_82 : memref<1x40x128xi32, #tpu.memory_space<hbm>> -> memref<40x128xi32, #tpu.memory_space<hbm>>
        %dma_start3A_84 = arith.constant 0 : i32
        %dma_start3A_85 = arith.constant 0 : i32
        %dma_start3A_86 = tpu.memref_slice %arg7[%dma_start3A_84, %dma_start3A_85] : memref<40x128xi32, #tpu.memory_space<vmem>> -> memref<40x128xi32, #tpu.memory_space<vmem>>
        %dma_start3A_87 = arith.constant 0 : i32
        %dma_start3A_88 = arith.constant 0 : i32
        %dma_start3A_89 = tpu.memref_slice %arg4[%arg1, %dma_start3A_87, %dma_start3A_88] : memref<16x160x128xi32, #tpu.memory_space<hbm>> -> memref<1x40x128xi32, #tpu.memory_space<hbm>>
        %dma_start3A_90 = tpu.memref_squeeze %dma_start3A_89 : memref<1x40x128xi32, #tpu.memory_space<hbm>> -> memref<40x128xi32, #tpu.memory_space<hbm>>
        tpu.enqueue_dma source(%dma_start3A_90 : memref<40x128xi32, #tpu.memory_space<hbm>>) target(%dma_start3A_86 : memref<40x128xi32, #tpu.memory_space<vmem>>) target_semaphore(%run_scoped3A : memref<!tpu.dma_semaphore, #tpu.memory_space<semaphore_mem>>)
        %dma_wait3A = arith.constant 0 : i32
        %dma_wait3A_91 = arith.constant 0 : i32
        %dma_wait3A_92 = tpu.memref_slice %arg7[%dma_wait3A, %dma_wait3A_91] : memref<40x128xi32, #tpu.memory_space<vmem>> -> memref<40x128xi32, #tpu.memory_space<vmem>>
        %dma_wait3A_93 = arith.constant 0 : i32
        %dma_wait3A_94 = arith.constant 0 : i32
        %dma_wait3A_95 = tpu.memref_slice %arg4[%arg1, %dma_wait3A_93, %dma_wait3A_94] : memref<16x160x128xi32, #tpu.memory_space<hbm>> -> memref<1x40x128xi32, #tpu.memory_space<hbm>>
        %dma_wait3A_96 = tpu.memref_squeeze %dma_wait3A_95 : memref<1x40x128xi32, #tpu.memory_space<hbm>> -> memref<40x128xi32, #tpu.memory_space<hbm>>
        %dma_wait3A_97 = arith.constant 0 : i32
        %dma_wait3A_98 = arith.constant 0 : i32
        %dma_wait3A_99 = tpu.memref_slice %arg7[%dma_wait3A_97, %dma_wait3A_98] : memref<40x128xi32, #tpu.memory_space<vmem>> -> memref<40x128xi32, #tpu.memory_space<vmem>>
        %dma_wait3A_100 = arith.constant 0 : i32
        %dma_wait3A_101 = arith.constant 0 : i32
        %dma_wait3A_102 = tpu.memref_slice %arg4[%arg1, %dma_wait3A_100, %dma_wait3A_101] : memref<16x160x128xi32, #tpu.memory_space<hbm>> -> memref<1x40x128xi32, #tpu.memory_space<hbm>>
        %dma_wait3A_103 = tpu.memref_squeeze %dma_wait3A_102 : memref<1x40x128xi32, #tpu.memory_space<hbm>> -> memref<40x128xi32, #tpu.memory_space<hbm>>
        tpu.wait_dma2 semaphore(%run_scoped3A : memref<!tpu.dma_semaphore, #tpu.memory_space<semaphore_mem>>) src(%dma_wait3A_103 : memref<40x128xi32, #tpu.memory_space<hbm>>) dst(%dma_wait3A_99 : memref<40x128xi32, #tpu.memory_space<vmem>>)
        tpu.yield
      }) : () -> ()
      "tpu.region"() ({
        %run_scoped3A = tpu.sem_alloc : memref<!tpu.dma_semaphore, #tpu.memory_space<semaphore_mem>>
        %dma_start3A_77 = arith.constant 0 : i32
        %dma_start3A_78 = arith.constant 0 : i32
        %dma_start3A_79 = tpu.memref_slice %arg8[%dma_start3A_77, %dma_start3A_78] : memref<40x128xi32, #tpu.memory_space<vmem>> -> memref<40x128xi32, #tpu.memory_space<vmem>>
        %dma_start3A_80 = arith.constant 0 : i32
        %dma_start3A_81 = arith.constant 0 : i32
        %dma_start3A_82 = tpu.memref_slice %arg5[%arg1, %dma_start3A_80, %dma_start3A_81] : memref<16x160x128xi32, #tpu.memory_space<hbm>> -> memref<1x40x128xi32, #tpu.memory_space<hbm>>
        %dma_start3A_83 = tpu.memref_squeeze %dma_start3A_82 : memref<1x40x128xi32, #tpu.memory_space<hbm>> -> memref<40x128xi32, #tpu.memory_space<hbm>>
        %dma_start3A_84 = arith.constant 0 : i32
        %dma_start3A_85 = arith.constant 0 : i32
        %dma_start3A_86 = tpu.memref_slice %arg8[%dma_start3A_84, %dma_start3A_85] : memref<40x128xi32, #tpu.memory_space<vmem>> -> memref<40x128xi32, #tpu.memory_space<vmem>>
        %dma_start3A_87 = arith.constant 0 : i32
        %dma_start3A_88 = arith.constant 0 : i32
        %dma_start3A_89 = tpu.memref_slice %arg5[%arg1, %dma_start3A_87, %dma_start3A_88] : memref<16x160x128xi32, #tpu.memory_space<hbm>> -> memref<1x40x128xi32, #tpu.memory_space<hbm>>
        %dma_start3A_90 = tpu.memref_squeeze %dma_start3A_89 : memref<1x40x128xi32, #tpu.memory_space<hbm>> -> memref<40x128xi32, #tpu.memory_space<hbm>>
        tpu.enqueue_dma source(%dma_start3A_90 : memref<40x128xi32, #tpu.memory_space<hbm>>) target(%dma_start3A_86 : memref<40x128xi32, #tpu.memory_space<vmem>>) target_semaphore(%run_scoped3A : memref<!tpu.dma_semaphore, #tpu.memory_space<semaphore_mem>>)
        %dma_wait3A = arith.constant 0 : i32
        %dma_wait3A_91 = arith.constant 0 : i32
        %dma_wait3A_92 = tpu.memref_slice %arg8[%dma_wait3A, %dma_wait3A_91] : memref<40x128xi32, #tpu.memory_space<vmem>> -> memref<40x128xi32, #tpu.memory_space<vmem>>
        %dma_wait3A_93 = arith.constant 0 : i32
        %dma_wait3A_94 = arith.constant 0 : i32
        %dma_wait3A_95 = tpu.memref_slice %arg5[%arg1, %dma_wait3A_93, %dma_wait3A_94] : memref<16x160x128xi32, #tpu.memory_space<hbm>> -> memref<1x40x128xi32, #tpu.memory_space<hbm>>
        %dma_wait3A_96 = tpu.memref_squeeze %dma_wait3A_95 : memref<1x40x128xi32, #tpu.memory_space<hbm>> -> memref<40x128xi32, #tpu.memory_space<hbm>>
        %dma_wait3A_97 = arith.constant 0 : i32
        %dma_wait3A_98 = arith.constant 0 : i32
        %dma_wait3A_99 = tpu.memref_slice %arg8[%dma_wait3A_97, %dma_wait3A_98] : memref<40x128xi32, #tpu.memory_space<vmem>> -> memref<40x128xi32, #tpu.memory_space<vmem>>
        %dma_wait3A_100 = arith.constant 0 : i32
        %dma_wait3A_101 = arith.constant 0 : i32
        %dma_wait3A_102 = tpu.memref_slice %arg5[%arg1, %dma_wait3A_100, %dma_wait3A_101] : memref<16x160x128xi32, #tpu.memory_space<hbm>> -> memref<1x40x128xi32, #tpu.memory_space<hbm>>
        %dma_wait3A_103 = tpu.memref_squeeze %dma_wait3A_102 : memref<1x40x128xi32, #tpu.memory_space<hbm>> -> memref<40x128xi32, #tpu.memory_space<hbm>>
        tpu.wait_dma2 semaphore(%run_scoped3A : memref<!tpu.dma_semaphore, #tpu.memory_space<semaphore_mem>>) src(%dma_wait3A_103 : memref<40x128xi32, #tpu.memory_space<hbm>>) dst(%dma_wait3A_99 : memref<40x128xi32, #tpu.memory_space<vmem>>)
        tpu.yield
      }) : () -> ()
      %dma_start3A = arith.constant 0 : i32
      %dma_start3A_21 = arith.constant 0 : i32
      %dma_start3A_22 = tpu.memref_slice %arg7[%dma_start3A, %dma_start3A_21] : memref<40x128xi32, #tpu.memory_space<vmem>> -> memref<1x128xi32, #tpu.memory_space<vmem>>
      %dma_start3A_23 = tpu.memref_squeeze %dma_start3A_22 : memref<1x128xi32, #tpu.memory_space<vmem>> -> memref<128xi32, #tpu.memory_space<vmem>>
      %dma_start3A_24 = arith.constant 0 : i32
      %dma_start3A_25 = arith.constant 0 : i32
      %dma_start3A_26 = tpu.memref_slice %arg2[%dma_start3A_24, %dma_start3A_25] : memref<10240x128xf32, #tpu.memory_space<hbm>> -> memref<10240x128xf32, #tpu.memory_space<hbm>>
      tpu.enqueue_indirect_dma source(%dma_start3A_26 : memref<10240x128xf32, #tpu.memory_space<hbm>>) target(%arg9 : memref<128x128xf32, #tpu.memory_space<vmem>>) offsets(%dma_start3A_23 : memref<128xi32, #tpu.memory_space<vmem>>) semaphore(%arg12 : memref<!tpu.dma_semaphore, #tpu.memory_space<semaphore_mem>>)
      %dma_start3A_27 = arith.constant 1 : i32
      %dma_start3A_28 = arith.constant 0 : i32
      %dma_start3A_29 = tpu.memref_slice %arg7[%dma_start3A_27, %dma_start3A_28] : memref<40x128xi32, #tpu.memory_space<vmem>> -> memref<1x128xi32, #tpu.memory_space<vmem>>
      %dma_start3A_30 = tpu.memref_squeeze %dma_start3A_29 : memref<1x128xi32, #tpu.memory_space<vmem>> -> memref<128xi32, #tpu.memory_space<vmem>>
      %dma_start3A_31 = arith.constant 0 : i32
      %dma_start3A_32 = arith.constant 0 : i32
      %dma_start3A_33 = tpu.memref_slice %arg2[%dma_start3A_31, %dma_start3A_32] : memref<10240x128xf32, #tpu.memory_space<hbm>> -> memref<10240x128xf32, #tpu.memory_space<hbm>>
      tpu.enqueue_indirect_dma source(%dma_start3A_33 : memref<10240x128xf32, #tpu.memory_space<hbm>>) target(%arg10 : memref<128x128xf32, #tpu.memory_space<vmem>>) offsets(%dma_start3A_30 : memref<128xi32, #tpu.memory_space<vmem>>) semaphore(%arg13 : memref<!tpu.dma_semaphore, #tpu.memory_space<semaphore_mem>>)
      %scan3A_34 = arith.constant 0 : i32
      %scan3A_35 = arith.constant 20 : i32
      %scan3A_36 = arith.addi %scan3A_34, %scan3A_35 : i32
      %scan3A_37 = arith.constant 1 : i32
      scf.for %scan3A_77 = %scan3A_34 to %scan3A_36 step %scan3A_37  : i32 {
        %mul3A_78 = arith.constant 2 : i32
        %mul3A_79 = arith.muli %scan3A_77, %mul3A_78 : i32
        %add3A = arith.constant 0 : i32
        %add3A_80 = arith.addi %add3A, %mul3A_79 : i32
        %dma_wait3A = arith.constant 0 : i32
        %dma_wait3A_81 = tpu.memref_slice %arg7[%add3A_80, %dma_wait3A] : memref<40x128xi32, #tpu.memory_space<vmem>> -> memref<1x128xi32, #tpu.memory_space<vmem>>
        %dma_wait3A_82 = tpu.memref_squeeze %dma_wait3A_81 : memref<1x128xi32, #tpu.memory_space<vmem>> -> memref<128xi32, #tpu.memory_space<vmem>>
        %dma_wait3A_83 = arith.constant 0 : i32
        %dma_wait3A_84 = arith.constant 0 : i32
        %dma_wait3A_85 = tpu.memref_slice %arg2[%dma_wait3A_83, %dma_wait3A_84] : memref<10240x128xf32, #tpu.memory_space<hbm>> -> memref<10240x128xf32, #tpu.memory_space<hbm>>
        tpu.wait_indirect_dma semaphore(%arg12 : memref<!tpu.dma_semaphore, #tpu.memory_space<semaphore_mem>>) src(%dma_wait3A_85 : memref<10240x128xf32, #tpu.memory_space<hbm>>) dst(%arg9 : memref<128x128xf32, #tpu.memory_space<vmem>>)
        %dma_start3A_86 = arith.constant 0 : i32
        %dma_start3A_87 = tpu.memref_slice %arg8[%add3A_80, %dma_start3A_86] : memref<40x128xi32, #tpu.memory_space<vmem>> -> memref<1x128xi32, #tpu.memory_space<vmem>>
        %dma_start3A_88 = tpu.memref_squeeze %dma_start3A_87 : memref<1x128xi32, #tpu.memory_space<vmem>> -> memref<128xi32, #tpu.memory_space<vmem>>
        %dma_start3A_89 = arith.constant 0 : i32
        %dma_start3A_90 = arith.constant 0 : i32
        %dma_start3A_91 = tpu.memref_slice %arg11[%dma_start3A_89, %dma_start3A_90] : memref<10240x128xf32, #tpu.memory_space<vmem_shared>> -> memref<10240x128xf32, #tpu.memory_space<vmem_shared>>
        tpu.enqueue_indirect_dma source(%arg9 : memref<128x128xf32, #tpu.memory_space<vmem>>) target(%dma_start3A_91 : memref<10240x128xf32, #tpu.memory_space<vmem_shared>>) offsets(%dma_start3A_88 : memref<128xi32, #tpu.memory_space<vmem>>) semaphore(%arg14 : memref<!tpu.dma_semaphore, #tpu.memory_space<semaphore_mem>>) {add = true}
        %add3A_92 = arith.constant 1 : i32
        %add3A_93 = arith.addi %add3A_80, %add3A_92 : i32
        %dma_wait3A_94 = arith.constant 0 : i32
        %dma_wait3A_95 = tpu.memref_slice %arg7[%add3A_93, %dma_wait3A_94] : memref<40x128xi32, #tpu.memory_space<vmem>> -> memref<1x128xi32, #tpu.memory_space<vmem>>
        %dma_wait3A_96 = tpu.memref_squeeze %dma_wait3A_95 : memref<1x128xi32, #tpu.memory_space<vmem>> -> memref<128xi32, #tpu.memory_space<vmem>>
        %dma_wait3A_97 = arith.constant 0 : i32
        %dma_wait3A_98 = arith.constant 0 : i32
        %dma_wait3A_99 = tpu.memref_slice %arg2[%dma_wait3A_97, %dma_wait3A_98] : memref<10240x128xf32, #tpu.memory_space<hbm>> -> memref<10240x128xf32, #tpu.memory_space<hbm>>
        tpu.wait_indirect_dma semaphore(%arg13 : memref<!tpu.dma_semaphore, #tpu.memory_space<semaphore_mem>>) src(%dma_wait3A_99 : memref<10240x128xf32, #tpu.memory_space<hbm>>) dst(%arg10 : memref<128x128xf32, #tpu.memory_space<vmem>>)
        %dma_wait3A_100 = arith.constant 0 : i32
        %dma_wait3A_101 = tpu.memref_slice %arg8[%add3A_80, %dma_wait3A_100] : memref<40x128xi32, #tpu.memory_space<vmem>> -> memref<1x128xi32, #tpu.memory_space<vmem>>
        %dma_wait3A_102 = tpu.memref_squeeze %dma_wait3A_101 : memref<1x128xi32, #tpu.memory_space<vmem>> -> memref<128xi32, #tpu.memory_space<vmem>>
        %dma_wait3A_103 = arith.constant 0 : i32
        %dma_wait3A_104 = arith.constant 0 : i32
        %dma_wait3A_105 = tpu.memref_slice %arg11[%dma_wait3A_103, %dma_wait3A_104] : memref<10240x128xf32, #tpu.memory_space<vmem_shared>> -> memref<10240x128xf32, #tpu.memory_space<vmem_shared>>
        tpu.wait_indirect_dma semaphore(%arg14 : memref<!tpu.dma_semaphore, #tpu.memory_space<semaphore_mem>>) src(%arg9 : memref<128x128xf32, #tpu.memory_space<vmem>>) dst(%dma_wait3A_105 : memref<10240x128xf32, #tpu.memory_space<vmem_shared>>)
        %add3A_106 = arith.constant 2 : i32
        %add3A_107 = arith.addi %add3A_80, %add3A_106 : i32
        %lt3A = arith.constant 40 : i32
        %lt3A_108 = arith.cmpi slt, %add3A_107, %lt3A : i32
        %convert_element_type3A_109 = arith.extui %lt3A_108 : i1 to i32
        %cond3A_110 = arith.constant 0 : i32
        %cond3A_111 = arith.cmpi ne, %convert_element_type3A_109, %cond3A_110 : i32
        scf.if %cond3A_111 {
          %add3A_135 = arith.constant 2 : i32
          %add3A_136 = arith.addi %add3A_80, %add3A_135 : i32
          %dma_start3A_137 = arith.constant 0 : i32
          %dma_start3A_138 = tpu.memref_slice %arg7[%add3A_136, %dma_start3A_137] : memref<40x128xi32, #tpu.memory_space<vmem>> -> memref<1x128xi32, #tpu.memory_space<vmem>>
          %dma_start3A_139 = tpu.memref_squeeze %dma_start3A_138 : memref<1x128xi32, #tpu.memory_space<vmem>> -> memref<128xi32, #tpu.memory_space<vmem>>
          %dma_start3A_140 = arith.constant 0 : i32
          %dma_start3A_141 = arith.constant 0 : i32
          %dma_start3A_142 = tpu.memref_slice %arg2[%dma_start3A_140, %dma_start3A_141] : memref<10240x128xf32, #tpu.memory_space<hbm>> -> memref<10240x128xf32, #tpu.memory_space<hbm>>
          tpu.enqueue_indirect_dma source(%dma_start3A_142 : memref<10240x128xf32, #tpu.memory_space<hbm>>) target(%arg9 : memref<128x128xf32, #tpu.memory_space<vmem>>) offsets(%dma_start3A_139 : memref<128xi32, #tpu.memory_space<vmem>>) semaphore(%arg12 : memref<!tpu.dma_semaphore, #tpu.memory_space<semaphore_mem>>)
        } else {
        }
        %add3A_112 = arith.constant 1 : i32
        %add3A_113 = arith.addi %add3A_80, %add3A_112 : i32
        %dma_start3A_114 = arith.constant 0 : i32
        %dma_start3A_115 = tpu.memref_slice %arg8[%add3A_113, %dma_start3A_114] : memref<40x128xi32, #tpu.memory_space<vmem>> -> memref<1x128xi32, #tpu.memory_space<vmem>>
        %dma_start3A_116 = tpu.memref_squeeze %dma_start3A_115 : memref<1x128xi32, #tpu.memory_space<vmem>> -> memref<128xi32, #tpu.memory_space<vmem>>
        %dma_start3A_117 = arith.constant 0 : i32
        %dma_start3A_118 = arith.constant 0 : i32
        %dma_start3A_119 = tpu.memref_slice %arg11[%dma_start3A_117, %dma_start3A_118] : memref<10240x128xf32, #tpu.memory_space<vmem_shared>> -> memref<10240x128xf32, #tpu.memory_space<vmem_shared>>
        tpu.enqueue_indirect_dma source(%arg10 : memref<128x128xf32, #tpu.memory_space<vmem>>) target(%dma_start3A_119 : memref<10240x128xf32, #tpu.memory_space<vmem_shared>>) offsets(%dma_start3A_116 : memref<128xi32, #tpu.memory_space<vmem>>) semaphore(%arg15 : memref<!tpu.dma_semaphore, #tpu.memory_space<semaphore_mem>>) {add = true}
        %add3A_120 = arith.constant 1 : i32
        %add3A_121 = arith.addi %add3A_80, %add3A_120 : i32
        %dma_wait3A_122 = arith.constant 0 : i32
        %dma_wait3A_123 = tpu.memref_slice %arg8[%add3A_121, %dma_wait3A_122] : memref<40x128xi32, #tpu.memory_space<vmem>> -> memref<1x128xi32, #tpu.memory_space<vmem>>
        %dma_wait3A_124 = tpu.memref_squeeze %dma_wait3A_123 : memref<1x128xi32, #tpu.memory_space<vmem>> -> memref<128xi32, #tpu.memory_space<vmem>>
        %dma_wait3A_125 = arith.constant 0 : i32
        %dma_wait3A_126 = arith.constant 0 : i32
        %dma_wait3A_127 = tpu.memref_slice %arg11[%dma_wait3A_125, %dma_wait3A_126] : memref<10240x128xf32, #tpu.memory_space<vmem_shared>> -> memref<10240x128xf32, #tpu.memory_space<vmem_shared>>
        tpu.wait_indirect_dma semaphore(%arg15 : memref<!tpu.dma_semaphore, #tpu.memory_space<semaphore_mem>>) src(%arg10 : memref<128x128xf32, #tpu.memory_space<vmem>>) dst(%dma_wait3A_127 : memref<10240x128xf32, #tpu.memory_space<vmem_shared>>)
        %add3A_128 = arith.constant 3 : i32
        %add3A_129 = arith.addi %add3A_80, %add3A_128 : i32
        %lt3A_130 = arith.constant 40 : i32
        %lt3A_131 = arith.cmpi slt, %add3A_129, %lt3A_130 : i32
        %convert_element_type3A_132 = arith.extui %lt3A_131 : i1 to i32
        %cond3A_133 = arith.constant 0 : i32
        %cond3A_134 = arith.cmpi ne, %convert_element_type3A_132, %cond3A_133 : i32
        scf.if %cond3A_134 {
          %add3A_135 = arith.constant 3 : i32
          %add3A_136 = arith.addi %add3A_80, %add3A_135 : i32
          %dma_start3A_137 = arith.constant 0 : i32
          %dma_start3A_138 = tpu.memref_slice %arg7[%add3A_136, %dma_start3A_137] : memref<40x128xi32, #tpu.memory_space<vmem>> -> memref<1x128xi32, #tpu.memory_space<vmem>>
          %dma_start3A_139 = tpu.memref_squeeze %dma_start3A_138 : memref<1x128xi32, #tpu.memory_space<vmem>> -> memref<128xi32, #tpu.memory_space<vmem>>
          %dma_start3A_140 = arith.constant 0 : i32
          %dma_start3A_141 = arith.constant 0 : i32
          %dma_start3A_142 = tpu.memref_slice %arg2[%dma_start3A_140, %dma_start3A_141] : memref<10240x128xf32, #tpu.memory_space<hbm>> -> memref<10240x128xf32, #tpu.memory_space<hbm>>
          tpu.enqueue_indirect_dma source(%dma_start3A_142 : memref<10240x128xf32, #tpu.memory_space<hbm>>) target(%arg10 : memref<128x128xf32, #tpu.memory_space<vmem>>) offsets(%dma_start3A_139 : memref<128xi32, #tpu.memory_space<vmem>>) semaphore(%arg13 : memref<!tpu.dma_semaphore, #tpu.memory_space<semaphore_mem>>)
        } else {
        }
      }
      %scan3A_38 = arith.constant 20 : i32
      "tpu.region"() ({
        %run_scoped3A = tpu.sem_alloc : memref<!tpu.dma_semaphore, #tpu.memory_space<semaphore_mem>>
        %dma_start3A_77 = arith.constant 0 : i32
        %dma_start3A_78 = arith.constant 0 : i32
        %dma_start3A_79 = tpu.memref_slice %arg7[%dma_start3A_77, %dma_start3A_78] : memref<40x128xi32, #tpu.memory_space<vmem>> -> memref<40x128xi32, #tpu.memory_space<vmem>>
        %dma_start3A_80 = arith.constant 40 : i32
        %dma_start3A_81 = arith.constant 0 : i32
        %dma_start3A_82 = tpu.memref_slice %arg4[%arg1, %dma_start3A_80, %dma_start3A_81] : memref<16x160x128xi32, #tpu.memory_space<hbm>> -> memref<1x40x128xi32, #tpu.memory_space<hbm>>
        %dma_start3A_83 = tpu.memref_squeeze %dma_start3A_82 : memref<1x40x128xi32, #tpu.memory_space<hbm>> -> memref<40x128xi32, #tpu.memory_space<hbm>>
        %dma_start3A_84 = arith.constant 0 : i32
        %dma_start3A_85 = arith.constant 0 : i32
        %dma_start3A_86 = tpu.memref_slice %arg7[%dma_start3A_84, %dma_start3A_85] : memref<40x128xi32, #tpu.memory_space<vmem>> -> memref<40x128xi32, #tpu.memory_space<vmem>>
        %dma_start3A_87 = arith.constant 40 : i32
        %dma_start3A_88 = arith.constant 0 : i32
        %dma_start3A_89 = tpu.memref_slice %arg4[%arg1, %dma_start3A_87, %dma_start3A_88] : memref<16x160x128xi32, #tpu.memory_space<hbm>> -> memref<1x40x128xi32, #tpu.memory_space<hbm>>
        %dma_start3A_90 = tpu.memref_squeeze %dma_start3A_89 : memref<1x40x128xi32, #tpu.memory_space<hbm>> -> memref<40x128xi32, #tpu.memory_space<hbm>>
        tpu.enqueue_dma source(%dma_start3A_90 : memref<40x128xi32, #tpu.memory_space<hbm>>) target(%dma_start3A_86 : memref<40x128xi32, #tpu.memory_space<vmem>>) target_semaphore(%run_scoped3A : memref<!tpu.dma_semaphore, #tpu.memory_space<semaphore_mem>>)
        %dma_wait3A = arith.constant 0 : i32
        %dma_wait3A_91 = arith.constant 0 : i32
        %dma_wait3A_92 = tpu.memref_slice %arg7[%dma_wait3A, %dma_wait3A_91] : memref<40x128xi32, #tpu.memory_space<vmem>> -> memref<40x128xi32, #tpu.memory_space<vmem>>
        %dma_wait3A_93 = arith.constant 40 : i32
        %dma_wait3A_94 = arith.constant 0 : i32
        %dma_wait3A_95 = tpu.memref_slice %arg4[%arg1, %dma_wait3A_93, %dma_wait3A_94] : memref<16x160x128xi32, #tpu.memory_space<hbm>> -> memref<1x40x128xi32, #tpu.memory_space<hbm>>
        %dma_wait3A_96 = tpu.memref_squeeze %dma_wait3A_95 : memref<1x40x128xi32, #tpu.memory_space<hbm>> -> memref<40x128xi32, #tpu.memory_space<hbm>>
        %dma_wait3A_97 = arith.constant 0 : i32
        %dma_wait3A_98 = arith.constant 0 : i32
        %dma_wait3A_99 = tpu.memref_slice %arg7[%dma_wait3A_97, %dma_wait3A_98] : memref<40x128xi32, #tpu.memory_space<vmem>> -> memref<40x128xi32, #tpu.memory_space<vmem>>
        %dma_wait3A_100 = arith.constant 40 : i32
        %dma_wait3A_101 = arith.constant 0 : i32
        %dma_wait3A_102 = tpu.memref_slice %arg4[%arg1, %dma_wait3A_100, %dma_wait3A_101] : memref<16x160x128xi32, #tpu.memory_space<hbm>> -> memref<1x40x128xi32, #tpu.memory_space<hbm>>
        %dma_wait3A_103 = tpu.memref_squeeze %dma_wait3A_102 : memref<1x40x128xi32, #tpu.memory_space<hbm>> -> memref<40x128xi32, #tpu.memory_space<hbm>>
        tpu.wait_dma2 semaphore(%run_scoped3A : memref<!tpu.dma_semaphore, #tpu.memory_space<semaphore_mem>>) src(%dma_wait3A_103 : memref<40x128xi32, #tpu.memory_space<hbm>>) dst(%dma_wait3A_99 : memref<40x128xi32, #tpu.memory_space<vmem>>)
        tpu.yield
      }) : () -> ()
      "tpu.region"() ({
        %run_scoped3A = tpu.sem_alloc : memref<!tpu.dma_semaphore, #tpu.memory_space<semaphore_mem>>
        %dma_start3A_77 = arith.constant 0 : i32
        %dma_start3A_78 = arith.constant 0 : i32
        %dma_start3A_79 = tpu.memref_slice %arg8[%dma_start3A_77, %dma_start3A_78] : memref<40x128xi32, #tpu.memory_space<vmem>> -> memref<40x128xi32, #tpu.memory_space<vmem>>
        %dma_start3A_80 = arith.constant 40 : i32
        %dma_start3A_81 = arith.constant 0 : i32
        %dma_start3A_82 = tpu.memref_slice %arg5[%arg1, %dma_start3A_80, %dma_start3A_81] : memref<16x160x128xi32, #tpu.memory_space<hbm>> -> memref<1x40x128xi32, #tpu.memory_space<hbm>>
        %dma_start3A_83 = tpu.memref_squeeze %dma_start3A_82 : memref<1x40x128xi32, #tpu.memory_space<hbm>> -> memref<40x128xi32, #tpu.memory_space<hbm>>
        %dma_start3A_84 = arith.constant 0 : i32
        %dma_start3A_85 = arith.constant 0 : i32
        %dma_start3A_86 = tpu.memref_slice %arg8[%dma_start3A_84, %dma_start3A_85] : memref<40x128xi32, #tpu.memory_space<vmem>> -> memref<40x128xi32, #tpu.memory_space<vmem>>
        %dma_start3A_87 = arith.constant 40 : i32
        %dma_start3A_88 = arith.constant 0 : i32
        %dma_start3A_89 = tpu.memref_slice %arg5[%arg1, %dma_start3A_87, %dma_start3A_88] : memref<16x160x128xi32, #tpu.memory_space<hbm>> -> memref<1x40x128xi32, #tpu.memory_space<hbm>>
        %dma_start3A_90 = tpu.memref_squeeze %dma_start3A_89 : memref<1x40x128xi32, #tpu.memory_space<hbm>> -> memref<40x128xi32, #tpu.memory_space<hbm>>
        tpu.enqueue_dma source(%dma_start3A_90 : memref<40x128xi32, #tpu.memory_space<hbm>>) target(%dma_start3A_86 : memref<40x128xi32, #tpu.memory_space<vmem>>) target_semaphore(%run_scoped3A : memref<!tpu.dma_semaphore, #tpu.memory_space<semaphore_mem>>)
        %dma_wait3A = arith.constant 0 : i32
        %dma_wait3A_91 = arith.constant 0 : i32
        %dma_wait3A_92 = tpu.memref_slice %arg8[%dma_wait3A, %dma_wait3A_91] : memref<40x128xi32, #tpu.memory_space<vmem>> -> memref<40x128xi32, #tpu.memory_space<vmem>>
        %dma_wait3A_93 = arith.constant 40 : i32
        %dma_wait3A_94 = arith.constant 0 : i32
        %dma_wait3A_95 = tpu.memref_slice %arg5[%arg1, %dma_wait3A_93, %dma_wait3A_94] : memref<16x160x128xi32, #tpu.memory_space<hbm>> -> memref<1x40x128xi32, #tpu.memory_space<hbm>>
        %dma_wait3A_96 = tpu.memref_squeeze %dma_wait3A_95 : memref<1x40x128xi32, #tpu.memory_space<hbm>> -> memref<40x128xi32, #tpu.memory_space<hbm>>
        %dma_wait3A_97 = arith.constant 0 : i32
        %dma_wait3A_98 = arith.constant 0 : i32
        %dma_wait3A_99 = tpu.memref_slice %arg8[%dma_wait3A_97, %dma_wait3A_98] : memref<40x128xi32, #tpu.memory_space<vmem>> -> memref<40x128xi32, #tpu.memory_space<vmem>>
        %dma_wait3A_100 = arith.constant 40 : i32
        %dma_wait3A_101 = arith.constant 0 : i32
        %dma_wait3A_102 = tpu.memref_slice %arg5[%arg1, %dma_wait3A_100, %dma_wait3A_101] : memref<16x160x128xi32, #tpu.memory_space<hbm>> -> memref<1x40x128xi32, #tpu.memory_space<hbm>>
        %dma_wait3A_103 = tpu.memref_squeeze %dma_wait3A_102 : memref<1x40x128xi32, #tpu.memory_space<hbm>> -> memref<40x128xi32, #tpu.memory_space<hbm>>
        tpu.wait_dma2 semaphore(%run_scoped3A : memref<!tpu.dma_semaphore, #tpu.memory_space<semaphore_mem>>) src(%dma_wait3A_103 : memref<40x128xi32, #tpu.memory_space<hbm>>) dst(%dma_wait3A_99 : memref<40x128xi32, #tpu.memory_space<vmem>>)
        tpu.yield
      }) : () -> ()
      %dma_start3A_39 = arith.constant 0 : i32
      %dma_start3A_40 = arith.constant 0 : i32
      %dma_start3A_41 = tpu.memref_slice %arg7[%dma_start3A_39, %dma_start3A_40] : memref<40x128xi32, #tpu.memory_space<vmem>> -> memref<1x128xi32, #tpu.memory_space<vmem>>
      %dma_start3A_42 = tpu.memref_squeeze %dma_start3A_41 : memref<1x128xi32, #tpu.memory_space<vmem>> -> memref<128xi32, #tpu.memory_space<vmem>>
      %dma_start3A_43 = arith.constant 0 : i32
      %dma_start3A_44 = arith.constant 0 : i32
      %dma_start3A_45 = tpu.memref_slice %arg2[%dma_start3A_43, %dma_start3A_44] : memref<10240x128xf32, #tpu.memory_space<hbm>> -> memref<10240x128xf32, #tpu.memory_space<hbm>>
      tpu.enqueue_indirect_dma source(%dma_start3A_45 : memref<10240x128xf32, #tpu.memory_space<hbm>>) target(%arg9 : memref<128x128xf32, #tpu.memory_space<vmem>>) offsets(%dma_start3A_42 : memref<128xi32, #tpu.memory_space<vmem>>) semaphore(%arg12 : memref<!tpu.dma_semaphore, #tpu.memory_space<semaphore_mem>>)
      %dma_start3A_46 = arith.constant 1 : i32
      %dma_start3A_47 = arith.constant 0 : i32
      %dma_start3A_48 = tpu.memref_slice %arg7[%dma_start3A_46, %dma_start3A_47] : memref<40x128xi32, #tpu.memory_space<vmem>> -> memref<1x128xi32, #tpu.memory_space<vmem>>
      %dma_start3A_49 = tpu.memref_squeeze %dma_start3A_48 : memref<1x128xi32, #tpu.memory_space<vmem>> -> memref<128xi32, #tpu.memory_space<vmem>>
      %dma_start3A_50 = arith.constant 0 : i32
      %dma_start3A_51 = arith.constant 0 : i32
      %dma_start3A_52 = tpu.memref_slice %arg2[%dma_start3A_50, %dma_start3A_51] : memref<10240x128xf32, #tpu.memory_space<hbm>> -> memref<10240x128xf32, #tpu.memory_space<hbm>>
      tpu.enqueue_indirect_dma source(%dma_start3A_52 : memref<10240x128xf32, #tpu.memory_space<hbm>>) target(%arg10 : memref<128x128xf32, #tpu.memory_space<vmem>>) offsets(%dma_start3A_49 : memref<128xi32, #tpu.memory_space<vmem>>) semaphore(%arg13 : memref<!tpu.dma_semaphore, #tpu.memory_space<semaphore_mem>>)
      %scan3A_53 = arith.constant 0 : i32
      %scan3A_54 = arith.constant 20 : i32
      %scan3A_55 = arith.addi %scan3A_53, %scan3A_54 : i32
      %scan3A_56 = arith.constant 1 : i32
      scf.for %scan3A_77 = %scan3A_53 to %scan3A_55 step %scan3A_56  : i32 {
        %mul3A_78 = arith.constant 2 : i32
        %mul3A_79 = arith.muli %scan3A_77, %mul3A_78 : i32
        %add3A = arith.constant 0 : i32
        %add3A_80 = arith.addi %add3A, %mul3A_79 : i32
        %dma_wait3A = arith.constant 0 : i32
        %dma_wait3A_81 = tpu.memref_slice %arg7[%add3A_80, %dma_wait3A] : memref<40x128xi32, #tpu.memory_space<vmem>> -> memref<1x128xi32, #tpu.memory_space<vmem>>
        %dma_wait3A_82 = tpu.memref_squeeze %dma_wait3A_81 : memref<1x128xi32, #tpu.memory_space<vmem>> -> memref<128xi32, #tpu.memory_space<vmem>>
        %dma_wait3A_83 = arith.constant 0 : i32
        %dma_wait3A_84 = arith.constant 0 : i32
        %dma_wait3A_85 = tpu.memref_slice %arg2[%dma_wait3A_83, %dma_wait3A_84] : memref<10240x128xf32, #tpu.memory_space<hbm>> -> memref<10240x128xf32, #tpu.memory_space<hbm>>
        tpu.wait_indirect_dma semaphore(%arg12 : memref<!tpu.dma_semaphore, #tpu.memory_space<semaphore_mem>>) src(%dma_wait3A_85 : memref<10240x128xf32, #tpu.memory_space<hbm>>) dst(%arg9 : memref<128x128xf32, #tpu.memory_space<vmem>>)
        %dma_start3A_86 = arith.constant 0 : i32
        %dma_start3A_87 = tpu.memref_slice %arg8[%add3A_80, %dma_start3A_86] : memref<40x128xi32, #tpu.memory_space<vmem>> -> memref<1x128xi32, #tpu.memory_space<vmem>>
        %dma_start3A_88 = tpu.memref_squeeze %dma_start3A_87 : memref<1x128xi32, #tpu.memory_space<vmem>> -> memref<128xi32, #tpu.memory_space<vmem>>
        %dma_start3A_89 = arith.constant 0 : i32
        %dma_start3A_90 = arith.constant 0 : i32
        %dma_start3A_91 = tpu.memref_slice %arg11[%dma_start3A_89, %dma_start3A_90] : memref<10240x128xf32, #tpu.memory_space<vmem_shared>> -> memref<10240x128xf32, #tpu.memory_space<vmem_shared>>
        tpu.enqueue_indirect_dma source(%arg9 : memref<128x128xf32, #tpu.memory_space<vmem>>) target(%dma_start3A_91 : memref<10240x128xf32, #tpu.memory_space<vmem_shared>>) offsets(%dma_start3A_88 : memref<128xi32, #tpu.memory_space<vmem>>) semaphore(%arg14 : memref<!tpu.dma_semaphore, #tpu.memory_space<semaphore_mem>>) {add = true}
        %add3A_92 = arith.constant 1 : i32
        %add3A_93 = arith.addi %add3A_80, %add3A_92 : i32
        %dma_wait3A_94 = arith.constant 0 : i32
        %dma_wait3A_95 = tpu.memref_slice %arg7[%add3A_93, %dma_wait3A_94] : memref<40x128xi32, #tpu.memory_space<vmem>> -> memref<1x128xi32, #tpu.memory_space<vmem>>
        %dma_wait3A_96 = tpu.memref_squeeze %dma_wait3A_95 : memref<1x128xi32, #tpu.memory_space<vmem>> -> memref<128xi32, #tpu.memory_space<vmem>>
        %dma_wait3A_97 = arith.constant 0 : i32
        %dma_wait3A_98 = arith.constant 0 : i32
        %dma_wait3A_99 = tpu.memref_slice %arg2[%dma_wait3A_97, %dma_wait3A_98] : memref<10240x128xf32, #tpu.memory_space<hbm>> -> memref<10240x128xf32, #tpu.memory_space<hbm>>
        tpu.wait_indirect_dma semaphore(%arg13 : memref<!tpu.dma_semaphore, #tpu.memory_space<semaphore_mem>>) src(%dma_wait3A_99 : memref<10240x128xf32, #tpu.memory_space<hbm>>) dst(%arg10 : memref<128x128xf32, #tpu.memory_space<vmem>>)
        %dma_wait3A_100 = arith.constant 0 : i32
        %dma_wait3A_101 = tpu.memref_slice %arg8[%add3A_80, %dma_wait3A_100] : memref<40x128xi32, #tpu.memory_space<vmem>> -> memref<1x128xi32, #tpu.memory_space<vmem>>
        %dma_wait3A_102 = tpu.memref_squeeze %dma_wait3A_101 : memref<1x128xi32, #tpu.memory_space<vmem>> -> memref<128xi32, #tpu.memory_space<vmem>>
        %dma_wait3A_103 = arith.constant 0 : i32
        %dma_wait3A_104 = arith.constant 0 : i32
        %dma_wait3A_105 = tpu.memref_slice %arg11[%dma_wait3A_103, %dma_wait3A_104] : memref<10240x128xf32, #tpu.memory_space<vmem_shared>> -> memref<10240x128xf32, #tpu.memory_space<vmem_shared>>
        tpu.wait_indirect_dma semaphore(%arg14 : memref<!tpu.dma_semaphore, #tpu.memory_space<semaphore_mem>>) src(%arg9 : memref<128x128xf32, #tpu.memory_space<vmem>>) dst(%dma_wait3A_105 : memref<10240x128xf32, #tpu.memory_space<vmem_shared>>)
        %add3A_106 = arith.constant 2 : i32
        %add3A_107 = arith.addi %add3A_80, %add3A_106 : i32
        %lt3A = arith.constant 40 : i32
        %lt3A_108 = arith.cmpi slt, %add3A_107, %lt3A : i32
        %convert_element_type3A_109 = arith.extui %lt3A_108 : i1 to i32
        %cond3A_110 = arith.constant 0 : i32
        %cond3A_111 = arith.cmpi ne, %convert_element_type3A_109, %cond3A_110 : i32
        scf.if %cond3A_111 {
          %add3A_135 = arith.constant 2 : i32
          %add3A_136 = arith.addi %add3A_80, %add3A_135 : i32
          %dma_start3A_137 = arith.constant 0 : i32
          %dma_start3A_138 = tpu.memref_slice %arg7[%add3A_136, %dma_start3A_137] : memref<40x128xi32, #tpu.memory_space<vmem>> -> memref<1x128xi32, #tpu.memory_space<vmem>>
          %dma_start3A_139 = tpu.memref_squeeze %dma_start3A_138 : memref<1x128xi32, #tpu.memory_space<vmem>> -> memref<128xi32, #tpu.memory_space<vmem>>
          %dma_start3A_140 = arith.constant 0 : i32
          %dma_start3A_141 = arith.constant 0 : i32
          %dma_start3A_142 = tpu.memref_slice %arg2[%dma_start3A_140, %dma_start3A_141] : memref<10240x128xf32, #tpu.memory_space<hbm>> -> memref<10240x128xf32, #tpu.memory_space<hbm>>
          tpu.enqueue_indirect_dma source(%dma_start3A_142 : memref<10240x128xf32, #tpu.memory_space<hbm>>) target(%arg9 : memref<128x128xf32, #tpu.memory_space<vmem>>) offsets(%dma_start3A_139 : memref<128xi32, #tpu.memory_space<vmem>>) semaphore(%arg12 : memref<!tpu.dma_semaphore, #tpu.memory_space<semaphore_mem>>)
        } else {
        }
        %add3A_112 = arith.constant 1 : i32
        %add3A_113 = arith.addi %add3A_80, %add3A_112 : i32
        %dma_start3A_114 = arith.constant 0 : i32
        %dma_start3A_115 = tpu.memref_slice %arg8[%add3A_113, %dma_start3A_114] : memref<40x128xi32, #tpu.memory_space<vmem>> -> memref<1x128xi32, #tpu.memory_space<vmem>>
        %dma_start3A_116 = tpu.memref_squeeze %dma_start3A_115 : memref<1x128xi32, #tpu.memory_space<vmem>> -> memref<128xi32, #tpu.memory_space<vmem>>
        %dma_start3A_117 = arith.constant 0 : i32
        %dma_start3A_118 = arith.constant 0 : i32
        %dma_start3A_119 = tpu.memref_slice %arg11[%dma_start3A_117, %dma_start3A_118] : memref<10240x128xf32, #tpu.memory_space<vmem_shared>> -> memref<10240x128xf32, #tpu.memory_space<vmem_shared>>
        tpu.enqueue_indirect_dma source(%arg10 : memref<128x128xf32, #tpu.memory_space<vmem>>) target(%dma_start3A_119 : memref<10240x128xf32, #tpu.memory_space<vmem_shared>>) offsets(%dma_start3A_116 : memref<128xi32, #tpu.memory_space<vmem>>) semaphore(%arg15 : memref<!tpu.dma_semaphore, #tpu.memory_space<semaphore_mem>>) {add = true}
        %add3A_120 = arith.constant 1 : i32
        %add3A_121 = arith.addi %add3A_80, %add3A_120 : i32
        %dma_wait3A_122 = arith.constant 0 : i32
        %dma_wait3A_123 = tpu.memref_slice %arg8[%add3A_121, %dma_wait3A_122] : memref<40x128xi32, #tpu.memory_space<vmem>> -> memref<1x128xi32, #tpu.memory_space<vmem>>
        %dma_wait3A_124 = tpu.memref_squeeze %dma_wait3A_123 : memref<1x128xi32, #tpu.memory_space<vmem>> -> memref<128xi32, #tpu.memory_space<vmem>>
        %dma_wait3A_125 = arith.constant 0 : i32
        %dma_wait3A_126 = arith.constant 0 : i32
        %dma_wait3A_127 = tpu.memref_slice %arg11[%dma_wait3A_125, %dma_wait3A_126] : memref<10240x128xf32, #tpu.memory_space<vmem_shared>> -> memref<10240x128xf32, #tpu.memory_space<vmem_shared>>
        tpu.wait_indirect_dma semaphore(%arg15 : memref<!tpu.dma_semaphore, #tpu.memory_space<semaphore_mem>>) src(%arg10 : memref<128x128xf32, #tpu.memory_space<vmem>>) dst(%dma_wait3A_127 : memref<10240x128xf32, #tpu.memory_space<vmem_shared>>)
        %add3A_128 = arith.constant 3 : i32
        %add3A_129 = arith.addi %add3A_80, %add3A_128 : i32
        %lt3A_130 = arith.constant 40 : i32
        %lt3A_131 = arith.cmpi slt, %add3A_129, %lt3A_130 : i32
        %convert_element_type3A_132 = arith.extui %lt3A_131 : i1 to i32
        %cond3A_133 = arith.constant 0 : i32
        %cond3A_134 = arith.cmpi ne, %convert_element_type3A_132, %cond3A_133 : i32
        scf.if %cond3A_134 {
          %add3A_135 = arith.constant 3 : i32
          %add3A_136 = arith.addi %add3A_80, %add3A_135 : i32
          %dma_start3A_137 = arith.constant 0 : i32
          %dma_start3A_138 = tpu.memref_slice %arg7[%add3A_136, %dma_start3A_137] : memref<40x128xi32, #tpu.memory_space<vmem>> -> memref<1x128xi32, #tpu.memory_space<vmem>>
          %dma_start3A_139 = tpu.memref_squeeze %dma_start3A_138 : memref<1x128xi32, #tpu.memory_space<vmem>> -> memref<128xi32, #tpu.memory_space<vmem>>
          %dma_start3A_140 = arith.constant 0 : i32
          %dma_start3A_141 = arith.constant 0 : i32
          %dma_start3A_142 = tpu.memref_slice %arg2[%dma_start3A_140, %dma_start3A_141] : memref<10240x128xf32, #tpu.memory_space<hbm>> -> memref<10240x128xf32, #tpu.memory_space<hbm>>
          tpu.enqueue_indirect_dma source(%dma_start3A_142 : memref<10240x128xf32, #tpu.memory_space<hbm>>) target(%arg10 : memref<128x128xf32, #tpu.memory_space<vmem>>) offsets(%dma_start3A_139 : memref<128xi32, #tpu.memory_space<vmem>>) semaphore(%arg13 : memref<!tpu.dma_semaphore, #tpu.memory_space<semaphore_mem>>)
        } else {
        }
      }
      %scan3A_57 = arith.constant 20 : i32
      "tpu.region"() ({
        %run_scoped3A = tpu.sem_alloc : memref<!tpu.dma_semaphore, #tpu.memory_space<semaphore_mem>>
        %dma_start3A_77 = arith.constant 0 : i32
        %dma_start3A_78 = arith.constant 0 : i32
        %dma_start3A_79 = tpu.memref_slice %arg7[%dma_start3A_77, %dma_start3A_78] : memref<40x128xi32, #tpu.memory_space<vmem>> -> memref<40x128xi32, #tpu.memory_space<vmem>>
        %dma_start3A_80 = arith.constant 80 : i32
        %dma_start3A_81 = arith.constant 0 : i32
        %dma_start3A_82 = tpu.memref_slice %arg4[%arg1, %dma_start3A_80, %dma_start3A_81] : memref<16x160x128xi32, #tpu.memory_space<hbm>> -> memref<1x40x128xi32, #tpu.memory_space<hbm>>
        %dma_start3A_83 = tpu.memref_squeeze %dma_start3A_82 : memref<1x40x128xi32, #tpu.memory_space<hbm>> -> memref<40x128xi32, #tpu.memory_space<hbm>>
        %dma_start3A_84 = arith.constant 0 : i32
        %dma_start3A_85 = arith.constant 0 : i32
        %dma_start3A_86 = tpu.memref_slice %arg7[%dma_start3A_84, %dma_start3A_85] : memref<40x128xi32, #tpu.memory_space<vmem>> -> memref<40x128xi32, #tpu.memory_space<vmem>>
        %dma_start3A_87 = arith.constant 80 : i32
        %dma_start3A_88 = arith.constant 0 : i32
        %dma_start3A_89 = tpu.memref_slice %arg4[%arg1, %dma_start3A_87, %dma_start3A_88] : memref<16x160x128xi32, #tpu.memory_space<hbm>> -> memref<1x40x128xi32, #tpu.memory_space<hbm>>
        %dma_start3A_90 = tpu.memref_squeeze %dma_start3A_89 : memref<1x40x128xi32, #tpu.memory_space<hbm>> -> memref<40x128xi32, #tpu.memory_space<hbm>>
        tpu.enqueue_dma source(%dma_start3A_90 : memref<40x128xi32, #tpu.memory_space<hbm>>) target(%dma_start3A_86 : memref<40x128xi32, #tpu.memory_space<vmem>>) target_semaphore(%run_scoped3A : memref<!tpu.dma_semaphore, #tpu.memory_space<semaphore_mem>>)
        %dma_wait3A = arith.constant 0 : i32
        %dma_wait3A_91 = arith.constant 0 : i32
        %dma_wait3A_92 = tpu.memref_slice %arg7[%dma_wait3A, %dma_wait3A_91] : memref<40x128xi32, #tpu.memory_space<vmem>> -> memref<40x128xi32, #tpu.memory_space<vmem>>
        %dma_wait3A_93 = arith.constant 80 : i32
        %dma_wait3A_94 = arith.constant 0 : i32
        %dma_wait3A_95 = tpu.memref_slice %arg4[%arg1, %dma_wait3A_93, %dma_wait3A_94] : memref<16x160x128xi32, #tpu.memory_space<hbm>> -> memref<1x40x128xi32, #tpu.memory_space<hbm>>
        %dma_wait3A_96 = tpu.memref_squeeze %dma_wait3A_95 : memref<1x40x128xi32, #tpu.memory_space<hbm>> -> memref<40x128xi32, #tpu.memory_space<hbm>>
        %dma_wait3A_97 = arith.constant 0 : i32
        %dma_wait3A_98 = arith.constant 0 : i32
        %dma_wait3A_99 = tpu.memref_slice %arg7[%dma_wait3A_97, %dma_wait3A_98] : memref<40x128xi32, #tpu.memory_space<vmem>> -> memref<40x128xi32, #tpu.memory_space<vmem>>
        %dma_wait3A_100 = arith.constant 80 : i32
        %dma_wait3A_101 = arith.constant 0 : i32
        %dma_wait3A_102 = tpu.memref_slice %arg4[%arg1, %dma_wait3A_100, %dma_wait3A_101] : memref<16x160x128xi32, #tpu.memory_space<hbm>> -> memref<1x40x128xi32, #tpu.memory_space<hbm>>
        %dma_wait3A_103 = tpu.memref_squeeze %dma_wait3A_102 : memref<1x40x128xi32, #tpu.memory_space<hbm>> -> memref<40x128xi32, #tpu.memory_space<hbm>>
        tpu.wait_dma2 semaphore(%run_scoped3A : memref<!tpu.dma_semaphore, #tpu.memory_space<semaphore_mem>>) src(%dma_wait3A_103 : memref<40x128xi32, #tpu.memory_space<hbm>>) dst(%dma_wait3A_99 : memref<40x128xi32, #tpu.memory_space<vmem>>)
        tpu.yield
      }) : () -> ()
      "tpu.region"() ({
        %run_scoped3A = tpu.sem_alloc : memref<!tpu.dma_semaphore, #tpu.memory_space<semaphore_mem>>
        %dma_start3A_77 = arith.constant 0 : i32
        %dma_start3A_78 = arith.constant 0 : i32
        %dma_start3A_79 = tpu.memref_slice %arg8[%dma_start3A_77, %dma_start3A_78] : memref<40x128xi32, #tpu.memory_space<vmem>> -> memref<40x128xi32, #tpu.memory_space<vmem>>
        %dma_start3A_80 = arith.constant 80 : i32
        %dma_start3A_81 = arith.constant 0 : i32
        %dma_start3A_82 = tpu.memref_slice %arg5[%arg1, %dma_start3A_80, %dma_start3A_81] : memref<16x160x128xi32, #tpu.memory_space<hbm>> -> memref<1x40x128xi32, #tpu.memory_space<hbm>>
        %dma_start3A_83 = tpu.memref_squeeze %dma_start3A_82 : memref<1x40x128xi32, #tpu.memory_space<hbm>> -> memref<40x128xi32, #tpu.memory_space<hbm>>
        %dma_start3A_84 = arith.constant 0 : i32
        %dma_start3A_85 = arith.constant 0 : i32
        %dma_start3A_86 = tpu.memref_slice %arg8[%dma_start3A_84, %dma_start3A_85] : memref<40x128xi32, #tpu.memory_space<vmem>> -> memref<40x128xi32, #tpu.memory_space<vmem>>
        %dma_start3A_87 = arith.constant 80 : i32
        %dma_start3A_88 = arith.constant 0 : i32
        %dma_start3A_89 = tpu.memref_slice %arg5[%arg1, %dma_start3A_87, %dma_start3A_88] : memref<16x160x128xi32, #tpu.memory_space<hbm>> -> memref<1x40x128xi32, #tpu.memory_space<hbm>>
        %dma_start3A_90 = tpu.memref_squeeze %dma_start3A_89 : memref<1x40x128xi32, #tpu.memory_space<hbm>> -> memref<40x128xi32, #tpu.memory_space<hbm>>
        tpu.enqueue_dma source(%dma_start3A_90 : memref<40x128xi32, #tpu.memory_space<hbm>>) target(%dma_start3A_86 : memref<40x128xi32, #tpu.memory_space<vmem>>) target_semaphore(%run_scoped3A : memref<!tpu.dma_semaphore, #tpu.memory_space<semaphore_mem>>)
        %dma_wait3A = arith.constant 0 : i32
        %dma_wait3A_91 = arith.constant 0 : i32
        %dma_wait3A_92 = tpu.memref_slice %arg8[%dma_wait3A, %dma_wait3A_91] : memref<40x128xi32, #tpu.memory_space<vmem>> -> memref<40x128xi32, #tpu.memory_space<vmem>>
        %dma_wait3A_93 = arith.constant 80 : i32
        %dma_wait3A_94 = arith.constant 0 : i32
        %dma_wait3A_95 = tpu.memref_slice %arg5[%arg1, %dma_wait3A_93, %dma_wait3A_94] : memref<16x160x128xi32, #tpu.memory_space<hbm>> -> memref<1x40x128xi32, #tpu.memory_space<hbm>>
        %dma_wait3A_96 = tpu.memref_squeeze %dma_wait3A_95 : memref<1x40x128xi32, #tpu.memory_space<hbm>> -> memref<40x128xi32, #tpu.memory_space<hbm>>
        %dma_wait3A_97 = arith.constant 0 : i32
        %dma_wait3A_98 = arith.constant 0 : i32
        %dma_wait3A_99 = tpu.memref_slice %arg8[%dma_wait3A_97, %dma_wait3A_98] : memref<40x128xi32, #tpu.memory_space<vmem>> -> memref<40x128xi32, #tpu.memory_space<vmem>>
        %dma_wait3A_100 = arith.constant 80 : i32
        %dma_wait3A_101 = arith.constant 0 : i32
        %dma_wait3A_102 = tpu.memref_slice %arg5[%arg1, %dma_wait3A_100, %dma_wait3A_101] : memref<16x160x128xi32, #tpu.memory_space<hbm>> -> memref<1x40x128xi32, #tpu.memory_space<hbm>>
        %dma_wait3A_103 = tpu.memref_squeeze %dma_wait3A_102 : memref<1x40x128xi32, #tpu.memory_space<hbm>> -> memref<40x128xi32, #tpu.memory_space<hbm>>
        tpu.wait_dma2 semaphore(%run_scoped3A : memref<!tpu.dma_semaphore, #tpu.memory_space<semaphore_mem>>) src(%dma_wait3A_103 : memref<40x128xi32, #tpu.memory_space<hbm>>) dst(%dma_wait3A_99 : memref<40x128xi32, #tpu.memory_space<vmem>>)
        tpu.yield
      }) : () -> ()
      %dma_start3A_58 = arith.constant 0 : i32
      %dma_start3A_59 = arith.constant 0 : i32
      %dma_start3A_60 = tpu.memref_slice %arg7[%dma_start3A_58, %dma_start3A_59] : memref<40x128xi32, #tpu.memory_space<vmem>> -> memref<1x128xi32, #tpu.memory_space<vmem>>
      %dma_start3A_61 = tpu.memref_squeeze %dma_start3A_60 : memref<1x128xi32, #tpu.memory_space<vmem>> -> memref<128xi32, #tpu.memory_space<vmem>>
      %dma_start3A_62 = arith.constant 0 : i32
      %dma_start3A_63 = arith.constant 0 : i32
      %dma_start3A_64 = tpu.memref_slice %arg2[%dma_start3A_62, %dma_start3A_63] : memref<10240x128xf32, #tpu.memory_space<hbm>> -> memref<10240x128xf32, #tpu.memory_space<hbm>>
      tpu.enqueue_indirect_dma source(%dma_start3A_64 : memref<10240x128xf32, #tpu.memory_space<hbm>>) target(%arg9 : memref<128x128xf32, #tpu.memory_space<vmem>>) offsets(%dma_start3A_61 : memref<128xi32, #tpu.memory_space<vmem>>) semaphore(%arg12 : memref<!tpu.dma_semaphore, #tpu.memory_space<semaphore_mem>>)
      %dma_start3A_65 = arith.constant 1 : i32
      %dma_start3A_66 = arith.constant 0 : i32
      %dma_start3A_67 = tpu.memref_slice %arg7[%dma_start3A_65, %dma_start3A_66] : memref<40x128xi32, #tpu.memory_space<vmem>> -> memref<1x128xi32, #tpu.memory_space<vmem>>
      %dma_start3A_68 = tpu.memref_squeeze %dma_start3A_67 : memref<1x128xi32, #tpu.memory_space<vmem>> -> memref<128xi32, #tpu.memory_space<vmem>>
      %dma_start3A_69 = arith.constant 0 : i32
      %dma_start3A_70 = arith.constant 0 : i32
      %dma_start3A_71 = tpu.memref_slice %arg2[%dma_start3A_69, %dma_start3A_70] : memref<10240x128xf32, #tpu.memory_space<hbm>> -> memref<10240x128xf32, #tpu.memory_space<hbm>>
      tpu.enqueue_indirect_dma source(%dma_start3A_71 : memref<10240x128xf32, #tpu.memory_space<hbm>>) target(%arg10 : memref<128x128xf32, #tpu.memory_space<vmem>>) offsets(%dma_start3A_68 : memref<128xi32, #tpu.memory_space<vmem>>) semaphore(%arg13 : memref<!tpu.dma_semaphore, #tpu.memory_space<semaphore_mem>>)
      %scan3A_72 = arith.constant 0 : i32
      %scan3A_73 = arith.constant 20 : i32
      %scan3A_74 = arith.addi %scan3A_72, %scan3A_73 : i32
      %scan3A_75 = arith.constant 1 : i32
      scf.for %scan3A_77 = %scan3A_72 to %scan3A_74 step %scan3A_75  : i32 {
        %mul3A_78 = arith.constant 2 : i32
        %mul3A_79 = arith.muli %scan3A_77, %mul3A_78 : i32
        %add3A = arith.constant 0 : i32
        %add3A_80 = arith.addi %add3A, %mul3A_79 : i32
        %dma_wait3A = arith.constant 0 : i32
        %dma_wait3A_81 = tpu.memref_slice %arg7[%add3A_80, %dma_wait3A] : memref<40x128xi32, #tpu.memory_space<vmem>> -> memref<1x128xi32, #tpu.memory_space<vmem>>
        %dma_wait3A_82 = tpu.memref_squeeze %dma_wait3A_81 : memref<1x128xi32, #tpu.memory_space<vmem>> -> memref<128xi32, #tpu.memory_space<vmem>>
        %dma_wait3A_83 = arith.constant 0 : i32
        %dma_wait3A_84 = arith.constant 0 : i32
        %dma_wait3A_85 = tpu.memref_slice %arg2[%dma_wait3A_83, %dma_wait3A_84] : memref<10240x128xf32, #tpu.memory_space<hbm>> -> memref<10240x128xf32, #tpu.memory_space<hbm>>
        tpu.wait_indirect_dma semaphore(%arg12 : memref<!tpu.dma_semaphore, #tpu.memory_space<semaphore_mem>>) src(%dma_wait3A_85 : memref<10240x128xf32, #tpu.memory_space<hbm>>) dst(%arg9 : memref<128x128xf32, #tpu.memory_space<vmem>>)
        %dma_start3A_86 = arith.constant 0 : i32
        %dma_start3A_87 = tpu.memref_slice %arg8[%add3A_80, %dma_start3A_86] : memref<40x128xi32, #tpu.memory_space<vmem>> -> memref<1x128xi32, #tpu.memory_space<vmem>>
        %dma_start3A_88 = tpu.memref_squeeze %dma_start3A_87 : memref<1x128xi32, #tpu.memory_space<vmem>> -> memref<128xi32, #tpu.memory_space<vmem>>
        %dma_start3A_89 = arith.constant 0 : i32
        %dma_start3A_90 = arith.constant 0 : i32
        %dma_start3A_91 = tpu.memref_slice %arg11[%dma_start3A_89, %dma_start3A_90] : memref<10240x128xf32, #tpu.memory_space<vmem_shared>> -> memref<10240x128xf32, #tpu.memory_space<vmem_shared>>
        tpu.enqueue_indirect_dma source(%arg9 : memref<128x128xf32, #tpu.memory_space<vmem>>) target(%dma_start3A_91 : memref<10240x128xf32, #tpu.memory_space<vmem_shared>>) offsets(%dma_start3A_88 : memref<128xi32, #tpu.memory_space<vmem>>) semaphore(%arg14 : memref<!tpu.dma_semaphore, #tpu.memory_space<semaphore_mem>>) {add = true}
        %add3A_92 = arith.constant 1 : i32
        %add3A_93 = arith.addi %add3A_80, %add3A_92 : i32
        %dma_wait3A_94 = arith.constant 0 : i32
        %dma_wait3A_95 = tpu.memref_slice %arg7[%add3A_93, %dma_wait3A_94] : memref<40x128xi32, #tpu.memory_space<vmem>> -> memref<1x128xi32, #tpu.memory_space<vmem>>
        %dma_wait3A_96 = tpu.memref_squeeze %dma_wait3A_95 : memref<1x128xi32, #tpu.memory_space<vmem>> -> memref<128xi32, #tpu.memory_space<vmem>>
        %dma_wait3A_97 = arith.constant 0 : i32
        %dma_wait3A_98 = arith.constant 0 : i32
        %dma_wait3A_99 = tpu.memref_slice %arg2[%dma_wait3A_97, %dma_wait3A_98] : memref<10240x128xf32, #tpu.memory_space<hbm>> -> memref<10240x128xf32, #tpu.memory_space<hbm>>
        tpu.wait_indirect_dma semaphore(%arg13 : memref<!tpu.dma_semaphore, #tpu.memory_space<semaphore_mem>>) src(%dma_wait3A_99 : memref<10240x128xf32, #tpu.memory_space<hbm>>) dst(%arg10 : memref<128x128xf32, #tpu.memory_space<vmem>>)
        %dma_wait3A_100 = arith.constant 0 : i32
        %dma_wait3A_101 = tpu.memref_slice %arg8[%add3A_80, %dma_wait3A_100] : memref<40x128xi32, #tpu.memory_space<vmem>> -> memref<1x128xi32, #tpu.memory_space<vmem>>
        %dma_wait3A_102 = tpu.memref_squeeze %dma_wait3A_101 : memref<1x128xi32, #tpu.memory_space<vmem>> -> memref<128xi32, #tpu.memory_space<vmem>>
        %dma_wait3A_103 = arith.constant 0 : i32
        %dma_wait3A_104 = arith.constant 0 : i32
        %dma_wait3A_105 = tpu.memref_slice %arg11[%dma_wait3A_103, %dma_wait3A_104] : memref<10240x128xf32, #tpu.memory_space<vmem_shared>> -> memref<10240x128xf32, #tpu.memory_space<vmem_shared>>
        tpu.wait_indirect_dma semaphore(%arg14 : memref<!tpu.dma_semaphore, #tpu.memory_space<semaphore_mem>>) src(%arg9 : memref<128x128xf32, #tpu.memory_space<vmem>>) dst(%dma_wait3A_105 : memref<10240x128xf32, #tpu.memory_space<vmem_shared>>)
        %add3A_106 = arith.constant 2 : i32
        %add3A_107 = arith.addi %add3A_80, %add3A_106 : i32
        %lt3A = arith.constant 40 : i32
        %lt3A_108 = arith.cmpi slt, %add3A_107, %lt3A : i32
        %convert_element_type3A_109 = arith.extui %lt3A_108 : i1 to i32
        %cond3A_110 = arith.constant 0 : i32
        %cond3A_111 = arith.cmpi ne, %convert_element_type3A_109, %cond3A_110 : i32
        scf.if %cond3A_111 {
          %add3A_135 = arith.constant 2 : i32
          %add3A_136 = arith.addi %add3A_80, %add3A_135 : i32
          %dma_start3A_137 = arith.constant 0 : i32
          %dma_start3A_138 = tpu.memref_slice %arg7[%add3A_136, %dma_start3A_137] : memref<40x128xi32, #tpu.memory_space<vmem>> -> memref<1x128xi32, #tpu.memory_space<vmem>>
          %dma_start3A_139 = tpu.memref_squeeze %dma_start3A_138 : memref<1x128xi32, #tpu.memory_space<vmem>> -> memref<128xi32, #tpu.memory_space<vmem>>
          %dma_start3A_140 = arith.constant 0 : i32
          %dma_start3A_141 = arith.constant 0 : i32
          %dma_start3A_142 = tpu.memref_slice %arg2[%dma_start3A_140, %dma_start3A_141] : memref<10240x128xf32, #tpu.memory_space<hbm>> -> memref<10240x128xf32, #tpu.memory_space<hbm>>
          tpu.enqueue_indirect_dma source(%dma_start3A_142 : memref<10240x128xf32, #tpu.memory_space<hbm>>) target(%arg9 : memref<128x128xf32, #tpu.memory_space<vmem>>) offsets(%dma_start3A_139 : memref<128xi32, #tpu.memory_space<vmem>>) semaphore(%arg12 : memref<!tpu.dma_semaphore, #tpu.memory_space<semaphore_mem>>)
        } else {
        }
        %add3A_112 = arith.constant 1 : i32
        %add3A_113 = arith.addi %add3A_80, %add3A_112 : i32
        %dma_start3A_114 = arith.constant 0 : i32
        %dma_start3A_115 = tpu.memref_slice %arg8[%add3A_113, %dma_start3A_114] : memref<40x128xi32, #tpu.memory_space<vmem>> -> memref<1x128xi32, #tpu.memory_space<vmem>>
        %dma_start3A_116 = tpu.memref_squeeze %dma_start3A_115 : memref<1x128xi32, #tpu.memory_space<vmem>> -> memref<128xi32, #tpu.memory_space<vmem>>
        %dma_start3A_117 = arith.constant 0 : i32
        %dma_start3A_118 = arith.constant 0 : i32
        %dma_start3A_119 = tpu.memref_slice %arg11[%dma_start3A_117, %dma_start3A_118] : memref<10240x128xf32, #tpu.memory_space<vmem_shared>> -> memref<10240x128xf32, #tpu.memory_space<vmem_shared>>
        tpu.enqueue_indirect_dma source(%arg10 : memref<128x128xf32, #tpu.memory_space<vmem>>) target(%dma_start3A_119 : memref<10240x128xf32, #tpu.memory_space<vmem_shared>>) offsets(%dma_start3A_116 : memref<128xi32, #tpu.memory_space<vmem>>) semaphore(%arg15 : memref<!tpu.dma_semaphore, #tpu.memory_space<semaphore_mem>>) {add = true}
        %add3A_120 = arith.constant 1 : i32
        %add3A_121 = arith.addi %add3A_80, %add3A_120 : i32
        %dma_wait3A_122 = arith.constant 0 : i32
        %dma_wait3A_123 = tpu.memref_slice %arg8[%add3A_121, %dma_wait3A_122] : memref<40x128xi32, #tpu.memory_space<vmem>> -> memref<1x128xi32, #tpu.memory_space<vmem>>
        %dma_wait3A_124 = tpu.memref_squeeze %dma_wait3A_123 : memref<1x128xi32, #tpu.memory_space<vmem>> -> memref<128xi32, #tpu.memory_space<vmem>>
        %dma_wait3A_125 = arith.constant 0 : i32
        %dma_wait3A_126 = arith.constant 0 : i32
        %dma_wait3A_127 = tpu.memref_slice %arg11[%dma_wait3A_125, %dma_wait3A_126] : memref<10240x128xf32, #tpu.memory_space<vmem_shared>> -> memref<10240x128xf32, #tpu.memory_space<vmem_shared>>
        tpu.wait_indirect_dma semaphore(%arg15 : memref<!tpu.dma_semaphore, #tpu.memory_space<semaphore_mem>>) src(%arg10 : memref<128x128xf32, #tpu.memory_space<vmem>>) dst(%dma_wait3A_127 : memref<10240x128xf32, #tpu.memory_space<vmem_shared>>)
        %add3A_128 = arith.constant 3 : i32
        %add3A_129 = arith.addi %add3A_80, %add3A_128 : i32
        %lt3A_130 = arith.constant 40 : i32
        %lt3A_131 = arith.cmpi slt, %add3A_129, %lt3A_130 : i32
        %convert_element_type3A_132 = arith.extui %lt3A_131 : i1 to i32
        %cond3A_133 = arith.constant 0 : i32
        %cond3A_134 = arith.cmpi ne, %convert_element_type3A_132, %cond3A_133 : i32
        scf.if %cond3A_134 {
          %add3A_135 = arith.constant 3 : i32
          %add3A_136 = arith.addi %add3A_80, %add3A_135 : i32
          %dma_start3A_137 = arith.constant 0 : i32
          %dma_start3A_138 = tpu.memref_slice %arg7[%add3A_136, %dma_start3A_137] : memref<40x128xi32, #tpu.memory_space<vmem>> -> memref<1x128xi32, #tpu.memory_space<vmem>>
          %dma_start3A_139 = tpu.memref_squeeze %dma_start3A_138 : memref<1x128xi32, #tpu.memory_space<vmem>> -> memref<128xi32, #tpu.memory_space<vmem>>
          %dma_start3A_140 = arith.constant 0 : i32
          %dma_start3A_141 = arith.constant 0 : i32
          %dma_start3A_142 = tpu.memref_slice %arg2[%dma_start3A_140, %dma_start3A_141] : memref<10240x128xf32, #tpu.memory_space<hbm>> -> memref<10240x128xf32, #tpu.memory_space<hbm>>
          tpu.enqueue_indirect_dma source(%dma_start3A_142 : memref<10240x128xf32, #tpu.memory_space<hbm>>) target(%arg10 : memref<128x128xf32, #tpu.memory_space<vmem>>) offsets(%dma_start3A_139 : memref<128xi32, #tpu.memory_space<vmem>>) semaphore(%arg13 : memref<!tpu.dma_semaphore, #tpu.memory_space<semaphore_mem>>)
        } else {
        }
      }
      %scan3A_76 = arith.constant 20 : i32
    } else {
    }
    %eq3A_12 = arith.constant 1 : i32
    %eq3A_13 = arith.cmpi eq, %arg0, %eq3A_12 : i32
    %convert_element_type3A_14 = arith.extui %eq3A_13 : i1 to i32
    %cond3A_15 = arith.constant 0 : i32
    %cond3A_16 = arith.cmpi ne, %convert_element_type3A_14, %cond3A_15 : i32
    scf.if %cond3A_16 {
      "tpu.region"() ({
        %run_scoped3A = tpu.sem_alloc : memref<!tpu.dma_semaphore, #tpu.memory_space<semaphore_mem>>
        %dma_start3A_39 = arith.constant 0 : i32
        %dma_start3A_40 = arith.constant 0 : i32
        %dma_start3A_41 = tpu.memref_slice %arg7[%dma_start3A_39, %dma_start3A_40] : memref<40x128xi32, #tpu.memory_space<vmem>> -> memref<40x128xi32, #tpu.memory_space<vmem>>
        %dma_start3A_42 = arith.constant 120 : i32
        %dma_start3A_43 = arith.constant 0 : i32
        %dma_start3A_44 = tpu.memref_slice %arg4[%arg1, %dma_start3A_42, %dma_start3A_43] : memref<16x160x128xi32, #tpu.memory_space<hbm>> -> memref<1x40x128xi32, #tpu.memory_space<hbm>>
        %dma_start3A_45 = tpu.memref_squeeze %dma_start3A_44 : memref<1x40x128xi32, #tpu.memory_space<hbm>> -> memref<40x128xi32, #tpu.memory_space<hbm>>
        %dma_start3A_46 = arith.constant 0 : i32
        %dma_start3A_47 = arith.constant 0 : i32
        %dma_start3A_48 = tpu.memref_slice %arg7[%dma_start3A_46, %dma_start3A_47] : memref<40x128xi32, #tpu.memory_space<vmem>> -> memref<40x128xi32, #tpu.memory_space<vmem>>
        %dma_start3A_49 = arith.constant 120 : i32
        %dma_start3A_50 = arith.constant 0 : i32
        %dma_start3A_51 = tpu.memref_slice %arg4[%arg1, %dma_start3A_49, %dma_start3A_50] : memref<16x160x128xi32, #tpu.memory_space<hbm>> -> memref<1x40x128xi32, #tpu.memory_space<hbm>>
        %dma_start3A_52 = tpu.memref_squeeze %dma_start3A_51 : memref<1x40x128xi32, #tpu.memory_space<hbm>> -> memref<40x128xi32, #tpu.memory_space<hbm>>
        tpu.enqueue_dma source(%dma_start3A_52 : memref<40x128xi32, #tpu.memory_space<hbm>>) target(%dma_start3A_48 : memref<40x128xi32, #tpu.memory_space<vmem>>) target_semaphore(%run_scoped3A : memref<!tpu.dma_semaphore, #tpu.memory_space<semaphore_mem>>)
        %dma_wait3A = arith.constant 0 : i32
        %dma_wait3A_53 = arith.constant 0 : i32
        %dma_wait3A_54 = tpu.memref_slice %arg7[%dma_wait3A, %dma_wait3A_53] : memref<40x128xi32, #tpu.memory_space<vmem>> -> memref<40x128xi32, #tpu.memory_space<vmem>>
        %dma_wait3A_55 = arith.constant 120 : i32
        %dma_wait3A_56 = arith.constant 0 : i32
        %dma_wait3A_57 = tpu.memref_slice %arg4[%arg1, %dma_wait3A_55, %dma_wait3A_56] : memref<16x160x128xi32, #tpu.memory_space<hbm>> -> memref<1x40x128xi32, #tpu.memory_space<hbm>>
        %dma_wait3A_58 = tpu.memref_squeeze %dma_wait3A_57 : memref<1x40x128xi32, #tpu.memory_space<hbm>> -> memref<40x128xi32, #tpu.memory_space<hbm>>
        %dma_wait3A_59 = arith.constant 0 : i32
        %dma_wait3A_60 = arith.constant 0 : i32
        %dma_wait3A_61 = tpu.memref_slice %arg7[%dma_wait3A_59, %dma_wait3A_60] : memref<40x128xi32, #tpu.memory_space<vmem>> -> memref<40x128xi32, #tpu.memory_space<vmem>>
        %dma_wait3A_62 = arith.constant 120 : i32
        %dma_wait3A_63 = arith.constant 0 : i32
        %dma_wait3A_64 = tpu.memref_slice %arg4[%arg1, %dma_wait3A_62, %dma_wait3A_63] : memref<16x160x128xi32, #tpu.memory_space<hbm>> -> memref<1x40x128xi32, #tpu.memory_space<hbm>>
        %dma_wait3A_65 = tpu.memref_squeeze %dma_wait3A_64 : memref<1x40x128xi32, #tpu.memory_space<hbm>> -> memref<40x128xi32, #tpu.memory_space<hbm>>
        tpu.wait_dma2 semaphore(%run_scoped3A : memref<!tpu.dma_semaphore, #tpu.memory_space<semaphore_mem>>) src(%dma_wait3A_65 : memref<40x128xi32, #tpu.memory_space<hbm>>) dst(%dma_wait3A_61 : memref<40x128xi32, #tpu.memory_space<vmem>>)
        tpu.yield
      }) : () -> ()
      "tpu.region"() ({
        %run_scoped3A = tpu.sem_alloc : memref<!tpu.dma_semaphore, #tpu.memory_space<semaphore_mem>>
        %dma_start3A_39 = arith.constant 0 : i32
        %dma_start3A_40 = arith.constant 0 : i32
        %dma_start3A_41 = tpu.memref_slice %arg8[%dma_start3A_39, %dma_start3A_40] : memref<40x128xi32, #tpu.memory_space<vmem>> -> memref<40x128xi32, #tpu.memory_space<vmem>>
        %dma_start3A_42 = arith.constant 120 : i32
        %dma_start3A_43 = arith.constant 0 : i32
        %dma_start3A_44 = tpu.memref_slice %arg5[%arg1, %dma_start3A_42, %dma_start3A_43] : memref<16x160x128xi32, #tpu.memory_space<hbm>> -> memref<1x40x128xi32, #tpu.memory_space<hbm>>
        %dma_start3A_45 = tpu.memref_squeeze %dma_start3A_44 : memref<1x40x128xi32, #tpu.memory_space<hbm>> -> memref<40x128xi32, #tpu.memory_space<hbm>>
        %dma_start3A_46 = arith.constant 0 : i32
        %dma_start3A_47 = arith.constant 0 : i32
        %dma_start3A_48 = tpu.memref_slice %arg8[%dma_start3A_46, %dma_start3A_47] : memref<40x128xi32, #tpu.memory_space<vmem>> -> memref<40x128xi32, #tpu.memory_space<vmem>>
        %dma_start3A_49 = arith.constant 120 : i32
        %dma_start3A_50 = arith.constant 0 : i32
        %dma_start3A_51 = tpu.memref_slice %arg5[%arg1, %dma_start3A_49, %dma_start3A_50] : memref<16x160x128xi32, #tpu.memory_space<hbm>> -> memref<1x40x128xi32, #tpu.memory_space<hbm>>
        %dma_start3A_52 = tpu.memref_squeeze %dma_start3A_51 : memref<1x40x128xi32, #tpu.memory_space<hbm>> -> memref<40x128xi32, #tpu.memory_space<hbm>>
        tpu.enqueue_dma source(%dma_start3A_52 : memref<40x128xi32, #tpu.memory_space<hbm>>) target(%dma_start3A_48 : memref<40x128xi32, #tpu.memory_space<vmem>>) target_semaphore(%run_scoped3A : memref<!tpu.dma_semaphore, #tpu.memory_space<semaphore_mem>>)
        %dma_wait3A = arith.constant 0 : i32
        %dma_wait3A_53 = arith.constant 0 : i32
        %dma_wait3A_54 = tpu.memref_slice %arg8[%dma_wait3A, %dma_wait3A_53] : memref<40x128xi32, #tpu.memory_space<vmem>> -> memref<40x128xi32, #tpu.memory_space<vmem>>
        %dma_wait3A_55 = arith.constant 120 : i32
        %dma_wait3A_56 = arith.constant 0 : i32
        %dma_wait3A_57 = tpu.memref_slice %arg5[%arg1, %dma_wait3A_55, %dma_wait3A_56] : memref<16x160x128xi32, #tpu.memory_space<hbm>> -> memref<1x40x128xi32, #tpu.memory_space<hbm>>
        %dma_wait3A_58 = tpu.memref_squeeze %dma_wait3A_57 : memref<1x40x128xi32, #tpu.memory_space<hbm>> -> memref<40x128xi32, #tpu.memory_space<hbm>>
        %dma_wait3A_59 = arith.constant 0 : i32
        %dma_wait3A_60 = arith.constant 0 : i32
        %dma_wait3A_61 = tpu.memref_slice %arg8[%dma_wait3A_59, %dma_wait3A_60] : memref<40x128xi32, #tpu.memory_space<vmem>> -> memref<40x128xi32, #tpu.memory_space<vmem>>
        %dma_wait3A_62 = arith.constant 120 : i32
        %dma_wait3A_63 = arith.constant 0 : i32
        %dma_wait3A_64 = tpu.memref_slice %arg5[%arg1, %dma_wait3A_62, %dma_wait3A_63] : memref<16x160x128xi32, #tpu.memory_space<hbm>> -> memref<1x40x128xi32, #tpu.memory_space<hbm>>
        %dma_wait3A_65 = tpu.memref_squeeze %dma_wait3A_64 : memref<1x40x128xi32, #tpu.memory_space<hbm>> -> memref<40x128xi32, #tpu.memory_space<hbm>>
        tpu.wait_dma2 semaphore(%run_scoped3A : memref<!tpu.dma_semaphore, #tpu.memory_space<semaphore_mem>>) src(%dma_wait3A_65 : memref<40x128xi32, #tpu.memory_space<hbm>>) dst(%dma_wait3A_61 : memref<40x128xi32, #tpu.memory_space<vmem>>)
        tpu.yield
      }) : () -> ()
      %dma_start3A = arith.constant 0 : i32
      %dma_start3A_21 = arith.constant 0 : i32
      %dma_start3A_22 = tpu.memref_slice %arg7[%dma_start3A, %dma_start3A_21] : memref<40x128xi32, #tpu.memory_space<vmem>> -> memref<1x128xi32, #tpu.memory_space<vmem>>
      %dma_start3A_23 = tpu.memref_squeeze %dma_start3A_22 : memref<1x128xi32, #tpu.memory_space<vmem>> -> memref<128xi32, #tpu.memory_space<vmem>>
      %dma_start3A_24 = arith.constant 0 : i32
      %dma_start3A_25 = arith.constant 0 : i32
      %dma_start3A_26 = tpu.memref_slice %arg3[%dma_start3A_24, %dma_start3A_25] : memref<10240x128xf32, #tpu.memory_space<hbm>> -> memref<10240x128xf32, #tpu.memory_space<hbm>>
      tpu.enqueue_indirect_dma source(%dma_start3A_26 : memref<10240x128xf32, #tpu.memory_space<hbm>>) target(%arg9 : memref<128x128xf32, #tpu.memory_space<vmem>>) offsets(%dma_start3A_23 : memref<128xi32, #tpu.memory_space<vmem>>) semaphore(%arg12 : memref<!tpu.dma_semaphore, #tpu.memory_space<semaphore_mem>>)
      %dma_start3A_27 = arith.constant 1 : i32
      %dma_start3A_28 = arith.constant 0 : i32
      %dma_start3A_29 = tpu.memref_slice %arg7[%dma_start3A_27, %dma_start3A_28] : memref<40x128xi32, #tpu.memory_space<vmem>> -> memref<1x128xi32, #tpu.memory_space<vmem>>
      %dma_start3A_30 = tpu.memref_squeeze %dma_start3A_29 : memref<1x128xi32, #tpu.memory_space<vmem>> -> memref<128xi32, #tpu.memory_space<vmem>>
      %dma_start3A_31 = arith.constant 0 : i32
      %dma_start3A_32 = arith.constant 0 : i32
      %dma_start3A_33 = tpu.memref_slice %arg3[%dma_start3A_31, %dma_start3A_32] : memref<10240x128xf32, #tpu.memory_space<hbm>> -> memref<10240x128xf32, #tpu.memory_space<hbm>>
      tpu.enqueue_indirect_dma source(%dma_start3A_33 : memref<10240x128xf32, #tpu.memory_space<hbm>>) target(%arg10 : memref<128x128xf32, #tpu.memory_space<vmem>>) offsets(%dma_start3A_30 : memref<128xi32, #tpu.memory_space<vmem>>) semaphore(%arg13 : memref<!tpu.dma_semaphore, #tpu.memory_space<semaphore_mem>>)
      %scan3A_34 = arith.constant 0 : i32
      %scan3A_35 = arith.constant 20 : i32
      %scan3A_36 = arith.addi %scan3A_34, %scan3A_35 : i32
      %scan3A_37 = arith.constant 1 : i32
      scf.for %scan3A_39 = %scan3A_34 to %scan3A_36 step %scan3A_37  : i32 {
        %mul3A_40 = arith.constant 2 : i32
        %mul3A_41 = arith.muli %scan3A_39, %mul3A_40 : i32
        %add3A = arith.constant 0 : i32
        %add3A_42 = arith.addi %add3A, %mul3A_41 : i32
        %dma_wait3A = arith.constant 0 : i32
        %dma_wait3A_43 = tpu.memref_slice %arg7[%add3A_42, %dma_wait3A] : memref<40x128xi32, #tpu.memory_space<vmem>> -> memref<1x128xi32, #tpu.memory_space<vmem>>
        %dma_wait3A_44 = tpu.memref_squeeze %dma_wait3A_43 : memref<1x128xi32, #tpu.memory_space<vmem>> -> memref<128xi32, #tpu.memory_space<vmem>>
        %dma_wait3A_45 = arith.constant 0 : i32
        %dma_wait3A_46 = arith.constant 0 : i32
        %dma_wait3A_47 = tpu.memref_slice %arg3[%dma_wait3A_45, %dma_wait3A_46] : memref<10240x128xf32, #tpu.memory_space<hbm>> -> memref<10240x128xf32, #tpu.memory_space<hbm>>
        tpu.wait_indirect_dma semaphore(%arg12 : memref<!tpu.dma_semaphore, #tpu.memory_space<semaphore_mem>>) src(%dma_wait3A_47 : memref<10240x128xf32, #tpu.memory_space<hbm>>) dst(%arg9 : memref<128x128xf32, #tpu.memory_space<vmem>>)
        %dma_start3A_48 = arith.constant 0 : i32
        %dma_start3A_49 = tpu.memref_slice %arg8[%add3A_42, %dma_start3A_48] : memref<40x128xi32, #tpu.memory_space<vmem>> -> memref<1x128xi32, #tpu.memory_space<vmem>>
        %dma_start3A_50 = tpu.memref_squeeze %dma_start3A_49 : memref<1x128xi32, #tpu.memory_space<vmem>> -> memref<128xi32, #tpu.memory_space<vmem>>
        %dma_start3A_51 = arith.constant 0 : i32
        %dma_start3A_52 = arith.constant 0 : i32
        %dma_start3A_53 = tpu.memref_slice %arg11[%dma_start3A_51, %dma_start3A_52] : memref<10240x128xf32, #tpu.memory_space<vmem_shared>> -> memref<10240x128xf32, #tpu.memory_space<vmem_shared>>
        tpu.enqueue_indirect_dma source(%arg9 : memref<128x128xf32, #tpu.memory_space<vmem>>) target(%dma_start3A_53 : memref<10240x128xf32, #tpu.memory_space<vmem_shared>>) offsets(%dma_start3A_50 : memref<128xi32, #tpu.memory_space<vmem>>) semaphore(%arg14 : memref<!tpu.dma_semaphore, #tpu.memory_space<semaphore_mem>>) {add = true}
        %add3A_54 = arith.constant 1 : i32
        %add3A_55 = arith.addi %add3A_42, %add3A_54 : i32
        %dma_wait3A_56 = arith.constant 0 : i32
        %dma_wait3A_57 = tpu.memref_slice %arg7[%add3A_55, %dma_wait3A_56] : memref<40x128xi32, #tpu.memory_space<vmem>> -> memref<1x128xi32, #tpu.memory_space<vmem>>
        %dma_wait3A_58 = tpu.memref_squeeze %dma_wait3A_57 : memref<1x128xi32, #tpu.memory_space<vmem>> -> memref<128xi32, #tpu.memory_space<vmem>>
        %dma_wait3A_59 = arith.constant 0 : i32
        %dma_wait3A_60 = arith.constant 0 : i32
        %dma_wait3A_61 = tpu.memref_slice %arg3[%dma_wait3A_59, %dma_wait3A_60] : memref<10240x128xf32, #tpu.memory_space<hbm>> -> memref<10240x128xf32, #tpu.memory_space<hbm>>
        tpu.wait_indirect_dma semaphore(%arg13 : memref<!tpu.dma_semaphore, #tpu.memory_space<semaphore_mem>>) src(%dma_wait3A_61 : memref<10240x128xf32, #tpu.memory_space<hbm>>) dst(%arg10 : memref<128x128xf32, #tpu.memory_space<vmem>>)
        %dma_wait3A_62 = arith.constant 0 : i32
        %dma_wait3A_63 = tpu.memref_slice %arg8[%add3A_42, %dma_wait3A_62] : memref<40x128xi32, #tpu.memory_space<vmem>> -> memref<1x128xi32, #tpu.memory_space<vmem>>
        %dma_wait3A_64 = tpu.memref_squeeze %dma_wait3A_63 : memref<1x128xi32, #tpu.memory_space<vmem>> -> memref<128xi32, #tpu.memory_space<vmem>>
        %dma_wait3A_65 = arith.constant 0 : i32
        %dma_wait3A_66 = arith.constant 0 : i32
        %dma_wait3A_67 = tpu.memref_slice %arg11[%dma_wait3A_65, %dma_wait3A_66] : memref<10240x128xf32, #tpu.memory_space<vmem_shared>> -> memref<10240x128xf32, #tpu.memory_space<vmem_shared>>
        tpu.wait_indirect_dma semaphore(%arg14 : memref<!tpu.dma_semaphore, #tpu.memory_space<semaphore_mem>>) src(%arg9 : memref<128x128xf32, #tpu.memory_space<vmem>>) dst(%dma_wait3A_67 : memref<10240x128xf32, #tpu.memory_space<vmem_shared>>)
        %add3A_68 = arith.constant 2 : i32
        %add3A_69 = arith.addi %add3A_42, %add3A_68 : i32
        %lt3A = arith.constant 40 : i32
        %lt3A_70 = arith.cmpi slt, %add3A_69, %lt3A : i32
        %convert_element_type3A_71 = arith.extui %lt3A_70 : i1 to i32
        %cond3A_72 = arith.constant 0 : i32
        %cond3A_73 = arith.cmpi ne, %convert_element_type3A_71, %cond3A_72 : i32
        scf.if %cond3A_73 {
          %add3A_97 = arith.constant 2 : i32
          %add3A_98 = arith.addi %add3A_42, %add3A_97 : i32
          %dma_start3A_99 = arith.constant 0 : i32
          %dma_start3A_100 = tpu.memref_slice %arg7[%add3A_98, %dma_start3A_99] : memref<40x128xi32, #tpu.memory_space<vmem>> -> memref<1x128xi32, #tpu.memory_space<vmem>>
          %dma_start3A_101 = tpu.memref_squeeze %dma_start3A_100 : memref<1x128xi32, #tpu.memory_space<vmem>> -> memref<128xi32, #tpu.memory_space<vmem>>
          %dma_start3A_102 = arith.constant 0 : i32
          %dma_start3A_103 = arith.constant 0 : i32
          %dma_start3A_104 = tpu.memref_slice %arg3[%dma_start3A_102, %dma_start3A_103] : memref<10240x128xf32, #tpu.memory_space<hbm>> -> memref<10240x128xf32, #tpu.memory_space<hbm>>
          tpu.enqueue_indirect_dma source(%dma_start3A_104 : memref<10240x128xf32, #tpu.memory_space<hbm>>) target(%arg9 : memref<128x128xf32, #tpu.memory_space<vmem>>) offsets(%dma_start3A_101 : memref<128xi32, #tpu.memory_space<vmem>>) semaphore(%arg12 : memref<!tpu.dma_semaphore, #tpu.memory_space<semaphore_mem>>)
        } else {
        }
        %add3A_74 = arith.constant 1 : i32
        %add3A_75 = arith.addi %add3A_42, %add3A_74 : i32
        %dma_start3A_76 = arith.constant 0 : i32
        %dma_start3A_77 = tpu.memref_slice %arg8[%add3A_75, %dma_start3A_76] : memref<40x128xi32, #tpu.memory_space<vmem>> -> memref<1x128xi32, #tpu.memory_space<vmem>>
        %dma_start3A_78 = tpu.memref_squeeze %dma_start3A_77 : memref<1x128xi32, #tpu.memory_space<vmem>> -> memref<128xi32, #tpu.memory_space<vmem>>
        %dma_start3A_79 = arith.constant 0 : i32
        %dma_start3A_80 = arith.constant 0 : i32
        %dma_start3A_81 = tpu.memref_slice %arg11[%dma_start3A_79, %dma_start3A_80] : memref<10240x128xf32, #tpu.memory_space<vmem_shared>> -> memref<10240x128xf32, #tpu.memory_space<vmem_shared>>
        tpu.enqueue_indirect_dma source(%arg10 : memref<128x128xf32, #tpu.memory_space<vmem>>) target(%dma_start3A_81 : memref<10240x128xf32, #tpu.memory_space<vmem_shared>>) offsets(%dma_start3A_78 : memref<128xi32, #tpu.memory_space<vmem>>) semaphore(%arg15 : memref<!tpu.dma_semaphore, #tpu.memory_space<semaphore_mem>>) {add = true}
        %add3A_82 = arith.constant 1 : i32
        %add3A_83 = arith.addi %add3A_42, %add3A_82 : i32
        %dma_wait3A_84 = arith.constant 0 : i32
        %dma_wait3A_85 = tpu.memref_slice %arg8[%add3A_83, %dma_wait3A_84] : memref<40x128xi32, #tpu.memory_space<vmem>> -> memref<1x128xi32, #tpu.memory_space<vmem>>
        %dma_wait3A_86 = tpu.memref_squeeze %dma_wait3A_85 : memref<1x128xi32, #tpu.memory_space<vmem>> -> memref<128xi32, #tpu.memory_space<vmem>>
        %dma_wait3A_87 = arith.constant 0 : i32
        %dma_wait3A_88 = arith.constant 0 : i32
        %dma_wait3A_89 = tpu.memref_slice %arg11[%dma_wait3A_87, %dma_wait3A_88] : memref<10240x128xf32, #tpu.memory_space<vmem_shared>> -> memref<10240x128xf32, #tpu.memory_space<vmem_shared>>
        tpu.wait_indirect_dma semaphore(%arg15 : memref<!tpu.dma_semaphore, #tpu.memory_space<semaphore_mem>>) src(%arg10 : memref<128x128xf32, #tpu.memory_space<vmem>>) dst(%dma_wait3A_89 : memref<10240x128xf32, #tpu.memory_space<vmem_shared>>)
        %add3A_90 = arith.constant 3 : i32
        %add3A_91 = arith.addi %add3A_42, %add3A_90 : i32
        %lt3A_92 = arith.constant 40 : i32
        %lt3A_93 = arith.cmpi slt, %add3A_91, %lt3A_92 : i32
        %convert_element_type3A_94 = arith.extui %lt3A_93 : i1 to i32
        %cond3A_95 = arith.constant 0 : i32
        %cond3A_96 = arith.cmpi ne, %convert_element_type3A_94, %cond3A_95 : i32
        scf.if %cond3A_96 {
          %add3A_97 = arith.constant 3 : i32
          %add3A_98 = arith.addi %add3A_42, %add3A_97 : i32
          %dma_start3A_99 = arith.constant 0 : i32
          %dma_start3A_100 = tpu.memref_slice %arg7[%add3A_98, %dma_start3A_99] : memref<40x128xi32, #tpu.memory_space<vmem>> -> memref<1x128xi32, #tpu.memory_space<vmem>>
          %dma_start3A_101 = tpu.memref_squeeze %dma_start3A_100 : memref<1x128xi32, #tpu.memory_space<vmem>> -> memref<128xi32, #tpu.memory_space<vmem>>
          %dma_start3A_102 = arith.constant 0 : i32
          %dma_start3A_103 = arith.constant 0 : i32
          %dma_start3A_104 = tpu.memref_slice %arg3[%dma_start3A_102, %dma_start3A_103] : memref<10240x128xf32, #tpu.memory_space<hbm>> -> memref<10240x128xf32, #tpu.memory_space<hbm>>
          tpu.enqueue_indirect_dma source(%dma_start3A_104 : memref<10240x128xf32, #tpu.memory_space<hbm>>) target(%arg10 : memref<128x128xf32, #tpu.memory_space<vmem>>) offsets(%dma_start3A_101 : memref<128xi32, #tpu.memory_space<vmem>>) semaphore(%arg13 : memref<!tpu.dma_semaphore, #tpu.memory_space<semaphore_mem>>)
        } else {
        }
      }
      %scan3A_38 = arith.constant 20 : i32
    } else {
    }
    %barrier3A_17 = arith.constant 0 : index
    tpu.barrier barrier_id(%barrier3A_17)
    %mul3A = arith.constant 640 : i32
    %mul3A_18 = arith.muli %arg1, %mul3A : i32
    %mul3A_19 = arith.constant 640 : i32
    %mul3A_20 = arith.muli %arg1, %mul3A_19 : i32
    "tpu.region"() ({
      %run_scoped3A = tpu.sem_alloc : memref<!tpu.dma_semaphore, #tpu.memory_space<semaphore_mem>>
      %dma_start3A = arith.constant 0 : i32
      %dma_start3A_21 = tpu.memref_slice %arg6[%arg0, %mul3A_20, %dma_start3A] : memref<2x10240x128xf32, #tpu.memory_space<hbm>> -> memref<1x640x128xf32, #tpu.memory_space<hbm>>
      %dma_start3A_22 = tpu.memref_squeeze %dma_start3A_21 : memref<1x640x128xf32, #tpu.memory_space<hbm>> -> memref<640x128xf32, #tpu.memory_space<hbm>>
      %dma_start3A_23 = arith.constant 0 : i32
      %dma_start3A_24 = tpu.memref_slice %arg11[%mul3A_18, %dma_start3A_23] : memref<10240x128xf32, #tpu.memory_space<vmem_shared>> -> memref<640x128xf32, #tpu.memory_space<vmem_shared>>
      tpu.enqueue_dma source(%dma_start3A_24 : memref<640x128xf32, #tpu.memory_space<vmem_shared>>) target(%dma_start3A_22 : memref<640x128xf32, #tpu.memory_space<hbm>>) target_semaphore(%run_scoped3A : memref<!tpu.dma_semaphore, #tpu.memory_space<semaphore_mem>>)
      %dma_wait3A = arith.constant 0 : i32
      %dma_wait3A_25 = tpu.memref_slice %arg6[%arg0, %mul3A_20, %dma_wait3A] : memref<2x10240x128xf32, #tpu.memory_space<hbm>> -> memref<1x640x128xf32, #tpu.memory_space<hbm>>
      %dma_wait3A_26 = tpu.memref_squeeze %dma_wait3A_25 : memref<1x640x128xf32, #tpu.memory_space<hbm>> -> memref<640x128xf32, #tpu.memory_space<hbm>>
      %dma_wait3A_27 = arith.constant 0 : i32
      %dma_wait3A_28 = tpu.memref_slice %arg11[%mul3A_18, %dma_wait3A_27] : memref<10240x128xf32, #tpu.memory_space<vmem_shared>> -> memref<640x128xf32, #tpu.memory_space<vmem_shared>>
      tpu.wait_dma2 semaphore(%run_scoped3A : memref<!tpu.dma_semaphore, #tpu.memory_space<semaphore_mem>>) src(%dma_wait3A_28 : memref<640x128xf32, #tpu.memory_space<vmem_shared>>) dst(%dma_wait3A_26 : memref<640x128xf32, #tpu.memory_space<hbm>>)
      tpu.yield
    }) : () -> ()
    return
  }
}

#map = affine_map<(d0, d1) -> (0, 0)>
#map1 = affine_map<(d0, d1) -> (0, 0, 0)>
module attributes {stable_mosaic.version = 14 : i64} {
  func.func @agg_kernel(%arg0: i32, %arg1: i32, %arg2: memref<10240x128xf32, #tpu.memory_space<hbm>>, %arg3: memref<10240x128xf32, #tpu.memory_space<hbm>>, %arg4: memref<16x160x128xi32, #tpu.memory_space<hbm>>, %arg5: memref<16x160x128xi32, #tpu.memory_space<hbm>>, %arg6: memref<2x10240x128xf32, #tpu.memory_space<hbm>>, %arg7: memref<40x128xi32, #tpu.memory_space<vmem>>, %arg8: memref<40x128xi32, #tpu.memory_space<vmem>>, %arg9: memref<128x128xf32, #tpu.memory_space<vmem>>, %arg10: memref<128x128xf32, #tpu.memory_space<vmem>>, %arg11: memref<10240x128xf32, #tpu.memory_space<vmem_shared>>, %arg12: memref<!tpu.dma_semaphore, #tpu.memory_space<semaphore_mem>>, %arg13: memref<!tpu.dma_semaphore, #tpu.memory_space<semaphore_mem>>, %arg14: memref<!tpu.dma_semaphore, #tpu.memory_space<semaphore_mem>>, %arg15: memref<!tpu.dma_semaphore, #tpu.memory_space<semaphore_mem>>) attributes {dimension_semantics = [#tpu.dimension_semantics<core_parallel>, #tpu.dimension_semantics<subcore_parallel>], iteration_bounds = array<i64: 2, 16>, scalar_prefetch = 0 : i64, scratch_operands = 9 : i64, tpu.core_type = #tpu.core_type<sc_vector_subcore>, window_params = [{transform_indices = #map}, {transform_indices = #map}, {transform_indices = #map1}, {transform_indices = #map1}, {transform_indices = #map1}]} {
    %broadcast_in_dim3A = arith.constant 0.000000e+00 : f32
    %broadcast_in_dim3A_0 = vector.broadcast %broadcast_in_dim3A : f32 to vector<16xf32>
    %scan3A = arith.constant 0 : i32
    %scan3A_1 = arith.constant 128 : i32
    %scan3A_2 = arith.addi %scan3A, %scan3A_1 : i32
    %scan3A_3 = arith.constant 1 : i32
    scf.for %scan3A_21 = %scan3A to %scan3A_2 step %scan3A_3  : i32 {
      %mul3A_22 = arith.constant 1 : i32
      %mul3A_23 = arith.muli %scan3A_21, %mul3A_22 : i32
      %add3A = arith.constant 0 : i32
      %add3A_24 = arith.addi %add3A, %mul3A_23 : i32
      %scan3A_25 = arith.constant 0 : i32
      %scan3A_26 = arith.constant 8 : i32
      %scan3A_27 = arith.addi %scan3A_25, %scan3A_26 : i32
      %scan3A_28 = arith.constant 1 : i32
      scf.for %scan3A_30 = %scan3A_25 to %scan3A_27 step %scan3A_28  : i32 {
        %mul3A_31 = arith.constant 16 : i32
        %mul3A_32 = arith.muli %scan3A_30, %mul3A_31 : i32
        %add3A_33 = arith.constant 0 : i32
        %add3A_34 = arith.addi %add3A_33, %mul3A_32 : i32
        %swap3A = arith.index_cast %add3A_24 : i32 to index
        %swap3A_35 = arith.index_cast %add3A_34 : i32 to index
        %swap3A_36 = tpu.vector_load %arg9[%swap3A, %swap3A_35] {strides = array<i32>} : memref<128x128xf32, #tpu.memory_space<vmem>>, vector<1x16xf32>,
        %swap3A_37 = vector.shape_cast %swap3A_36 : vector<1x16xf32> to vector<16xf32>
        %swap3A_38 = vector.shape_cast %broadcast_in_dim3A_0 : vector<16xf32> to vector<1x16xf32>
        tpu.vector_store %arg9[%swap3A, %swap3A_35], %swap3A_38 {strides = array<i32>} : memref<128x128xf32, #tpu.memory_space<vmem>>, vector<1x16xf32>,
      }
      %scan3A_29 = arith.constant 8 : i32
    }
    %scan3A_4 = arith.constant 128 : i32
    %scan3A_5 = arith.constant 0 : i32
    %scan3A_6 = arith.constant 5 : i32
    %scan3A_7 = arith.addi %scan3A_5, %scan3A_6 : i32
    %scan3A_8 = arith.constant 1 : i32
    scf.for %scan3A_21 = %scan3A_5 to %scan3A_7 step %scan3A_8  : i32 {
      %mul3A_22 = arith.constant 128 : i32
      %mul3A_23 = arith.muli %scan3A_21, %mul3A_22 : i32
      %add3A = arith.constant 0 : i32
      %add3A_24 = arith.addi %add3A, %mul3A_23 : i32
      %mul3A_25 = arith.constant 640 : i32
      %mul3A_26 = arith.muli %arg1, %mul3A_25 : i32
      %add3A_27 = arith.addi %mul3A_26, %add3A_24 : i32
      "tpu.region"() ({
        %run_scoped3A = tpu.sem_alloc : memref<!tpu.dma_semaphore, #tpu.memory_space<semaphore_mem>>
        %dma_start3A = arith.constant 0 : i32
        %dma_start3A_28 = tpu.memref_slice %arg11[%add3A_27, %dma_start3A] : memref<10240x128xf32, #tpu.memory_space<vmem_shared>> -> memref<128x128xf32, #tpu.memory_space<vmem_shared>>
        %dma_start3A_29 = arith.constant 0 : i32
        %dma_start3A_30 = tpu.memref_slice %arg11[%add3A_27, %dma_start3A_29] : memref<10240x128xf32, #tpu.memory_space<vmem_shared>> -> memref<128x128xf32, #tpu.memory_space<vmem_shared>>
        tpu.enqueue_dma source(%arg9 : memref<128x128xf32, #tpu.memory_space<vmem>>) target(%dma_start3A_30 : memref<128x128xf32, #tpu.memory_space<vmem_shared>>) target_semaphore(%run_scoped3A : memref<!tpu.dma_semaphore, #tpu.memory_space<semaphore_mem>>)
        %dma_wait3A = arith.constant 0 : i32
        %dma_wait3A_31 = tpu.memref_slice %arg11[%add3A_27, %dma_wait3A] : memref<10240x128xf32, #tpu.memory_space<vmem_shared>> -> memref<128x128xf32, #tpu.memory_space<vmem_shared>>
        %dma_wait3A_32 = arith.constant 0 : i32
        %dma_wait3A_33 = tpu.memref_slice %arg11[%add3A_27, %dma_wait3A_32] : memref<10240x128xf32, #tpu.memory_space<vmem_shared>> -> memref<128x128xf32, #tpu.memory_space<vmem_shared>>
        tpu.wait_dma2 semaphore(%run_scoped3A : memref<!tpu.dma_semaphore, #tpu.memory_space<semaphore_mem>>) src(%arg9 : memref<128x128xf32, #tpu.memory_space<vmem>>) dst(%dma_wait3A_33 : memref<128x128xf32, #tpu.memory_space<vmem_shared>>)
        tpu.yield
      }) : () -> ()
    }
    %scan3A_9 = arith.constant 5 : i32
    %barrier3A = arith.constant 0 : index
    tpu.barrier barrier_id(%barrier3A)
    %eq3A = arith.constant 0 : i32
    %eq3A_10 = arith.cmpi eq, %arg0, %eq3A : i32
    %convert_element_type3A = arith.extui %eq3A_10 : i1 to i32
    %cond3A = arith.constant 0 : i32
    %cond3A_11 = arith.cmpi ne, %convert_element_type3A, %cond3A : i32
    scf.if %cond3A_11 {
      "tpu.region"() ({
        %run_scoped3A = tpu.sem_alloc : memref<!tpu.dma_semaphore, #tpu.memory_space<semaphore_mem>>
        %dma_start3A_77 = arith.constant 0 : i32
        %dma_start3A_78 = arith.constant 0 : i32
        %dma_start3A_79 = tpu.memref_slice %arg7[%dma_start3A_77, %dma_start3A_78] : memref<40x128xi32, #tpu.memory_space<vmem>> -> memref<40x128xi32, #tpu.memory_space<vmem>>
        %dma_start3A_80 = arith.constant 0 : i32
        %dma_start3A_81 = arith.constant 0 : i32
        %dma_start3A_82 = tpu.memref_slice %arg4[%arg1, %dma_start3A_80, %dma_start3A_81] : memref<16x160x128xi32, #tpu.memory_space<hbm>> -> memref<1x40x128xi32, #tpu.memory_space<hbm>>
        %dma_start3A_83 = tpu.memref_squeeze %dma_start3A_82 : memref<1x40x128xi32, #tpu.memory_space<hbm>> -> memref<40x128xi32, #tpu.memory_space<hbm>>
        %dma_start3A_84 = arith.constant 0 : i32
        %dma_start3A_85 = arith.constant 0 : i32
        %dma_start3A_86 = tpu.memref_slice %arg7[%dma_start3A_84, %dma_start3A_85] : memref<40x128xi32, #tpu.memory_space<vmem>> -> memref<40x128xi32, #tpu.memory_space<vmem>>
        %dma_start3A_87 = arith.constant 0 : i32
        %dma_start3A_88 = arith.constant 0 : i32
        %dma_start3A_89 = tpu.memref_slice %arg4[%arg1, %dma_start3A_87, %dma_start3A_88] : memref<16x160x128xi32, #tpu.memory_space<hbm>> -> memref<1x40x128xi32, #tpu.memory_space<hbm>>
        %dma_start3A_90 = tpu.memref_squeeze %dma_start3A_89 : memref<1x40x128xi32, #tpu.memory_space<hbm>> -> memref<40x128xi32, #tpu.memory_space<hbm>>
        tpu.enqueue_dma source(%dma_start3A_90 : memref<40x128xi32, #tpu.memory_space<hbm>>) target(%dma_start3A_86 : memref<40x128xi32, #tpu.memory_space<vmem>>) target_semaphore(%run_scoped3A : memref<!tpu.dma_semaphore, #tpu.memory_space<semaphore_mem>>)
        %dma_wait3A = arith.constant 0 : i32
        %dma_wait3A_91 = arith.constant 0 : i32
        %dma_wait3A_92 = tpu.memref_slice %arg7[%dma_wait3A, %dma_wait3A_91] : memref<40x128xi32, #tpu.memory_space<vmem>> -> memref<40x128xi32, #tpu.memory_space<vmem>>
        %dma_wait3A_93 = arith.constant 0 : i32
        %dma_wait3A_94 = arith.constant 0 : i32
        %dma_wait3A_95 = tpu.memref_slice %arg4[%arg1, %dma_wait3A_93, %dma_wait3A_94] : memref<16x160x128xi32, #tpu.memory_space<hbm>> -> memref<1x40x128xi32, #tpu.memory_space<hbm>>
        %dma_wait3A_96 = tpu.memref_squeeze %dma_wait3A_95 : memref<1x40x128xi32, #tpu.memory_space<hbm>> -> memref<40x128xi32, #tpu.memory_space<hbm>>
        %dma_wait3A_97 = arith.constant 0 : i32
        %dma_wait3A_98 = arith.constant 0 : i32
        %dma_wait3A_99 = tpu.memref_slice %arg7[%dma_wait3A_97, %dma_wait3A_98] : memref<40x128xi32, #tpu.memory_space<vmem>> -> memref<40x128xi32, #tpu.memory_space<vmem>>
        %dma_wait3A_100 = arith.constant 0 : i32
        %dma_wait3A_101 = arith.constant 0 : i32
        %dma_wait3A_102 = tpu.memref_slice %arg4[%arg1, %dma_wait3A_100, %dma_wait3A_101] : memref<16x160x128xi32, #tpu.memory_space<hbm>> -> memref<1x40x128xi32, #tpu.memory_space<hbm>>
        %dma_wait3A_103 = tpu.memref_squeeze %dma_wait3A_102 : memref<1x40x128xi32, #tpu.memory_space<hbm>> -> memref<40x128xi32, #tpu.memory_space<hbm>>
        tpu.wait_dma2 semaphore(%run_scoped3A : memref<!tpu.dma_semaphore, #tpu.memory_space<semaphore_mem>>) src(%dma_wait3A_103 : memref<40x128xi32, #tpu.memory_space<hbm>>) dst(%dma_wait3A_99 : memref<40x128xi32, #tpu.memory_space<vmem>>)
        tpu.yield
      }) : () -> ()
      "tpu.region"() ({
        %run_scoped3A = tpu.sem_alloc : memref<!tpu.dma_semaphore, #tpu.memory_space<semaphore_mem>>
        %dma_start3A_77 = arith.constant 0 : i32
        %dma_start3A_78 = arith.constant 0 : i32
        %dma_start3A_79 = tpu.memref_slice %arg8[%dma_start3A_77, %dma_start3A_78] : memref<40x128xi32, #tpu.memory_space<vmem>> -> memref<40x128xi32, #tpu.memory_space<vmem>>
        %dma_start3A_80 = arith.constant 0 : i32
        %dma_start3A_81 = arith.constant 0 : i32
        %dma_start3A_82 = tpu.memref_slice %arg5[%arg1, %dma_start3A_80, %dma_start3A_81] : memref<16x160x128xi32, #tpu.memory_space<hbm>> -> memref<1x40x128xi32, #tpu.memory_space<hbm>>
        %dma_start3A_83 = tpu.memref_squeeze %dma_start3A_82 : memref<1x40x128xi32, #tpu.memory_space<hbm>> -> memref<40x128xi32, #tpu.memory_space<hbm>>
        %dma_start3A_84 = arith.constant 0 : i32
        %dma_start3A_85 = arith.constant 0 : i32
        %dma_start3A_86 = tpu.memref_slice %arg8[%dma_start3A_84, %dma_start3A_85] : memref<40x128xi32, #tpu.memory_space<vmem>> -> memref<40x128xi32, #tpu.memory_space<vmem>>
        %dma_start3A_87 = arith.constant 0 : i32
        %dma_start3A_88 = arith.constant 0 : i32
        %dma_start3A_89 = tpu.memref_slice %arg5[%arg1, %dma_start3A_87, %dma_start3A_88] : memref<16x160x128xi32, #tpu.memory_space<hbm>> -> memref<1x40x128xi32, #tpu.memory_space<hbm>>
        %dma_start3A_90 = tpu.memref_squeeze %dma_start3A_89 : memref<1x40x128xi32, #tpu.memory_space<hbm>> -> memref<40x128xi32, #tpu.memory_space<hbm>>
        tpu.enqueue_dma source(%dma_start3A_90 : memref<40x128xi32, #tpu.memory_space<hbm>>) target(%dma_start3A_86 : memref<40x128xi32, #tpu.memory_space<vmem>>) target_semaphore(%run_scoped3A : memref<!tpu.dma_semaphore, #tpu.memory_space<semaphore_mem>>)
        %dma_wait3A = arith.constant 0 : i32
        %dma_wait3A_91 = arith.constant 0 : i32
        %dma_wait3A_92 = tpu.memref_slice %arg8[%dma_wait3A, %dma_wait3A_91] : memref<40x128xi32, #tpu.memory_space<vmem>> -> memref<40x128xi32, #tpu.memory_space<vmem>>
        %dma_wait3A_93 = arith.constant 0 : i32
        %dma_wait3A_94 = arith.constant 0 : i32
        %dma_wait3A_95 = tpu.memref_slice %arg5[%arg1, %dma_wait3A_93, %dma_wait3A_94] : memref<16x160x128xi32, #tpu.memory_space<hbm>> -> memref<1x40x128xi32, #tpu.memory_space<hbm>>
        %dma_wait3A_96 = tpu.memref_squeeze %dma_wait3A_95 : memref<1x40x128xi32, #tpu.memory_space<hbm>> -> memref<40x128xi32, #tpu.memory_space<hbm>>
        %dma_wait3A_97 = arith.constant 0 : i32
        %dma_wait3A_98 = arith.constant 0 : i32
        %dma_wait3A_99 = tpu.memref_slice %arg8[%dma_wait3A_97, %dma_wait3A_98] : memref<40x128xi32, #tpu.memory_space<vmem>> -> memref<40x128xi32, #tpu.memory_space<vmem>>
        %dma_wait3A_100 = arith.constant 0 : i32
        %dma_wait3A_101 = arith.constant 0 : i32
        %dma_wait3A_102 = tpu.memref_slice %arg5[%arg1, %dma_wait3A_100, %dma_wait3A_101] : memref<16x160x128xi32, #tpu.memory_space<hbm>> -> memref<1x40x128xi32, #tpu.memory_space<hbm>>
        %dma_wait3A_103 = tpu.memref_squeeze %dma_wait3A_102 : memref<1x40x128xi32, #tpu.memory_space<hbm>> -> memref<40x128xi32, #tpu.memory_space<hbm>>
        tpu.wait_dma2 semaphore(%run_scoped3A : memref<!tpu.dma_semaphore, #tpu.memory_space<semaphore_mem>>) src(%dma_wait3A_103 : memref<40x128xi32, #tpu.memory_space<hbm>>) dst(%dma_wait3A_99 : memref<40x128xi32, #tpu.memory_space<vmem>>)
        tpu.yield
      }) : () -> ()
      %dma_start3A = arith.constant 0 : i32
      %dma_start3A_21 = arith.constant 0 : i32
      %dma_start3A_22 = tpu.memref_slice %arg7[%dma_start3A, %dma_start3A_21] : memref<40x128xi32, #tpu.memory_space<vmem>> -> memref<1x128xi32, #tpu.memory_space<vmem>>
      %dma_start3A_23 = tpu.memref_squeeze %dma_start3A_22 : memref<1x128xi32, #tpu.memory_space<vmem>> -> memref<128xi32, #tpu.memory_space<vmem>>
      %dma_start3A_24 = arith.constant 0 : i32
      %dma_start3A_25 = arith.constant 0 : i32
      %dma_start3A_26 = tpu.memref_slice %arg2[%dma_start3A_24, %dma_start3A_25] : memref<10240x128xf32, #tpu.memory_space<hbm>> -> memref<10240x128xf32, #tpu.memory_space<hbm>>
      tpu.enqueue_indirect_dma source(%dma_start3A_26 : memref<10240x128xf32, #tpu.memory_space<hbm>>) target(%arg9 : memref<128x128xf32, #tpu.memory_space<vmem>>) offsets(%dma_start3A_23 : memref<128xi32, #tpu.memory_space<vmem>>) semaphore(%arg12 : memref<!tpu.dma_semaphore, #tpu.memory_space<semaphore_mem>>)
      %dma_start3A_27 = arith.constant 1 : i32
      %dma_start3A_28 = arith.constant 0 : i32
      %dma_start3A_29 = tpu.memref_slice %arg7[%dma_start3A_27, %dma_start3A_28] : memref<40x128xi32, #tpu.memory_space<vmem>> -> memref<1x128xi32, #tpu.memory_space<vmem>>
      %dma_start3A_30 = tpu.memref_squeeze %dma_start3A_29 : memref<1x128xi32, #tpu.memory_space<vmem>> -> memref<128xi32, #tpu.memory_space<vmem>>
      %dma_start3A_31 = arith.constant 0 : i32
      %dma_start3A_32 = arith.constant 0 : i32
      %dma_start3A_33 = tpu.memref_slice %arg2[%dma_start3A_31, %dma_start3A_32] : memref<10240x128xf32, #tpu.memory_space<hbm>> -> memref<10240x128xf32, #tpu.memory_space<hbm>>
      tpu.enqueue_indirect_dma source(%dma_start3A_33 : memref<10240x128xf32, #tpu.memory_space<hbm>>) target(%arg10 : memref<128x128xf32, #tpu.memory_space<vmem>>) offsets(%dma_start3A_30 : memref<128xi32, #tpu.memory_space<vmem>>) semaphore(%arg13 : memref<!tpu.dma_semaphore, #tpu.memory_space<semaphore_mem>>)
      %scan3A_34 = arith.constant 0 : i32
      %scan3A_35 = arith.constant 20 : i32
      %scan3A_36 = arith.addi %scan3A_34, %scan3A_35 : i32
      %scan3A_37 = arith.constant 1 : i32
      scf.for %scan3A_77 = %scan3A_34 to %scan3A_36 step %scan3A_37  : i32 {
        %mul3A_78 = arith.constant 2 : i32
        %mul3A_79 = arith.muli %scan3A_77, %mul3A_78 : i32
        %add3A = arith.constant 0 : i32
        %add3A_80 = arith.addi %add3A, %mul3A_79 : i32
        %dma_wait3A = arith.constant 0 : i32
        %dma_wait3A_81 = tpu.memref_slice %arg7[%add3A_80, %dma_wait3A] : memref<40x128xi32, #tpu.memory_space<vmem>> -> memref<1x128xi32, #tpu.memory_space<vmem>>
        %dma_wait3A_82 = tpu.memref_squeeze %dma_wait3A_81 : memref<1x128xi32, #tpu.memory_space<vmem>> -> memref<128xi32, #tpu.memory_space<vmem>>
        %dma_wait3A_83 = arith.constant 0 : i32
        %dma_wait3A_84 = arith.constant 0 : i32
        %dma_wait3A_85 = tpu.memref_slice %arg2[%dma_wait3A_83, %dma_wait3A_84] : memref<10240x128xf32, #tpu.memory_space<hbm>> -> memref<10240x128xf32, #tpu.memory_space<hbm>>
        tpu.wait_indirect_dma semaphore(%arg12 : memref<!tpu.dma_semaphore, #tpu.memory_space<semaphore_mem>>) src(%dma_wait3A_85 : memref<10240x128xf32, #tpu.memory_space<hbm>>) dst(%arg9 : memref<128x128xf32, #tpu.memory_space<vmem>>)
        %dma_start3A_86 = arith.constant 0 : i32
        %dma_start3A_87 = tpu.memref_slice %arg8[%add3A_80, %dma_start3A_86] : memref<40x128xi32, #tpu.memory_space<vmem>> -> memref<1x128xi32, #tpu.memory_space<vmem>>
        %dma_start3A_88 = tpu.memref_squeeze %dma_start3A_87 : memref<1x128xi32, #tpu.memory_space<vmem>> -> memref<128xi32, #tpu.memory_space<vmem>>
        %dma_start3A_89 = arith.constant 0 : i32
        %dma_start3A_90 = arith.constant 0 : i32
        %dma_start3A_91 = tpu.memref_slice %arg11[%dma_start3A_89, %dma_start3A_90] : memref<10240x128xf32, #tpu.memory_space<vmem_shared>> -> memref<10240x128xf32, #tpu.memory_space<vmem_shared>>
        tpu.enqueue_indirect_dma source(%arg9 : memref<128x128xf32, #tpu.memory_space<vmem>>) target(%dma_start3A_91 : memref<10240x128xf32, #tpu.memory_space<vmem_shared>>) offsets(%dma_start3A_88 : memref<128xi32, #tpu.memory_space<vmem>>) semaphore(%arg14 : memref<!tpu.dma_semaphore, #tpu.memory_space<semaphore_mem>>) {add = true}
        %add3A_92 = arith.constant 1 : i32
        %add3A_93 = arith.addi %add3A_80, %add3A_92 : i32
        %dma_wait3A_94 = arith.constant 0 : i32
        %dma_wait3A_95 = tpu.memref_slice %arg7[%add3A_93, %dma_wait3A_94] : memref<40x128xi32, #tpu.memory_space<vmem>> -> memref<1x128xi32, #tpu.memory_space<vmem>>
        %dma_wait3A_96 = tpu.memref_squeeze %dma_wait3A_95 : memref<1x128xi32, #tpu.memory_space<vmem>> -> memref<128xi32, #tpu.memory_space<vmem>>
        %dma_wait3A_97 = arith.constant 0 : i32
        %dma_wait3A_98 = arith.constant 0 : i32
        %dma_wait3A_99 = tpu.memref_slice %arg2[%dma_wait3A_97, %dma_wait3A_98] : memref<10240x128xf32, #tpu.memory_space<hbm>> -> memref<10240x128xf32, #tpu.memory_space<hbm>>
        tpu.wait_indirect_dma semaphore(%arg13 : memref<!tpu.dma_semaphore, #tpu.memory_space<semaphore_mem>>) src(%dma_wait3A_99 : memref<10240x128xf32, #tpu.memory_space<hbm>>) dst(%arg10 : memref<128x128xf32, #tpu.memory_space<vmem>>)
        %dma_wait3A_100 = arith.constant 0 : i32
        %dma_wait3A_101 = tpu.memref_slice %arg8[%add3A_80, %dma_wait3A_100] : memref<40x128xi32, #tpu.memory_space<vmem>> -> memref<1x128xi32, #tpu.memory_space<vmem>>
        %dma_wait3A_102 = tpu.memref_squeeze %dma_wait3A_101 : memref<1x128xi32, #tpu.memory_space<vmem>> -> memref<128xi32, #tpu.memory_space<vmem>>
        %dma_wait3A_103 = arith.constant 0 : i32
        %dma_wait3A_104 = arith.constant 0 : i32
        %dma_wait3A_105 = tpu.memref_slice %arg11[%dma_wait3A_103, %dma_wait3A_104] : memref<10240x128xf32, #tpu.memory_space<vmem_shared>> -> memref<10240x128xf32, #tpu.memory_space<vmem_shared>>
        tpu.wait_indirect_dma semaphore(%arg14 : memref<!tpu.dma_semaphore, #tpu.memory_space<semaphore_mem>>) src(%arg9 : memref<128x128xf32, #tpu.memory_space<vmem>>) dst(%dma_wait3A_105 : memref<10240x128xf32, #tpu.memory_space<vmem_shared>>)
        %add3A_106 = arith.constant 2 : i32
        %add3A_107 = arith.addi %add3A_80, %add3A_106 : i32
        %lt3A = arith.constant 40 : i32
        %lt3A_108 = arith.cmpi slt, %add3A_107, %lt3A : i32
        %convert_element_type3A_109 = arith.extui %lt3A_108 : i1 to i32
        %cond3A_110 = arith.constant 0 : i32
        %cond3A_111 = arith.cmpi ne, %convert_element_type3A_109, %cond3A_110 : i32
        scf.if %cond3A_111 {
          %add3A_135 = arith.constant 2 : i32
          %add3A_136 = arith.addi %add3A_80, %add3A_135 : i32
          %dma_start3A_137 = arith.constant 0 : i32
          %dma_start3A_138 = tpu.memref_slice %arg7[%add3A_136, %dma_start3A_137] : memref<40x128xi32, #tpu.memory_space<vmem>> -> memref<1x128xi32, #tpu.memory_space<vmem>>
          %dma_start3A_139 = tpu.memref_squeeze %dma_start3A_138 : memref<1x128xi32, #tpu.memory_space<vmem>> -> memref<128xi32, #tpu.memory_space<vmem>>
          %dma_start3A_140 = arith.constant 0 : i32
          %dma_start3A_141 = arith.constant 0 : i32
          %dma_start3A_142 = tpu.memref_slice %arg2[%dma_start3A_140, %dma_start3A_141] : memref<10240x128xf32, #tpu.memory_space<hbm>> -> memref<10240x128xf32, #tpu.memory_space<hbm>>
          tpu.enqueue_indirect_dma source(%dma_start3A_142 : memref<10240x128xf32, #tpu.memory_space<hbm>>) target(%arg9 : memref<128x128xf32, #tpu.memory_space<vmem>>) offsets(%dma_start3A_139 : memref<128xi32, #tpu.memory_space<vmem>>) semaphore(%arg12 : memref<!tpu.dma_semaphore, #tpu.memory_space<semaphore_mem>>)
        } else {
        }
        %add3A_112 = arith.constant 1 : i32
        %add3A_113 = arith.addi %add3A_80, %add3A_112 : i32
        %dma_start3A_114 = arith.constant 0 : i32
        %dma_start3A_115 = tpu.memref_slice %arg8[%add3A_113, %dma_start3A_114] : memref<40x128xi32, #tpu.memory_space<vmem>> -> memref<1x128xi32, #tpu.memory_space<vmem>>
        %dma_start3A_116 = tpu.memref_squeeze %dma_start3A_115 : memref<1x128xi32, #tpu.memory_space<vmem>> -> memref<128xi32, #tpu.memory_space<vmem>>
        %dma_start3A_117 = arith.constant 0 : i32
        %dma_start3A_118 = arith.constant 0 : i32
        %dma_start3A_119 = tpu.memref_slice %arg11[%dma_start3A_117, %dma_start3A_118] : memref<10240x128xf32, #tpu.memory_space<vmem_shared>> -> memref<10240x128xf32, #tpu.memory_space<vmem_shared>>
        tpu.enqueue_indirect_dma source(%arg10 : memref<128x128xf32, #tpu.memory_space<vmem>>) target(%dma_start3A_119 : memref<10240x128xf32, #tpu.memory_space<vmem_shared>>) offsets(%dma_start3A_116 : memref<128xi32, #tpu.memory_space<vmem>>) semaphore(%arg15 : memref<!tpu.dma_semaphore, #tpu.memory_space<semaphore_mem>>) {add = true}
        %add3A_120 = arith.constant 1 : i32
        %add3A_121 = arith.addi %add3A_80, %add3A_120 : i32
        %dma_wait3A_122 = arith.constant 0 : i32
        %dma_wait3A_123 = tpu.memref_slice %arg8[%add3A_121, %dma_wait3A_122] : memref<40x128xi32, #tpu.memory_space<vmem>> -> memref<1x128xi32, #tpu.memory_space<vmem>>
        %dma_wait3A_124 = tpu.memref_squeeze %dma_wait3A_123 : memref<1x128xi32, #tpu.memory_space<vmem>> -> memref<128xi32, #tpu.memory_space<vmem>>
        %dma_wait3A_125 = arith.constant 0 : i32
        %dma_wait3A_126 = arith.constant 0 : i32
        %dma_wait3A_127 = tpu.memref_slice %arg11[%dma_wait3A_125, %dma_wait3A_126] : memref<10240x128xf32, #tpu.memory_space<vmem_shared>> -> memref<10240x128xf32, #tpu.memory_space<vmem_shared>>
        tpu.wait_indirect_dma semaphore(%arg15 : memref<!tpu.dma_semaphore, #tpu.memory_space<semaphore_mem>>) src(%arg10 : memref<128x128xf32, #tpu.memory_space<vmem>>) dst(%dma_wait3A_127 : memref<10240x128xf32, #tpu.memory_space<vmem_shared>>)
        %add3A_128 = arith.constant 3 : i32
        %add3A_129 = arith.addi %add3A_80, %add3A_128 : i32
        %lt3A_130 = arith.constant 40 : i32
        %lt3A_131 = arith.cmpi slt, %add3A_129, %lt3A_130 : i32
        %convert_element_type3A_132 = arith.extui %lt3A_131 : i1 to i32
        %cond3A_133 = arith.constant 0 : i32
        %cond3A_134 = arith.cmpi ne, %convert_element_type3A_132, %cond3A_133 : i32
        scf.if %cond3A_134 {
          %add3A_135 = arith.constant 3 : i32
          %add3A_136 = arith.addi %add3A_80, %add3A_135 : i32
          %dma_start3A_137 = arith.constant 0 : i32
          %dma_start3A_138 = tpu.memref_slice %arg7[%add3A_136, %dma_start3A_137] : memref<40x128xi32, #tpu.memory_space<vmem>> -> memref<1x128xi32, #tpu.memory_space<vmem>>
          %dma_start3A_139 = tpu.memref_squeeze %dma_start3A_138 : memref<1x128xi32, #tpu.memory_space<vmem>> -> memref<128xi32, #tpu.memory_space<vmem>>
          %dma_start3A_140 = arith.constant 0 : i32
          %dma_start3A_141 = arith.constant 0 : i32
          %dma_start3A_142 = tpu.memref_slice %arg2[%dma_start3A_140, %dma_start3A_141] : memref<10240x128xf32, #tpu.memory_space<hbm>> -> memref<10240x128xf32, #tpu.memory_space<hbm>>
          tpu.enqueue_indirect_dma source(%dma_start3A_142 : memref<10240x128xf32, #tpu.memory_space<hbm>>) target(%arg10 : memref<128x128xf32, #tpu.memory_space<vmem>>) offsets(%dma_start3A_139 : memref<128xi32, #tpu.memory_space<vmem>>) semaphore(%arg13 : memref<!tpu.dma_semaphore, #tpu.memory_space<semaphore_mem>>)
        } else {
        }
      }
      %scan3A_38 = arith.constant 20 : i32
      "tpu.region"() ({
        %run_scoped3A = tpu.sem_alloc : memref<!tpu.dma_semaphore, #tpu.memory_space<semaphore_mem>>
        %dma_start3A_77 = arith.constant 0 : i32
        %dma_start3A_78 = arith.constant 0 : i32
        %dma_start3A_79 = tpu.memref_slice %arg7[%dma_start3A_77, %dma_start3A_78] : memref<40x128xi32, #tpu.memory_space<vmem>> -> memref<40x128xi32, #tpu.memory_space<vmem>>
        %dma_start3A_80 = arith.constant 40 : i32
        %dma_start3A_81 = arith.constant 0 : i32
        %dma_start3A_82 = tpu.memref_slice %arg4[%arg1, %dma_start3A_80, %dma_start3A_81] : memref<16x160x128xi32, #tpu.memory_space<hbm>> -> memref<1x40x128xi32, #tpu.memory_space<hbm>>
        %dma_start3A_83 = tpu.memref_squeeze %dma_start3A_82 : memref<1x40x128xi32, #tpu.memory_space<hbm>> -> memref<40x128xi32, #tpu.memory_space<hbm>>
        %dma_start3A_84 = arith.constant 0 : i32
        %dma_start3A_85 = arith.constant 0 : i32
        %dma_start3A_86 = tpu.memref_slice %arg7[%dma_start3A_84, %dma_start3A_85] : memref<40x128xi32, #tpu.memory_space<vmem>> -> memref<40x128xi32, #tpu.memory_space<vmem>>
        %dma_start3A_87 = arith.constant 40 : i32
        %dma_start3A_88 = arith.constant 0 : i32
        %dma_start3A_89 = tpu.memref_slice %arg4[%arg1, %dma_start3A_87, %dma_start3A_88] : memref<16x160x128xi32, #tpu.memory_space<hbm>> -> memref<1x40x128xi32, #tpu.memory_space<hbm>>
        %dma_start3A_90 = tpu.memref_squeeze %dma_start3A_89 : memref<1x40x128xi32, #tpu.memory_space<hbm>> -> memref<40x128xi32, #tpu.memory_space<hbm>>
        tpu.enqueue_dma source(%dma_start3A_90 : memref<40x128xi32, #tpu.memory_space<hbm>>) target(%dma_start3A_86 : memref<40x128xi32, #tpu.memory_space<vmem>>) target_semaphore(%run_scoped3A : memref<!tpu.dma_semaphore, #tpu.memory_space<semaphore_mem>>)
        %dma_wait3A = arith.constant 0 : i32
        %dma_wait3A_91 = arith.constant 0 : i32
        %dma_wait3A_92 = tpu.memref_slice %arg7[%dma_wait3A, %dma_wait3A_91] : memref<40x128xi32, #tpu.memory_space<vmem>> -> memref<40x128xi32, #tpu.memory_space<vmem>>
        %dma_wait3A_93 = arith.constant 40 : i32
        %dma_wait3A_94 = arith.constant 0 : i32
        %dma_wait3A_95 = tpu.memref_slice %arg4[%arg1, %dma_wait3A_93, %dma_wait3A_94] : memref<16x160x128xi32, #tpu.memory_space<hbm>> -> memref<1x40x128xi32, #tpu.memory_space<hbm>>
        %dma_wait3A_96 = tpu.memref_squeeze %dma_wait3A_95 : memref<1x40x128xi32, #tpu.memory_space<hbm>> -> memref<40x128xi32, #tpu.memory_space<hbm>>
        %dma_wait3A_97 = arith.constant 0 : i32
        %dma_wait3A_98 = arith.constant 0 : i32
        %dma_wait3A_99 = tpu.memref_slice %arg7[%dma_wait3A_97, %dma_wait3A_98] : memref<40x128xi32, #tpu.memory_space<vmem>> -> memref<40x128xi32, #tpu.memory_space<vmem>>
        %dma_wait3A_100 = arith.constant 40 : i32
        %dma_wait3A_101 = arith.constant 0 : i32
        %dma_wait3A_102 = tpu.memref_slice %arg4[%arg1, %dma_wait3A_100, %dma_wait3A_101] : memref<16x160x128xi32, #tpu.memory_space<hbm>> -> memref<1x40x128xi32, #tpu.memory_space<hbm>>
        %dma_wait3A_103 = tpu.memref_squeeze %dma_wait3A_102 : memref<1x40x128xi32, #tpu.memory_space<hbm>> -> memref<40x128xi32, #tpu.memory_space<hbm>>
        tpu.wait_dma2 semaphore(%run_scoped3A : memref<!tpu.dma_semaphore, #tpu.memory_space<semaphore_mem>>) src(%dma_wait3A_103 : memref<40x128xi32, #tpu.memory_space<hbm>>) dst(%dma_wait3A_99 : memref<40x128xi32, #tpu.memory_space<vmem>>)
        tpu.yield
      }) : () -> ()
      "tpu.region"() ({
        %run_scoped3A = tpu.sem_alloc : memref<!tpu.dma_semaphore, #tpu.memory_space<semaphore_mem>>
        %dma_start3A_77 = arith.constant 0 : i32
        %dma_start3A_78 = arith.constant 0 : i32
        %dma_start3A_79 = tpu.memref_slice %arg8[%dma_start3A_77, %dma_start3A_78] : memref<40x128xi32, #tpu.memory_space<vmem>> -> memref<40x128xi32, #tpu.memory_space<vmem>>
        %dma_start3A_80 = arith.constant 40 : i32
        %dma_start3A_81 = arith.constant 0 : i32
        %dma_start3A_82 = tpu.memref_slice %arg5[%arg1, %dma_start3A_80, %dma_start3A_81] : memref<16x160x128xi32, #tpu.memory_space<hbm>> -> memref<1x40x128xi32, #tpu.memory_space<hbm>>
        %dma_start3A_83 = tpu.memref_squeeze %dma_start3A_82 : memref<1x40x128xi32, #tpu.memory_space<hbm>> -> memref<40x128xi32, #tpu.memory_space<hbm>>
        %dma_start3A_84 = arith.constant 0 : i32
        %dma_start3A_85 = arith.constant 0 : i32
        %dma_start3A_86 = tpu.memref_slice %arg8[%dma_start3A_84, %dma_start3A_85] : memref<40x128xi32, #tpu.memory_space<vmem>> -> memref<40x128xi32, #tpu.memory_space<vmem>>
        %dma_start3A_87 = arith.constant 40 : i32
        %dma_start3A_88 = arith.constant 0 : i32
        %dma_start3A_89 = tpu.memref_slice %arg5[%arg1, %dma_start3A_87, %dma_start3A_88] : memref<16x160x128xi32, #tpu.memory_space<hbm>> -> memref<1x40x128xi32, #tpu.memory_space<hbm>>
        %dma_start3A_90 = tpu.memref_squeeze %dma_start3A_89 : memref<1x40x128xi32, #tpu.memory_space<hbm>> -> memref<40x128xi32, #tpu.memory_space<hbm>>
        tpu.enqueue_dma source(%dma_start3A_90 : memref<40x128xi32, #tpu.memory_space<hbm>>) target(%dma_start3A_86 : memref<40x128xi32, #tpu.memory_space<vmem>>) target_semaphore(%run_scoped3A : memref<!tpu.dma_semaphore, #tpu.memory_space<semaphore_mem>>)
        %dma_wait3A = arith.constant 0 : i32
        %dma_wait3A_91 = arith.constant 0 : i32
        %dma_wait3A_92 = tpu.memref_slice %arg8[%dma_wait3A, %dma_wait3A_91] : memref<40x128xi32, #tpu.memory_space<vmem>> -> memref<40x128xi32, #tpu.memory_space<vmem>>
        %dma_wait3A_93 = arith.constant 40 : i32
        %dma_wait3A_94 = arith.constant 0 : i32
        %dma_wait3A_95 = tpu.memref_slice %arg5[%arg1, %dma_wait3A_93, %dma_wait3A_94] : memref<16x160x128xi32, #tpu.memory_space<hbm>> -> memref<1x40x128xi32, #tpu.memory_space<hbm>>
        %dma_wait3A_96 = tpu.memref_squeeze %dma_wait3A_95 : memref<1x40x128xi32, #tpu.memory_space<hbm>> -> memref<40x128xi32, #tpu.memory_space<hbm>>
        %dma_wait3A_97 = arith.constant 0 : i32
        %dma_wait3A_98 = arith.constant 0 : i32
        %dma_wait3A_99 = tpu.memref_slice %arg8[%dma_wait3A_97, %dma_wait3A_98] : memref<40x128xi32, #tpu.memory_space<vmem>> -> memref<40x128xi32, #tpu.memory_space<vmem>>
        %dma_wait3A_100 = arith.constant 40 : i32
        %dma_wait3A_101 = arith.constant 0 : i32
        %dma_wait3A_102 = tpu.memref_slice %arg5[%arg1, %dma_wait3A_100, %dma_wait3A_101] : memref<16x160x128xi32, #tpu.memory_space<hbm>> -> memref<1x40x128xi32, #tpu.memory_space<hbm>>
        %dma_wait3A_103 = tpu.memref_squeeze %dma_wait3A_102 : memref<1x40x128xi32, #tpu.memory_space<hbm>> -> memref<40x128xi32, #tpu.memory_space<hbm>>
        tpu.wait_dma2 semaphore(%run_scoped3A : memref<!tpu.dma_semaphore, #tpu.memory_space<semaphore_mem>>) src(%dma_wait3A_103 : memref<40x128xi32, #tpu.memory_space<hbm>>) dst(%dma_wait3A_99 : memref<40x128xi32, #tpu.memory_space<vmem>>)
        tpu.yield
      }) : () -> ()
      %dma_start3A_39 = arith.constant 0 : i32
      %dma_start3A_40 = arith.constant 0 : i32
      %dma_start3A_41 = tpu.memref_slice %arg7[%dma_start3A_39, %dma_start3A_40] : memref<40x128xi32, #tpu.memory_space<vmem>> -> memref<1x128xi32, #tpu.memory_space<vmem>>
      %dma_start3A_42 = tpu.memref_squeeze %dma_start3A_41 : memref<1x128xi32, #tpu.memory_space<vmem>> -> memref<128xi32, #tpu.memory_space<vmem>>
      %dma_start3A_43 = arith.constant 0 : i32
      %dma_start3A_44 = arith.constant 0 : i32
      %dma_start3A_45 = tpu.memref_slice %arg2[%dma_start3A_43, %dma_start3A_44] : memref<10240x128xf32, #tpu.memory_space<hbm>> -> memref<10240x128xf32, #tpu.memory_space<hbm>>
      tpu.enqueue_indirect_dma source(%dma_start3A_45 : memref<10240x128xf32, #tpu.memory_space<hbm>>) target(%arg9 : memref<128x128xf32, #tpu.memory_space<vmem>>) offsets(%dma_start3A_42 : memref<128xi32, #tpu.memory_space<vmem>>) semaphore(%arg12 : memref<!tpu.dma_semaphore, #tpu.memory_space<semaphore_mem>>)
      %dma_start3A_46 = arith.constant 1 : i32
      %dma_start3A_47 = arith.constant 0 : i32
      %dma_start3A_48 = tpu.memref_slice %arg7[%dma_start3A_46, %dma_start3A_47] : memref<40x128xi32, #tpu.memory_space<vmem>> -> memref<1x128xi32, #tpu.memory_space<vmem>>
      %dma_start3A_49 = tpu.memref_squeeze %dma_start3A_48 : memref<1x128xi32, #tpu.memory_space<vmem>> -> memref<128xi32, #tpu.memory_space<vmem>>
      %dma_start3A_50 = arith.constant 0 : i32
      %dma_start3A_51 = arith.constant 0 : i32
      %dma_start3A_52 = tpu.memref_slice %arg2[%dma_start3A_50, %dma_start3A_51] : memref<10240x128xf32, #tpu.memory_space<hbm>> -> memref<10240x128xf32, #tpu.memory_space<hbm>>
      tpu.enqueue_indirect_dma source(%dma_start3A_52 : memref<10240x128xf32, #tpu.memory_space<hbm>>) target(%arg10 : memref<128x128xf32, #tpu.memory_space<vmem>>) offsets(%dma_start3A_49 : memref<128xi32, #tpu.memory_space<vmem>>) semaphore(%arg13 : memref<!tpu.dma_semaphore, #tpu.memory_space<semaphore_mem>>)
      %scan3A_53 = arith.constant 0 : i32
      %scan3A_54 = arith.constant 20 : i32
      %scan3A_55 = arith.addi %scan3A_53, %scan3A_54 : i32
      %scan3A_56 = arith.constant 1 : i32
      scf.for %scan3A_77 = %scan3A_53 to %scan3A_55 step %scan3A_56  : i32 {
        %mul3A_78 = arith.constant 2 : i32
        %mul3A_79 = arith.muli %scan3A_77, %mul3A_78 : i32
        %add3A = arith.constant 0 : i32
        %add3A_80 = arith.addi %add3A, %mul3A_79 : i32
        %dma_wait3A = arith.constant 0 : i32
        %dma_wait3A_81 = tpu.memref_slice %arg7[%add3A_80, %dma_wait3A] : memref<40x128xi32, #tpu.memory_space<vmem>> -> memref<1x128xi32, #tpu.memory_space<vmem>>
        %dma_wait3A_82 = tpu.memref_squeeze %dma_wait3A_81 : memref<1x128xi32, #tpu.memory_space<vmem>> -> memref<128xi32, #tpu.memory_space<vmem>>
        %dma_wait3A_83 = arith.constant 0 : i32
        %dma_wait3A_84 = arith.constant 0 : i32
        %dma_wait3A_85 = tpu.memref_slice %arg2[%dma_wait3A_83, %dma_wait3A_84] : memref<10240x128xf32, #tpu.memory_space<hbm>> -> memref<10240x128xf32, #tpu.memory_space<hbm>>
        tpu.wait_indirect_dma semaphore(%arg12 : memref<!tpu.dma_semaphore, #tpu.memory_space<semaphore_mem>>) src(%dma_wait3A_85 : memref<10240x128xf32, #tpu.memory_space<hbm>>) dst(%arg9 : memref<128x128xf32, #tpu.memory_space<vmem>>)
        %dma_start3A_86 = arith.constant 0 : i32
        %dma_start3A_87 = tpu.memref_slice %arg8[%add3A_80, %dma_start3A_86] : memref<40x128xi32, #tpu.memory_space<vmem>> -> memref<1x128xi32, #tpu.memory_space<vmem>>
        %dma_start3A_88 = tpu.memref_squeeze %dma_start3A_87 : memref<1x128xi32, #tpu.memory_space<vmem>> -> memref<128xi32, #tpu.memory_space<vmem>>
        %dma_start3A_89 = arith.constant 0 : i32
        %dma_start3A_90 = arith.constant 0 : i32
        %dma_start3A_91 = tpu.memref_slice %arg11[%dma_start3A_89, %dma_start3A_90] : memref<10240x128xf32, #tpu.memory_space<vmem_shared>> -> memref<10240x128xf32, #tpu.memory_space<vmem_shared>>
        tpu.enqueue_indirect_dma source(%arg9 : memref<128x128xf32, #tpu.memory_space<vmem>>) target(%dma_start3A_91 : memref<10240x128xf32, #tpu.memory_space<vmem_shared>>) offsets(%dma_start3A_88 : memref<128xi32, #tpu.memory_space<vmem>>) semaphore(%arg14 : memref<!tpu.dma_semaphore, #tpu.memory_space<semaphore_mem>>) {add = true}
        %add3A_92 = arith.constant 1 : i32
        %add3A_93 = arith.addi %add3A_80, %add3A_92 : i32
        %dma_wait3A_94 = arith.constant 0 : i32
        %dma_wait3A_95 = tpu.memref_slice %arg7[%add3A_93, %dma_wait3A_94] : memref<40x128xi32, #tpu.memory_space<vmem>> -> memref<1x128xi32, #tpu.memory_space<vmem>>
        %dma_wait3A_96 = tpu.memref_squeeze %dma_wait3A_95 : memref<1x128xi32, #tpu.memory_space<vmem>> -> memref<128xi32, #tpu.memory_space<vmem>>
        %dma_wait3A_97 = arith.constant 0 : i32
        %dma_wait3A_98 = arith.constant 0 : i32
        %dma_wait3A_99 = tpu.memref_slice %arg2[%dma_wait3A_97, %dma_wait3A_98] : memref<10240x128xf32, #tpu.memory_space<hbm>> -> memref<10240x128xf32, #tpu.memory_space<hbm>>
        tpu.wait_indirect_dma semaphore(%arg13 : memref<!tpu.dma_semaphore, #tpu.memory_space<semaphore_mem>>) src(%dma_wait3A_99 : memref<10240x128xf32, #tpu.memory_space<hbm>>) dst(%arg10 : memref<128x128xf32, #tpu.memory_space<vmem>>)
        %dma_wait3A_100 = arith.constant 0 : i32
        %dma_wait3A_101 = tpu.memref_slice %arg8[%add3A_80, %dma_wait3A_100] : memref<40x128xi32, #tpu.memory_space<vmem>> -> memref<1x128xi32, #tpu.memory_space<vmem>>
        %dma_wait3A_102 = tpu.memref_squeeze %dma_wait3A_101 : memref<1x128xi32, #tpu.memory_space<vmem>> -> memref<128xi32, #tpu.memory_space<vmem>>
        %dma_wait3A_103 = arith.constant 0 : i32
        %dma_wait3A_104 = arith.constant 0 : i32
        %dma_wait3A_105 = tpu.memref_slice %arg11[%dma_wait3A_103, %dma_wait3A_104] : memref<10240x128xf32, #tpu.memory_space<vmem_shared>> -> memref<10240x128xf32, #tpu.memory_space<vmem_shared>>
        tpu.wait_indirect_dma semaphore(%arg14 : memref<!tpu.dma_semaphore, #tpu.memory_space<semaphore_mem>>) src(%arg9 : memref<128x128xf32, #tpu.memory_space<vmem>>) dst(%dma_wait3A_105 : memref<10240x128xf32, #tpu.memory_space<vmem_shared>>)
        %add3A_106 = arith.constant 2 : i32
        %add3A_107 = arith.addi %add3A_80, %add3A_106 : i32
        %lt3A = arith.constant 40 : i32
        %lt3A_108 = arith.cmpi slt, %add3A_107, %lt3A : i32
        %convert_element_type3A_109 = arith.extui %lt3A_108 : i1 to i32
        %cond3A_110 = arith.constant 0 : i32
        %cond3A_111 = arith.cmpi ne, %convert_element_type3A_109, %cond3A_110 : i32
        scf.if %cond3A_111 {
          %add3A_135 = arith.constant 2 : i32
          %add3A_136 = arith.addi %add3A_80, %add3A_135 : i32
          %dma_start3A_137 = arith.constant 0 : i32
          %dma_start3A_138 = tpu.memref_slice %arg7[%add3A_136, %dma_start3A_137] : memref<40x128xi32, #tpu.memory_space<vmem>> -> memref<1x128xi32, #tpu.memory_space<vmem>>
          %dma_start3A_139 = tpu.memref_squeeze %dma_start3A_138 : memref<1x128xi32, #tpu.memory_space<vmem>> -> memref<128xi32, #tpu.memory_space<vmem>>
          %dma_start3A_140 = arith.constant 0 : i32
          %dma_start3A_141 = arith.constant 0 : i32
          %dma_start3A_142 = tpu.memref_slice %arg2[%dma_start3A_140, %dma_start3A_141] : memref<10240x128xf32, #tpu.memory_space<hbm>> -> memref<10240x128xf32, #tpu.memory_space<hbm>>
          tpu.enqueue_indirect_dma source(%dma_start3A_142 : memref<10240x128xf32, #tpu.memory_space<hbm>>) target(%arg9 : memref<128x128xf32, #tpu.memory_space<vmem>>) offsets(%dma_start3A_139 : memref<128xi32, #tpu.memory_space<vmem>>) semaphore(%arg12 : memref<!tpu.dma_semaphore, #tpu.memory_space<semaphore_mem>>)
        } else {
        }
        %add3A_112 = arith.constant 1 : i32
        %add3A_113 = arith.addi %add3A_80, %add3A_112 : i32
        %dma_start3A_114 = arith.constant 0 : i32
        %dma_start3A_115 = tpu.memref_slice %arg8[%add3A_113, %dma_start3A_114] : memref<40x128xi32, #tpu.memory_space<vmem>> -> memref<1x128xi32, #tpu.memory_space<vmem>>
        %dma_start3A_116 = tpu.memref_squeeze %dma_start3A_115 : memref<1x128xi32, #tpu.memory_space<vmem>> -> memref<128xi32, #tpu.memory_space<vmem>>
        %dma_start3A_117 = arith.constant 0 : i32
        %dma_start3A_118 = arith.constant 0 : i32
        %dma_start3A_119 = tpu.memref_slice %arg11[%dma_start3A_117, %dma_start3A_118] : memref<10240x128xf32, #tpu.memory_space<vmem_shared>> -> memref<10240x128xf32, #tpu.memory_space<vmem_shared>>
        tpu.enqueue_indirect_dma source(%arg10 : memref<128x128xf32, #tpu.memory_space<vmem>>) target(%dma_start3A_119 : memref<10240x128xf32, #tpu.memory_space<vmem_shared>>) offsets(%dma_start3A_116 : memref<128xi32, #tpu.memory_space<vmem>>) semaphore(%arg15 : memref<!tpu.dma_semaphore, #tpu.memory_space<semaphore_mem>>) {add = true}
        %add3A_120 = arith.constant 1 : i32
        %add3A_121 = arith.addi %add3A_80, %add3A_120 : i32
        %dma_wait3A_122 = arith.constant 0 : i32
        %dma_wait3A_123 = tpu.memref_slice %arg8[%add3A_121, %dma_wait3A_122] : memref<40x128xi32, #tpu.memory_space<vmem>> -> memref<1x128xi32, #tpu.memory_space<vmem>>
        %dma_wait3A_124 = tpu.memref_squeeze %dma_wait3A_123 : memref<1x128xi32, #tpu.memory_space<vmem>> -> memref<128xi32, #tpu.memory_space<vmem>>
        %dma_wait3A_125 = arith.constant 0 : i32
        %dma_wait3A_126 = arith.constant 0 : i32
        %dma_wait3A_127 = tpu.memref_slice %arg11[%dma_wait3A_125, %dma_wait3A_126] : memref<10240x128xf32, #tpu.memory_space<vmem_shared>> -> memref<10240x128xf32, #tpu.memory_space<vmem_shared>>
        tpu.wait_indirect_dma semaphore(%arg15 : memref<!tpu.dma_semaphore, #tpu.memory_space<semaphore_mem>>) src(%arg10 : memref<128x128xf32, #tpu.memory_space<vmem>>) dst(%dma_wait3A_127 : memref<10240x128xf32, #tpu.memory_space<vmem_shared>>)
        %add3A_128 = arith.constant 3 : i32
        %add3A_129 = arith.addi %add3A_80, %add3A_128 : i32
        %lt3A_130 = arith.constant 40 : i32
        %lt3A_131 = arith.cmpi slt, %add3A_129, %lt3A_130 : i32
        %convert_element_type3A_132 = arith.extui %lt3A_131 : i1 to i32
        %cond3A_133 = arith.constant 0 : i32
        %cond3A_134 = arith.cmpi ne, %convert_element_type3A_132, %cond3A_133 : i32
        scf.if %cond3A_134 {
          %add3A_135 = arith.constant 3 : i32
          %add3A_136 = arith.addi %add3A_80, %add3A_135 : i32
          %dma_start3A_137 = arith.constant 0 : i32
          %dma_start3A_138 = tpu.memref_slice %arg7[%add3A_136, %dma_start3A_137] : memref<40x128xi32, #tpu.memory_space<vmem>> -> memref<1x128xi32, #tpu.memory_space<vmem>>
          %dma_start3A_139 = tpu.memref_squeeze %dma_start3A_138 : memref<1x128xi32, #tpu.memory_space<vmem>> -> memref<128xi32, #tpu.memory_space<vmem>>
          %dma_start3A_140 = arith.constant 0 : i32
          %dma_start3A_141 = arith.constant 0 : i32
          %dma_start3A_142 = tpu.memref_slice %arg2[%dma_start3A_140, %dma_start3A_141] : memref<10240x128xf32, #tpu.memory_space<hbm>> -> memref<10240x128xf32, #tpu.memory_space<hbm>>
          tpu.enqueue_indirect_dma source(%dma_start3A_142 : memref<10240x128xf32, #tpu.memory_space<hbm>>) target(%arg10 : memref<128x128xf32, #tpu.memory_space<vmem>>) offsets(%dma_start3A_139 : memref<128xi32, #tpu.memory_space<vmem>>) semaphore(%arg13 : memref<!tpu.dma_semaphore, #tpu.memory_space<semaphore_mem>>)
        } else {
        }
      }
      %scan3A_57 = arith.constant 20 : i32
      "tpu.region"() ({
        %run_scoped3A = tpu.sem_alloc : memref<!tpu.dma_semaphore, #tpu.memory_space<semaphore_mem>>
        %dma_start3A_77 = arith.constant 0 : i32
        %dma_start3A_78 = arith.constant 0 : i32
        %dma_start3A_79 = tpu.memref_slice %arg7[%dma_start3A_77, %dma_start3A_78] : memref<40x128xi32, #tpu.memory_space<vmem>> -> memref<40x128xi32, #tpu.memory_space<vmem>>
        %dma_start3A_80 = arith.constant 80 : i32
        %dma_start3A_81 = arith.constant 0 : i32
        %dma_start3A_82 = tpu.memref_slice %arg4[%arg1, %dma_start3A_80, %dma_start3A_81] : memref<16x160x128xi32, #tpu.memory_space<hbm>> -> memref<1x40x128xi32, #tpu.memory_space<hbm>>
        %dma_start3A_83 = tpu.memref_squeeze %dma_start3A_82 : memref<1x40x128xi32, #tpu.memory_space<hbm>> -> memref<40x128xi32, #tpu.memory_space<hbm>>
        %dma_start3A_84 = arith.constant 0 : i32
        %dma_start3A_85 = arith.constant 0 : i32
        %dma_start3A_86 = tpu.memref_slice %arg7[%dma_start3A_84, %dma_start3A_85] : memref<40x128xi32, #tpu.memory_space<vmem>> -> memref<40x128xi32, #tpu.memory_space<vmem>>
        %dma_start3A_87 = arith.constant 80 : i32
        %dma_start3A_88 = arith.constant 0 : i32
        %dma_start3A_89 = tpu.memref_slice %arg4[%arg1, %dma_start3A_87, %dma_start3A_88] : memref<16x160x128xi32, #tpu.memory_space<hbm>> -> memref<1x40x128xi32, #tpu.memory_space<hbm>>
        %dma_start3A_90 = tpu.memref_squeeze %dma_start3A_89 : memref<1x40x128xi32, #tpu.memory_space<hbm>> -> memref<40x128xi32, #tpu.memory_space<hbm>>
        tpu.enqueue_dma source(%dma_start3A_90 : memref<40x128xi32, #tpu.memory_space<hbm>>) target(%dma_start3A_86 : memref<40x128xi32, #tpu.memory_space<vmem>>) target_semaphore(%run_scoped3A : memref<!tpu.dma_semaphore, #tpu.memory_space<semaphore_mem>>)
        %dma_wait3A = arith.constant 0 : i32
        %dma_wait3A_91 = arith.constant 0 : i32
        %dma_wait3A_92 = tpu.memref_slice %arg7[%dma_wait3A, %dma_wait3A_91] : memref<40x128xi32, #tpu.memory_space<vmem>> -> memref<40x128xi32, #tpu.memory_space<vmem>>
        %dma_wait3A_93 = arith.constant 80 : i32
        %dma_wait3A_94 = arith.constant 0 : i32
        %dma_wait3A_95 = tpu.memref_slice %arg4[%arg1, %dma_wait3A_93, %dma_wait3A_94] : memref<16x160x128xi32, #tpu.memory_space<hbm>> -> memref<1x40x128xi32, #tpu.memory_space<hbm>>
        %dma_wait3A_96 = tpu.memref_squeeze %dma_wait3A_95 : memref<1x40x128xi32, #tpu.memory_space<hbm>> -> memref<40x128xi32, #tpu.memory_space<hbm>>
        %dma_wait3A_97 = arith.constant 0 : i32
        %dma_wait3A_98 = arith.constant 0 : i32
        %dma_wait3A_99 = tpu.memref_slice %arg7[%dma_wait3A_97, %dma_wait3A_98] : memref<40x128xi32, #tpu.memory_space<vmem>> -> memref<40x128xi32, #tpu.memory_space<vmem>>
        %dma_wait3A_100 = arith.constant 80 : i32
        %dma_wait3A_101 = arith.constant 0 : i32
        %dma_wait3A_102 = tpu.memref_slice %arg4[%arg1, %dma_wait3A_100, %dma_wait3A_101] : memref<16x160x128xi32, #tpu.memory_space<hbm>> -> memref<1x40x128xi32, #tpu.memory_space<hbm>>
        %dma_wait3A_103 = tpu.memref_squeeze %dma_wait3A_102 : memref<1x40x128xi32, #tpu.memory_space<hbm>> -> memref<40x128xi32, #tpu.memory_space<hbm>>
        tpu.wait_dma2 semaphore(%run_scoped3A : memref<!tpu.dma_semaphore, #tpu.memory_space<semaphore_mem>>) src(%dma_wait3A_103 : memref<40x128xi32, #tpu.memory_space<hbm>>) dst(%dma_wait3A_99 : memref<40x128xi32, #tpu.memory_space<vmem>>)
        tpu.yield
      }) : () -> ()
      "tpu.region"() ({
        %run_scoped3A = tpu.sem_alloc : memref<!tpu.dma_semaphore, #tpu.memory_space<semaphore_mem>>
        %dma_start3A_77 = arith.constant 0 : i32
        %dma_start3A_78 = arith.constant 0 : i32
        %dma_start3A_79 = tpu.memref_slice %arg8[%dma_start3A_77, %dma_start3A_78] : memref<40x128xi32, #tpu.memory_space<vmem>> -> memref<40x128xi32, #tpu.memory_space<vmem>>
        %dma_start3A_80 = arith.constant 80 : i32
        %dma_start3A_81 = arith.constant 0 : i32
        %dma_start3A_82 = tpu.memref_slice %arg5[%arg1, %dma_start3A_80, %dma_start3A_81] : memref<16x160x128xi32, #tpu.memory_space<hbm>> -> memref<1x40x128xi32, #tpu.memory_space<hbm>>
        %dma_start3A_83 = tpu.memref_squeeze %dma_start3A_82 : memref<1x40x128xi32, #tpu.memory_space<hbm>> -> memref<40x128xi32, #tpu.memory_space<hbm>>
        %dma_start3A_84 = arith.constant 0 : i32
        %dma_start3A_85 = arith.constant 0 : i32
        %dma_start3A_86 = tpu.memref_slice %arg8[%dma_start3A_84, %dma_start3A_85] : memref<40x128xi32, #tpu.memory_space<vmem>> -> memref<40x128xi32, #tpu.memory_space<vmem>>
        %dma_start3A_87 = arith.constant 80 : i32
        %dma_start3A_88 = arith.constant 0 : i32
        %dma_start3A_89 = tpu.memref_slice %arg5[%arg1, %dma_start3A_87, %dma_start3A_88] : memref<16x160x128xi32, #tpu.memory_space<hbm>> -> memref<1x40x128xi32, #tpu.memory_space<hbm>>
        %dma_start3A_90 = tpu.memref_squeeze %dma_start3A_89 : memref<1x40x128xi32, #tpu.memory_space<hbm>> -> memref<40x128xi32, #tpu.memory_space<hbm>>
        tpu.enqueue_dma source(%dma_start3A_90 : memref<40x128xi32, #tpu.memory_space<hbm>>) target(%dma_start3A_86 : memref<40x128xi32, #tpu.memory_space<vmem>>) target_semaphore(%run_scoped3A : memref<!tpu.dma_semaphore, #tpu.memory_space<semaphore_mem>>)
        %dma_wait3A = arith.constant 0 : i32
        %dma_wait3A_91 = arith.constant 0 : i32
        %dma_wait3A_92 = tpu.memref_slice %arg8[%dma_wait3A, %dma_wait3A_91] : memref<40x128xi32, #tpu.memory_space<vmem>> -> memref<40x128xi32, #tpu.memory_space<vmem>>
        %dma_wait3A_93 = arith.constant 80 : i32
        %dma_wait3A_94 = arith.constant 0 : i32
        %dma_wait3A_95 = tpu.memref_slice %arg5[%arg1, %dma_wait3A_93, %dma_wait3A_94] : memref<16x160x128xi32, #tpu.memory_space<hbm>> -> memref<1x40x128xi32, #tpu.memory_space<hbm>>
        %dma_wait3A_96 = tpu.memref_squeeze %dma_wait3A_95 : memref<1x40x128xi32, #tpu.memory_space<hbm>> -> memref<40x128xi32, #tpu.memory_space<hbm>>
        %dma_wait3A_97 = arith.constant 0 : i32
        %dma_wait3A_98 = arith.constant 0 : i32
        %dma_wait3A_99 = tpu.memref_slice %arg8[%dma_wait3A_97, %dma_wait3A_98] : memref<40x128xi32, #tpu.memory_space<vmem>> -> memref<40x128xi32, #tpu.memory_space<vmem>>
        %dma_wait3A_100 = arith.constant 80 : i32
        %dma_wait3A_101 = arith.constant 0 : i32
        %dma_wait3A_102 = tpu.memref_slice %arg5[%arg1, %dma_wait3A_100, %dma_wait3A_101] : memref<16x160x128xi32, #tpu.memory_space<hbm>> -> memref<1x40x128xi32, #tpu.memory_space<hbm>>
        %dma_wait3A_103 = tpu.memref_squeeze %dma_wait3A_102 : memref<1x40x128xi32, #tpu.memory_space<hbm>> -> memref<40x128xi32, #tpu.memory_space<hbm>>
        tpu.wait_dma2 semaphore(%run_scoped3A : memref<!tpu.dma_semaphore, #tpu.memory_space<semaphore_mem>>) src(%dma_wait3A_103 : memref<40x128xi32, #tpu.memory_space<hbm>>) dst(%dma_wait3A_99 : memref<40x128xi32, #tpu.memory_space<vmem>>)
        tpu.yield
      }) : () -> ()
      %dma_start3A_58 = arith.constant 0 : i32
      %dma_start3A_59 = arith.constant 0 : i32
      %dma_start3A_60 = tpu.memref_slice %arg7[%dma_start3A_58, %dma_start3A_59] : memref<40x128xi32, #tpu.memory_space<vmem>> -> memref<1x128xi32, #tpu.memory_space<vmem>>
      %dma_start3A_61 = tpu.memref_squeeze %dma_start3A_60 : memref<1x128xi32, #tpu.memory_space<vmem>> -> memref<128xi32, #tpu.memory_space<vmem>>
      %dma_start3A_62 = arith.constant 0 : i32
      %dma_start3A_63 = arith.constant 0 : i32
      %dma_start3A_64 = tpu.memref_slice %arg2[%dma_start3A_62, %dma_start3A_63] : memref<10240x128xf32, #tpu.memory_space<hbm>> -> memref<10240x128xf32, #tpu.memory_space<hbm>>
      tpu.enqueue_indirect_dma source(%dma_start3A_64 : memref<10240x128xf32, #tpu.memory_space<hbm>>) target(%arg9 : memref<128x128xf32, #tpu.memory_space<vmem>>) offsets(%dma_start3A_61 : memref<128xi32, #tpu.memory_space<vmem>>) semaphore(%arg12 : memref<!tpu.dma_semaphore, #tpu.memory_space<semaphore_mem>>)
      %dma_start3A_65 = arith.constant 1 : i32
      %dma_start3A_66 = arith.constant 0 : i32
      %dma_start3A_67 = tpu.memref_slice %arg7[%dma_start3A_65, %dma_start3A_66] : memref<40x128xi32, #tpu.memory_space<vmem>> -> memref<1x128xi32, #tpu.memory_space<vmem>>
      %dma_start3A_68 = tpu.memref_squeeze %dma_start3A_67 : memref<1x128xi32, #tpu.memory_space<vmem>> -> memref<128xi32, #tpu.memory_space<vmem>>
      %dma_start3A_69 = arith.constant 0 : i32
      %dma_start3A_70 = arith.constant 0 : i32
      %dma_start3A_71 = tpu.memref_slice %arg2[%dma_start3A_69, %dma_start3A_70] : memref<10240x128xf32, #tpu.memory_space<hbm>> -> memref<10240x128xf32, #tpu.memory_space<hbm>>
      tpu.enqueue_indirect_dma source(%dma_start3A_71 : memref<10240x128xf32, #tpu.memory_space<hbm>>) target(%arg10 : memref<128x128xf32, #tpu.memory_space<vmem>>) offsets(%dma_start3A_68 : memref<128xi32, #tpu.memory_space<vmem>>) semaphore(%arg13 : memref<!tpu.dma_semaphore, #tpu.memory_space<semaphore_mem>>)
      %scan3A_72 = arith.constant 0 : i32
      %scan3A_73 = arith.constant 20 : i32
      %scan3A_74 = arith.addi %scan3A_72, %scan3A_73 : i32
      %scan3A_75 = arith.constant 1 : i32
      scf.for %scan3A_77 = %scan3A_72 to %scan3A_74 step %scan3A_75  : i32 {
        %mul3A_78 = arith.constant 2 : i32
        %mul3A_79 = arith.muli %scan3A_77, %mul3A_78 : i32
        %add3A = arith.constant 0 : i32
        %add3A_80 = arith.addi %add3A, %mul3A_79 : i32
        %dma_wait3A = arith.constant 0 : i32
        %dma_wait3A_81 = tpu.memref_slice %arg7[%add3A_80, %dma_wait3A] : memref<40x128xi32, #tpu.memory_space<vmem>> -> memref<1x128xi32, #tpu.memory_space<vmem>>
        %dma_wait3A_82 = tpu.memref_squeeze %dma_wait3A_81 : memref<1x128xi32, #tpu.memory_space<vmem>> -> memref<128xi32, #tpu.memory_space<vmem>>
        %dma_wait3A_83 = arith.constant 0 : i32
        %dma_wait3A_84 = arith.constant 0 : i32
        %dma_wait3A_85 = tpu.memref_slice %arg2[%dma_wait3A_83, %dma_wait3A_84] : memref<10240x128xf32, #tpu.memory_space<hbm>> -> memref<10240x128xf32, #tpu.memory_space<hbm>>
        tpu.wait_indirect_dma semaphore(%arg12 : memref<!tpu.dma_semaphore, #tpu.memory_space<semaphore_mem>>) src(%dma_wait3A_85 : memref<10240x128xf32, #tpu.memory_space<hbm>>) dst(%arg9 : memref<128x128xf32, #tpu.memory_space<vmem>>)
        %dma_start3A_86 = arith.constant 0 : i32
        %dma_start3A_87 = tpu.memref_slice %arg8[%add3A_80, %dma_start3A_86] : memref<40x128xi32, #tpu.memory_space<vmem>> -> memref<1x128xi32, #tpu.memory_space<vmem>>
        %dma_start3A_88 = tpu.memref_squeeze %dma_start3A_87 : memref<1x128xi32, #tpu.memory_space<vmem>> -> memref<128xi32, #tpu.memory_space<vmem>>
        %dma_start3A_89 = arith.constant 0 : i32
        %dma_start3A_90 = arith.constant 0 : i32
        %dma_start3A_91 = tpu.memref_slice %arg11[%dma_start3A_89, %dma_start3A_90] : memref<10240x128xf32, #tpu.memory_space<vmem_shared>> -> memref<10240x128xf32, #tpu.memory_space<vmem_shared>>
        tpu.enqueue_indirect_dma source(%arg9 : memref<128x128xf32, #tpu.memory_space<vmem>>) target(%dma_start3A_91 : memref<10240x128xf32, #tpu.memory_space<vmem_shared>>) offsets(%dma_start3A_88 : memref<128xi32, #tpu.memory_space<vmem>>) semaphore(%arg14 : memref<!tpu.dma_semaphore, #tpu.memory_space<semaphore_mem>>) {add = true}
        %add3A_92 = arith.constant 1 : i32
        %add3A_93 = arith.addi %add3A_80, %add3A_92 : i32
        %dma_wait3A_94 = arith.constant 0 : i32
        %dma_wait3A_95 = tpu.memref_slice %arg7[%add3A_93, %dma_wait3A_94] : memref<40x128xi32, #tpu.memory_space<vmem>> -> memref<1x128xi32, #tpu.memory_space<vmem>>
        %dma_wait3A_96 = tpu.memref_squeeze %dma_wait3A_95 : memref<1x128xi32, #tpu.memory_space<vmem>> -> memref<128xi32, #tpu.memory_space<vmem>>
        %dma_wait3A_97 = arith.constant 0 : i32
        %dma_wait3A_98 = arith.constant 0 : i32
        %dma_wait3A_99 = tpu.memref_slice %arg2[%dma_wait3A_97, %dma_wait3A_98] : memref<10240x128xf32, #tpu.memory_space<hbm>> -> memref<10240x128xf32, #tpu.memory_space<hbm>>
        tpu.wait_indirect_dma semaphore(%arg13 : memref<!tpu.dma_semaphore, #tpu.memory_space<semaphore_mem>>) src(%dma_wait3A_99 : memref<10240x128xf32, #tpu.memory_space<hbm>>) dst(%arg10 : memref<128x128xf32, #tpu.memory_space<vmem>>)
        %dma_wait3A_100 = arith.constant 0 : i32
        %dma_wait3A_101 = tpu.memref_slice %arg8[%add3A_80, %dma_wait3A_100] : memref<40x128xi32, #tpu.memory_space<vmem>> -> memref<1x128xi32, #tpu.memory_space<vmem>>
        %dma_wait3A_102 = tpu.memref_squeeze %dma_wait3A_101 : memref<1x128xi32, #tpu.memory_space<vmem>> -> memref<128xi32, #tpu.memory_space<vmem>>
        %dma_wait3A_103 = arith.constant 0 : i32
        %dma_wait3A_104 = arith.constant 0 : i32
        %dma_wait3A_105 = tpu.memref_slice %arg11[%dma_wait3A_103, %dma_wait3A_104] : memref<10240x128xf32, #tpu.memory_space<vmem_shared>> -> memref<10240x128xf32, #tpu.memory_space<vmem_shared>>
        tpu.wait_indirect_dma semaphore(%arg14 : memref<!tpu.dma_semaphore, #tpu.memory_space<semaphore_mem>>) src(%arg9 : memref<128x128xf32, #tpu.memory_space<vmem>>) dst(%dma_wait3A_105 : memref<10240x128xf32, #tpu.memory_space<vmem_shared>>)
        %add3A_106 = arith.constant 2 : i32
        %add3A_107 = arith.addi %add3A_80, %add3A_106 : i32
        %lt3A = arith.constant 40 : i32
        %lt3A_108 = arith.cmpi slt, %add3A_107, %lt3A : i32
        %convert_element_type3A_109 = arith.extui %lt3A_108 : i1 to i32
        %cond3A_110 = arith.constant 0 : i32
        %cond3A_111 = arith.cmpi ne, %convert_element_type3A_109, %cond3A_110 : i32
        scf.if %cond3A_111 {
          %add3A_135 = arith.constant 2 : i32
          %add3A_136 = arith.addi %add3A_80, %add3A_135 : i32
          %dma_start3A_137 = arith.constant 0 : i32
          %dma_start3A_138 = tpu.memref_slice %arg7[%add3A_136, %dma_start3A_137] : memref<40x128xi32, #tpu.memory_space<vmem>> -> memref<1x128xi32, #tpu.memory_space<vmem>>
          %dma_start3A_139 = tpu.memref_squeeze %dma_start3A_138 : memref<1x128xi32, #tpu.memory_space<vmem>> -> memref<128xi32, #tpu.memory_space<vmem>>
          %dma_start3A_140 = arith.constant 0 : i32
          %dma_start3A_141 = arith.constant 0 : i32
          %dma_start3A_142 = tpu.memref_slice %arg2[%dma_start3A_140, %dma_start3A_141] : memref<10240x128xf32, #tpu.memory_space<hbm>> -> memref<10240x128xf32, #tpu.memory_space<hbm>>
          tpu.enqueue_indirect_dma source(%dma_start3A_142 : memref<10240x128xf32, #tpu.memory_space<hbm>>) target(%arg9 : memref<128x128xf32, #tpu.memory_space<vmem>>) offsets(%dma_start3A_139 : memref<128xi32, #tpu.memory_space<vmem>>) semaphore(%arg12 : memref<!tpu.dma_semaphore, #tpu.memory_space<semaphore_mem>>)
        } else {
        }
        %add3A_112 = arith.constant 1 : i32
        %add3A_113 = arith.addi %add3A_80, %add3A_112 : i32
        %dma_start3A_114 = arith.constant 0 : i32
        %dma_start3A_115 = tpu.memref_slice %arg8[%add3A_113, %dma_start3A_114] : memref<40x128xi32, #tpu.memory_space<vmem>> -> memref<1x128xi32, #tpu.memory_space<vmem>>
        %dma_start3A_116 = tpu.memref_squeeze %dma_start3A_115 : memref<1x128xi32, #tpu.memory_space<vmem>> -> memref<128xi32, #tpu.memory_space<vmem>>
        %dma_start3A_117 = arith.constant 0 : i32
        %dma_start3A_118 = arith.constant 0 : i32
        %dma_start3A_119 = tpu.memref_slice %arg11[%dma_start3A_117, %dma_start3A_118] : memref<10240x128xf32, #tpu.memory_space<vmem_shared>> -> memref<10240x128xf32, #tpu.memory_space<vmem_shared>>
        tpu.enqueue_indirect_dma source(%arg10 : memref<128x128xf32, #tpu.memory_space<vmem>>) target(%dma_start3A_119 : memref<10240x128xf32, #tpu.memory_space<vmem_shared>>) offsets(%dma_start3A_116 : memref<128xi32, #tpu.memory_space<vmem>>) semaphore(%arg15 : memref<!tpu.dma_semaphore, #tpu.memory_space<semaphore_mem>>) {add = true}
        %add3A_120 = arith.constant 1 : i32
        %add3A_121 = arith.addi %add3A_80, %add3A_120 : i32
        %dma_wait3A_122 = arith.constant 0 : i32
        %dma_wait3A_123 = tpu.memref_slice %arg8[%add3A_121, %dma_wait3A_122] : memref<40x128xi32, #tpu.memory_space<vmem>> -> memref<1x128xi32, #tpu.memory_space<vmem>>
        %dma_wait3A_124 = tpu.memref_squeeze %dma_wait3A_123 : memref<1x128xi32, #tpu.memory_space<vmem>> -> memref<128xi32, #tpu.memory_space<vmem>>
        %dma_wait3A_125 = arith.constant 0 : i32
        %dma_wait3A_126 = arith.constant 0 : i32
        %dma_wait3A_127 = tpu.memref_slice %arg11[%dma_wait3A_125, %dma_wait3A_126] : memref<10240x128xf32, #tpu.memory_space<vmem_shared>> -> memref<10240x128xf32, #tpu.memory_space<vmem_shared>>
        tpu.wait_indirect_dma semaphore(%arg15 : memref<!tpu.dma_semaphore, #tpu.memory_space<semaphore_mem>>) src(%arg10 : memref<128x128xf32, #tpu.memory_space<vmem>>) dst(%dma_wait3A_127 : memref<10240x128xf32, #tpu.memory_space<vmem_shared>>)
        %add3A_128 = arith.constant 3 : i32
        %add3A_129 = arith.addi %add3A_80, %add3A_128 : i32
        %lt3A_130 = arith.constant 40 : i32
        %lt3A_131 = arith.cmpi slt, %add3A_129, %lt3A_130 : i32
        %convert_element_type3A_132 = arith.extui %lt3A_131 : i1 to i32
        %cond3A_133 = arith.constant 0 : i32
        %cond3A_134 = arith.cmpi ne, %convert_element_type3A_132, %cond3A_133 : i32
        scf.if %cond3A_134 {
          %add3A_135 = arith.constant 3 : i32
          %add3A_136 = arith.addi %add3A_80, %add3A_135 : i32
          %dma_start3A_137 = arith.constant 0 : i32
          %dma_start3A_138 = tpu.memref_slice %arg7[%add3A_136, %dma_start3A_137] : memref<40x128xi32, #tpu.memory_space<vmem>> -> memref<1x128xi32, #tpu.memory_space<vmem>>
          %dma_start3A_139 = tpu.memref_squeeze %dma_start3A_138 : memref<1x128xi32, #tpu.memory_space<vmem>> -> memref<128xi32, #tpu.memory_space<vmem>>
          %dma_start3A_140 = arith.constant 0 : i32
          %dma_start3A_141 = arith.constant 0 : i32
          %dma_start3A_142 = tpu.memref_slice %arg2[%dma_start3A_140, %dma_start3A_141] : memref<10240x128xf32, #tpu.memory_space<hbm>> -> memref<10240x128xf32, #tpu.memory_space<hbm>>
          tpu.enqueue_indirect_dma source(%dma_start3A_142 : memref<10240x128xf32, #tpu.memory_space<hbm>>) target(%arg10 : memref<128x128xf32, #tpu.memory_space<vmem>>) offsets(%dma_start3A_139 : memref<128xi32, #tpu.memory_space<vmem>>) semaphore(%arg13 : memref<!tpu.dma_semaphore, #tpu.memory_space<semaphore_mem>>)
        } else {
        }
      }
      %scan3A_76 = arith.constant 20 : i32
    } else {
    }
    %eq3A_12 = arith.constant 1 : i32
    %eq3A_13 = arith.cmpi eq, %arg0, %eq3A_12 : i32
    %convert_element_type3A_14 = arith.extui %eq3A_13 : i1 to i32
    %cond3A_15 = arith.constant 0 : i32
    %cond3A_16 = arith.cmpi ne, %convert_element_type3A_14, %cond3A_15 : i32
    scf.if %cond3A_16 {
      "tpu.region"() ({
        %run_scoped3A = tpu.sem_alloc : memref<!tpu.dma_semaphore, #tpu.memory_space<semaphore_mem>>
        %dma_start3A_39 = arith.constant 0 : i32
        %dma_start3A_40 = arith.constant 0 : i32
        %dma_start3A_41 = tpu.memref_slice %arg7[%dma_start3A_39, %dma_start3A_40] : memref<40x128xi32, #tpu.memory_space<vmem>> -> memref<40x128xi32, #tpu.memory_space<vmem>>
        %dma_start3A_42 = arith.constant 120 : i32
        %dma_start3A_43 = arith.constant 0 : i32
        %dma_start3A_44 = tpu.memref_slice %arg4[%arg1, %dma_start3A_42, %dma_start3A_43] : memref<16x160x128xi32, #tpu.memory_space<hbm>> -> memref<1x40x128xi32, #tpu.memory_space<hbm>>
        %dma_start3A_45 = tpu.memref_squeeze %dma_start3A_44 : memref<1x40x128xi32, #tpu.memory_space<hbm>> -> memref<40x128xi32, #tpu.memory_space<hbm>>
        %dma_start3A_46 = arith.constant 0 : i32
        %dma_start3A_47 = arith.constant 0 : i32
        %dma_start3A_48 = tpu.memref_slice %arg7[%dma_start3A_46, %dma_start3A_47] : memref<40x128xi32, #tpu.memory_space<vmem>> -> memref<40x128xi32, #tpu.memory_space<vmem>>
        %dma_start3A_49 = arith.constant 120 : i32
        %dma_start3A_50 = arith.constant 0 : i32
        %dma_start3A_51 = tpu.memref_slice %arg4[%arg1, %dma_start3A_49, %dma_start3A_50] : memref<16x160x128xi32, #tpu.memory_space<hbm>> -> memref<1x40x128xi32, #tpu.memory_space<hbm>>
        %dma_start3A_52 = tpu.memref_squeeze %dma_start3A_51 : memref<1x40x128xi32, #tpu.memory_space<hbm>> -> memref<40x128xi32, #tpu.memory_space<hbm>>
        tpu.enqueue_dma source(%dma_start3A_52 : memref<40x128xi32, #tpu.memory_space<hbm>>) target(%dma_start3A_48 : memref<40x128xi32, #tpu.memory_space<vmem>>) target_semaphore(%run_scoped3A : memref<!tpu.dma_semaphore, #tpu.memory_space<semaphore_mem>>)
        %dma_wait3A = arith.constant 0 : i32
        %dma_wait3A_53 = arith.constant 0 : i32
        %dma_wait3A_54 = tpu.memref_slice %arg7[%dma_wait3A, %dma_wait3A_53] : memref<40x128xi32, #tpu.memory_space<vmem>> -> memref<40x128xi32, #tpu.memory_space<vmem>>
        %dma_wait3A_55 = arith.constant 120 : i32
        %dma_wait3A_56 = arith.constant 0 : i32
        %dma_wait3A_57 = tpu.memref_slice %arg4[%arg1, %dma_wait3A_55, %dma_wait3A_56] : memref<16x160x128xi32, #tpu.memory_space<hbm>> -> memref<1x40x128xi32, #tpu.memory_space<hbm>>
        %dma_wait3A_58 = tpu.memref_squeeze %dma_wait3A_57 : memref<1x40x128xi32, #tpu.memory_space<hbm>> -> memref<40x128xi32, #tpu.memory_space<hbm>>
        %dma_wait3A_59 = arith.constant 0 : i32
        %dma_wait3A_60 = arith.constant 0 : i32
        %dma_wait3A_61 = tpu.memref_slice %arg7[%dma_wait3A_59, %dma_wait3A_60] : memref<40x128xi32, #tpu.memory_space<vmem>> -> memref<40x128xi32, #tpu.memory_space<vmem>>
        %dma_wait3A_62 = arith.constant 120 : i32
        %dma_wait3A_63 = arith.constant 0 : i32
        %dma_wait3A_64 = tpu.memref_slice %arg4[%arg1, %dma_wait3A_62, %dma_wait3A_63] : memref<16x160x128xi32, #tpu.memory_space<hbm>> -> memref<1x40x128xi32, #tpu.memory_space<hbm>>
        %dma_wait3A_65 = tpu.memref_squeeze %dma_wait3A_64 : memref<1x40x128xi32, #tpu.memory_space<hbm>> -> memref<40x128xi32, #tpu.memory_space<hbm>>
        tpu.wait_dma2 semaphore(%run_scoped3A : memref<!tpu.dma_semaphore, #tpu.memory_space<semaphore_mem>>) src(%dma_wait3A_65 : memref<40x128xi32, #tpu.memory_space<hbm>>) dst(%dma_wait3A_61 : memref<40x128xi32, #tpu.memory_space<vmem>>)
        tpu.yield
      }) : () -> ()
      "tpu.region"() ({
        %run_scoped3A = tpu.sem_alloc : memref<!tpu.dma_semaphore, #tpu.memory_space<semaphore_mem>>
        %dma_start3A_39 = arith.constant 0 : i32
        %dma_start3A_40 = arith.constant 0 : i32
        %dma_start3A_41 = tpu.memref_slice %arg8[%dma_start3A_39, %dma_start3A_40] : memref<40x128xi32, #tpu.memory_space<vmem>> -> memref<40x128xi32, #tpu.memory_space<vmem>>
        %dma_start3A_42 = arith.constant 120 : i32
        %dma_start3A_43 = arith.constant 0 : i32
        %dma_start3A_44 = tpu.memref_slice %arg5[%arg1, %dma_start3A_42, %dma_start3A_43] : memref<16x160x128xi32, #tpu.memory_space<hbm>> -> memref<1x40x128xi32, #tpu.memory_space<hbm>>
        %dma_start3A_45 = tpu.memref_squeeze %dma_start3A_44 : memref<1x40x128xi32, #tpu.memory_space<hbm>> -> memref<40x128xi32, #tpu.memory_space<hbm>>
        %dma_start3A_46 = arith.constant 0 : i32
        %dma_start3A_47 = arith.constant 0 : i32
        %dma_start3A_48 = tpu.memref_slice %arg8[%dma_start3A_46, %dma_start3A_47] : memref<40x128xi32, #tpu.memory_space<vmem>> -> memref<40x128xi32, #tpu.memory_space<vmem>>
        %dma_start3A_49 = arith.constant 120 : i32
        %dma_start3A_50 = arith.constant 0 : i32
        %dma_start3A_51 = tpu.memref_slice %arg5[%arg1, %dma_start3A_49, %dma_start3A_50] : memref<16x160x128xi32, #tpu.memory_space<hbm>> -> memref<1x40x128xi32, #tpu.memory_space<hbm>>
        %dma_start3A_52 = tpu.memref_squeeze %dma_start3A_51 : memref<1x40x128xi32, #tpu.memory_space<hbm>> -> memref<40x128xi32, #tpu.memory_space<hbm>>
        tpu.enqueue_dma source(%dma_start3A_52 : memref<40x128xi32, #tpu.memory_space<hbm>>) target(%dma_start3A_48 : memref<40x128xi32, #tpu.memory_space<vmem>>) target_semaphore(%run_scoped3A : memref<!tpu.dma_semaphore, #tpu.memory_space<semaphore_mem>>)
        %dma_wait3A = arith.constant 0 : i32
        %dma_wait3A_53 = arith.constant 0 : i32
        %dma_wait3A_54 = tpu.memref_slice %arg8[%dma_wait3A, %dma_wait3A_53] : memref<40x128xi32, #tpu.memory_space<vmem>> -> memref<40x128xi32, #tpu.memory_space<vmem>>
        %dma_wait3A_55 = arith.constant 120 : i32
        %dma_wait3A_56 = arith.constant 0 : i32
        %dma_wait3A_57 = tpu.memref_slice %arg5[%arg1, %dma_wait3A_55, %dma_wait3A_56] : memref<16x160x128xi32, #tpu.memory_space<hbm>> -> memref<1x40x128xi32, #tpu.memory_space<hbm>>
        %dma_wait3A_58 = tpu.memref_squeeze %dma_wait3A_57 : memref<1x40x128xi32, #tpu.memory_space<hbm>> -> memref<40x128xi32, #tpu.memory_space<hbm>>
        %dma_wait3A_59 = arith.constant 0 : i32
        %dma_wait3A_60 = arith.constant 0 : i32
        %dma_wait3A_61 = tpu.memref_slice %arg8[%dma_wait3A_59, %dma_wait3A_60] : memref<40x128xi32, #tpu.memory_space<vmem>> -> memref<40x128xi32, #tpu.memory_space<vmem>>
        %dma_wait3A_62 = arith.constant 120 : i32
        %dma_wait3A_63 = arith.constant 0 : i32
        %dma_wait3A_64 = tpu.memref_slice %arg5[%arg1, %dma_wait3A_62, %dma_wait3A_63] : memref<16x160x128xi32, #tpu.memory_space<hbm>> -> memref<1x40x128xi32, #tpu.memory_space<hbm>>
        %dma_wait3A_65 = tpu.memref_squeeze %dma_wait3A_64 : memref<1x40x128xi32, #tpu.memory_space<hbm>> -> memref<40x128xi32, #tpu.memory_space<hbm>>
        tpu.wait_dma2 semaphore(%run_scoped3A : memref<!tpu.dma_semaphore, #tpu.memory_space<semaphore_mem>>) src(%dma_wait3A_65 : memref<40x128xi32, #tpu.memory_space<hbm>>) dst(%dma_wait3A_61 : memref<40x128xi32, #tpu.memory_space<vmem>>)
        tpu.yield
      }) : () -> ()
      %dma_start3A = arith.constant 0 : i32
      %dma_start3A_21 = arith.constant 0 : i32
      %dma_start3A_22 = tpu.memref_slice %arg7[%dma_start3A, %dma_start3A_21] : memref<40x128xi32, #tpu.memory_space<vmem>> -> memref<1x128xi32, #tpu.memory_space<vmem>>
      %dma_start3A_23 = tpu.memref_squeeze %dma_start3A_22 : memref<1x128xi32, #tpu.memory_space<vmem>> -> memref<128xi32, #tpu.memory_space<vmem>>
      %dma_start3A_24 = arith.constant 0 : i32
      %dma_start3A_25 = arith.constant 0 : i32
      %dma_start3A_26 = tpu.memref_slice %arg3[%dma_start3A_24, %dma_start3A_25] : memref<10240x128xf32, #tpu.memory_space<hbm>> -> memref<10240x128xf32, #tpu.memory_space<hbm>>
      tpu.enqueue_indirect_dma source(%dma_start3A_26 : memref<10240x128xf32, #tpu.memory_space<hbm>>) target(%arg9 : memref<128x128xf32, #tpu.memory_space<vmem>>) offsets(%dma_start3A_23 : memref<128xi32, #tpu.memory_space<vmem>>) semaphore(%arg12 : memref<!tpu.dma_semaphore, #tpu.memory_space<semaphore_mem>>)
      %dma_start3A_27 = arith.constant 1 : i32
      %dma_start3A_28 = arith.constant 0 : i32
      %dma_start3A_29 = tpu.memref_slice %arg7[%dma_start3A_27, %dma_start3A_28] : memref<40x128xi32, #tpu.memory_space<vmem>> -> memref<1x128xi32, #tpu.memory_space<vmem>>
      %dma_start3A_30 = tpu.memref_squeeze %dma_start3A_29 : memref<1x128xi32, #tpu.memory_space<vmem>> -> memref<128xi32, #tpu.memory_space<vmem>>
      %dma_start3A_31 = arith.constant 0 : i32
      %dma_start3A_32 = arith.constant 0 : i32
      %dma_start3A_33 = tpu.memref_slice %arg3[%dma_start3A_31, %dma_start3A_32] : memref<10240x128xf32, #tpu.memory_space<hbm>> -> memref<10240x128xf32, #tpu.memory_space<hbm>>
      tpu.enqueue_indirect_dma source(%dma_start3A_33 : memref<10240x128xf32, #tpu.memory_space<hbm>>) target(%arg10 : memref<128x128xf32, #tpu.memory_space<vmem>>) offsets(%dma_start3A_30 : memref<128xi32, #tpu.memory_space<vmem>>) semaphore(%arg13 : memref<!tpu.dma_semaphore, #tpu.memory_space<semaphore_mem>>)
      %scan3A_34 = arith.constant 0 : i32
      %scan3A_35 = arith.constant 20 : i32
      %scan3A_36 = arith.addi %scan3A_34, %scan3A_35 : i32
      %scan3A_37 = arith.constant 1 : i32
      scf.for %scan3A_39 = %scan3A_34 to %scan3A_36 step %scan3A_37  : i32 {
        %mul3A_40 = arith.constant 2 : i32
        %mul3A_41 = arith.muli %scan3A_39, %mul3A_40 : i32
        %add3A = arith.constant 0 : i32
        %add3A_42 = arith.addi %add3A, %mul3A_41 : i32
        %dma_wait3A = arith.constant 0 : i32
        %dma_wait3A_43 = tpu.memref_slice %arg7[%add3A_42, %dma_wait3A] : memref<40x128xi32, #tpu.memory_space<vmem>> -> memref<1x128xi32, #tpu.memory_space<vmem>>
        %dma_wait3A_44 = tpu.memref_squeeze %dma_wait3A_43 : memref<1x128xi32, #tpu.memory_space<vmem>> -> memref<128xi32, #tpu.memory_space<vmem>>
        %dma_wait3A_45 = arith.constant 0 : i32
        %dma_wait3A_46 = arith.constant 0 : i32
        %dma_wait3A_47 = tpu.memref_slice %arg3[%dma_wait3A_45, %dma_wait3A_46] : memref<10240x128xf32, #tpu.memory_space<hbm>> -> memref<10240x128xf32, #tpu.memory_space<hbm>>
        tpu.wait_indirect_dma semaphore(%arg12 : memref<!tpu.dma_semaphore, #tpu.memory_space<semaphore_mem>>) src(%dma_wait3A_47 : memref<10240x128xf32, #tpu.memory_space<hbm>>) dst(%arg9 : memref<128x128xf32, #tpu.memory_space<vmem>>)
        %dma_start3A_48 = arith.constant 0 : i32
        %dma_start3A_49 = tpu.memref_slice %arg8[%add3A_42, %dma_start3A_48] : memref<40x128xi32, #tpu.memory_space<vmem>> -> memref<1x128xi32, #tpu.memory_space<vmem>>
        %dma_start3A_50 = tpu.memref_squeeze %dma_start3A_49 : memref<1x128xi32, #tpu.memory_space<vmem>> -> memref<128xi32, #tpu.memory_space<vmem>>
        %dma_start3A_51 = arith.constant 0 : i32
        %dma_start3A_52 = arith.constant 0 : i32
        %dma_start3A_53 = tpu.memref_slice %arg11[%dma_start3A_51, %dma_start3A_52] : memref<10240x128xf32, #tpu.memory_space<vmem_shared>> -> memref<10240x128xf32, #tpu.memory_space<vmem_shared>>
        tpu.enqueue_indirect_dma source(%arg9 : memref<128x128xf32, #tpu.memory_space<vmem>>) target(%dma_start3A_53 : memref<10240x128xf32, #tpu.memory_space<vmem_shared>>) offsets(%dma_start3A_50 : memref<128xi32, #tpu.memory_space<vmem>>) semaphore(%arg14 : memref<!tpu.dma_semaphore, #tpu.memory_space<semaphore_mem>>) {add = true}
        %add3A_54 = arith.constant 1 : i32
        %add3A_55 = arith.addi %add3A_42, %add3A_54 : i32
        %dma_wait3A_56 = arith.constant 0 : i32
        %dma_wait3A_57 = tpu.memref_slice %arg7[%add3A_55, %dma_wait3A_56] : memref<40x128xi32, #tpu.memory_space<vmem>> -> memref<1x128xi32, #tpu.memory_space<vmem>>
        %dma_wait3A_58 = tpu.memref_squeeze %dma_wait3A_57 : memref<1x128xi32, #tpu.memory_space<vmem>> -> memref<128xi32, #tpu.memory_space<vmem>>
        %dma_wait3A_59 = arith.constant 0 : i32
        %dma_wait3A_60 = arith.constant 0 : i32
        %dma_wait3A_61 = tpu.memref_slice %arg3[%dma_wait3A_59, %dma_wait3A_60] : memref<10240x128xf32, #tpu.memory_space<hbm>> -> memref<10240x128xf32, #tpu.memory_space<hbm>>
        tpu.wait_indirect_dma semaphore(%arg13 : memref<!tpu.dma_semaphore, #tpu.memory_space<semaphore_mem>>) src(%dma_wait3A_61 : memref<10240x128xf32, #tpu.memory_space<hbm>>) dst(%arg10 : memref<128x128xf32, #tpu.memory_space<vmem>>)
        %dma_wait3A_62 = arith.constant 0 : i32
        %dma_wait3A_63 = tpu.memref_slice %arg8[%add3A_42, %dma_wait3A_62] : memref<40x128xi32, #tpu.memory_space<vmem>> -> memref<1x128xi32, #tpu.memory_space<vmem>>
        %dma_wait3A_64 = tpu.memref_squeeze %dma_wait3A_63 : memref<1x128xi32, #tpu.memory_space<vmem>> -> memref<128xi32, #tpu.memory_space<vmem>>
        %dma_wait3A_65 = arith.constant 0 : i32
        %dma_wait3A_66 = arith.constant 0 : i32
        %dma_wait3A_67 = tpu.memref_slice %arg11[%dma_wait3A_65, %dma_wait3A_66] : memref<10240x128xf32, #tpu.memory_space<vmem_shared>> -> memref<10240x128xf32, #tpu.memory_space<vmem_shared>>
        tpu.wait_indirect_dma semaphore(%arg14 : memref<!tpu.dma_semaphore, #tpu.memory_space<semaphore_mem>>) src(%arg9 : memref<128x128xf32, #tpu.memory_space<vmem>>) dst(%dma_wait3A_67 : memref<10240x128xf32, #tpu.memory_space<vmem_shared>>)
        %add3A_68 = arith.constant 2 : i32
        %add3A_69 = arith.addi %add3A_42, %add3A_68 : i32
        %lt3A = arith.constant 40 : i32
        %lt3A_70 = arith.cmpi slt, %add3A_69, %lt3A : i32
        %convert_element_type3A_71 = arith.extui %lt3A_70 : i1 to i32
        %cond3A_72 = arith.constant 0 : i32
        %cond3A_73 = arith.cmpi ne, %convert_element_type3A_71, %cond3A_72 : i32
        scf.if %cond3A_73 {
          %add3A_97 = arith.constant 2 : i32
          %add3A_98 = arith.addi %add3A_42, %add3A_97 : i32
          %dma_start3A_99 = arith.constant 0 : i32
          %dma_start3A_100 = tpu.memref_slice %arg7[%add3A_98, %dma_start3A_99] : memref<40x128xi32, #tpu.memory_space<vmem>> -> memref<1x128xi32, #tpu.memory_space<vmem>>
          %dma_start3A_101 = tpu.memref_squeeze %dma_start3A_100 : memref<1x128xi32, #tpu.memory_space<vmem>> -> memref<128xi32, #tpu.memory_space<vmem>>
          %dma_start3A_102 = arith.constant 0 : i32
          %dma_start3A_103 = arith.constant 0 : i32
          %dma_start3A_104 = tpu.memref_slice %arg3[%dma_start3A_102, %dma_start3A_103] : memref<10240x128xf32, #tpu.memory_space<hbm>> -> memref<10240x128xf32, #tpu.memory_space<hbm>>
          tpu.enqueue_indirect_dma source(%dma_start3A_104 : memref<10240x128xf32, #tpu.memory_space<hbm>>) target(%arg9 : memref<128x128xf32, #tpu.memory_space<vmem>>) offsets(%dma_start3A_101 : memref<128xi32, #tpu.memory_space<vmem>>) semaphore(%arg12 : memref<!tpu.dma_semaphore, #tpu.memory_space<semaphore_mem>>)
        } else {
        }
        %add3A_74 = arith.constant 1 : i32
        %add3A_75 = arith.addi %add3A_42, %add3A_74 : i32
        %dma_start3A_76 = arith.constant 0 : i32
        %dma_start3A_77 = tpu.memref_slice %arg8[%add3A_75, %dma_start3A_76] : memref<40x128xi32, #tpu.memory_space<vmem>> -> memref<1x128xi32, #tpu.memory_space<vmem>>
        %dma_start3A_78 = tpu.memref_squeeze %dma_start3A_77 : memref<1x128xi32, #tpu.memory_space<vmem>> -> memref<128xi32, #tpu.memory_space<vmem>>
        %dma_start3A_79 = arith.constant 0 : i32
        %dma_start3A_80 = arith.constant 0 : i32
        %dma_start3A_81 = tpu.memref_slice %arg11[%dma_start3A_79, %dma_start3A_80] : memref<10240x128xf32, #tpu.memory_space<vmem_shared>> -> memref<10240x128xf32, #tpu.memory_space<vmem_shared>>
        tpu.enqueue_indirect_dma source(%arg10 : memref<128x128xf32, #tpu.memory_space<vmem>>) target(%dma_start3A_81 : memref<10240x128xf32, #tpu.memory_space<vmem_shared>>) offsets(%dma_start3A_78 : memref<128xi32, #tpu.memory_space<vmem>>) semaphore(%arg15 : memref<!tpu.dma_semaphore, #tpu.memory_space<semaphore_mem>>) {add = true}
        %add3A_82 = arith.constant 1 : i32
        %add3A_83 = arith.addi %add3A_42, %add3A_82 : i32
        %dma_wait3A_84 = arith.constant 0 : i32
        %dma_wait3A_85 = tpu.memref_slice %arg8[%add3A_83, %dma_wait3A_84] : memref<40x128xi32, #tpu.memory_space<vmem>> -> memref<1x128xi32, #tpu.memory_space<vmem>>
        %dma_wait3A_86 = tpu.memref_squeeze %dma_wait3A_85 : memref<1x128xi32, #tpu.memory_space<vmem>> -> memref<128xi32, #tpu.memory_space<vmem>>
        %dma_wait3A_87 = arith.constant 0 : i32
        %dma_wait3A_88 = arith.constant 0 : i32
        %dma_wait3A_89 = tpu.memref_slice %arg11[%dma_wait3A_87, %dma_wait3A_88] : memref<10240x128xf32, #tpu.memory_space<vmem_shared>> -> memref<10240x128xf32, #tpu.memory_space<vmem_shared>>
        tpu.wait_indirect_dma semaphore(%arg15 : memref<!tpu.dma_semaphore, #tpu.memory_space<semaphore_mem>>) src(%arg10 : memref<128x128xf32, #tpu.memory_space<vmem>>) dst(%dma_wait3A_89 : memref<10240x128xf32, #tpu.memory_space<vmem_shared>>)
        %add3A_90 = arith.constant 3 : i32
        %add3A_91 = arith.addi %add3A_42, %add3A_90 : i32
        %lt3A_92 = arith.constant 40 : i32
        %lt3A_93 = arith.cmpi slt, %add3A_91, %lt3A_92 : i32
        %convert_element_type3A_94 = arith.extui %lt3A_93 : i1 to i32
        %cond3A_95 = arith.constant 0 : i32
        %cond3A_96 = arith.cmpi ne, %convert_element_type3A_94, %cond3A_95 : i32
        scf.if %cond3A_96 {
          %add3A_97 = arith.constant 3 : i32
          %add3A_98 = arith.addi %add3A_42, %add3A_97 : i32
          %dma_start3A_99 = arith.constant 0 : i32
          %dma_start3A_100 = tpu.memref_slice %arg7[%add3A_98, %dma_start3A_99] : memref<40x128xi32, #tpu.memory_space<vmem>> -> memref<1x128xi32, #tpu.memory_space<vmem>>
          %dma_start3A_101 = tpu.memref_squeeze %dma_start3A_100 : memref<1x128xi32, #tpu.memory_space<vmem>> -> memref<128xi32, #tpu.memory_space<vmem>>
          %dma_start3A_102 = arith.constant 0 : i32
          %dma_start3A_103 = arith.constant 0 : i32
          %dma_start3A_104 = tpu.memref_slice %arg3[%dma_start3A_102, %dma_start3A_103] : memref<10240x128xf32, #tpu.memory_space<hbm>> -> memref<10240x128xf32, #tpu.memory_space<hbm>>
          tpu.enqueue_indirect_dma source(%dma_start3A_104 : memref<10240x128xf32, #tpu.memory_space<hbm>>) target(%arg10 : memref<128x128xf32, #tpu.memory_space<vmem>>) offsets(%dma_start3A_101 : memref<128xi32, #tpu.memory_space<vmem>>) semaphore(%arg13 : memref<!tpu.dma_semaphore, #tpu.memory_space<semaphore_mem>>)
        } else {
        }
      }
      %scan3A_38 = arith.constant 20 : i32
    } else {
    }
    %barrier3A_17 = arith.constant 0 : index
    tpu.barrier barrier_id(%barrier3A_17)
    %mul3A = arith.constant 640 : i32
    %mul3A_18 = arith.muli %arg1, %mul3A : i32
    %mul3A_19 = arith.constant 640 : i32
    %mul3A_20 = arith.muli %arg1, %mul3A_19 : i32
    "tpu.region"() ({
      %run_scoped3A = tpu.sem_alloc : memref<!tpu.dma_semaphore, #tpu.memory_space<semaphore_mem>>
      %dma_start3A = arith.constant 0 : i32
      %dma_start3A_21 = tpu.memref_slice %arg6[%arg0, %mul3A_20, %dma_start3A] : memref<2x10240x128xf32, #tpu.memory_space<hbm>> -> memref<1x640x128xf32, #tpu.memory_space<hbm>>
      %dma_start3A_22 = tpu.memref_squeeze %dma_start3A_21 : memref<1x640x128xf32, #tpu.memory_space<hbm>> -> memref<640x128xf32, #tpu.memory_space<hbm>>
      %dma_start3A_23 = arith.constant 0 : i32
      %dma_start3A_24 = tpu.memref_slice %arg11[%mul3A_18, %dma_start3A_23] : memref<10240x128xf32, #tpu.memory_space<vmem_shared>> -> memref<640x128xf32, #tpu.memory_space<vmem_shared>>
      tpu.enqueue_dma source(%dma_start3A_24 : memref<640x128xf32, #tpu.memory_space<vmem_shared>>) target(%dma_start3A_22 : memref<640x128xf32, #tpu.memory_space<hbm>>) target_semaphore(%run_scoped3A : memref<!tpu.dma_semaphore, #tpu.memory_space<semaphore_mem>>)
      %dma_wait3A = arith.constant 0 : i32
      %dma_wait3A_25 = tpu.memref_slice %arg6[%arg0, %mul3A_20, %dma_wait3A] : memref<2x10240x128xf32, #tpu.memory_space<hbm>> -> memref<1x640x128xf32, #tpu.memory_space<hbm>>
      %dma_wait3A_26 = tpu.memref_squeeze %dma_wait3A_25 : memref<1x640x128xf32, #tpu.memory_space<hbm>> -> memref<640x128xf32, #tpu.memory_space<hbm>>
      %dma_wait3A_27 = arith.constant 0 : i32
      %dma_wait3A_28 = tpu.memref_slice %arg11[%mul3A_18, %dma_wait3A_27] : memref<10240x128xf32, #tpu.memory_space<vmem_shared>> -> memref<640x128xf32, #tpu.memory_space<vmem_shared>>
      tpu.wait_dma2 semaphore(%run_scoped3A : memref<!tpu.dma_semaphore, #tpu.memory_space<semaphore_mem>>) src(%dma_wait3A_28 : memref<640x128xf32, #tpu.memory_space<vmem_shared>>) dst(%dma_wait3A_26 : memref<640x128xf32, #tpu.memory_space<hbm>>)
      tpu.yield
    }) : () -> ()
    return
  }
}

#map = affine_map<(d0, d1) -> (0, 0)>
#map1 = affine_map<(d0, d1) -> (0, 0, 0)>
module attributes {stable_mosaic.version = 14 : i64} {
  func.func @agg_kernel(%arg0: i32, %arg1: i32, %arg2: memref<10240x128xf32, #tpu.memory_space<hbm>>, %arg3: memref<10240x128xf32, #tpu.memory_space<hbm>>, %arg4: memref<16x160x128xi32, #tpu.memory_space<hbm>>, %arg5: memref<16x160x128xi32, #tpu.memory_space<hbm>>, %arg6: memref<2x10240x128xf32, #tpu.memory_space<hbm>>, %arg7: memref<40x128xi32, #tpu.memory_space<vmem>>, %arg8: memref<40x128xi32, #tpu.memory_space<vmem>>, %arg9: memref<128x128xf32, #tpu.memory_space<vmem>>, %arg10: memref<128x128xf32, #tpu.memory_space<vmem>>, %arg11: memref<10240x128xf32, #tpu.memory_space<vmem_shared>>, %arg12: memref<!tpu.dma_semaphore, #tpu.memory_space<semaphore_mem>>, %arg13: memref<!tpu.dma_semaphore, #tpu.memory_space<semaphore_mem>>, %arg14: memref<!tpu.dma_semaphore, #tpu.memory_space<semaphore_mem>>, %arg15: memref<!tpu.dma_semaphore, #tpu.memory_space<semaphore_mem>>) attributes {dimension_semantics = [#tpu.dimension_semantics<core_parallel>, #tpu.dimension_semantics<subcore_parallel>], iteration_bounds = array<i64: 2, 16>, scalar_prefetch = 0 : i64, scratch_operands = 9 : i64, tpu.core_type = #tpu.core_type<sc_vector_subcore>, window_params = [{transform_indices = #map}, {transform_indices = #map}, {transform_indices = #map1}, {transform_indices = #map1}, {transform_indices = #map1}]} {
    %broadcast_in_dim3A = arith.constant 0.000000e+00 : f32
    %broadcast_in_dim3A_0 = vector.broadcast %broadcast_in_dim3A : f32 to vector<16xf32>
    %scan3A = arith.constant 0 : i32
    %scan3A_1 = arith.constant 128 : i32
    %scan3A_2 = arith.addi %scan3A, %scan3A_1 : i32
    %scan3A_3 = arith.constant 1 : i32
    scf.for %scan3A_21 = %scan3A to %scan3A_2 step %scan3A_3  : i32 {
      %mul3A_22 = arith.constant 1 : i32
      %mul3A_23 = arith.muli %scan3A_21, %mul3A_22 : i32
      %add3A = arith.constant 0 : i32
      %add3A_24 = arith.addi %add3A, %mul3A_23 : i32
      %scan3A_25 = arith.constant 0 : i32
      %scan3A_26 = arith.constant 8 : i32
      %scan3A_27 = arith.addi %scan3A_25, %scan3A_26 : i32
      %scan3A_28 = arith.constant 1 : i32
      scf.for %scan3A_30 = %scan3A_25 to %scan3A_27 step %scan3A_28  : i32 {
        %mul3A_31 = arith.constant 16 : i32
        %mul3A_32 = arith.muli %scan3A_30, %mul3A_31 : i32
        %add3A_33 = arith.constant 0 : i32
        %add3A_34 = arith.addi %add3A_33, %mul3A_32 : i32
        %swap3A = arith.index_cast %add3A_24 : i32 to index
        %swap3A_35 = arith.index_cast %add3A_34 : i32 to index
        %swap3A_36 = tpu.vector_load %arg9[%swap3A, %swap3A_35] {strides = array<i32>} : memref<128x128xf32, #tpu.memory_space<vmem>>, vector<1x16xf32>,
        %swap3A_37 = vector.shape_cast %swap3A_36 : vector<1x16xf32> to vector<16xf32>
        %swap3A_38 = vector.shape_cast %broadcast_in_dim3A_0 : vector<16xf32> to vector<1x16xf32>
        tpu.vector_store %arg9[%swap3A, %swap3A_35], %swap3A_38 {strides = array<i32>} : memref<128x128xf32, #tpu.memory_space<vmem>>, vector<1x16xf32>,
      }
      %scan3A_29 = arith.constant 8 : i32
    }
    %scan3A_4 = arith.constant 128 : i32
    %scan3A_5 = arith.constant 0 : i32
    %scan3A_6 = arith.constant 5 : i32
    %scan3A_7 = arith.addi %scan3A_5, %scan3A_6 : i32
    %scan3A_8 = arith.constant 1 : i32
    scf.for %scan3A_21 = %scan3A_5 to %scan3A_7 step %scan3A_8  : i32 {
      %mul3A_22 = arith.constant 128 : i32
      %mul3A_23 = arith.muli %scan3A_21, %mul3A_22 : i32
      %add3A = arith.constant 0 : i32
      %add3A_24 = arith.addi %add3A, %mul3A_23 : i32
      %mul3A_25 = arith.constant 640 : i32
      %mul3A_26 = arith.muli %arg1, %mul3A_25 : i32
      %add3A_27 = arith.addi %mul3A_26, %add3A_24 : i32
      "tpu.region"() ({
        %run_scoped3A = tpu.sem_alloc : memref<!tpu.dma_semaphore, #tpu.memory_space<semaphore_mem>>
        %dma_start3A = arith.constant 0 : i32
        %dma_start3A_28 = tpu.memref_slice %arg11[%add3A_27, %dma_start3A] : memref<10240x128xf32, #tpu.memory_space<vmem_shared>> -> memref<128x128xf32, #tpu.memory_space<vmem_shared>>
        %dma_start3A_29 = arith.constant 0 : i32
        %dma_start3A_30 = tpu.memref_slice %arg11[%add3A_27, %dma_start3A_29] : memref<10240x128xf32, #tpu.memory_space<vmem_shared>> -> memref<128x128xf32, #tpu.memory_space<vmem_shared>>
        tpu.enqueue_dma source(%arg9 : memref<128x128xf32, #tpu.memory_space<vmem>>) target(%dma_start3A_30 : memref<128x128xf32, #tpu.memory_space<vmem_shared>>) target_semaphore(%run_scoped3A : memref<!tpu.dma_semaphore, #tpu.memory_space<semaphore_mem>>)
        %dma_wait3A = arith.constant 0 : i32
        %dma_wait3A_31 = tpu.memref_slice %arg11[%add3A_27, %dma_wait3A] : memref<10240x128xf32, #tpu.memory_space<vmem_shared>> -> memref<128x128xf32, #tpu.memory_space<vmem_shared>>
        %dma_wait3A_32 = arith.constant 0 : i32
        %dma_wait3A_33 = tpu.memref_slice %arg11[%add3A_27, %dma_wait3A_32] : memref<10240x128xf32, #tpu.memory_space<vmem_shared>> -> memref<128x128xf32, #tpu.memory_space<vmem_shared>>
        tpu.wait_dma2 semaphore(%run_scoped3A : memref<!tpu.dma_semaphore, #tpu.memory_space<semaphore_mem>>) src(%arg9 : memref<128x128xf32, #tpu.memory_space<vmem>>) dst(%dma_wait3A_33 : memref<128x128xf32, #tpu.memory_space<vmem_shared>>)
        tpu.yield
      }) : () -> ()
    }
    %scan3A_9 = arith.constant 5 : i32
    %barrier3A = arith.constant 0 : index
    tpu.barrier barrier_id(%barrier3A)
    %eq3A = arith.constant 0 : i32
    %eq3A_10 = arith.cmpi eq, %arg0, %eq3A : i32
    %convert_element_type3A = arith.extui %eq3A_10 : i1 to i32
    %cond3A = arith.constant 0 : i32
    %cond3A_11 = arith.cmpi ne, %convert_element_type3A, %cond3A : i32
    scf.if %cond3A_11 {
      "tpu.region"() ({
        %run_scoped3A = tpu.sem_alloc : memref<!tpu.dma_semaphore, #tpu.memory_space<semaphore_mem>>
        %dma_start3A_77 = arith.constant 0 : i32
        %dma_start3A_78 = arith.constant 0 : i32
        %dma_start3A_79 = tpu.memref_slice %arg7[%dma_start3A_77, %dma_start3A_78] : memref<40x128xi32, #tpu.memory_space<vmem>> -> memref<40x128xi32, #tpu.memory_space<vmem>>
        %dma_start3A_80 = arith.constant 0 : i32
        %dma_start3A_81 = arith.constant 0 : i32
        %dma_start3A_82 = tpu.memref_slice %arg4[%arg1, %dma_start3A_80, %dma_start3A_81] : memref<16x160x128xi32, #tpu.memory_space<hbm>> -> memref<1x40x128xi32, #tpu.memory_space<hbm>>
        %dma_start3A_83 = tpu.memref_squeeze %dma_start3A_82 : memref<1x40x128xi32, #tpu.memory_space<hbm>> -> memref<40x128xi32, #tpu.memory_space<hbm>>
        %dma_start3A_84 = arith.constant 0 : i32
        %dma_start3A_85 = arith.constant 0 : i32
        %dma_start3A_86 = tpu.memref_slice %arg7[%dma_start3A_84, %dma_start3A_85] : memref<40x128xi32, #tpu.memory_space<vmem>> -> memref<40x128xi32, #tpu.memory_space<vmem>>
        %dma_start3A_87 = arith.constant 0 : i32
        %dma_start3A_88 = arith.constant 0 : i32
        %dma_start3A_89 = tpu.memref_slice %arg4[%arg1, %dma_start3A_87, %dma_start3A_88] : memref<16x160x128xi32, #tpu.memory_space<hbm>> -> memref<1x40x128xi32, #tpu.memory_space<hbm>>
        %dma_start3A_90 = tpu.memref_squeeze %dma_start3A_89 : memref<1x40x128xi32, #tpu.memory_space<hbm>> -> memref<40x128xi32, #tpu.memory_space<hbm>>
        tpu.enqueue_dma source(%dma_start3A_90 : memref<40x128xi32, #tpu.memory_space<hbm>>) target(%dma_start3A_86 : memref<40x128xi32, #tpu.memory_space<vmem>>) target_semaphore(%run_scoped3A : memref<!tpu.dma_semaphore, #tpu.memory_space<semaphore_mem>>)
        %dma_wait3A = arith.constant 0 : i32
        %dma_wait3A_91 = arith.constant 0 : i32
        %dma_wait3A_92 = tpu.memref_slice %arg7[%dma_wait3A, %dma_wait3A_91] : memref<40x128xi32, #tpu.memory_space<vmem>> -> memref<40x128xi32, #tpu.memory_space<vmem>>
        %dma_wait3A_93 = arith.constant 0 : i32
        %dma_wait3A_94 = arith.constant 0 : i32
        %dma_wait3A_95 = tpu.memref_slice %arg4[%arg1, %dma_wait3A_93, %dma_wait3A_94] : memref<16x160x128xi32, #tpu.memory_space<hbm>> -> memref<1x40x128xi32, #tpu.memory_space<hbm>>
        %dma_wait3A_96 = tpu.memref_squeeze %dma_wait3A_95 : memref<1x40x128xi32, #tpu.memory_space<hbm>> -> memref<40x128xi32, #tpu.memory_space<hbm>>
        %dma_wait3A_97 = arith.constant 0 : i32
        %dma_wait3A_98 = arith.constant 0 : i32
        %dma_wait3A_99 = tpu.memref_slice %arg7[%dma_wait3A_97, %dma_wait3A_98] : memref<40x128xi32, #tpu.memory_space<vmem>> -> memref<40x128xi32, #tpu.memory_space<vmem>>
        %dma_wait3A_100 = arith.constant 0 : i32
        %dma_wait3A_101 = arith.constant 0 : i32
        %dma_wait3A_102 = tpu.memref_slice %arg4[%arg1, %dma_wait3A_100, %dma_wait3A_101] : memref<16x160x128xi32, #tpu.memory_space<hbm>> -> memref<1x40x128xi32, #tpu.memory_space<hbm>>
        %dma_wait3A_103 = tpu.memref_squeeze %dma_wait3A_102 : memref<1x40x128xi32, #tpu.memory_space<hbm>> -> memref<40x128xi32, #tpu.memory_space<hbm>>
        tpu.wait_dma2 semaphore(%run_scoped3A : memref<!tpu.dma_semaphore, #tpu.memory_space<semaphore_mem>>) src(%dma_wait3A_103 : memref<40x128xi32, #tpu.memory_space<hbm>>) dst(%dma_wait3A_99 : memref<40x128xi32, #tpu.memory_space<vmem>>)
        tpu.yield
      }) : () -> ()
      "tpu.region"() ({
        %run_scoped3A = tpu.sem_alloc : memref<!tpu.dma_semaphore, #tpu.memory_space<semaphore_mem>>
        %dma_start3A_77 = arith.constant 0 : i32
        %dma_start3A_78 = arith.constant 0 : i32
        %dma_start3A_79 = tpu.memref_slice %arg8[%dma_start3A_77, %dma_start3A_78] : memref<40x128xi32, #tpu.memory_space<vmem>> -> memref<40x128xi32, #tpu.memory_space<vmem>>
        %dma_start3A_80 = arith.constant 0 : i32
        %dma_start3A_81 = arith.constant 0 : i32
        %dma_start3A_82 = tpu.memref_slice %arg5[%arg1, %dma_start3A_80, %dma_start3A_81] : memref<16x160x128xi32, #tpu.memory_space<hbm>> -> memref<1x40x128xi32, #tpu.memory_space<hbm>>
        %dma_start3A_83 = tpu.memref_squeeze %dma_start3A_82 : memref<1x40x128xi32, #tpu.memory_space<hbm>> -> memref<40x128xi32, #tpu.memory_space<hbm>>
        %dma_start3A_84 = arith.constant 0 : i32
        %dma_start3A_85 = arith.constant 0 : i32
        %dma_start3A_86 = tpu.memref_slice %arg8[%dma_start3A_84, %dma_start3A_85] : memref<40x128xi32, #tpu.memory_space<vmem>> -> memref<40x128xi32, #tpu.memory_space<vmem>>
        %dma_start3A_87 = arith.constant 0 : i32
        %dma_start3A_88 = arith.constant 0 : i32
        %dma_start3A_89 = tpu.memref_slice %arg5[%arg1, %dma_start3A_87, %dma_start3A_88] : memref<16x160x128xi32, #tpu.memory_space<hbm>> -> memref<1x40x128xi32, #tpu.memory_space<hbm>>
        %dma_start3A_90 = tpu.memref_squeeze %dma_start3A_89 : memref<1x40x128xi32, #tpu.memory_space<hbm>> -> memref<40x128xi32, #tpu.memory_space<hbm>>
        tpu.enqueue_dma source(%dma_start3A_90 : memref<40x128xi32, #tpu.memory_space<hbm>>) target(%dma_start3A_86 : memref<40x128xi32, #tpu.memory_space<vmem>>) target_semaphore(%run_scoped3A : memref<!tpu.dma_semaphore, #tpu.memory_space<semaphore_mem>>)
        %dma_wait3A = arith.constant 0 : i32
        %dma_wait3A_91 = arith.constant 0 : i32
        %dma_wait3A_92 = tpu.memref_slice %arg8[%dma_wait3A, %dma_wait3A_91] : memref<40x128xi32, #tpu.memory_space<vmem>> -> memref<40x128xi32, #tpu.memory_space<vmem>>
        %dma_wait3A_93 = arith.constant 0 : i32
        %dma_wait3A_94 = arith.constant 0 : i32
        %dma_wait3A_95 = tpu.memref_slice %arg5[%arg1, %dma_wait3A_93, %dma_wait3A_94] : memref<16x160x128xi32, #tpu.memory_space<hbm>> -> memref<1x40x128xi32, #tpu.memory_space<hbm>>
        %dma_wait3A_96 = tpu.memref_squeeze %dma_wait3A_95 : memref<1x40x128xi32, #tpu.memory_space<hbm>> -> memref<40x128xi32, #tpu.memory_space<hbm>>
        %dma_wait3A_97 = arith.constant 0 : i32
        %dma_wait3A_98 = arith.constant 0 : i32
        %dma_wait3A_99 = tpu.memref_slice %arg8[%dma_wait3A_97, %dma_wait3A_98] : memref<40x128xi32, #tpu.memory_space<vmem>> -> memref<40x128xi32, #tpu.memory_space<vmem>>
        %dma_wait3A_100 = arith.constant 0 : i32
        %dma_wait3A_101 = arith.constant 0 : i32
        %dma_wait3A_102 = tpu.memref_slice %arg5[%arg1, %dma_wait3A_100, %dma_wait3A_101] : memref<16x160x128xi32, #tpu.memory_space<hbm>> -> memref<1x40x128xi32, #tpu.memory_space<hbm>>
        %dma_wait3A_103 = tpu.memref_squeeze %dma_wait3A_102 : memref<1x40x128xi32, #tpu.memory_space<hbm>> -> memref<40x128xi32, #tpu.memory_space<hbm>>
        tpu.wait_dma2 semaphore(%run_scoped3A : memref<!tpu.dma_semaphore, #tpu.memory_space<semaphore_mem>>) src(%dma_wait3A_103 : memref<40x128xi32, #tpu.memory_space<hbm>>) dst(%dma_wait3A_99 : memref<40x128xi32, #tpu.memory_space<vmem>>)
        tpu.yield
      }) : () -> ()
      %dma_start3A = arith.constant 0 : i32
      %dma_start3A_21 = arith.constant 0 : i32
      %dma_start3A_22 = tpu.memref_slice %arg7[%dma_start3A, %dma_start3A_21] : memref<40x128xi32, #tpu.memory_space<vmem>> -> memref<1x128xi32, #tpu.memory_space<vmem>>
      %dma_start3A_23 = tpu.memref_squeeze %dma_start3A_22 : memref<1x128xi32, #tpu.memory_space<vmem>> -> memref<128xi32, #tpu.memory_space<vmem>>
      %dma_start3A_24 = arith.constant 0 : i32
      %dma_start3A_25 = arith.constant 0 : i32
      %dma_start3A_26 = tpu.memref_slice %arg2[%dma_start3A_24, %dma_start3A_25] : memref<10240x128xf32, #tpu.memory_space<hbm>> -> memref<10240x128xf32, #tpu.memory_space<hbm>>
      tpu.enqueue_indirect_dma source(%dma_start3A_26 : memref<10240x128xf32, #tpu.memory_space<hbm>>) target(%arg9 : memref<128x128xf32, #tpu.memory_space<vmem>>) offsets(%dma_start3A_23 : memref<128xi32, #tpu.memory_space<vmem>>) semaphore(%arg12 : memref<!tpu.dma_semaphore, #tpu.memory_space<semaphore_mem>>)
      %dma_start3A_27 = arith.constant 1 : i32
      %dma_start3A_28 = arith.constant 0 : i32
      %dma_start3A_29 = tpu.memref_slice %arg7[%dma_start3A_27, %dma_start3A_28] : memref<40x128xi32, #tpu.memory_space<vmem>> -> memref<1x128xi32, #tpu.memory_space<vmem>>
      %dma_start3A_30 = tpu.memref_squeeze %dma_start3A_29 : memref<1x128xi32, #tpu.memory_space<vmem>> -> memref<128xi32, #tpu.memory_space<vmem>>
      %dma_start3A_31 = arith.constant 0 : i32
      %dma_start3A_32 = arith.constant 0 : i32
      %dma_start3A_33 = tpu.memref_slice %arg2[%dma_start3A_31, %dma_start3A_32] : memref<10240x128xf32, #tpu.memory_space<hbm>> -> memref<10240x128xf32, #tpu.memory_space<hbm>>
      tpu.enqueue_indirect_dma source(%dma_start3A_33 : memref<10240x128xf32, #tpu.memory_space<hbm>>) target(%arg10 : memref<128x128xf32, #tpu.memory_space<vmem>>) offsets(%dma_start3A_30 : memref<128xi32, #tpu.memory_space<vmem>>) semaphore(%arg13 : memref<!tpu.dma_semaphore, #tpu.memory_space<semaphore_mem>>)
      %scan3A_34 = arith.constant 0 : i32
      %scan3A_35 = arith.constant 20 : i32
      %scan3A_36 = arith.addi %scan3A_34, %scan3A_35 : i32
      %scan3A_37 = arith.constant 1 : i32
      scf.for %scan3A_77 = %scan3A_34 to %scan3A_36 step %scan3A_37  : i32 {
        %mul3A_78 = arith.constant 2 : i32
        %mul3A_79 = arith.muli %scan3A_77, %mul3A_78 : i32
        %add3A = arith.constant 0 : i32
        %add3A_80 = arith.addi %add3A, %mul3A_79 : i32
        %dma_wait3A = arith.constant 0 : i32
        %dma_wait3A_81 = tpu.memref_slice %arg7[%add3A_80, %dma_wait3A] : memref<40x128xi32, #tpu.memory_space<vmem>> -> memref<1x128xi32, #tpu.memory_space<vmem>>
        %dma_wait3A_82 = tpu.memref_squeeze %dma_wait3A_81 : memref<1x128xi32, #tpu.memory_space<vmem>> -> memref<128xi32, #tpu.memory_space<vmem>>
        %dma_wait3A_83 = arith.constant 0 : i32
        %dma_wait3A_84 = arith.constant 0 : i32
        %dma_wait3A_85 = tpu.memref_slice %arg2[%dma_wait3A_83, %dma_wait3A_84] : memref<10240x128xf32, #tpu.memory_space<hbm>> -> memref<10240x128xf32, #tpu.memory_space<hbm>>
        tpu.wait_indirect_dma semaphore(%arg12 : memref<!tpu.dma_semaphore, #tpu.memory_space<semaphore_mem>>) src(%dma_wait3A_85 : memref<10240x128xf32, #tpu.memory_space<hbm>>) dst(%arg9 : memref<128x128xf32, #tpu.memory_space<vmem>>)
        %dma_start3A_86 = arith.constant 0 : i32
        %dma_start3A_87 = tpu.memref_slice %arg8[%add3A_80, %dma_start3A_86] : memref<40x128xi32, #tpu.memory_space<vmem>> -> memref<1x128xi32, #tpu.memory_space<vmem>>
        %dma_start3A_88 = tpu.memref_squeeze %dma_start3A_87 : memref<1x128xi32, #tpu.memory_space<vmem>> -> memref<128xi32, #tpu.memory_space<vmem>>
        %dma_start3A_89 = arith.constant 0 : i32
        %dma_start3A_90 = arith.constant 0 : i32
        %dma_start3A_91 = tpu.memref_slice %arg11[%dma_start3A_89, %dma_start3A_90] : memref<10240x128xf32, #tpu.memory_space<vmem_shared>> -> memref<10240x128xf32, #tpu.memory_space<vmem_shared>>
        tpu.enqueue_indirect_dma source(%arg9 : memref<128x128xf32, #tpu.memory_space<vmem>>) target(%dma_start3A_91 : memref<10240x128xf32, #tpu.memory_space<vmem_shared>>) offsets(%dma_start3A_88 : memref<128xi32, #tpu.memory_space<vmem>>) semaphore(%arg14 : memref<!tpu.dma_semaphore, #tpu.memory_space<semaphore_mem>>) {add = true}
        %add3A_92 = arith.constant 1 : i32
        %add3A_93 = arith.addi %add3A_80, %add3A_92 : i32
        %dma_wait3A_94 = arith.constant 0 : i32
        %dma_wait3A_95 = tpu.memref_slice %arg7[%add3A_93, %dma_wait3A_94] : memref<40x128xi32, #tpu.memory_space<vmem>> -> memref<1x128xi32, #tpu.memory_space<vmem>>
        %dma_wait3A_96 = tpu.memref_squeeze %dma_wait3A_95 : memref<1x128xi32, #tpu.memory_space<vmem>> -> memref<128xi32, #tpu.memory_space<vmem>>
        %dma_wait3A_97 = arith.constant 0 : i32
        %dma_wait3A_98 = arith.constant 0 : i32
        %dma_wait3A_99 = tpu.memref_slice %arg2[%dma_wait3A_97, %dma_wait3A_98] : memref<10240x128xf32, #tpu.memory_space<hbm>> -> memref<10240x128xf32, #tpu.memory_space<hbm>>
        tpu.wait_indirect_dma semaphore(%arg13 : memref<!tpu.dma_semaphore, #tpu.memory_space<semaphore_mem>>) src(%dma_wait3A_99 : memref<10240x128xf32, #tpu.memory_space<hbm>>) dst(%arg10 : memref<128x128xf32, #tpu.memory_space<vmem>>)
        %dma_wait3A_100 = arith.constant 0 : i32
        %dma_wait3A_101 = tpu.memref_slice %arg8[%add3A_80, %dma_wait3A_100] : memref<40x128xi32, #tpu.memory_space<vmem>> -> memref<1x128xi32, #tpu.memory_space<vmem>>
        %dma_wait3A_102 = tpu.memref_squeeze %dma_wait3A_101 : memref<1x128xi32, #tpu.memory_space<vmem>> -> memref<128xi32, #tpu.memory_space<vmem>>
        %dma_wait3A_103 = arith.constant 0 : i32
        %dma_wait3A_104 = arith.constant 0 : i32
        %dma_wait3A_105 = tpu.memref_slice %arg11[%dma_wait3A_103, %dma_wait3A_104] : memref<10240x128xf32, #tpu.memory_space<vmem_shared>> -> memref<10240x128xf32, #tpu.memory_space<vmem_shared>>
        tpu.wait_indirect_dma semaphore(%arg14 : memref<!tpu.dma_semaphore, #tpu.memory_space<semaphore_mem>>) src(%arg9 : memref<128x128xf32, #tpu.memory_space<vmem>>) dst(%dma_wait3A_105 : memref<10240x128xf32, #tpu.memory_space<vmem_shared>>)
        %add3A_106 = arith.constant 2 : i32
        %add3A_107 = arith.addi %add3A_80, %add3A_106 : i32
        %lt3A = arith.constant 40 : i32
        %lt3A_108 = arith.cmpi slt, %add3A_107, %lt3A : i32
        %convert_element_type3A_109 = arith.extui %lt3A_108 : i1 to i32
        %cond3A_110 = arith.constant 0 : i32
        %cond3A_111 = arith.cmpi ne, %convert_element_type3A_109, %cond3A_110 : i32
        scf.if %cond3A_111 {
          %add3A_135 = arith.constant 2 : i32
          %add3A_136 = arith.addi %add3A_80, %add3A_135 : i32
          %dma_start3A_137 = arith.constant 0 : i32
          %dma_start3A_138 = tpu.memref_slice %arg7[%add3A_136, %dma_start3A_137] : memref<40x128xi32, #tpu.memory_space<vmem>> -> memref<1x128xi32, #tpu.memory_space<vmem>>
          %dma_start3A_139 = tpu.memref_squeeze %dma_start3A_138 : memref<1x128xi32, #tpu.memory_space<vmem>> -> memref<128xi32, #tpu.memory_space<vmem>>
          %dma_start3A_140 = arith.constant 0 : i32
          %dma_start3A_141 = arith.constant 0 : i32
          %dma_start3A_142 = tpu.memref_slice %arg2[%dma_start3A_140, %dma_start3A_141] : memref<10240x128xf32, #tpu.memory_space<hbm>> -> memref<10240x128xf32, #tpu.memory_space<hbm>>
          tpu.enqueue_indirect_dma source(%dma_start3A_142 : memref<10240x128xf32, #tpu.memory_space<hbm>>) target(%arg9 : memref<128x128xf32, #tpu.memory_space<vmem>>) offsets(%dma_start3A_139 : memref<128xi32, #tpu.memory_space<vmem>>) semaphore(%arg12 : memref<!tpu.dma_semaphore, #tpu.memory_space<semaphore_mem>>)
        } else {
        }
        %add3A_112 = arith.constant 1 : i32
        %add3A_113 = arith.addi %add3A_80, %add3A_112 : i32
        %dma_start3A_114 = arith.constant 0 : i32
        %dma_start3A_115 = tpu.memref_slice %arg8[%add3A_113, %dma_start3A_114] : memref<40x128xi32, #tpu.memory_space<vmem>> -> memref<1x128xi32, #tpu.memory_space<vmem>>
        %dma_start3A_116 = tpu.memref_squeeze %dma_start3A_115 : memref<1x128xi32, #tpu.memory_space<vmem>> -> memref<128xi32, #tpu.memory_space<vmem>>
        %dma_start3A_117 = arith.constant 0 : i32
        %dma_start3A_118 = arith.constant 0 : i32
        %dma_start3A_119 = tpu.memref_slice %arg11[%dma_start3A_117, %dma_start3A_118] : memref<10240x128xf32, #tpu.memory_space<vmem_shared>> -> memref<10240x128xf32, #tpu.memory_space<vmem_shared>>
        tpu.enqueue_indirect_dma source(%arg10 : memref<128x128xf32, #tpu.memory_space<vmem>>) target(%dma_start3A_119 : memref<10240x128xf32, #tpu.memory_space<vmem_shared>>) offsets(%dma_start3A_116 : memref<128xi32, #tpu.memory_space<vmem>>) semaphore(%arg15 : memref<!tpu.dma_semaphore, #tpu.memory_space<semaphore_mem>>) {add = true}
        %add3A_120 = arith.constant 1 : i32
        %add3A_121 = arith.addi %add3A_80, %add3A_120 : i32
        %dma_wait3A_122 = arith.constant 0 : i32
        %dma_wait3A_123 = tpu.memref_slice %arg8[%add3A_121, %dma_wait3A_122] : memref<40x128xi32, #tpu.memory_space<vmem>> -> memref<1x128xi32, #tpu.memory_space<vmem>>
        %dma_wait3A_124 = tpu.memref_squeeze %dma_wait3A_123 : memref<1x128xi32, #tpu.memory_space<vmem>> -> memref<128xi32, #tpu.memory_space<vmem>>
        %dma_wait3A_125 = arith.constant 0 : i32
        %dma_wait3A_126 = arith.constant 0 : i32
        %dma_wait3A_127 = tpu.memref_slice %arg11[%dma_wait3A_125, %dma_wait3A_126] : memref<10240x128xf32, #tpu.memory_space<vmem_shared>> -> memref<10240x128xf32, #tpu.memory_space<vmem_shared>>
        tpu.wait_indirect_dma semaphore(%arg15 : memref<!tpu.dma_semaphore, #tpu.memory_space<semaphore_mem>>) src(%arg10 : memref<128x128xf32, #tpu.memory_space<vmem>>) dst(%dma_wait3A_127 : memref<10240x128xf32, #tpu.memory_space<vmem_shared>>)
        %add3A_128 = arith.constant 3 : i32
        %add3A_129 = arith.addi %add3A_80, %add3A_128 : i32
        %lt3A_130 = arith.constant 40 : i32
        %lt3A_131 = arith.cmpi slt, %add3A_129, %lt3A_130 : i32
        %convert_element_type3A_132 = arith.extui %lt3A_131 : i1 to i32
        %cond3A_133 = arith.constant 0 : i32
        %cond3A_134 = arith.cmpi ne, %convert_element_type3A_132, %cond3A_133 : i32
        scf.if %cond3A_134 {
          %add3A_135 = arith.constant 3 : i32
          %add3A_136 = arith.addi %add3A_80, %add3A_135 : i32
          %dma_start3A_137 = arith.constant 0 : i32
          %dma_start3A_138 = tpu.memref_slice %arg7[%add3A_136, %dma_start3A_137] : memref<40x128xi32, #tpu.memory_space<vmem>> -> memref<1x128xi32, #tpu.memory_space<vmem>>
          %dma_start3A_139 = tpu.memref_squeeze %dma_start3A_138 : memref<1x128xi32, #tpu.memory_space<vmem>> -> memref<128xi32, #tpu.memory_space<vmem>>
          %dma_start3A_140 = arith.constant 0 : i32
          %dma_start3A_141 = arith.constant 0 : i32
          %dma_start3A_142 = tpu.memref_slice %arg2[%dma_start3A_140, %dma_start3A_141] : memref<10240x128xf32, #tpu.memory_space<hbm>> -> memref<10240x128xf32, #tpu.memory_space<hbm>>
          tpu.enqueue_indirect_dma source(%dma_start3A_142 : memref<10240x128xf32, #tpu.memory_space<hbm>>) target(%arg10 : memref<128x128xf32, #tpu.memory_space<vmem>>) offsets(%dma_start3A_139 : memref<128xi32, #tpu.memory_space<vmem>>) semaphore(%arg13 : memref<!tpu.dma_semaphore, #tpu.memory_space<semaphore_mem>>)
        } else {
        }
      }
      %scan3A_38 = arith.constant 20 : i32
      "tpu.region"() ({
        %run_scoped3A = tpu.sem_alloc : memref<!tpu.dma_semaphore, #tpu.memory_space<semaphore_mem>>
        %dma_start3A_77 = arith.constant 0 : i32
        %dma_start3A_78 = arith.constant 0 : i32
        %dma_start3A_79 = tpu.memref_slice %arg7[%dma_start3A_77, %dma_start3A_78] : memref<40x128xi32, #tpu.memory_space<vmem>> -> memref<40x128xi32, #tpu.memory_space<vmem>>
        %dma_start3A_80 = arith.constant 40 : i32
        %dma_start3A_81 = arith.constant 0 : i32
        %dma_start3A_82 = tpu.memref_slice %arg4[%arg1, %dma_start3A_80, %dma_start3A_81] : memref<16x160x128xi32, #tpu.memory_space<hbm>> -> memref<1x40x128xi32, #tpu.memory_space<hbm>>
        %dma_start3A_83 = tpu.memref_squeeze %dma_start3A_82 : memref<1x40x128xi32, #tpu.memory_space<hbm>> -> memref<40x128xi32, #tpu.memory_space<hbm>>
        %dma_start3A_84 = arith.constant 0 : i32
        %dma_start3A_85 = arith.constant 0 : i32
        %dma_start3A_86 = tpu.memref_slice %arg7[%dma_start3A_84, %dma_start3A_85] : memref<40x128xi32, #tpu.memory_space<vmem>> -> memref<40x128xi32, #tpu.memory_space<vmem>>
        %dma_start3A_87 = arith.constant 40 : i32
        %dma_start3A_88 = arith.constant 0 : i32
        %dma_start3A_89 = tpu.memref_slice %arg4[%arg1, %dma_start3A_87, %dma_start3A_88] : memref<16x160x128xi32, #tpu.memory_space<hbm>> -> memref<1x40x128xi32, #tpu.memory_space<hbm>>
        %dma_start3A_90 = tpu.memref_squeeze %dma_start3A_89 : memref<1x40x128xi32, #tpu.memory_space<hbm>> -> memref<40x128xi32, #tpu.memory_space<hbm>>
        tpu.enqueue_dma source(%dma_start3A_90 : memref<40x128xi32, #tpu.memory_space<hbm>>) target(%dma_start3A_86 : memref<40x128xi32, #tpu.memory_space<vmem>>) target_semaphore(%run_scoped3A : memref<!tpu.dma_semaphore, #tpu.memory_space<semaphore_mem>>)
        %dma_wait3A = arith.constant 0 : i32
        %dma_wait3A_91 = arith.constant 0 : i32
        %dma_wait3A_92 = tpu.memref_slice %arg7[%dma_wait3A, %dma_wait3A_91] : memref<40x128xi32, #tpu.memory_space<vmem>> -> memref<40x128xi32, #tpu.memory_space<vmem>>
        %dma_wait3A_93 = arith.constant 40 : i32
        %dma_wait3A_94 = arith.constant 0 : i32
        %dma_wait3A_95 = tpu.memref_slice %arg4[%arg1, %dma_wait3A_93, %dma_wait3A_94] : memref<16x160x128xi32, #tpu.memory_space<hbm>> -> memref<1x40x128xi32, #tpu.memory_space<hbm>>
        %dma_wait3A_96 = tpu.memref_squeeze %dma_wait3A_95 : memref<1x40x128xi32, #tpu.memory_space<hbm>> -> memref<40x128xi32, #tpu.memory_space<hbm>>
        %dma_wait3A_97 = arith.constant 0 : i32
        %dma_wait3A_98 = arith.constant 0 : i32
        %dma_wait3A_99 = tpu.memref_slice %arg7[%dma_wait3A_97, %dma_wait3A_98] : memref<40x128xi32, #tpu.memory_space<vmem>> -> memref<40x128xi32, #tpu.memory_space<vmem>>
        %dma_wait3A_100 = arith.constant 40 : i32
        %dma_wait3A_101 = arith.constant 0 : i32
        %dma_wait3A_102 = tpu.memref_slice %arg4[%arg1, %dma_wait3A_100, %dma_wait3A_101] : memref<16x160x128xi32, #tpu.memory_space<hbm>> -> memref<1x40x128xi32, #tpu.memory_space<hbm>>
        %dma_wait3A_103 = tpu.memref_squeeze %dma_wait3A_102 : memref<1x40x128xi32, #tpu.memory_space<hbm>> -> memref<40x128xi32, #tpu.memory_space<hbm>>
        tpu.wait_dma2 semaphore(%run_scoped3A : memref<!tpu.dma_semaphore, #tpu.memory_space<semaphore_mem>>) src(%dma_wait3A_103 : memref<40x128xi32, #tpu.memory_space<hbm>>) dst(%dma_wait3A_99 : memref<40x128xi32, #tpu.memory_space<vmem>>)
        tpu.yield
      }) : () -> ()
      "tpu.region"() ({
        %run_scoped3A = tpu.sem_alloc : memref<!tpu.dma_semaphore, #tpu.memory_space<semaphore_mem>>
        %dma_start3A_77 = arith.constant 0 : i32
        %dma_start3A_78 = arith.constant 0 : i32
        %dma_start3A_79 = tpu.memref_slice %arg8[%dma_start3A_77, %dma_start3A_78] : memref<40x128xi32, #tpu.memory_space<vmem>> -> memref<40x128xi32, #tpu.memory_space<vmem>>
        %dma_start3A_80 = arith.constant 40 : i32
        %dma_start3A_81 = arith.constant 0 : i32
        %dma_start3A_82 = tpu.memref_slice %arg5[%arg1, %dma_start3A_80, %dma_start3A_81] : memref<16x160x128xi32, #tpu.memory_space<hbm>> -> memref<1x40x128xi32, #tpu.memory_space<hbm>>
        %dma_start3A_83 = tpu.memref_squeeze %dma_start3A_82 : memref<1x40x128xi32, #tpu.memory_space<hbm>> -> memref<40x128xi32, #tpu.memory_space<hbm>>
        %dma_start3A_84 = arith.constant 0 : i32
        %dma_start3A_85 = arith.constant 0 : i32
        %dma_start3A_86 = tpu.memref_slice %arg8[%dma_start3A_84, %dma_start3A_85] : memref<40x128xi32, #tpu.memory_space<vmem>> -> memref<40x128xi32, #tpu.memory_space<vmem>>
        %dma_start3A_87 = arith.constant 40 : i32
        %dma_start3A_88 = arith.constant 0 : i32
        %dma_start3A_89 = tpu.memref_slice %arg5[%arg1, %dma_start3A_87, %dma_start3A_88] : memref<16x160x128xi32, #tpu.memory_space<hbm>> -> memref<1x40x128xi32, #tpu.memory_space<hbm>>
        %dma_start3A_90 = tpu.memref_squeeze %dma_start3A_89 : memref<1x40x128xi32, #tpu.memory_space<hbm>> -> memref<40x128xi32, #tpu.memory_space<hbm>>
        tpu.enqueue_dma source(%dma_start3A_90 : memref<40x128xi32, #tpu.memory_space<hbm>>) target(%dma_start3A_86 : memref<40x128xi32, #tpu.memory_space<vmem>>) target_semaphore(%run_scoped3A : memref<!tpu.dma_semaphore, #tpu.memory_space<semaphore_mem>>)
        %dma_wait3A = arith.constant 0 : i32
        %dma_wait3A_91 = arith.constant 0 : i32
        %dma_wait3A_92 = tpu.memref_slice %arg8[%dma_wait3A, %dma_wait3A_91] : memref<40x128xi32, #tpu.memory_space<vmem>> -> memref<40x128xi32, #tpu.memory_space<vmem>>
        %dma_wait3A_93 = arith.constant 40 : i32
        %dma_wait3A_94 = arith.constant 0 : i32
        %dma_wait3A_95 = tpu.memref_slice %arg5[%arg1, %dma_wait3A_93, %dma_wait3A_94] : memref<16x160x128xi32, #tpu.memory_space<hbm>> -> memref<1x40x128xi32, #tpu.memory_space<hbm>>
        %dma_wait3A_96 = tpu.memref_squeeze %dma_wait3A_95 : memref<1x40x128xi32, #tpu.memory_space<hbm>> -> memref<40x128xi32, #tpu.memory_space<hbm>>
        %dma_wait3A_97 = arith.constant 0 : i32
        %dma_wait3A_98 = arith.constant 0 : i32
        %dma_wait3A_99 = tpu.memref_slice %arg8[%dma_wait3A_97, %dma_wait3A_98] : memref<40x128xi32, #tpu.memory_space<vmem>> -> memref<40x128xi32, #tpu.memory_space<vmem>>
        %dma_wait3A_100 = arith.constant 40 : i32
        %dma_wait3A_101 = arith.constant 0 : i32
        %dma_wait3A_102 = tpu.memref_slice %arg5[%arg1, %dma_wait3A_100, %dma_wait3A_101] : memref<16x160x128xi32, #tpu.memory_space<hbm>> -> memref<1x40x128xi32, #tpu.memory_space<hbm>>
        %dma_wait3A_103 = tpu.memref_squeeze %dma_wait3A_102 : memref<1x40x128xi32, #tpu.memory_space<hbm>> -> memref<40x128xi32, #tpu.memory_space<hbm>>
        tpu.wait_dma2 semaphore(%run_scoped3A : memref<!tpu.dma_semaphore, #tpu.memory_space<semaphore_mem>>) src(%dma_wait3A_103 : memref<40x128xi32, #tpu.memory_space<hbm>>) dst(%dma_wait3A_99 : memref<40x128xi32, #tpu.memory_space<vmem>>)
        tpu.yield
      }) : () -> ()
      %dma_start3A_39 = arith.constant 0 : i32
      %dma_start3A_40 = arith.constant 0 : i32
      %dma_start3A_41 = tpu.memref_slice %arg7[%dma_start3A_39, %dma_start3A_40] : memref<40x128xi32, #tpu.memory_space<vmem>> -> memref<1x128xi32, #tpu.memory_space<vmem>>
      %dma_start3A_42 = tpu.memref_squeeze %dma_start3A_41 : memref<1x128xi32, #tpu.memory_space<vmem>> -> memref<128xi32, #tpu.memory_space<vmem>>
      %dma_start3A_43 = arith.constant 0 : i32
      %dma_start3A_44 = arith.constant 0 : i32
      %dma_start3A_45 = tpu.memref_slice %arg2[%dma_start3A_43, %dma_start3A_44] : memref<10240x128xf32, #tpu.memory_space<hbm>> -> memref<10240x128xf32, #tpu.memory_space<hbm>>
      tpu.enqueue_indirect_dma source(%dma_start3A_45 : memref<10240x128xf32, #tpu.memory_space<hbm>>) target(%arg9 : memref<128x128xf32, #tpu.memory_space<vmem>>) offsets(%dma_start3A_42 : memref<128xi32, #tpu.memory_space<vmem>>) semaphore(%arg12 : memref<!tpu.dma_semaphore, #tpu.memory_space<semaphore_mem>>)
      %dma_start3A_46 = arith.constant 1 : i32
      %dma_start3A_47 = arith.constant 0 : i32
      %dma_start3A_48 = tpu.memref_slice %arg7[%dma_start3A_46, %dma_start3A_47] : memref<40x128xi32, #tpu.memory_space<vmem>> -> memref<1x128xi32, #tpu.memory_space<vmem>>
      %dma_start3A_49 = tpu.memref_squeeze %dma_start3A_48 : memref<1x128xi32, #tpu.memory_space<vmem>> -> memref<128xi32, #tpu.memory_space<vmem>>
      %dma_start3A_50 = arith.constant 0 : i32
      %dma_start3A_51 = arith.constant 0 : i32
      %dma_start3A_52 = tpu.memref_slice %arg2[%dma_start3A_50, %dma_start3A_51] : memref<10240x128xf32, #tpu.memory_space<hbm>> -> memref<10240x128xf32, #tpu.memory_space<hbm>>
      tpu.enqueue_indirect_dma source(%dma_start3A_52 : memref<10240x128xf32, #tpu.memory_space<hbm>>) target(%arg10 : memref<128x128xf32, #tpu.memory_space<vmem>>) offsets(%dma_start3A_49 : memref<128xi32, #tpu.memory_space<vmem>>) semaphore(%arg13 : memref<!tpu.dma_semaphore, #tpu.memory_space<semaphore_mem>>)
      %scan3A_53 = arith.constant 0 : i32
      %scan3A_54 = arith.constant 20 : i32
      %scan3A_55 = arith.addi %scan3A_53, %scan3A_54 : i32
      %scan3A_56 = arith.constant 1 : i32
      scf.for %scan3A_77 = %scan3A_53 to %scan3A_55 step %scan3A_56  : i32 {
        %mul3A_78 = arith.constant 2 : i32
        %mul3A_79 = arith.muli %scan3A_77, %mul3A_78 : i32
        %add3A = arith.constant 0 : i32
        %add3A_80 = arith.addi %add3A, %mul3A_79 : i32
        %dma_wait3A = arith.constant 0 : i32
        %dma_wait3A_81 = tpu.memref_slice %arg7[%add3A_80, %dma_wait3A] : memref<40x128xi32, #tpu.memory_space<vmem>> -> memref<1x128xi32, #tpu.memory_space<vmem>>
        %dma_wait3A_82 = tpu.memref_squeeze %dma_wait3A_81 : memref<1x128xi32, #tpu.memory_space<vmem>> -> memref<128xi32, #tpu.memory_space<vmem>>
        %dma_wait3A_83 = arith.constant 0 : i32
        %dma_wait3A_84 = arith.constant 0 : i32
        %dma_wait3A_85 = tpu.memref_slice %arg2[%dma_wait3A_83, %dma_wait3A_84] : memref<10240x128xf32, #tpu.memory_space<hbm>> -> memref<10240x128xf32, #tpu.memory_space<hbm>>
        tpu.wait_indirect_dma semaphore(%arg12 : memref<!tpu.dma_semaphore, #tpu.memory_space<semaphore_mem>>) src(%dma_wait3A_85 : memref<10240x128xf32, #tpu.memory_space<hbm>>) dst(%arg9 : memref<128x128xf32, #tpu.memory_space<vmem>>)
        %dma_start3A_86 = arith.constant 0 : i32
        %dma_start3A_87 = tpu.memref_slice %arg8[%add3A_80, %dma_start3A_86] : memref<40x128xi32, #tpu.memory_space<vmem>> -> memref<1x128xi32, #tpu.memory_space<vmem>>
        %dma_start3A_88 = tpu.memref_squeeze %dma_start3A_87 : memref<1x128xi32, #tpu.memory_space<vmem>> -> memref<128xi32, #tpu.memory_space<vmem>>
        %dma_start3A_89 = arith.constant 0 : i32
        %dma_start3A_90 = arith.constant 0 : i32
        %dma_start3A_91 = tpu.memref_slice %arg11[%dma_start3A_89, %dma_start3A_90] : memref<10240x128xf32, #tpu.memory_space<vmem_shared>> -> memref<10240x128xf32, #tpu.memory_space<vmem_shared>>
        tpu.enqueue_indirect_dma source(%arg9 : memref<128x128xf32, #tpu.memory_space<vmem>>) target(%dma_start3A_91 : memref<10240x128xf32, #tpu.memory_space<vmem_shared>>) offsets(%dma_start3A_88 : memref<128xi32, #tpu.memory_space<vmem>>) semaphore(%arg14 : memref<!tpu.dma_semaphore, #tpu.memory_space<semaphore_mem>>) {add = true}
        %add3A_92 = arith.constant 1 : i32
        %add3A_93 = arith.addi %add3A_80, %add3A_92 : i32
        %dma_wait3A_94 = arith.constant 0 : i32
        %dma_wait3A_95 = tpu.memref_slice %arg7[%add3A_93, %dma_wait3A_94] : memref<40x128xi32, #tpu.memory_space<vmem>> -> memref<1x128xi32, #tpu.memory_space<vmem>>
        %dma_wait3A_96 = tpu.memref_squeeze %dma_wait3A_95 : memref<1x128xi32, #tpu.memory_space<vmem>> -> memref<128xi32, #tpu.memory_space<vmem>>
        %dma_wait3A_97 = arith.constant 0 : i32
        %dma_wait3A_98 = arith.constant 0 : i32
        %dma_wait3A_99 = tpu.memref_slice %arg2[%dma_wait3A_97, %dma_wait3A_98] : memref<10240x128xf32, #tpu.memory_space<hbm>> -> memref<10240x128xf32, #tpu.memory_space<hbm>>
        tpu.wait_indirect_dma semaphore(%arg13 : memref<!tpu.dma_semaphore, #tpu.memory_space<semaphore_mem>>) src(%dma_wait3A_99 : memref<10240x128xf32, #tpu.memory_space<hbm>>) dst(%arg10 : memref<128x128xf32, #tpu.memory_space<vmem>>)
        %dma_wait3A_100 = arith.constant 0 : i32
        %dma_wait3A_101 = tpu.memref_slice %arg8[%add3A_80, %dma_wait3A_100] : memref<40x128xi32, #tpu.memory_space<vmem>> -> memref<1x128xi32, #tpu.memory_space<vmem>>
        %dma_wait3A_102 = tpu.memref_squeeze %dma_wait3A_101 : memref<1x128xi32, #tpu.memory_space<vmem>> -> memref<128xi32, #tpu.memory_space<vmem>>
        %dma_wait3A_103 = arith.constant 0 : i32
        %dma_wait3A_104 = arith.constant 0 : i32
        %dma_wait3A_105 = tpu.memref_slice %arg11[%dma_wait3A_103, %dma_wait3A_104] : memref<10240x128xf32, #tpu.memory_space<vmem_shared>> -> memref<10240x128xf32, #tpu.memory_space<vmem_shared>>
        tpu.wait_indirect_dma semaphore(%arg14 : memref<!tpu.dma_semaphore, #tpu.memory_space<semaphore_mem>>) src(%arg9 : memref<128x128xf32, #tpu.memory_space<vmem>>) dst(%dma_wait3A_105 : memref<10240x128xf32, #tpu.memory_space<vmem_shared>>)
        %add3A_106 = arith.constant 2 : i32
        %add3A_107 = arith.addi %add3A_80, %add3A_106 : i32
        %lt3A = arith.constant 40 : i32
        %lt3A_108 = arith.cmpi slt, %add3A_107, %lt3A : i32
        %convert_element_type3A_109 = arith.extui %lt3A_108 : i1 to i32
        %cond3A_110 = arith.constant 0 : i32
        %cond3A_111 = arith.cmpi ne, %convert_element_type3A_109, %cond3A_110 : i32
        scf.if %cond3A_111 {
          %add3A_135 = arith.constant 2 : i32
          %add3A_136 = arith.addi %add3A_80, %add3A_135 : i32
          %dma_start3A_137 = arith.constant 0 : i32
          %dma_start3A_138 = tpu.memref_slice %arg7[%add3A_136, %dma_start3A_137] : memref<40x128xi32, #tpu.memory_space<vmem>> -> memref<1x128xi32, #tpu.memory_space<vmem>>
          %dma_start3A_139 = tpu.memref_squeeze %dma_start3A_138 : memref<1x128xi32, #tpu.memory_space<vmem>> -> memref<128xi32, #tpu.memory_space<vmem>>
          %dma_start3A_140 = arith.constant 0 : i32
          %dma_start3A_141 = arith.constant 0 : i32
          %dma_start3A_142 = tpu.memref_slice %arg2[%dma_start3A_140, %dma_start3A_141] : memref<10240x128xf32, #tpu.memory_space<hbm>> -> memref<10240x128xf32, #tpu.memory_space<hbm>>
          tpu.enqueue_indirect_dma source(%dma_start3A_142 : memref<10240x128xf32, #tpu.memory_space<hbm>>) target(%arg9 : memref<128x128xf32, #tpu.memory_space<vmem>>) offsets(%dma_start3A_139 : memref<128xi32, #tpu.memory_space<vmem>>) semaphore(%arg12 : memref<!tpu.dma_semaphore, #tpu.memory_space<semaphore_mem>>)
        } else {
        }
        %add3A_112 = arith.constant 1 : i32
        %add3A_113 = arith.addi %add3A_80, %add3A_112 : i32
        %dma_start3A_114 = arith.constant 0 : i32
        %dma_start3A_115 = tpu.memref_slice %arg8[%add3A_113, %dma_start3A_114] : memref<40x128xi32, #tpu.memory_space<vmem>> -> memref<1x128xi32, #tpu.memory_space<vmem>>
        %dma_start3A_116 = tpu.memref_squeeze %dma_start3A_115 : memref<1x128xi32, #tpu.memory_space<vmem>> -> memref<128xi32, #tpu.memory_space<vmem>>
        %dma_start3A_117 = arith.constant 0 : i32
        %dma_start3A_118 = arith.constant 0 : i32
        %dma_start3A_119 = tpu.memref_slice %arg11[%dma_start3A_117, %dma_start3A_118] : memref<10240x128xf32, #tpu.memory_space<vmem_shared>> -> memref<10240x128xf32, #tpu.memory_space<vmem_shared>>
        tpu.enqueue_indirect_dma source(%arg10 : memref<128x128xf32, #tpu.memory_space<vmem>>) target(%dma_start3A_119 : memref<10240x128xf32, #tpu.memory_space<vmem_shared>>) offsets(%dma_start3A_116 : memref<128xi32, #tpu.memory_space<vmem>>) semaphore(%arg15 : memref<!tpu.dma_semaphore, #tpu.memory_space<semaphore_mem>>) {add = true}
        %add3A_120 = arith.constant 1 : i32
        %add3A_121 = arith.addi %add3A_80, %add3A_120 : i32
        %dma_wait3A_122 = arith.constant 0 : i32
        %dma_wait3A_123 = tpu.memref_slice %arg8[%add3A_121, %dma_wait3A_122] : memref<40x128xi32, #tpu.memory_space<vmem>> -> memref<1x128xi32, #tpu.memory_space<vmem>>
        %dma_wait3A_124 = tpu.memref_squeeze %dma_wait3A_123 : memref<1x128xi32, #tpu.memory_space<vmem>> -> memref<128xi32, #tpu.memory_space<vmem>>
        %dma_wait3A_125 = arith.constant 0 : i32
        %dma_wait3A_126 = arith.constant 0 : i32
        %dma_wait3A_127 = tpu.memref_slice %arg11[%dma_wait3A_125, %dma_wait3A_126] : memref<10240x128xf32, #tpu.memory_space<vmem_shared>> -> memref<10240x128xf32, #tpu.memory_space<vmem_shared>>
        tpu.wait_indirect_dma semaphore(%arg15 : memref<!tpu.dma_semaphore, #tpu.memory_space<semaphore_mem>>) src(%arg10 : memref<128x128xf32, #tpu.memory_space<vmem>>) dst(%dma_wait3A_127 : memref<10240x128xf32, #tpu.memory_space<vmem_shared>>)
        %add3A_128 = arith.constant 3 : i32
        %add3A_129 = arith.addi %add3A_80, %add3A_128 : i32
        %lt3A_130 = arith.constant 40 : i32
        %lt3A_131 = arith.cmpi slt, %add3A_129, %lt3A_130 : i32
        %convert_element_type3A_132 = arith.extui %lt3A_131 : i1 to i32
        %cond3A_133 = arith.constant 0 : i32
        %cond3A_134 = arith.cmpi ne, %convert_element_type3A_132, %cond3A_133 : i32
        scf.if %cond3A_134 {
          %add3A_135 = arith.constant 3 : i32
          %add3A_136 = arith.addi %add3A_80, %add3A_135 : i32
          %dma_start3A_137 = arith.constant 0 : i32
          %dma_start3A_138 = tpu.memref_slice %arg7[%add3A_136, %dma_start3A_137] : memref<40x128xi32, #tpu.memory_space<vmem>> -> memref<1x128xi32, #tpu.memory_space<vmem>>
          %dma_start3A_139 = tpu.memref_squeeze %dma_start3A_138 : memref<1x128xi32, #tpu.memory_space<vmem>> -> memref<128xi32, #tpu.memory_space<vmem>>
          %dma_start3A_140 = arith.constant 0 : i32
          %dma_start3A_141 = arith.constant 0 : i32
          %dma_start3A_142 = tpu.memref_slice %arg2[%dma_start3A_140, %dma_start3A_141] : memref<10240x128xf32, #tpu.memory_space<hbm>> -> memref<10240x128xf32, #tpu.memory_space<hbm>>
          tpu.enqueue_indirect_dma source(%dma_start3A_142 : memref<10240x128xf32, #tpu.memory_space<hbm>>) target(%arg10 : memref<128x128xf32, #tpu.memory_space<vmem>>) offsets(%dma_start3A_139 : memref<128xi32, #tpu.memory_space<vmem>>) semaphore(%arg13 : memref<!tpu.dma_semaphore, #tpu.memory_space<semaphore_mem>>)
        } else {
        }
      }
      %scan3A_57 = arith.constant 20 : i32
      "tpu.region"() ({
        %run_scoped3A = tpu.sem_alloc : memref<!tpu.dma_semaphore, #tpu.memory_space<semaphore_mem>>
        %dma_start3A_77 = arith.constant 0 : i32
        %dma_start3A_78 = arith.constant 0 : i32
        %dma_start3A_79 = tpu.memref_slice %arg7[%dma_start3A_77, %dma_start3A_78] : memref<40x128xi32, #tpu.memory_space<vmem>> -> memref<40x128xi32, #tpu.memory_space<vmem>>
        %dma_start3A_80 = arith.constant 80 : i32
        %dma_start3A_81 = arith.constant 0 : i32
        %dma_start3A_82 = tpu.memref_slice %arg4[%arg1, %dma_start3A_80, %dma_start3A_81] : memref<16x160x128xi32, #tpu.memory_space<hbm>> -> memref<1x40x128xi32, #tpu.memory_space<hbm>>
        %dma_start3A_83 = tpu.memref_squeeze %dma_start3A_82 : memref<1x40x128xi32, #tpu.memory_space<hbm>> -> memref<40x128xi32, #tpu.memory_space<hbm>>
        %dma_start3A_84 = arith.constant 0 : i32
        %dma_start3A_85 = arith.constant 0 : i32
        %dma_start3A_86 = tpu.memref_slice %arg7[%dma_start3A_84, %dma_start3A_85] : memref<40x128xi32, #tpu.memory_space<vmem>> -> memref<40x128xi32, #tpu.memory_space<vmem>>
        %dma_start3A_87 = arith.constant 80 : i32
        %dma_start3A_88 = arith.constant 0 : i32
        %dma_start3A_89 = tpu.memref_slice %arg4[%arg1, %dma_start3A_87, %dma_start3A_88] : memref<16x160x128xi32, #tpu.memory_space<hbm>> -> memref<1x40x128xi32, #tpu.memory_space<hbm>>
        %dma_start3A_90 = tpu.memref_squeeze %dma_start3A_89 : memref<1x40x128xi32, #tpu.memory_space<hbm>> -> memref<40x128xi32, #tpu.memory_space<hbm>>
        tpu.enqueue_dma source(%dma_start3A_90 : memref<40x128xi32, #tpu.memory_space<hbm>>) target(%dma_start3A_86 : memref<40x128xi32, #tpu.memory_space<vmem>>) target_semaphore(%run_scoped3A : memref<!tpu.dma_semaphore, #tpu.memory_space<semaphore_mem>>)
        %dma_wait3A = arith.constant 0 : i32
        %dma_wait3A_91 = arith.constant 0 : i32
        %dma_wait3A_92 = tpu.memref_slice %arg7[%dma_wait3A, %dma_wait3A_91] : memref<40x128xi32, #tpu.memory_space<vmem>> -> memref<40x128xi32, #tpu.memory_space<vmem>>
        %dma_wait3A_93 = arith.constant 80 : i32
        %dma_wait3A_94 = arith.constant 0 : i32
        %dma_wait3A_95 = tpu.memref_slice %arg4[%arg1, %dma_wait3A_93, %dma_wait3A_94] : memref<16x160x128xi32, #tpu.memory_space<hbm>> -> memref<1x40x128xi32, #tpu.memory_space<hbm>>
        %dma_wait3A_96 = tpu.memref_squeeze %dma_wait3A_95 : memref<1x40x128xi32, #tpu.memory_space<hbm>> -> memref<40x128xi32, #tpu.memory_space<hbm>>
        %dma_wait3A_97 = arith.constant 0 : i32
        %dma_wait3A_98 = arith.constant 0 : i32
        %dma_wait3A_99 = tpu.memref_slice %arg7[%dma_wait3A_97, %dma_wait3A_98] : memref<40x128xi32, #tpu.memory_space<vmem>> -> memref<40x128xi32, #tpu.memory_space<vmem>>
        %dma_wait3A_100 = arith.constant 80 : i32
        %dma_wait3A_101 = arith.constant 0 : i32
        %dma_wait3A_102 = tpu.memref_slice %arg4[%arg1, %dma_wait3A_100, %dma_wait3A_101] : memref<16x160x128xi32, #tpu.memory_space<hbm>> -> memref<1x40x128xi32, #tpu.memory_space<hbm>>
        %dma_wait3A_103 = tpu.memref_squeeze %dma_wait3A_102 : memref<1x40x128xi32, #tpu.memory_space<hbm>> -> memref<40x128xi32, #tpu.memory_space<hbm>>
        tpu.wait_dma2 semaphore(%run_scoped3A : memref<!tpu.dma_semaphore, #tpu.memory_space<semaphore_mem>>) src(%dma_wait3A_103 : memref<40x128xi32, #tpu.memory_space<hbm>>) dst(%dma_wait3A_99 : memref<40x128xi32, #tpu.memory_space<vmem>>)
        tpu.yield
      }) : () -> ()
      "tpu.region"() ({
        %run_scoped3A = tpu.sem_alloc : memref<!tpu.dma_semaphore, #tpu.memory_space<semaphore_mem>>
        %dma_start3A_77 = arith.constant 0 : i32
        %dma_start3A_78 = arith.constant 0 : i32
        %dma_start3A_79 = tpu.memref_slice %arg8[%dma_start3A_77, %dma_start3A_78] : memref<40x128xi32, #tpu.memory_space<vmem>> -> memref<40x128xi32, #tpu.memory_space<vmem>>
        %dma_start3A_80 = arith.constant 80 : i32
        %dma_start3A_81 = arith.constant 0 : i32
        %dma_start3A_82 = tpu.memref_slice %arg5[%arg1, %dma_start3A_80, %dma_start3A_81] : memref<16x160x128xi32, #tpu.memory_space<hbm>> -> memref<1x40x128xi32, #tpu.memory_space<hbm>>
        %dma_start3A_83 = tpu.memref_squeeze %dma_start3A_82 : memref<1x40x128xi32, #tpu.memory_space<hbm>> -> memref<40x128xi32, #tpu.memory_space<hbm>>
        %dma_start3A_84 = arith.constant 0 : i32
        %dma_start3A_85 = arith.constant 0 : i32
        %dma_start3A_86 = tpu.memref_slice %arg8[%dma_start3A_84, %dma_start3A_85] : memref<40x128xi32, #tpu.memory_space<vmem>> -> memref<40x128xi32, #tpu.memory_space<vmem>>
        %dma_start3A_87 = arith.constant 80 : i32
        %dma_start3A_88 = arith.constant 0 : i32
        %dma_start3A_89 = tpu.memref_slice %arg5[%arg1, %dma_start3A_87, %dma_start3A_88] : memref<16x160x128xi32, #tpu.memory_space<hbm>> -> memref<1x40x128xi32, #tpu.memory_space<hbm>>
        %dma_start3A_90 = tpu.memref_squeeze %dma_start3A_89 : memref<1x40x128xi32, #tpu.memory_space<hbm>> -> memref<40x128xi32, #tpu.memory_space<hbm>>
        tpu.enqueue_dma source(%dma_start3A_90 : memref<40x128xi32, #tpu.memory_space<hbm>>) target(%dma_start3A_86 : memref<40x128xi32, #tpu.memory_space<vmem>>) target_semaphore(%run_scoped3A : memref<!tpu.dma_semaphore, #tpu.memory_space<semaphore_mem>>)
        %dma_wait3A = arith.constant 0 : i32
        %dma_wait3A_91 = arith.constant 0 : i32
        %dma_wait3A_92 = tpu.memref_slice %arg8[%dma_wait3A, %dma_wait3A_91] : memref<40x128xi32, #tpu.memory_space<vmem>> -> memref<40x128xi32, #tpu.memory_space<vmem>>
        %dma_wait3A_93 = arith.constant 80 : i32
        %dma_wait3A_94 = arith.constant 0 : i32
        %dma_wait3A_95 = tpu.memref_slice %arg5[%arg1, %dma_wait3A_93, %dma_wait3A_94] : memref<16x160x128xi32, #tpu.memory_space<hbm>> -> memref<1x40x128xi32, #tpu.memory_space<hbm>>
        %dma_wait3A_96 = tpu.memref_squeeze %dma_wait3A_95 : memref<1x40x128xi32, #tpu.memory_space<hbm>> -> memref<40x128xi32, #tpu.memory_space<hbm>>
        %dma_wait3A_97 = arith.constant 0 : i32
        %dma_wait3A_98 = arith.constant 0 : i32
        %dma_wait3A_99 = tpu.memref_slice %arg8[%dma_wait3A_97, %dma_wait3A_98] : memref<40x128xi32, #tpu.memory_space<vmem>> -> memref<40x128xi32, #tpu.memory_space<vmem>>
        %dma_wait3A_100 = arith.constant 80 : i32
        %dma_wait3A_101 = arith.constant 0 : i32
        %dma_wait3A_102 = tpu.memref_slice %arg5[%arg1, %dma_wait3A_100, %dma_wait3A_101] : memref<16x160x128xi32, #tpu.memory_space<hbm>> -> memref<1x40x128xi32, #tpu.memory_space<hbm>>
        %dma_wait3A_103 = tpu.memref_squeeze %dma_wait3A_102 : memref<1x40x128xi32, #tpu.memory_space<hbm>> -> memref<40x128xi32, #tpu.memory_space<hbm>>
        tpu.wait_dma2 semaphore(%run_scoped3A : memref<!tpu.dma_semaphore, #tpu.memory_space<semaphore_mem>>) src(%dma_wait3A_103 : memref<40x128xi32, #tpu.memory_space<hbm>>) dst(%dma_wait3A_99 : memref<40x128xi32, #tpu.memory_space<vmem>>)
        tpu.yield
      }) : () -> ()
      %dma_start3A_58 = arith.constant 0 : i32
      %dma_start3A_59 = arith.constant 0 : i32
      %dma_start3A_60 = tpu.memref_slice %arg7[%dma_start3A_58, %dma_start3A_59] : memref<40x128xi32, #tpu.memory_space<vmem>> -> memref<1x128xi32, #tpu.memory_space<vmem>>
      %dma_start3A_61 = tpu.memref_squeeze %dma_start3A_60 : memref<1x128xi32, #tpu.memory_space<vmem>> -> memref<128xi32, #tpu.memory_space<vmem>>
      %dma_start3A_62 = arith.constant 0 : i32
      %dma_start3A_63 = arith.constant 0 : i32
      %dma_start3A_64 = tpu.memref_slice %arg2[%dma_start3A_62, %dma_start3A_63] : memref<10240x128xf32, #tpu.memory_space<hbm>> -> memref<10240x128xf32, #tpu.memory_space<hbm>>
      tpu.enqueue_indirect_dma source(%dma_start3A_64 : memref<10240x128xf32, #tpu.memory_space<hbm>>) target(%arg9 : memref<128x128xf32, #tpu.memory_space<vmem>>) offsets(%dma_start3A_61 : memref<128xi32, #tpu.memory_space<vmem>>) semaphore(%arg12 : memref<!tpu.dma_semaphore, #tpu.memory_space<semaphore_mem>>)
      %dma_start3A_65 = arith.constant 1 : i32
      %dma_start3A_66 = arith.constant 0 : i32
      %dma_start3A_67 = tpu.memref_slice %arg7[%dma_start3A_65, %dma_start3A_66] : memref<40x128xi32, #tpu.memory_space<vmem>> -> memref<1x128xi32, #tpu.memory_space<vmem>>
      %dma_start3A_68 = tpu.memref_squeeze %dma_start3A_67 : memref<1x128xi32, #tpu.memory_space<vmem>> -> memref<128xi32, #tpu.memory_space<vmem>>
      %dma_start3A_69 = arith.constant 0 : i32
      %dma_start3A_70 = arith.constant 0 : i32
      %dma_start3A_71 = tpu.memref_slice %arg2[%dma_start3A_69, %dma_start3A_70] : memref<10240x128xf32, #tpu.memory_space<hbm>> -> memref<10240x128xf32, #tpu.memory_space<hbm>>
      tpu.enqueue_indirect_dma source(%dma_start3A_71 : memref<10240x128xf32, #tpu.memory_space<hbm>>) target(%arg10 : memref<128x128xf32, #tpu.memory_space<vmem>>) offsets(%dma_start3A_68 : memref<128xi32, #tpu.memory_space<vmem>>) semaphore(%arg13 : memref<!tpu.dma_semaphore, #tpu.memory_space<semaphore_mem>>)
      %scan3A_72 = arith.constant 0 : i32
      %scan3A_73 = arith.constant 20 : i32
      %scan3A_74 = arith.addi %scan3A_72, %scan3A_73 : i32
      %scan3A_75 = arith.constant 1 : i32
      scf.for %scan3A_77 = %scan3A_72 to %scan3A_74 step %scan3A_75  : i32 {
        %mul3A_78 = arith.constant 2 : i32
        %mul3A_79 = arith.muli %scan3A_77, %mul3A_78 : i32
        %add3A = arith.constant 0 : i32
        %add3A_80 = arith.addi %add3A, %mul3A_79 : i32
        %dma_wait3A = arith.constant 0 : i32
        %dma_wait3A_81 = tpu.memref_slice %arg7[%add3A_80, %dma_wait3A] : memref<40x128xi32, #tpu.memory_space<vmem>> -> memref<1x128xi32, #tpu.memory_space<vmem>>
        %dma_wait3A_82 = tpu.memref_squeeze %dma_wait3A_81 : memref<1x128xi32, #tpu.memory_space<vmem>> -> memref<128xi32, #tpu.memory_space<vmem>>
        %dma_wait3A_83 = arith.constant 0 : i32
        %dma_wait3A_84 = arith.constant 0 : i32
        %dma_wait3A_85 = tpu.memref_slice %arg2[%dma_wait3A_83, %dma_wait3A_84] : memref<10240x128xf32, #tpu.memory_space<hbm>> -> memref<10240x128xf32, #tpu.memory_space<hbm>>
        tpu.wait_indirect_dma semaphore(%arg12 : memref<!tpu.dma_semaphore, #tpu.memory_space<semaphore_mem>>) src(%dma_wait3A_85 : memref<10240x128xf32, #tpu.memory_space<hbm>>) dst(%arg9 : memref<128x128xf32, #tpu.memory_space<vmem>>)
        %dma_start3A_86 = arith.constant 0 : i32
        %dma_start3A_87 = tpu.memref_slice %arg8[%add3A_80, %dma_start3A_86] : memref<40x128xi32, #tpu.memory_space<vmem>> -> memref<1x128xi32, #tpu.memory_space<vmem>>
        %dma_start3A_88 = tpu.memref_squeeze %dma_start3A_87 : memref<1x128xi32, #tpu.memory_space<vmem>> -> memref<128xi32, #tpu.memory_space<vmem>>
        %dma_start3A_89 = arith.constant 0 : i32
        %dma_start3A_90 = arith.constant 0 : i32
        %dma_start3A_91 = tpu.memref_slice %arg11[%dma_start3A_89, %dma_start3A_90] : memref<10240x128xf32, #tpu.memory_space<vmem_shared>> -> memref<10240x128xf32, #tpu.memory_space<vmem_shared>>
        tpu.enqueue_indirect_dma source(%arg9 : memref<128x128xf32, #tpu.memory_space<vmem>>) target(%dma_start3A_91 : memref<10240x128xf32, #tpu.memory_space<vmem_shared>>) offsets(%dma_start3A_88 : memref<128xi32, #tpu.memory_space<vmem>>) semaphore(%arg14 : memref<!tpu.dma_semaphore, #tpu.memory_space<semaphore_mem>>) {add = true}
        %add3A_92 = arith.constant 1 : i32
        %add3A_93 = arith.addi %add3A_80, %add3A_92 : i32
        %dma_wait3A_94 = arith.constant 0 : i32
        %dma_wait3A_95 = tpu.memref_slice %arg7[%add3A_93, %dma_wait3A_94] : memref<40x128xi32, #tpu.memory_space<vmem>> -> memref<1x128xi32, #tpu.memory_space<vmem>>
        %dma_wait3A_96 = tpu.memref_squeeze %dma_wait3A_95 : memref<1x128xi32, #tpu.memory_space<vmem>> -> memref<128xi32, #tpu.memory_space<vmem>>
        %dma_wait3A_97 = arith.constant 0 : i32
        %dma_wait3A_98 = arith.constant 0 : i32
        %dma_wait3A_99 = tpu.memref_slice %arg2[%dma_wait3A_97, %dma_wait3A_98] : memref<10240x128xf32, #tpu.memory_space<hbm>> -> memref<10240x128xf32, #tpu.memory_space<hbm>>
        tpu.wait_indirect_dma semaphore(%arg13 : memref<!tpu.dma_semaphore, #tpu.memory_space<semaphore_mem>>) src(%dma_wait3A_99 : memref<10240x128xf32, #tpu.memory_space<hbm>>) dst(%arg10 : memref<128x128xf32, #tpu.memory_space<vmem>>)
        %dma_wait3A_100 = arith.constant 0 : i32
        %dma_wait3A_101 = tpu.memref_slice %arg8[%add3A_80, %dma_wait3A_100] : memref<40x128xi32, #tpu.memory_space<vmem>> -> memref<1x128xi32, #tpu.memory_space<vmem>>
        %dma_wait3A_102 = tpu.memref_squeeze %dma_wait3A_101 : memref<1x128xi32, #tpu.memory_space<vmem>> -> memref<128xi32, #tpu.memory_space<vmem>>
        %dma_wait3A_103 = arith.constant 0 : i32
        %dma_wait3A_104 = arith.constant 0 : i32
        %dma_wait3A_105 = tpu.memref_slice %arg11[%dma_wait3A_103, %dma_wait3A_104] : memref<10240x128xf32, #tpu.memory_space<vmem_shared>> -> memref<10240x128xf32, #tpu.memory_space<vmem_shared>>
        tpu.wait_indirect_dma semaphore(%arg14 : memref<!tpu.dma_semaphore, #tpu.memory_space<semaphore_mem>>) src(%arg9 : memref<128x128xf32, #tpu.memory_space<vmem>>) dst(%dma_wait3A_105 : memref<10240x128xf32, #tpu.memory_space<vmem_shared>>)
        %add3A_106 = arith.constant 2 : i32
        %add3A_107 = arith.addi %add3A_80, %add3A_106 : i32
        %lt3A = arith.constant 40 : i32
        %lt3A_108 = arith.cmpi slt, %add3A_107, %lt3A : i32
        %convert_element_type3A_109 = arith.extui %lt3A_108 : i1 to i32
        %cond3A_110 = arith.constant 0 : i32
        %cond3A_111 = arith.cmpi ne, %convert_element_type3A_109, %cond3A_110 : i32
        scf.if %cond3A_111 {
          %add3A_135 = arith.constant 2 : i32
          %add3A_136 = arith.addi %add3A_80, %add3A_135 : i32
          %dma_start3A_137 = arith.constant 0 : i32
          %dma_start3A_138 = tpu.memref_slice %arg7[%add3A_136, %dma_start3A_137] : memref<40x128xi32, #tpu.memory_space<vmem>> -> memref<1x128xi32, #tpu.memory_space<vmem>>
          %dma_start3A_139 = tpu.memref_squeeze %dma_start3A_138 : memref<1x128xi32, #tpu.memory_space<vmem>> -> memref<128xi32, #tpu.memory_space<vmem>>
          %dma_start3A_140 = arith.constant 0 : i32
          %dma_start3A_141 = arith.constant 0 : i32
          %dma_start3A_142 = tpu.memref_slice %arg2[%dma_start3A_140, %dma_start3A_141] : memref<10240x128xf32, #tpu.memory_space<hbm>> -> memref<10240x128xf32, #tpu.memory_space<hbm>>
          tpu.enqueue_indirect_dma source(%dma_start3A_142 : memref<10240x128xf32, #tpu.memory_space<hbm>>) target(%arg9 : memref<128x128xf32, #tpu.memory_space<vmem>>) offsets(%dma_start3A_139 : memref<128xi32, #tpu.memory_space<vmem>>) semaphore(%arg12 : memref<!tpu.dma_semaphore, #tpu.memory_space<semaphore_mem>>)
        } else {
        }
        %add3A_112 = arith.constant 1 : i32
        %add3A_113 = arith.addi %add3A_80, %add3A_112 : i32
        %dma_start3A_114 = arith.constant 0 : i32
        %dma_start3A_115 = tpu.memref_slice %arg8[%add3A_113, %dma_start3A_114] : memref<40x128xi32, #tpu.memory_space<vmem>> -> memref<1x128xi32, #tpu.memory_space<vmem>>
        %dma_start3A_116 = tpu.memref_squeeze %dma_start3A_115 : memref<1x128xi32, #tpu.memory_space<vmem>> -> memref<128xi32, #tpu.memory_space<vmem>>
        %dma_start3A_117 = arith.constant 0 : i32
        %dma_start3A_118 = arith.constant 0 : i32
        %dma_start3A_119 = tpu.memref_slice %arg11[%dma_start3A_117, %dma_start3A_118] : memref<10240x128xf32, #tpu.memory_space<vmem_shared>> -> memref<10240x128xf32, #tpu.memory_space<vmem_shared>>
        tpu.enqueue_indirect_dma source(%arg10 : memref<128x128xf32, #tpu.memory_space<vmem>>) target(%dma_start3A_119 : memref<10240x128xf32, #tpu.memory_space<vmem_shared>>) offsets(%dma_start3A_116 : memref<128xi32, #tpu.memory_space<vmem>>) semaphore(%arg15 : memref<!tpu.dma_semaphore, #tpu.memory_space<semaphore_mem>>) {add = true}
        %add3A_120 = arith.constant 1 : i32
        %add3A_121 = arith.addi %add3A_80, %add3A_120 : i32
        %dma_wait3A_122 = arith.constant 0 : i32
        %dma_wait3A_123 = tpu.memref_slice %arg8[%add3A_121, %dma_wait3A_122] : memref<40x128xi32, #tpu.memory_space<vmem>> -> memref<1x128xi32, #tpu.memory_space<vmem>>
        %dma_wait3A_124 = tpu.memref_squeeze %dma_wait3A_123 : memref<1x128xi32, #tpu.memory_space<vmem>> -> memref<128xi32, #tpu.memory_space<vmem>>
        %dma_wait3A_125 = arith.constant 0 : i32
        %dma_wait3A_126 = arith.constant 0 : i32
        %dma_wait3A_127 = tpu.memref_slice %arg11[%dma_wait3A_125, %dma_wait3A_126] : memref<10240x128xf32, #tpu.memory_space<vmem_shared>> -> memref<10240x128xf32, #tpu.memory_space<vmem_shared>>
        tpu.wait_indirect_dma semaphore(%arg15 : memref<!tpu.dma_semaphore, #tpu.memory_space<semaphore_mem>>) src(%arg10 : memref<128x128xf32, #tpu.memory_space<vmem>>) dst(%dma_wait3A_127 : memref<10240x128xf32, #tpu.memory_space<vmem_shared>>)
        %add3A_128 = arith.constant 3 : i32
        %add3A_129 = arith.addi %add3A_80, %add3A_128 : i32
        %lt3A_130 = arith.constant 40 : i32
        %lt3A_131 = arith.cmpi slt, %add3A_129, %lt3A_130 : i32
        %convert_element_type3A_132 = arith.extui %lt3A_131 : i1 to i32
        %cond3A_133 = arith.constant 0 : i32
        %cond3A_134 = arith.cmpi ne, %convert_element_type3A_132, %cond3A_133 : i32
        scf.if %cond3A_134 {
          %add3A_135 = arith.constant 3 : i32
          %add3A_136 = arith.addi %add3A_80, %add3A_135 : i32
          %dma_start3A_137 = arith.constant 0 : i32
          %dma_start3A_138 = tpu.memref_slice %arg7[%add3A_136, %dma_start3A_137] : memref<40x128xi32, #tpu.memory_space<vmem>> -> memref<1x128xi32, #tpu.memory_space<vmem>>
          %dma_start3A_139 = tpu.memref_squeeze %dma_start3A_138 : memref<1x128xi32, #tpu.memory_space<vmem>> -> memref<128xi32, #tpu.memory_space<vmem>>
          %dma_start3A_140 = arith.constant 0 : i32
          %dma_start3A_141 = arith.constant 0 : i32
          %dma_start3A_142 = tpu.memref_slice %arg2[%dma_start3A_140, %dma_start3A_141] : memref<10240x128xf32, #tpu.memory_space<hbm>> -> memref<10240x128xf32, #tpu.memory_space<hbm>>
          tpu.enqueue_indirect_dma source(%dma_start3A_142 : memref<10240x128xf32, #tpu.memory_space<hbm>>) target(%arg10 : memref<128x128xf32, #tpu.memory_space<vmem>>) offsets(%dma_start3A_139 : memref<128xi32, #tpu.memory_space<vmem>>) semaphore(%arg13 : memref<!tpu.dma_semaphore, #tpu.memory_space<semaphore_mem>>)
        } else {
        }
      }
      %scan3A_76 = arith.constant 20 : i32
    } else {
    }
    %eq3A_12 = arith.constant 1 : i32
    %eq3A_13 = arith.cmpi eq, %arg0, %eq3A_12 : i32
    %convert_element_type3A_14 = arith.extui %eq3A_13 : i1 to i32
    %cond3A_15 = arith.constant 0 : i32
    %cond3A_16 = arith.cmpi ne, %convert_element_type3A_14, %cond3A_15 : i32
    scf.if %cond3A_16 {
      "tpu.region"() ({
        %run_scoped3A = tpu.sem_alloc : memref<!tpu.dma_semaphore, #tpu.memory_space<semaphore_mem>>
        %dma_start3A_39 = arith.constant 0 : i32
        %dma_start3A_40 = arith.constant 0 : i32
        %dma_start3A_41 = tpu.memref_slice %arg7[%dma_start3A_39, %dma_start3A_40] : memref<40x128xi32, #tpu.memory_space<vmem>> -> memref<40x128xi32, #tpu.memory_space<vmem>>
        %dma_start3A_42 = arith.constant 120 : i32
        %dma_start3A_43 = arith.constant 0 : i32
        %dma_start3A_44 = tpu.memref_slice %arg4[%arg1, %dma_start3A_42, %dma_start3A_43] : memref<16x160x128xi32, #tpu.memory_space<hbm>> -> memref<1x40x128xi32, #tpu.memory_space<hbm>>
        %dma_start3A_45 = tpu.memref_squeeze %dma_start3A_44 : memref<1x40x128xi32, #tpu.memory_space<hbm>> -> memref<40x128xi32, #tpu.memory_space<hbm>>
        %dma_start3A_46 = arith.constant 0 : i32
        %dma_start3A_47 = arith.constant 0 : i32
        %dma_start3A_48 = tpu.memref_slice %arg7[%dma_start3A_46, %dma_start3A_47] : memref<40x128xi32, #tpu.memory_space<vmem>> -> memref<40x128xi32, #tpu.memory_space<vmem>>
        %dma_start3A_49 = arith.constant 120 : i32
        %dma_start3A_50 = arith.constant 0 : i32
        %dma_start3A_51 = tpu.memref_slice %arg4[%arg1, %dma_start3A_49, %dma_start3A_50] : memref<16x160x128xi32, #tpu.memory_space<hbm>> -> memref<1x40x128xi32, #tpu.memory_space<hbm>>
        %dma_start3A_52 = tpu.memref_squeeze %dma_start3A_51 : memref<1x40x128xi32, #tpu.memory_space<hbm>> -> memref<40x128xi32, #tpu.memory_space<hbm>>
        tpu.enqueue_dma source(%dma_start3A_52 : memref<40x128xi32, #tpu.memory_space<hbm>>) target(%dma_start3A_48 : memref<40x128xi32, #tpu.memory_space<vmem>>) target_semaphore(%run_scoped3A : memref<!tpu.dma_semaphore, #tpu.memory_space<semaphore_mem>>)
        %dma_wait3A = arith.constant 0 : i32
        %dma_wait3A_53 = arith.constant 0 : i32
        %dma_wait3A_54 = tpu.memref_slice %arg7[%dma_wait3A, %dma_wait3A_53] : memref<40x128xi32, #tpu.memory_space<vmem>> -> memref<40x128xi32, #tpu.memory_space<vmem>>
        %dma_wait3A_55 = arith.constant 120 : i32
        %dma_wait3A_56 = arith.constant 0 : i32
        %dma_wait3A_57 = tpu.memref_slice %arg4[%arg1, %dma_wait3A_55, %dma_wait3A_56] : memref<16x160x128xi32, #tpu.memory_space<hbm>> -> memref<1x40x128xi32, #tpu.memory_space<hbm>>
        %dma_wait3A_58 = tpu.memref_squeeze %dma_wait3A_57 : memref<1x40x128xi32, #tpu.memory_space<hbm>> -> memref<40x128xi32, #tpu.memory_space<hbm>>
        %dma_wait3A_59 = arith.constant 0 : i32
        %dma_wait3A_60 = arith.constant 0 : i32
        %dma_wait3A_61 = tpu.memref_slice %arg7[%dma_wait3A_59, %dma_wait3A_60] : memref<40x128xi32, #tpu.memory_space<vmem>> -> memref<40x128xi32, #tpu.memory_space<vmem>>
        %dma_wait3A_62 = arith.constant 120 : i32
        %dma_wait3A_63 = arith.constant 0 : i32
        %dma_wait3A_64 = tpu.memref_slice %arg4[%arg1, %dma_wait3A_62, %dma_wait3A_63] : memref<16x160x128xi32, #tpu.memory_space<hbm>> -> memref<1x40x128xi32, #tpu.memory_space<hbm>>
        %dma_wait3A_65 = tpu.memref_squeeze %dma_wait3A_64 : memref<1x40x128xi32, #tpu.memory_space<hbm>> -> memref<40x128xi32, #tpu.memory_space<hbm>>
        tpu.wait_dma2 semaphore(%run_scoped3A : memref<!tpu.dma_semaphore, #tpu.memory_space<semaphore_mem>>) src(%dma_wait3A_65 : memref<40x128xi32, #tpu.memory_space<hbm>>) dst(%dma_wait3A_61 : memref<40x128xi32, #tpu.memory_space<vmem>>)
        tpu.yield
      }) : () -> ()
      "tpu.region"() ({
        %run_scoped3A = tpu.sem_alloc : memref<!tpu.dma_semaphore, #tpu.memory_space<semaphore_mem>>
        %dma_start3A_39 = arith.constant 0 : i32
        %dma_start3A_40 = arith.constant 0 : i32
        %dma_start3A_41 = tpu.memref_slice %arg8[%dma_start3A_39, %dma_start3A_40] : memref<40x128xi32, #tpu.memory_space<vmem>> -> memref<40x128xi32, #tpu.memory_space<vmem>>
        %dma_start3A_42 = arith.constant 120 : i32
        %dma_start3A_43 = arith.constant 0 : i32
        %dma_start3A_44 = tpu.memref_slice %arg5[%arg1, %dma_start3A_42, %dma_start3A_43] : memref<16x160x128xi32, #tpu.memory_space<hbm>> -> memref<1x40x128xi32, #tpu.memory_space<hbm>>
        %dma_start3A_45 = tpu.memref_squeeze %dma_start3A_44 : memref<1x40x128xi32, #tpu.memory_space<hbm>> -> memref<40x128xi32, #tpu.memory_space<hbm>>
        %dma_start3A_46 = arith.constant 0 : i32
        %dma_start3A_47 = arith.constant 0 : i32
        %dma_start3A_48 = tpu.memref_slice %arg8[%dma_start3A_46, %dma_start3A_47] : memref<40x128xi32, #tpu.memory_space<vmem>> -> memref<40x128xi32, #tpu.memory_space<vmem>>
        %dma_start3A_49 = arith.constant 120 : i32
        %dma_start3A_50 = arith.constant 0 : i32
        %dma_start3A_51 = tpu.memref_slice %arg5[%arg1, %dma_start3A_49, %dma_start3A_50] : memref<16x160x128xi32, #tpu.memory_space<hbm>> -> memref<1x40x128xi32, #tpu.memory_space<hbm>>
        %dma_start3A_52 = tpu.memref_squeeze %dma_start3A_51 : memref<1x40x128xi32, #tpu.memory_space<hbm>> -> memref<40x128xi32, #tpu.memory_space<hbm>>
        tpu.enqueue_dma source(%dma_start3A_52 : memref<40x128xi32, #tpu.memory_space<hbm>>) target(%dma_start3A_48 : memref<40x128xi32, #tpu.memory_space<vmem>>) target_semaphore(%run_scoped3A : memref<!tpu.dma_semaphore, #tpu.memory_space<semaphore_mem>>)
        %dma_wait3A = arith.constant 0 : i32
        %dma_wait3A_53 = arith.constant 0 : i32
        %dma_wait3A_54 = tpu.memref_slice %arg8[%dma_wait3A, %dma_wait3A_53] : memref<40x128xi32, #tpu.memory_space<vmem>> -> memref<40x128xi32, #tpu.memory_space<vmem>>
        %dma_wait3A_55 = arith.constant 120 : i32
        %dma_wait3A_56 = arith.constant 0 : i32
        %dma_wait3A_57 = tpu.memref_slice %arg5[%arg1, %dma_wait3A_55, %dma_wait3A_56] : memref<16x160x128xi32, #tpu.memory_space<hbm>> -> memref<1x40x128xi32, #tpu.memory_space<hbm>>
        %dma_wait3A_58 = tpu.memref_squeeze %dma_wait3A_57 : memref<1x40x128xi32, #tpu.memory_space<hbm>> -> memref<40x128xi32, #tpu.memory_space<hbm>>
        %dma_wait3A_59 = arith.constant 0 : i32
        %dma_wait3A_60 = arith.constant 0 : i32
        %dma_wait3A_61 = tpu.memref_slice %arg8[%dma_wait3A_59, %dma_wait3A_60] : memref<40x128xi32, #tpu.memory_space<vmem>> -> memref<40x128xi32, #tpu.memory_space<vmem>>
        %dma_wait3A_62 = arith.constant 120 : i32
        %dma_wait3A_63 = arith.constant 0 : i32
        %dma_wait3A_64 = tpu.memref_slice %arg5[%arg1, %dma_wait3A_62, %dma_wait3A_63] : memref<16x160x128xi32, #tpu.memory_space<hbm>> -> memref<1x40x128xi32, #tpu.memory_space<hbm>>
        %dma_wait3A_65 = tpu.memref_squeeze %dma_wait3A_64 : memref<1x40x128xi32, #tpu.memory_space<hbm>> -> memref<40x128xi32, #tpu.memory_space<hbm>>
        tpu.wait_dma2 semaphore(%run_scoped3A : memref<!tpu.dma_semaphore, #tpu.memory_space<semaphore_mem>>) src(%dma_wait3A_65 : memref<40x128xi32, #tpu.memory_space<hbm>>) dst(%dma_wait3A_61 : memref<40x128xi32, #tpu.memory_space<vmem>>)
        tpu.yield
      }) : () -> ()
      %dma_start3A = arith.constant 0 : i32
      %dma_start3A_21 = arith.constant 0 : i32
      %dma_start3A_22 = tpu.memref_slice %arg7[%dma_start3A, %dma_start3A_21] : memref<40x128xi32, #tpu.memory_space<vmem>> -> memref<1x128xi32, #tpu.memory_space<vmem>>
      %dma_start3A_23 = tpu.memref_squeeze %dma_start3A_22 : memref<1x128xi32, #tpu.memory_space<vmem>> -> memref<128xi32, #tpu.memory_space<vmem>>
      %dma_start3A_24 = arith.constant 0 : i32
      %dma_start3A_25 = arith.constant 0 : i32
      %dma_start3A_26 = tpu.memref_slice %arg3[%dma_start3A_24, %dma_start3A_25] : memref<10240x128xf32, #tpu.memory_space<hbm>> -> memref<10240x128xf32, #tpu.memory_space<hbm>>
      tpu.enqueue_indirect_dma source(%dma_start3A_26 : memref<10240x128xf32, #tpu.memory_space<hbm>>) target(%arg9 : memref<128x128xf32, #tpu.memory_space<vmem>>) offsets(%dma_start3A_23 : memref<128xi32, #tpu.memory_space<vmem>>) semaphore(%arg12 : memref<!tpu.dma_semaphore, #tpu.memory_space<semaphore_mem>>)
      %dma_start3A_27 = arith.constant 1 : i32
      %dma_start3A_28 = arith.constant 0 : i32
      %dma_start3A_29 = tpu.memref_slice %arg7[%dma_start3A_27, %dma_start3A_28] : memref<40x128xi32, #tpu.memory_space<vmem>> -> memref<1x128xi32, #tpu.memory_space<vmem>>
      %dma_start3A_30 = tpu.memref_squeeze %dma_start3A_29 : memref<1x128xi32, #tpu.memory_space<vmem>> -> memref<128xi32, #tpu.memory_space<vmem>>
      %dma_start3A_31 = arith.constant 0 : i32
      %dma_start3A_32 = arith.constant 0 : i32
      %dma_start3A_33 = tpu.memref_slice %arg3[%dma_start3A_31, %dma_start3A_32] : memref<10240x128xf32, #tpu.memory_space<hbm>> -> memref<10240x128xf32, #tpu.memory_space<hbm>>
      tpu.enqueue_indirect_dma source(%dma_start3A_33 : memref<10240x128xf32, #tpu.memory_space<hbm>>) target(%arg10 : memref<128x128xf32, #tpu.memory_space<vmem>>) offsets(%dma_start3A_30 : memref<128xi32, #tpu.memory_space<vmem>>) semaphore(%arg13 : memref<!tpu.dma_semaphore, #tpu.memory_space<semaphore_mem>>)
      %scan3A_34 = arith.constant 0 : i32
      %scan3A_35 = arith.constant 20 : i32
      %scan3A_36 = arith.addi %scan3A_34, %scan3A_35 : i32
      %scan3A_37 = arith.constant 1 : i32
      scf.for %scan3A_39 = %scan3A_34 to %scan3A_36 step %scan3A_37  : i32 {
        %mul3A_40 = arith.constant 2 : i32
        %mul3A_41 = arith.muli %scan3A_39, %mul3A_40 : i32
        %add3A = arith.constant 0 : i32
        %add3A_42 = arith.addi %add3A, %mul3A_41 : i32
        %dma_wait3A = arith.constant 0 : i32
        %dma_wait3A_43 = tpu.memref_slice %arg7[%add3A_42, %dma_wait3A] : memref<40x128xi32, #tpu.memory_space<vmem>> -> memref<1x128xi32, #tpu.memory_space<vmem>>
        %dma_wait3A_44 = tpu.memref_squeeze %dma_wait3A_43 : memref<1x128xi32, #tpu.memory_space<vmem>> -> memref<128xi32, #tpu.memory_space<vmem>>
        %dma_wait3A_45 = arith.constant 0 : i32
        %dma_wait3A_46 = arith.constant 0 : i32
        %dma_wait3A_47 = tpu.memref_slice %arg3[%dma_wait3A_45, %dma_wait3A_46] : memref<10240x128xf32, #tpu.memory_space<hbm>> -> memref<10240x128xf32, #tpu.memory_space<hbm>>
        tpu.wait_indirect_dma semaphore(%arg12 : memref<!tpu.dma_semaphore, #tpu.memory_space<semaphore_mem>>) src(%dma_wait3A_47 : memref<10240x128xf32, #tpu.memory_space<hbm>>) dst(%arg9 : memref<128x128xf32, #tpu.memory_space<vmem>>)
        %dma_start3A_48 = arith.constant 0 : i32
        %dma_start3A_49 = tpu.memref_slice %arg8[%add3A_42, %dma_start3A_48] : memref<40x128xi32, #tpu.memory_space<vmem>> -> memref<1x128xi32, #tpu.memory_space<vmem>>
        %dma_start3A_50 = tpu.memref_squeeze %dma_start3A_49 : memref<1x128xi32, #tpu.memory_space<vmem>> -> memref<128xi32, #tpu.memory_space<vmem>>
        %dma_start3A_51 = arith.constant 0 : i32
        %dma_start3A_52 = arith.constant 0 : i32
        %dma_start3A_53 = tpu.memref_slice %arg11[%dma_start3A_51, %dma_start3A_52] : memref<10240x128xf32, #tpu.memory_space<vmem_shared>> -> memref<10240x128xf32, #tpu.memory_space<vmem_shared>>
        tpu.enqueue_indirect_dma source(%arg9 : memref<128x128xf32, #tpu.memory_space<vmem>>) target(%dma_start3A_53 : memref<10240x128xf32, #tpu.memory_space<vmem_shared>>) offsets(%dma_start3A_50 : memref<128xi32, #tpu.memory_space<vmem>>) semaphore(%arg14 : memref<!tpu.dma_semaphore, #tpu.memory_space<semaphore_mem>>) {add = true}
        %add3A_54 = arith.constant 1 : i32
        %add3A_55 = arith.addi %add3A_42, %add3A_54 : i32
        %dma_wait3A_56 = arith.constant 0 : i32
        %dma_wait3A_57 = tpu.memref_slice %arg7[%add3A_55, %dma_wait3A_56] : memref<40x128xi32, #tpu.memory_space<vmem>> -> memref<1x128xi32, #tpu.memory_space<vmem>>
        %dma_wait3A_58 = tpu.memref_squeeze %dma_wait3A_57 : memref<1x128xi32, #tpu.memory_space<vmem>> -> memref<128xi32, #tpu.memory_space<vmem>>
        %dma_wait3A_59 = arith.constant 0 : i32
        %dma_wait3A_60 = arith.constant 0 : i32
        %dma_wait3A_61 = tpu.memref_slice %arg3[%dma_wait3A_59, %dma_wait3A_60] : memref<10240x128xf32, #tpu.memory_space<hbm>> -> memref<10240x128xf32, #tpu.memory_space<hbm>>
        tpu.wait_indirect_dma semaphore(%arg13 : memref<!tpu.dma_semaphore, #tpu.memory_space<semaphore_mem>>) src(%dma_wait3A_61 : memref<10240x128xf32, #tpu.memory_space<hbm>>) dst(%arg10 : memref<128x128xf32, #tpu.memory_space<vmem>>)
        %dma_wait3A_62 = arith.constant 0 : i32
        %dma_wait3A_63 = tpu.memref_slice %arg8[%add3A_42, %dma_wait3A_62] : memref<40x128xi32, #tpu.memory_space<vmem>> -> memref<1x128xi32, #tpu.memory_space<vmem>>
        %dma_wait3A_64 = tpu.memref_squeeze %dma_wait3A_63 : memref<1x128xi32, #tpu.memory_space<vmem>> -> memref<128xi32, #tpu.memory_space<vmem>>
        %dma_wait3A_65 = arith.constant 0 : i32
        %dma_wait3A_66 = arith.constant 0 : i32
        %dma_wait3A_67 = tpu.memref_slice %arg11[%dma_wait3A_65, %dma_wait3A_66] : memref<10240x128xf32, #tpu.memory_space<vmem_shared>> -> memref<10240x128xf32, #tpu.memory_space<vmem_shared>>
        tpu.wait_indirect_dma semaphore(%arg14 : memref<!tpu.dma_semaphore, #tpu.memory_space<semaphore_mem>>) src(%arg9 : memref<128x128xf32, #tpu.memory_space<vmem>>) dst(%dma_wait3A_67 : memref<10240x128xf32, #tpu.memory_space<vmem_shared>>)
        %add3A_68 = arith.constant 2 : i32
        %add3A_69 = arith.addi %add3A_42, %add3A_68 : i32
        %lt3A = arith.constant 40 : i32
        %lt3A_70 = arith.cmpi slt, %add3A_69, %lt3A : i32
        %convert_element_type3A_71 = arith.extui %lt3A_70 : i1 to i32
        %cond3A_72 = arith.constant 0 : i32
        %cond3A_73 = arith.cmpi ne, %convert_element_type3A_71, %cond3A_72 : i32
        scf.if %cond3A_73 {
          %add3A_97 = arith.constant 2 : i32
          %add3A_98 = arith.addi %add3A_42, %add3A_97 : i32
          %dma_start3A_99 = arith.constant 0 : i32
          %dma_start3A_100 = tpu.memref_slice %arg7[%add3A_98, %dma_start3A_99] : memref<40x128xi32, #tpu.memory_space<vmem>> -> memref<1x128xi32, #tpu.memory_space<vmem>>
          %dma_start3A_101 = tpu.memref_squeeze %dma_start3A_100 : memref<1x128xi32, #tpu.memory_space<vmem>> -> memref<128xi32, #tpu.memory_space<vmem>>
          %dma_start3A_102 = arith.constant 0 : i32
          %dma_start3A_103 = arith.constant 0 : i32
          %dma_start3A_104 = tpu.memref_slice %arg3[%dma_start3A_102, %dma_start3A_103] : memref<10240x128xf32, #tpu.memory_space<hbm>> -> memref<10240x128xf32, #tpu.memory_space<hbm>>
          tpu.enqueue_indirect_dma source(%dma_start3A_104 : memref<10240x128xf32, #tpu.memory_space<hbm>>) target(%arg9 : memref<128x128xf32, #tpu.memory_space<vmem>>) offsets(%dma_start3A_101 : memref<128xi32, #tpu.memory_space<vmem>>) semaphore(%arg12 : memref<!tpu.dma_semaphore, #tpu.memory_space<semaphore_mem>>)
        } else {
        }
        %add3A_74 = arith.constant 1 : i32
        %add3A_75 = arith.addi %add3A_42, %add3A_74 : i32
        %dma_start3A_76 = arith.constant 0 : i32
        %dma_start3A_77 = tpu.memref_slice %arg8[%add3A_75, %dma_start3A_76] : memref<40x128xi32, #tpu.memory_space<vmem>> -> memref<1x128xi32, #tpu.memory_space<vmem>>
        %dma_start3A_78 = tpu.memref_squeeze %dma_start3A_77 : memref<1x128xi32, #tpu.memory_space<vmem>> -> memref<128xi32, #tpu.memory_space<vmem>>
        %dma_start3A_79 = arith.constant 0 : i32
        %dma_start3A_80 = arith.constant 0 : i32
        %dma_start3A_81 = tpu.memref_slice %arg11[%dma_start3A_79, %dma_start3A_80] : memref<10240x128xf32, #tpu.memory_space<vmem_shared>> -> memref<10240x128xf32, #tpu.memory_space<vmem_shared>>
        tpu.enqueue_indirect_dma source(%arg10 : memref<128x128xf32, #tpu.memory_space<vmem>>) target(%dma_start3A_81 : memref<10240x128xf32, #tpu.memory_space<vmem_shared>>) offsets(%dma_start3A_78 : memref<128xi32, #tpu.memory_space<vmem>>) semaphore(%arg15 : memref<!tpu.dma_semaphore, #tpu.memory_space<semaphore_mem>>) {add = true}
        %add3A_82 = arith.constant 1 : i32
        %add3A_83 = arith.addi %add3A_42, %add3A_82 : i32
        %dma_wait3A_84 = arith.constant 0 : i32
        %dma_wait3A_85 = tpu.memref_slice %arg8[%add3A_83, %dma_wait3A_84] : memref<40x128xi32, #tpu.memory_space<vmem>> -> memref<1x128xi32, #tpu.memory_space<vmem>>
        %dma_wait3A_86 = tpu.memref_squeeze %dma_wait3A_85 : memref<1x128xi32, #tpu.memory_space<vmem>> -> memref<128xi32, #tpu.memory_space<vmem>>
        %dma_wait3A_87 = arith.constant 0 : i32
        %dma_wait3A_88 = arith.constant 0 : i32
        %dma_wait3A_89 = tpu.memref_slice %arg11[%dma_wait3A_87, %dma_wait3A_88] : memref<10240x128xf32, #tpu.memory_space<vmem_shared>> -> memref<10240x128xf32, #tpu.memory_space<vmem_shared>>
        tpu.wait_indirect_dma semaphore(%arg15 : memref<!tpu.dma_semaphore, #tpu.memory_space<semaphore_mem>>) src(%arg10 : memref<128x128xf32, #tpu.memory_space<vmem>>) dst(%dma_wait3A_89 : memref<10240x128xf32, #tpu.memory_space<vmem_shared>>)
        %add3A_90 = arith.constant 3 : i32
        %add3A_91 = arith.addi %add3A_42, %add3A_90 : i32
        %lt3A_92 = arith.constant 40 : i32
        %lt3A_93 = arith.cmpi slt, %add3A_91, %lt3A_92 : i32
        %convert_element_type3A_94 = arith.extui %lt3A_93 : i1 to i32
        %cond3A_95 = arith.constant 0 : i32
        %cond3A_96 = arith.cmpi ne, %convert_element_type3A_94, %cond3A_95 : i32
        scf.if %cond3A_96 {
          %add3A_97 = arith.constant 3 : i32
          %add3A_98 = arith.addi %add3A_42, %add3A_97 : i32
          %dma_start3A_99 = arith.constant 0 : i32
          %dma_start3A_100 = tpu.memref_slice %arg7[%add3A_98, %dma_start3A_99] : memref<40x128xi32, #tpu.memory_space<vmem>> -> memref<1x128xi32, #tpu.memory_space<vmem>>
          %dma_start3A_101 = tpu.memref_squeeze %dma_start3A_100 : memref<1x128xi32, #tpu.memory_space<vmem>> -> memref<128xi32, #tpu.memory_space<vmem>>
          %dma_start3A_102 = arith.constant 0 : i32
          %dma_start3A_103 = arith.constant 0 : i32
          %dma_start3A_104 = tpu.memref_slice %arg3[%dma_start3A_102, %dma_start3A_103] : memref<10240x128xf32, #tpu.memory_space<hbm>> -> memref<10240x128xf32, #tpu.memory_space<hbm>>
          tpu.enqueue_indirect_dma source(%dma_start3A_104 : memref<10240x128xf32, #tpu.memory_space<hbm>>) target(%arg10 : memref<128x128xf32, #tpu.memory_space<vmem>>) offsets(%dma_start3A_101 : memref<128xi32, #tpu.memory_space<vmem>>) semaphore(%arg13 : memref<!tpu.dma_semaphore, #tpu.memory_space<semaphore_mem>>)
        } else {
        }
      }
      %scan3A_38 = arith.constant 20 : i32
    } else {
    }
    %barrier3A_17 = arith.constant 0 : index
    tpu.barrier barrier_id(%barrier3A_17)
    %mul3A = arith.constant 640 : i32
    %mul3A_18 = arith.muli %arg1, %mul3A : i32
    %mul3A_19 = arith.constant 640 : i32
    %mul3A_20 = arith.muli %arg1, %mul3A_19 : i32
    "tpu.region"() ({
      %run_scoped3A = tpu.sem_alloc : memref<!tpu.dma_semaphore, #tpu.memory_space<semaphore_mem>>
      %dma_start3A = arith.constant 0 : i32
      %dma_start3A_21 = tpu.memref_slice %arg6[%arg0, %mul3A_20, %dma_start3A] : memref<2x10240x128xf32, #tpu.memory_space<hbm>> -> memref<1x640x128xf32, #tpu.memory_space<hbm>>
      %dma_start3A_22 = tpu.memref_squeeze %dma_start3A_21 : memref<1x640x128xf32, #tpu.memory_space<hbm>> -> memref<640x128xf32, #tpu.memory_space<hbm>>
      %dma_start3A_23 = arith.constant 0 : i32
      %dma_start3A_24 = tpu.memref_slice %arg11[%mul3A_18, %dma_start3A_23] : memref<10240x128xf32, #tpu.memory_space<vmem_shared>> -> memref<640x128xf32, #tpu.memory_space<vmem_shared>>
      tpu.enqueue_dma source(%dma_start3A_24 : memref<640x128xf32, #tpu.memory_space<vmem_shared>>) target(%dma_start3A_22 : memref<640x128xf32, #tpu.memory_space<hbm>>) target_semaphore(%run_scoped3A : memref<!tpu.dma_semaphore, #tpu.memory_space<semaphore_mem>>)
      %dma_wait3A = arith.constant 0 : i32
      %dma_wait3A_25 = tpu.memref_slice %arg6[%arg0, %mul3A_20, %dma_wait3A] : memref<2x10240x128xf32, #tpu.memory_space<hbm>> -> memref<1x640x128xf32, #tpu.memory_space<hbm>>
      %dma_wait3A_26 = tpu.memref_squeeze %dma_wait3A_25 : memref<1x640x128xf32, #tpu.memory_space<hbm>> -> memref<640x128xf32, #tpu.memory_space<hbm>>
      %dma_wait3A_27 = arith.constant 0 : i32
      %dma_wait3A_28 = tpu.memref_slice %arg11[%mul3A_18, %dma_wait3A_27] : memref<10240x128xf32, #tpu.memory_space<vmem_shared>> -> memref<640x128xf32, #tpu.memory_space<vmem_shared>>
      tpu.wait_dma2 semaphore(%run_scoped3A : memref<!tpu.dma_semaphore, #tpu.memory_space<semaphore_mem>>) src(%dma_wait3A_28 : memref<640x128xf32, #tpu.memory_space<vmem_shared>>) dst(%dma_wait3A_26 : memref<640x128xf32, #tpu.memory_space<hbm>>)
      tpu.yield
    }) : () -> ()
    return
  }
}

module attributes {stable_mosaic.version = 14 : i64} {
  func.func @_t_first_body(%arg0: i32, %arg1: memref<512x128xf32, #tpu.memory_space<vmem>>, %arg2: memref<128x128xf32, #tpu.memory_space<vmem>>, %arg3: memref<512x128xf32, #tpu.memory_space<vmem>>, %arg4: memref<512x128xf32, #tpu.memory_space<vmem>>, %arg5: memref<512x128xf32, #tpu.memory_space<vmem>>, %arg6: memref<512x128xf32, #tpu.memory_space<vmem>>) attributes {dimension_semantics = [#tpu.dimension_semantics<arbitrary>], iteration_bounds = array<i64: 20>, scalar_prefetch = 0 : i64, scratch_operands = 0 : i64, tpu.core_type = #tpu.core_type<tc>, window_params = [{transform_indices = @transform_0, window_bounds = array<i64: 512, 128>}, {pipeline_mode = #tpu.pipeline_mode<synchronous>, transform_indices = @transform_1, window_bounds = array<i64: 128, 128>}, {transform_indices = @transform_2, window_bounds = array<i64: 512, 128>}, {transform_indices = @transform_3, window_bounds = array<i64: 512, 128>}, {transform_indices = @transform_4, window_bounds = array<i64: 512, 128>}, {transform_indices = @transform_5, window_bounds = array<i64: 512, 128>}]} {
    %get3A = arith.constant 0 : index
    %get3A_0 = arith.constant 0 : index
    %get3A_1 = vector.load %arg3[%get3A, %get3A_0] : memref<512x128xf32, #tpu.memory_space<vmem>>, vector<512x128xf32>
    %get3A_2 = arith.constant 0 : index
    %get3A_3 = arith.constant 0 : index
    %get3A_4 = vector.load %arg4[%get3A_2, %get3A_3] : memref<512x128xf32, #tpu.memory_space<vmem>>, vector<512x128xf32>
    %slice3A = vector.extract_strided_slice %get3A_1 {offsets = [0, 0], sizes = [512, 1], strides = [1, 1]} : vector<512x128xf32> to vector<512x1xf32>
    %slice3A_5 = vector.extract_strided_slice %get3A_4 {offsets = [0, 0], sizes = [512, 1], strides = [1, 1]} : vector<512x128xf32> to vector<512x1xf32>
    %add3A = arith.addf %slice3A, %slice3A_5 : vector<512x1xf32>
    %add3A_6 = arith.constant 1.000000e+00 : f32
    %add3A_7 = vector.broadcast %add3A_6 : f32 to vector<512x1xf32>
    %add3A_8 = arith.addf %add3A, %add3A_7 : vector<512x1xf32>
    %max3A = arith.constant 1.000000e+00 : f32
    %max3A_9 = vector.broadcast %max3A : f32 to vector<512x1xf32>
    %max3A_10 = arith.maximumf %add3A_8, %max3A_9 : vector<512x1xf32>
    %rsqrt3A = math.rsqrt %max3A_10 : vector<512x1xf32>
    %get3A_11 = arith.constant 0 : index
    %get3A_12 = arith.constant 0 : index
    %get3A_13 = vector.load %arg1[%get3A_11, %get3A_12] : memref<512x128xf32, #tpu.memory_space<vmem>>, vector<512x128xf32>
    %get3A_14 = arith.constant 0 : index
    %get3A_15 = arith.constant 0 : index
    %get3A_16 = vector.load %arg2[%get3A_14, %get3A_15] : memref<128x128xf32, #tpu.memory_space<vmem>>, vector<128x128xf32>
    %dot_general3A = arith.constant dense<0.000000e+00> : vector<512x128xf32>
    %dot_general3A_17 = tpu.matmul %get3A_13, %get3A_16, %dot_general3A {dimension_numbers = #tpu.dot_dimension_numbers<[1], [0], [0], [1], [0, 0, 1, 1], [], []>, precision = #tpu.contract_precision<fp32>, transpose_lhs_hint = false} : vector<512x128xf32>, vector<128x128xf32>, vector<512x128xf32> -> vector<512x128xf32>
    %mul3A = vector.broadcast %rsqrt3A : vector<512x1xf32> to vector<512x128xf32>
    %mul3A_18 = arith.mulf %dot_general3A_17, %mul3A : vector<512x128xf32>
    %swap3A = arith.constant 0 : index
    %swap3A_19 = arith.constant 0 : index
    %swap3A_20 = vector.load %arg5[%swap3A, %swap3A_19] : memref<512x128xf32, #tpu.memory_space<vmem>>, vector<512x128xf32>
    tpu.vector_store %arg5[%swap3A, %swap3A_19], %mul3A_18 {strides = array<i32>} : memref<512x128xf32, #tpu.memory_space<vmem>>, vector<512x128xf32>,
    %swap3A_21 = arith.constant 0 : index
    %swap3A_22 = arith.constant 0 : index
    %swap3A_23 = vector.load %arg6[%swap3A_21, %swap3A_22] : memref<512x128xf32, #tpu.memory_space<vmem>>, vector<512x128xf32>
    tpu.vector_store %arg6[%swap3A_21, %swap3A_22], %mul3A_18 {strides = array<i32>} : memref<512x128xf32, #tpu.memory_space<vmem>>, vector<512x128xf32>,
    return
  }
  func.func @transform_0(%arg0: i32) -> (i32, i32) {
    %c0_i32 = arith.constant 0 : i32
    %c0_i32_0 = arith.constant 0 : i32
    return %arg0, %c0_i32 : i32, i32
  }
  func.func @transform_1(%arg0: i32) -> (i32, i32) {
    %c0_i32 = arith.constant 0 : i32
    %c0_i32_0 = arith.constant 0 : i32
    %c0_i32_1 = arith.constant 0 : i32
    return %c0_i32, %c0_i32_0 : i32, i32
  }
  func.func @transform_2(%arg0: i32) -> (i32, i32) {
    %c0_i32 = arith.constant 0 : i32
    %c0_i32_0 = arith.constant 0 : i32
    return %arg0, %c0_i32 : i32, i32
  }
  func.func @transform_3(%arg0: i32) -> (i32, i32) {
    %c0_i32 = arith.constant 0 : i32
    %c0_i32_0 = arith.constant 0 : i32
    return %arg0, %c0_i32 : i32, i32
  }
  func.func @transform_4(%arg0: i32) -> (i32, i32) {
    %c0_i32 = arith.constant 0 : i32
    %c0_i32_0 = arith.constant 0 : i32
    return %arg0, %c0_i32 : i32, i32
  }
  func.func @transform_5(%arg0: i32) -> (i32, i32) {
    %c0_i32 = arith.constant 0 : i32
    %c0_i32_0 = arith.constant 0 : i32
    return %arg0, %c0_i32 : i32, i32
  }
}

module attributes {stable_mosaic.version = 14 : i64} {
  func.func @_t_mid_body(%arg0: i32, %arg1: memref<512x128xf32, #tpu.memory_space<vmem>>, %arg2: memref<512x128xf32, #tpu.memory_space<vmem>>, %arg3: memref<512x128xf32, #tpu.memory_space<vmem>>, %arg4: memref<512x128xf32, #tpu.memory_space<vmem>>, %arg5: memref<512x128xf32, #tpu.memory_space<vmem>>, %arg6: memref<1x128xf32, #tpu.memory_space<vmem>>, %arg7: memref<128x128xf32, #tpu.memory_space<vmem>>, %arg8: memref<512x128xf32, #tpu.memory_space<vmem>>, %arg9: memref<512x128xf32, #tpu.memory_space<vmem>>) attributes {dimension_semantics = [#tpu.dimension_semantics<arbitrary>], iteration_bounds = array<i64: 20>, scalar_prefetch = 0 : i64, scratch_operands = 0 : i64, tpu.core_type = #tpu.core_type<tc>, window_params = [{transform_indices = @transform_0, window_bounds = array<i64: 512, 128>}, {transform_indices = @transform_1, window_bounds = array<i64: 512, 128>}, {transform_indices = @transform_2, window_bounds = array<i64: 512, 128>}, {transform_indices = @transform_3, window_bounds = array<i64: 512, 128>}, {transform_indices = @transform_4, window_bounds = array<i64: 512, 128>}, {pipeline_mode = #tpu.pipeline_mode<synchronous>, transform_indices = @transform_5, window_bounds = array<i64: 1, 128>}, {pipeline_mode = #tpu.pipeline_mode<synchronous>, transform_indices = @transform_6, window_bounds = array<i64: 128, 128>}, {transform_indices = @transform_7, window_bounds = array<i64: 512, 128>}, {transform_indices = @transform_8, window_bounds = array<i64: 512, 128>}]} {
    %get3A = arith.constant 0 : index
    %get3A_0 = arith.constant 0 : index
    %get3A_1 = vector.load %arg4[%get3A, %get3A_0] : memref<512x128xf32, #tpu.memory_space<vmem>>, vector<512x128xf32>
    %get3A_2 = arith.constant 0 : index
    %get3A_3 = arith.constant 0 : index
    %get3A_4 = vector.load %arg5[%get3A_2, %get3A_3] : memref<512x128xf32, #tpu.memory_space<vmem>>, vector<512x128xf32>
    %slice3A = vector.extract_strided_slice %get3A_1 {offsets = [0, 0], sizes = [512, 1], strides = [1, 1]} : vector<512x128xf32> to vector<512x1xf32>
    %slice3A_5 = vector.extract_strided_slice %get3A_4 {offsets = [0, 0], sizes = [512, 1], strides = [1, 1]} : vector<512x128xf32> to vector<512x1xf32>
    %add3A = arith.addf %slice3A, %slice3A_5 : vector<512x1xf32>
    %add3A_6 = arith.constant 1.000000e+00 : f32
    %add3A_7 = vector.broadcast %add3A_6 : f32 to vector<512x1xf32>
    %add3A_8 = arith.addf %add3A, %add3A_7 : vector<512x1xf32>
    %max3A = arith.constant 1.000000e+00 : f32
    %max3A_9 = vector.broadcast %max3A : f32 to vector<512x1xf32>
    %max3A_10 = arith.maximumf %add3A_8, %max3A_9 : vector<512x1xf32>
    %rsqrt3A = math.rsqrt %max3A_10 : vector<512x1xf32>
    %get3A_11 = arith.constant 0 : index
    %get3A_12 = arith.constant 0 : index
    %get3A_13 = vector.load %arg1[%get3A_11, %get3A_12] : memref<512x128xf32, #tpu.memory_space<vmem>>, vector<512x128xf32>
    %get3A_14 = arith.constant 0 : index
    %get3A_15 = arith.constant 0 : index
    %get3A_16 = vector.load %arg2[%get3A_14, %get3A_15] : memref<512x128xf32, #tpu.memory_space<vmem>>, vector<512x128xf32>
    %add3A_17 = arith.addf %get3A_13, %get3A_16 : vector<512x128xf32>
    %get3A_18 = arith.constant 0 : index
    %get3A_19 = arith.constant 0 : index
    %get3A_20 = vector.load %arg3[%get3A_18, %get3A_19] : memref<512x128xf32, #tpu.memory_space<vmem>>, vector<512x128xf32>
    %add3A_21 = arith.addf %add3A_17, %get3A_20 : vector<512x128xf32>
    %mul3A = vector.broadcast %rsqrt3A : vector<512x1xf32> to vector<512x128xf32>
    %mul3A_22 = arith.mulf %mul3A, %add3A_21 : vector<512x128xf32>
    %get3A_23 = arith.constant 0 : index
    %get3A_24 = arith.constant 0 : index
    %get3A_25 = vector.load %arg6[%get3A_23, %get3A_24] : memref<1x128xf32, #tpu.memory_space<vmem>>, vector<1x128xf32>
    %add3A_26 = vector.broadcast %get3A_25 : vector<1x128xf32> to vector<512x128xf32>
    %add3A_27 = arith.addf %mul3A_22, %add3A_26 : vector<512x128xf32>
    %max3A_28 = arith.constant 0.000000e+00 : f32
    %max3A_29 = vector.broadcast %max3A_28 : f32 to vector<512x128xf32>
    %max3A_30 = arith.maximumf %add3A_27, %max3A_29 : vector<512x128xf32>
    %get3A_31 = arith.constant 0 : index
    %get3A_32 = arith.constant 0 : index
    %get3A_33 = vector.load %arg7[%get3A_31, %get3A_32] : memref<128x128xf32, #tpu.memory_space<vmem>>, vector<128x128xf32>
    %dot_general3A = arith.constant dense<0.000000e+00> : vector<512x128xf32>
    %dot_general3A_34 = tpu.matmul %max3A_30, %get3A_33, %dot_general3A {dimension_numbers = #tpu.dot_dimension_numbers<[1], [0], [0], [1], [0, 0, 1, 1], [], []>, precision = #tpu.contract_precision<fp32>, transpose_lhs_hint = false} : vector<512x128xf32>, vector<128x128xf32>, vector<512x128xf32> -> vector<512x128xf32>
    %mul3A_35 = vector.broadcast %rsqrt3A : vector<512x1xf32> to vector<512x128xf32>
    %mul3A_36 = arith.mulf %dot_general3A_34, %mul3A_35 : vector<512x128xf32>
    %swap3A = arith.constant 0 : index
    %swap3A_37 = arith.constant 0 : index
    %swap3A_38 = vector.load %arg8[%swap3A, %swap3A_37] : memref<512x128xf32, #tpu.memory_space<vmem>>, vector<512x128xf32>
    tpu.vector_store %arg8[%swap3A, %swap3A_37], %mul3A_36 {strides = array<i32>} : memref<512x128xf32, #tpu.memory_space<vmem>>, vector<512x128xf32>,
    %swap3A_39 = arith.constant 0 : index
    %swap3A_40 = arith.constant 0 : index
    %swap3A_41 = vector.load %arg9[%swap3A_39, %swap3A_40] : memref<512x128xf32, #tpu.memory_space<vmem>>, vector<512x128xf32>
    tpu.vector_store %arg9[%swap3A_39, %swap3A_40], %mul3A_36 {strides = array<i32>} : memref<512x128xf32, #tpu.memory_space<vmem>>, vector<512x128xf32>,
    return
  }
  func.func @transform_0(%arg0: i32) -> (i32, i32) {
    %c0_i32 = arith.constant 0 : i32
    %c0_i32_0 = arith.constant 0 : i32
    return %arg0, %c0_i32 : i32, i32
  }
  func.func @transform_1(%arg0: i32) -> (i32, i32) {
    %c0_i32 = arith.constant 0 : i32
    %c0_i32_0 = arith.constant 0 : i32
    return %arg0, %c0_i32 : i32, i32
  }
  func.func @transform_2(%arg0: i32) -> (i32, i32) {
    %c0_i32 = arith.constant 0 : i32
    %c0_i32_0 = arith.constant 0 : i32
    return %arg0, %c0_i32 : i32, i32
  }
  func.func @transform_3(%arg0: i32) -> (i32, i32) {
    %c0_i32 = arith.constant 0 : i32
    %c0_i32_0 = arith.constant 0 : i32
    return %arg0, %c0_i32 : i32, i32
  }
  func.func @transform_4(%arg0: i32) -> (i32, i32) {
    %c0_i32 = arith.constant 0 : i32
    %c0_i32_0 = arith.constant 0 : i32
    return %arg0, %c0_i32 : i32, i32
  }
  func.func @transform_5(%arg0: i32) -> (i32, i32) {
    %c0_i32 = arith.constant 0 : i32
    %c0_i32_0 = arith.constant 0 : i32
    %c0_i32_1 = arith.constant 0 : i32
    return %c0_i32, %c0_i32_0 : i32, i32
  }
  func.func @transform_6(%arg0: i32) -> (i32, i32) {
    %c0_i32 = arith.constant 0 : i32
    %c0_i32_0 = arith.constant 0 : i32
    %c0_i32_1 = arith.constant 0 : i32
    return %c0_i32, %c0_i32_0 : i32, i32
  }
  func.func @transform_7(%arg0: i32) -> (i32, i32) {
    %c0_i32 = arith.constant 0 : i32
    %c0_i32_0 = arith.constant 0 : i32
    return %arg0, %c0_i32 : i32, i32
  }
  func.func @transform_8(%arg0: i32) -> (i32, i32) {
    %c0_i32 = arith.constant 0 : i32
    %c0_i32_0 = arith.constant 0 : i32
    return %arg0, %c0_i32 : i32, i32
  }
}

module attributes {stable_mosaic.version = 14 : i64} {
  func.func @_t_final_body(%arg0: i32, %arg1: memref<512x128xf32, #tpu.memory_space<vmem>>, %arg2: memref<512x128xf32, #tpu.memory_space<vmem>>, %arg3: memref<512x128xf32, #tpu.memory_space<vmem>>, %arg4: memref<512x128xf32, #tpu.memory_space<vmem>>, %arg5: memref<512x128xf32, #tpu.memory_space<vmem>>, %arg6: memref<1x128xf32, #tpu.memory_space<vmem>>, %arg7: memref<1x512xf32, #tpu.memory_space<vmem>>, %arg8: memref<128x64xf32, #tpu.memory_space<vmem>>, %arg9: memref<1x64xf32, #tpu.memory_space<vmem>>, %arg10: memref<16x64xf32, #tpu.memory_space<vmem>>, %arg11: memref<16x128xf32, #tpu.memory_space<vmem>>, %arg12: memref<16x1xf32, #tpu.memory_space<vmem>>) attributes {dimension_semantics = [#tpu.dimension_semantics<arbitrary>], iteration_bounds = array<i64: 20>, scalar_prefetch = 0 : i64, scratch_operands = 2 : i64, tpu.core_type = #tpu.core_type<tc>, window_params = [{transform_indices = @transform_0, window_bounds = array<i64: 512, 128>}, {transform_indices = @transform_1, window_bounds = array<i64: 512, 128>}, {transform_indices = @transform_2, window_bounds = array<i64: 512, 128>}, {transform_indices = @transform_3, window_bounds = array<i64: 512, 128>}, {transform_indices = @transform_4, window_bounds = array<i64: 512, 128>}, {pipeline_mode = #tpu.pipeline_mode<synchronous>, transform_indices = @transform_5, window_bounds = array<i64: 1, 128>}, {transform_indices = @transform_6, window_bounds = array<i64: 1, 512>}, {pipeline_mode = #tpu.pipeline_mode<synchronous>, transform_indices = @transform_7, window_bounds = array<i64: 128, 64>}, {pipeline_mode = #tpu.pipeline_mode<synchronous>, transform_indices = @transform_8, window_bounds = array<i64: 1, 64>}, {pipeline_mode = #tpu.pipeline_mode<synchronous>, transform_indices = @transform_9, window_bounds = array<i64: 16, 64>}]} {
    %eq3A = arith.constant 0 : i32
    %eq3A_0 = arith.cmpi eq, %arg0, %eq3A : i32
    %convert_element_type3A = arith.extui %eq3A_0 : i1 to i32
    %cond3A = arith.constant 0 : i32
    %cond3A_1 = arith.cmpi ne, %convert_element_type3A, %cond3A : i32
    scf.if %cond3A_1 {
      %broadcast_in_dim3A_61 = arith.constant 0.000000e+00 : f32
      %broadcast_in_dim3A_62 = vector.broadcast %broadcast_in_dim3A_61 : f32 to vector<16x128xf32>
      %swap3A_63 = arith.constant 0 : index
      %swap3A_64 = arith.constant 0 : index
      %swap3A_65 = vector.load %arg11[%swap3A_63, %swap3A_64] : memref<16x128xf32, #tpu.memory_space<vmem>>, vector<16x128xf32>
      tpu.vector_store %arg11[%swap3A_63, %swap3A_64], %broadcast_in_dim3A_62 {strides = array<i32>} : memref<16x128xf32, #tpu.memory_space<vmem>>, vector<16x128xf32>,
      %broadcast_in_dim3A_66 = arith.constant 0.000000e+00 : f32
      %broadcast_in_dim3A_67 = vector.broadcast %broadcast_in_dim3A_66 : f32 to vector<16x1xf32>
      %swap3A_68 = arith.constant 0 : index
      %swap3A_69 = arith.constant 0 : index
      %swap3A_70 = vector.load %arg12[%swap3A_68, %swap3A_69] : memref<16x1xf32, #tpu.memory_space<vmem>>, vector<16x1xf32>
      tpu.vector_store %arg12[%swap3A_68, %swap3A_69], %broadcast_in_dim3A_67 {strides = array<i32>} : memref<16x1xf32, #tpu.memory_space<vmem>>, vector<16x1xf32>,
    } else {
    }
    %get3A = arith.constant 0 : index
    %get3A_2 = arith.constant 0 : index
    %get3A_3 = vector.load %arg4[%get3A, %get3A_2] : memref<512x128xf32, #tpu.memory_space<vmem>>, vector<512x128xf32>
    %get3A_4 = arith.constant 0 : index
    %get3A_5 = arith.constant 0 : index
    %get3A_6 = vector.load %arg5[%get3A_4, %get3A_5] : memref<512x128xf32, #tpu.memory_space<vmem>>, vector<512x128xf32>
    %slice3A = vector.extract_strided_slice %get3A_3 {offsets = [0, 0], sizes = [512, 1], strides = [1, 1]} : vector<512x128xf32> to vector<512x1xf32>
    %slice3A_7 = vector.extract_strided_slice %get3A_6 {offsets = [0, 0], sizes = [512, 1], strides = [1, 1]} : vector<512x128xf32> to vector<512x1xf32>
    %add3A = arith.addf %slice3A, %slice3A_7 : vector<512x1xf32>
    %add3A_8 = arith.constant 1.000000e+00 : f32
    %add3A_9 = vector.broadcast %add3A_8 : f32 to vector<512x1xf32>
    %add3A_10 = arith.addf %add3A, %add3A_9 : vector<512x1xf32>
    %max3A = arith.constant 1.000000e+00 : f32
    %max3A_11 = vector.broadcast %max3A : f32 to vector<512x1xf32>
    %max3A_12 = arith.maximumf %add3A_10, %max3A_11 : vector<512x1xf32>
    %rsqrt3A = math.rsqrt %max3A_12 : vector<512x1xf32>
    %get3A_13 = arith.constant 0 : index
    %get3A_14 = arith.constant 0 : index
    %get3A_15 = vector.load %arg1[%get3A_13, %get3A_14] : memref<512x128xf32, #tpu.memory_space<vmem>>, vector<512x128xf32>
    %get3A_16 = arith.constant 0 : index
    %get3A_17 = arith.constant 0 : index
    %get3A_18 = vector.load %arg2[%get3A_16, %get3A_17] : memref<512x128xf32, #tpu.memory_space<vmem>>, vector<512x128xf32>
    %add3A_19 = arith.addf %get3A_15, %get3A_18 : vector<512x128xf32>
    %get3A_20 = arith.constant 0 : index
    %get3A_21 = arith.constant 0 : index
    %get3A_22 = vector.load %arg3[%get3A_20, %get3A_21] : memref<512x128xf32, #tpu.memory_space<vmem>>, vector<512x128xf32>
    %add3A_23 = arith.addf %add3A_19, %get3A_22 : vector<512x128xf32>
    %mul3A = vector.broadcast %rsqrt3A : vector<512x1xf32> to vector<512x128xf32>
    %mul3A_24 = arith.mulf %mul3A, %add3A_23 : vector<512x128xf32>
    %get3A_25 = arith.constant 0 : index
    %get3A_26 = arith.constant 0 : index
    %get3A_27 = vector.load %arg6[%get3A_25, %get3A_26] : memref<1x128xf32, #tpu.memory_space<vmem>>, vector<1x128xf32>
    %add3A_28 = vector.broadcast %get3A_27 : vector<1x128xf32> to vector<512x128xf32>
    %add3A_29 = arith.addf %mul3A_24, %add3A_28 : vector<512x128xf32>
    %max3A_30 = arith.constant 0.000000e+00 : f32
    %max3A_31 = vector.broadcast %max3A_30 : f32 to vector<512x128xf32>
    %max3A_32 = arith.maximumf %add3A_29, %max3A_31 : vector<512x128xf32>
    %iota3A = tpu.iota {dimensions = array<i32: 0>} : vector<16x512xi32>
    %convert_element_type3A_33 = arith.sitofp %iota3A : vector<16x512xi32> to vector<16x512xf32>
    %get3A_34 = arith.constant 0 : index
    %get3A_35 = arith.constant 0 : index
    %get3A_36 = vector.load %arg7[%get3A_34, %get3A_35] : memref<1x512xf32, #tpu.memory_space<vmem>>, vector<1x512xf32>
    %eq3A_37 = vector.broadcast %get3A_36 : vector<1x512xf32> to vector<16x512xf32>
    %eq3A_38 = arith.cmpf oeq, %convert_element_type3A_33, %eq3A_37 : vector<16x512xf32>
    %convert_element_type3A_39 = arith.extui %eq3A_38 : vector<16x512xi1> to vector<16x512xi32>
    %convert_element_type3A_40 = arith.sitofp %convert_element_type3A_39 : vector<16x512xi32> to vector<16x512xf32>
    %get3A_41 = arith.constant 0 : index
    %get3A_42 = arith.constant 0 : index
    %get3A_43 = vector.load %arg11[%get3A_41, %get3A_42] : memref<16x128xf32, #tpu.memory_space<vmem>>, vector<16x128xf32>
    %dot_general3A = arith.constant dense<0.000000e+00> : vector<16x128xf32>
    %dot_general3A_44 = tpu.matmul %convert_element_type3A_40, %max3A_32, %dot_general3A {dimension_numbers = #tpu.dot_dimension_numbers<[1], [0], [0], [1], [0, 0, 1, 1], [], []>, precision = #tpu.contract_precision<fp32>, transpose_lhs_hint = false} : vector<16x512xf32>, vector<512x128xf32>, vector<16x128xf32> -> vector<16x128xf32>
    %add3A_45 = arith.addf %get3A_43, %dot_general3A_44 : vector<16x128xf32>
    %swap3A = arith.constant 0 : index
    %swap3A_46 = arith.constant 0 : index
    %swap3A_47 = vector.load %arg11[%swap3A, %swap3A_46] : memref<16x128xf32, #tpu.memory_space<vmem>>, vector<16x128xf32>
    tpu.vector_store %arg11[%swap3A, %swap3A_46], %add3A_45 {strides = array<i32>} : memref<16x128xf32, #tpu.memory_space<vmem>>, vector<16x128xf32>,
    %get3A_48 = arith.constant 0 : index
    %get3A_49 = arith.constant 0 : index
    %get3A_50 = vector.load %arg12[%get3A_48, %get3A_49] : memref<16x1xf32, #tpu.memory_space<vmem>>, vector<16x1xf32>
    %reduce_sum3A = arith.constant dense<0.000000e+00> : vector<16xf32>
    %reduce_sum3A_51 = vector.multi_reduction <add>, %convert_element_type3A_40, %reduce_sum3A [1] : vector<16x512xf32> to vector<16xf32>
    %broadcast_in_dim3A = vector.shape_cast %reduce_sum3A_51 : vector<16xf32> to vector<16x1xf32>
    %add3A_52 = arith.addf %get3A_50, %broadcast_in_dim3A : vector<16x1xf32>
    %swap3A_53 = arith.constant 0 : index
    %swap3A_54 = arith.constant 0 : index
    %swap3A_55 = vector.load %arg12[%swap3A_53, %swap3A_54] : memref<16x1xf32, #tpu.memory_space<vmem>>, vector<16x1xf32>
    tpu.vector_store %arg12[%swap3A_53, %swap3A_54], %add3A_52 {strides = array<i32>} : memref<16x1xf32, #tpu.memory_space<vmem>>, vector<16x1xf32>,
    %eq3A_56 = arith.constant 19 : i32
    %eq3A_57 = arith.cmpi eq, %arg0, %eq3A_56 : i32
    %convert_element_type3A_58 = arith.extui %eq3A_57 : i1 to i32
    %cond3A_59 = arith.constant 0 : i32
    %cond3A_60 = arith.cmpi ne, %convert_element_type3A_58, %cond3A_59 : i32
    scf.if %cond3A_60 {
      %get3A_61 = arith.constant 0 : index
      %get3A_62 = arith.constant 0 : index
      %get3A_63 = vector.load %arg11[%get3A_61, %get3A_62] : memref<16x128xf32, #tpu.memory_space<vmem>>, vector<16x128xf32>
      %get3A_64 = arith.constant 0 : index
      %get3A_65 = arith.constant 0 : index
      %get3A_66 = vector.load %arg12[%get3A_64, %get3A_65] : memref<16x1xf32, #tpu.memory_space<vmem>>, vector<16x1xf32>
      %max3A_67 = arith.constant 1.000000e+00 : f32
      %max3A_68 = vector.broadcast %max3A_67 : f32 to vector<16x1xf32>
      %max3A_69 = arith.maximumf %get3A_66, %max3A_68 : vector<16x1xf32>
      %div3A = vector.broadcast %max3A_69 : vector<16x1xf32> to vector<16x128xf32>
      %div3A_70 = arith.divf %get3A_63, %div3A : vector<16x128xf32>
      %get3A_71 = arith.constant 0 : index
      %get3A_72 = arith.constant 0 : index
      %get3A_73 = vector.load %arg8[%get3A_71, %get3A_72] : memref<128x64xf32, #tpu.memory_space<vmem>>, vector<128x64xf32>
      %dot_general3A_74 = arith.constant dense<0.000000e+00> : vector<16x64xf32>
      %dot_general3A_75 = tpu.matmul %div3A_70, %get3A_73, %dot_general3A_74 {dimension_numbers = #tpu.dot_dimension_numbers<[1], [0], [0], [1], [0, 0, 1, 1], [], []>, precision = #tpu.contract_precision<fp32>, transpose_lhs_hint = false} : vector<16x128xf32>, vector<128x64xf32>, vector<16x64xf32> -> vector<16x64xf32>
      %get3A_76 = arith.constant 0 : index
      %get3A_77 = arith.constant 0 : index
      %get3A_78 = vector.load %arg9[%get3A_76, %get3A_77] : memref<1x64xf32, #tpu.memory_space<vmem>>, vector<1x64xf32>
      %add3A_79 = vector.broadcast %get3A_78 : vector<1x64xf32> to vector<16x64xf32>
      %add3A_80 = arith.addf %dot_general3A_75, %add3A_79 : vector<16x64xf32>
      %swap3A_81 = arith.constant 0 : index
      %swap3A_82 = arith.constant 0 : index
      %swap3A_83 = vector.load %arg10[%swap3A_81, %swap3A_82] : memref<16x64xf32, #tpu.memory_space<vmem>>, vector<16x64xf32>
      tpu.vector_store %arg10[%swap3A_81, %swap3A_82], %add3A_80 {strides = array<i32>} : memref<16x64xf32, #tpu.memory_space<vmem>>, vector<16x64xf32>,
    } else {
    }
    return
  }
  func.func @transform_0(%arg0: i32) -> (i32, i32) {
    %c0_i32 = arith.constant 0 : i32
    %c0_i32_0 = arith.constant 0 : i32
    return %arg0, %c0_i32 : i32, i32
  }
  func.func @transform_1(%arg0: i32) -> (i32, i32) {
    %c0_i32 = arith.constant 0 : i32
    %c0_i32_0 = arith.constant 0 : i32
    return %arg0, %c0_i32 : i32, i32
  }
  func.func @transform_2(%arg0: i32) -> (i32, i32) {
    %c0_i32 = arith.constant 0 : i32
    %c0_i32_0 = arith.constant 0 : i32
    return %arg0, %c0_i32 : i32, i32
  }
  func.func @transform_3(%arg0: i32) -> (i32, i32) {
    %c0_i32 = arith.constant 0 : i32
    %c0_i32_0 = arith.constant 0 : i32
    return %arg0, %c0_i32 : i32, i32
  }
  func.func @transform_4(%arg0: i32) -> (i32, i32) {
    %c0_i32 = arith.constant 0 : i32
    %c0_i32_0 = arith.constant 0 : i32
    return %arg0, %c0_i32 : i32, i32
  }
  func.func @transform_5(%arg0: i32) -> (i32, i32) {
    %c0_i32 = arith.constant 0 : i32
    %c0_i32_0 = arith.constant 0 : i32
    %c0_i32_1 = arith.constant 0 : i32
    return %c0_i32, %c0_i32_0 : i32, i32
  }
  func.func @transform_6(%arg0: i32) -> (i32, i32) {
    %c0_i32 = arith.constant 0 : i32
    %c0_i32_0 = arith.constant 0 : i32
    return %c0_i32, %arg0 : i32, i32
  }
  func.func @transform_7(%arg0: i32) -> (i32, i32) {
    %c0_i32 = arith.constant 0 : i32
    %c0_i32_0 = arith.constant 0 : i32
    %c0_i32_1 = arith.constant 0 : i32
    return %c0_i32, %c0_i32_0 : i32, i32
  }
  func.func @transform_8(%arg0: i32) -> (i32, i32) {
    %c0_i32 = arith.constant 0 : i32
    %c0_i32_0 = arith.constant 0 : i32
    %c0_i32_1 = arith.constant 0 : i32
    return %c0_i32, %c0_i32_0 : i32, i32
  }
  func.func @transform_9(%arg0: i32) -> (i32, i32) {
    %c0_i32 = arith.constant 0 : i32
    %c0_i32_0 = arith.constant 0 : i32
    %c0_i32_1 = arith.constant 0 : i32
    return %c0_i32, %c0_i32_0 : i32, i32
  }
}

</mosaic_0001>

<sc_bundles>
// kernel: kernel.10.cloned.1.call-start
scs
__scs_entry_jumppad:
0x0: {  	(pc) =	sbr.rel $0x88, $3  }
0x1: {  	(tag) =	ssettag $0x0;
	lr =	simm.s32 $0x1  }
0x2: {  	[smem:$0x3F96] =	sst lr;
	_ =	strace $0xD0000000  }
0x3: {  	_ = 	snop  }
0x4: {  	_ = 	snop  }
0x5: {  	_ = 	snop  }
0x6: {  	_ = 	snop  }
0x7: {  	_ = 	snop  }
__scs_overlays_trampoline_lowered:
0x8: {  	[smem:$0x3FA5] =	sst s0  }
0x9: {  	[smem:$0x3FA6] =	sst s1  }
0xa: {  	[smem:$0x3FA7] =	sst s2  }
0xb: {  	[smem:$0x3FA8] =	sst s3  }
0xc: {  	[smem:$0x3FA9] =	sst s4  }
0xd: {  	[smem:$0x3FAA] =	sst s5  }
0xe: {  	[smem:$0x3FAB] =	sst s6  }
0xf: {  	[smem:$0x3FAC] =	sst s7  }
0x10: {  	[smem:$0x3FAD] =	sst s8  }
0x11: {  	[smem:$0x3FAE] =	sst s9;
	s0 =	simm.s32 @!p0 $0x0  }
0x12: {  	s1 =	sld [smem:$0x3F94];
	s0 =	simm.s32 @p0 $0x1  }
0x13: {  	[smem:$0x3FAF] =	sst s0;
	s0 =	simm.s32 @!p1 $0x0  }
0x14: {  	s2 =	sld [smem:$0x3F93];
	s0 =	simm.s32 @p1 $0x1  }
0x15: {  	[smem:$0x3FB0] =	sst s0;
	s0 =	simm.s32 @!p2 $0x0  }
0x16: {  	s3 =	sld [smem:$0x3FDB];
	s0 =	simm.s32 @p2 $0x1  }
0x17: {  	s4 =	simm.s32 $0x1BF5;
	[smem:$0x3FB2] =	sst s0  }
0x18: {  	s0 =	sld [smem:$0x3F95];
	_ =	swait.ge [sflag:s4], $0x0  }
0x19: {  	s7 =	sld [smem:$0x3F96]  }
0x1a: {  	s8 =	sadd.s32 $0xFFFFE003, lr  }
0x1b: {  	s9 =	sadd.s32 $0xFFFFFEF7, lr;
	s5 =	simm.s32 $0xFFFFFFFF;
	p2 =	slt.u32 s8, $0xFFFFF086  }
0x1c: {  	p1 =	slt.u32 s9, $0xF7A;
	s5 =	simm.s32 @!p2 $0x0  }
0x1d: {  	s5 =	simm.s32 @p1 $0x1;
	p0 =	seq.s32 s7, s2  }
0x1e: {  	s7 =	smul.u32 @!p0 $0xF7A, s2;
	p2 =	seq.s32 @!p0 s5, $0x0  }
0x1f: {  	s9 =	smul.u32 $0xF7A, s1;
	s8 =	simm.s32 @!p0 $0x1BF5;
	p2 =	por !p2, p0  }
0x20: {  	[sflag:s8] =	ssyncset.s32 @!p0 $0xFFFFF086;
	s6 =	sadd.s32 @!p0 s3, s7;
	s7 =	simm.s32 @!p0 $0x108  }
0x21: {  	s3 =	sadd.s32 s3, s9;
	s6 =	sadd.s32 @!p0 $0x88, s6;
	s7 =	simm.s32 @p2 $0x1082  }
0x22: {  	[simem:s7], [sflag:s8] =	dma.local @!p0 [hbm:s6], $0xF7A  }
0x23: {  	s9 =	sor.u32 $0xD0000000, s2;
	s6 =	simm.s32 $0x108;
	_ =	swait.ge @!p0 [sflag:s8], $0x0  }
0x24: {  	s3 =	sadd.s32 $0x88, s3;
	s6 =	simm.s32 @!p1 $0x1082;
	[sflag:s4] =	ssyncset.s32 $0xFFFFF086  }
0x25: {  	[simem:s6], [sflag:s4] =	dma.local [hbm:s3], $0xF7A  }
0x26: {  	[smem:$0x3F96] =	sst s1;
	(tag) =	ssettag s2;
	_ =	strace s9  }
0x27: {  	s1 =	sld [smem:$0x3FA6]  }
0x28: {  	s2 =	sld [smem:$0x3FA7]  }
0x29: {  	s4 =	sld [smem:$0x3FA9]  }
0x2a: {  	p0 =	seq.s32 s5, $0x0;
	s5 =	sld [smem:$0x3FAA]  }
0x2b: {  	s6 =	sld [smem:$0x3FAB]  }
0x2c: {  	s7 =	sld [smem:$0x3FAC]  }
0x2d: {  	s3 =	simm.s32 $0x108;
	s8 =	sld [smem:$0x3FAD]  }
0x2e: {  	s3 =	simm.s32 @!p0 $0x1082;
	s9 =	sld [smem:$0x3FAE]  }
0x2f: {  	lr =	sadd.s32 s0, s3;
	s0 =	sld [smem:$0x3FA5]  }
0x30: {  	s3 =	sld [smem:$0x3FA8]  }
0x31: {  	[smem:$0x3FB1] =	sst s10  }
0x32: {  	s10 =	sld [smem:$0x3FAF];
	_ =	sdelay $0x3  }
0x33: {  	p0 =	seq.s32 s10, $0x1;
	s10 =	sld [smem:$0x3FB1];
	_ =	sdelay $0x3  }
0x34: {  	[smem:$0x3FB1] =	sst s10  }
0x35: {  	s10 =	sld [smem:$0x3FB0];
	_ =	sdelay $0x3  }
0x36: {  	p1 =	seq.s32 s10, $0x1;
	s10 =	sld [smem:$0x3FB1];
	_ =	sdelay $0x3  }
0x37: {  	[smem:$0x3FB1] =	sst s10  }
0x38: {  	s10 =	sld [smem:$0x3FB2]  }
0x39: {  	_ = 	snop;
	(pc) =	sbr.ind lr, $3  }
0x3a: {  	_ = 	snop  }
0x3b: {  	_ = 	snop  }
0x3c: {  	p2 =	seq.s32 s10, $0x1;
	s10 =	sld [smem:$0x3FB1]  }
0x3d: {  	_ =	shalt  }
0x3e: {  	_ =	shalt  }
0x3f: {  	_ =	shalt  }
0x40: {  	_ =	shalt  }
0x41: {  	_ =	shalt  }
0x42: {  	_ =	shalt  }
0x43: {  	_ =	shalt  }
0x44: {  	_ =	shalt  }
0x45: {  	_ =	shalt  }
0x46: {  	_ =	shalt  }
0x47: {  	_ =	shalt  }
0x48: {  	_ =	shalt  }
0x49: {  	_ =	shalt  }
0x4a: {  	_ =	shalt  }
0x4b: {  	_ =	shalt  }
0x4c: {  	_ =	shalt  }
0x4d: {  	_ =	shalt  }
0x4e: {  	_ =	shalt  }
0x4f: {  	_ =	shalt  }
0x50: {  	_ =	shalt  }
0x51: {  	_ =	shalt  }
0x52: {  	_ =	shalt  }
0x53: {  	_ =	shalt  }
0x54: {  	_ =	shalt  }
0x55: {  	_ =	shalt  }
0x56: {  	_ =	shalt  }
0x57: {  	_ =	shalt  }
0x58: {  	_ =	shalt  }
0x59: {  	_ =	shalt  }
0x5a: {  	_ =	shalt  }
0x5b: {  	_ =	shalt  }
0x5c: {  	_ =	shalt  }
0x5d: {  	_ =	shalt  }
0x5e: {  	_ =	shalt  }
0x5f: {  	_ =	shalt  }
0x60: {  	_ =	shalt  }
0x61: {  	_ =	shalt  }
0x62: {  	_ =	shalt  }
0x63: {  	_ =	shalt  }
0x64: {  	_ =	shalt  }
0x65: {  	_ =	shalt  }
0x66: {  	_ =	shalt  }
0x67: {  	_ =	shalt  }
0x68: {  	_ =	shalt  }
0x69: {  	_ =	shalt  }
0x6a: {  	_ =	shalt  }
0x6b: {  	_ =	shalt  }
0x6c: {  	_ =	shalt  }
0x6d: {  	_ =	shalt  }
0x6e: {  	_ =	shalt  }
0x6f: {  	_ =	shalt  }
0x70: {  	_ =	shalt  }
0x71: {  	_ =	shalt  }
0x72: {  	_ =	shalt  }
0x73: {  	_ =	shalt  }
0x74: {  	_ =	shalt  }
0x75: {  	_ =	shalt  }
0x76: {  	_ =	shalt  }
0x77: {  	_ =	shalt  }
0x78: {  	_ =	shalt  }
0x79: {  	_ =	shalt  }
0x7a: {  	_ =	shalt  }
0x7b: {  	_ =	shalt  }
0x7c: {  	_ =	shalt  }
0x7d: {  	_ =	shalt  }
0x7e: {  	_ =	shalt  }
0x7f: {  	_ =	shalt  }
0x80: {  	_ =	shalt  }
0x81: {  	_ =	shalt  }
0x82: {  	_ =	shalt  }
0x83: {  	_ =	shalt  }
0x84: {  	_ =	shalt  }
0x85: {  	_ =	shalt  }
0x86: {  	_ =	shalt  }
0x87: {  	_ =	shalt  }
.Lfunc_end0:
.L_simem_size_0:
called_computation_lowered:
.L_overlay_start_0:
0x88: {  	s2 =	sld [smem:$0x3FD9]  }
0x89: {  	s3 =	sld [smem:$0x3FFE];
	_ =	sdelay $0x1  }
0x8a: {  	s1 =	srdreg.scid  }
0x8b: {  	s0 =	sand.u32 $0x1, s1  }
0x8c: {  	s16 =	sshll.u32 s0, $0xA;
	s2 =	sadd.s32 s3, s2  }
0x8d: {  	s2 =	sadd.s32 s2, s16  }
0x8e: {  	[smem:$0x3FBD] =	sst s2  }
0x8f: {  	_ = 	snop  }
0x90: {  	(tm) =	ssettm $0x1  }
0x91: {  	s17 =	sld [smem:$0x3FFB];
	_ =	sdelay $0x3  }
0x92: {  	_ =	strace s17  }
0x93: {  	s2 =	sld [smem:$0x3FFC];
	_ =	sdelay $0x3  }
0x94: {  	_ =	strace s2  }
0x95: {  	s2 =	sld [smem:$0x3FFD];
	_ =	sdelay $0x3  }
0x96: {  	_ =	strace s2  }
0x97: {  	_ =	strace $0x8FFFFFFF  }
0x98: {  	s18 =	sld [smem:$0x3FDB];
	_ =	sdelay $0x1  }
0x99: {  	s19 =	simm.s32 $_scs_section_size  }
0x9a: {  	s4 =	simm.s32 $_size__tile_overlayer_lowered;
	s5 =	simm.s32 $_tile_overlayer_lowered  }
0x9b: {  	s22 =	simm.s32 $0x1BFF;
	s21 =	sshll.u32 s5, $0x1;
	s2 =	sadd.s32 s19, s18  }
0x9c: {  	s6 =	simm.s32 $0x0;
	s20 =	sshll.u32 s4, $0x1;
	s4 =	sadd.s32 s21, s2  }
0x9d: {  	[timem:s6], [sflag:s22] =	dma.local [hbm:s4], s20  }
0x9e: {  	_ =	swait.ge [sflag:s22], s20  }
0x9f: {  	s3 =	ssub.s32 $0x0, s20;
	[sflag:s22] =	ssyncset.done $0x0  }
0xa0: {  	[sflag:s22] =	ssyncadd.s32 s3;
	_ =	sdelay $0x1  }
0xa1: {  	s23 =	simm.s32 $0x1B8B  }
0xa2: {  	_ =	swait.ge [sflag:s23], $0x1  }
0xa3: {  	[sflag:s23] =	ssyncset.done $0x0  }
0xa4: {  	s25 =	simm.s32 $0x1B8E;
	s24 =	sld [smem:$0x3FFE];
	[sflag:s23] =	ssyncadd.s32 $0xFFFFFFFF  }
0xa5: {  	s26 =	simm.s32 $execute0_lowered;
	[smem:$0x3FD2] =	sst s25  }
0xa6: {  	s4 =	sshll.u32 s26, $0x1;
	_ =	strace $0x80000046;
	[dreg:$0x1] =	wrdreg $0xFFFFFFFF  }
0xa7: {  	s28 =	simm.s32 $_size_execute0_lowered;
	s2 =	sadd.s32 s2, s4;
	[dreg:$0x0] =	wrdreg $0x0  }
0xa8: {  	s4 =	sshll.u32 s28, $0x1;
	[dreg:$0x2] =	wrdreg s2  }
0xa9: {  	[dreg:$0x3] =	wrdreg s4  }
0xaa: {  	[dreg:$0x4] =	wrdreg $0xC0  }
0xab: {  	_ =	task [dreg:s6], $0x5FFFF  }
0xac: {  	[dreg:$0x1] =	wrdreg $0xFFFFFFFF  }
0xad: {  	[dreg:$0x0] =	wrdreg $0x60  }
0xae: {  	[dreg:$0x2] =	wrdreg s24  }
0xaf: {  	[dreg:$0x3] =	wrdreg $0x88000  }
0xb0: {  	[dreg:$0x4] =	wrdreg $0x9  }
0xb1: {  	_ =	task.clear_ibuf [dreg:s6], $0x5FFFF;
	_ =	strace $0x90000046  }
0xb2: {  	s29 =	simm.s32 $0x9;
	_ =	strace $0x80000048  }
0xb3: {  	_ =	swait.ge [sflag:s29], $0x1  }
0xb4: {  	[sflag:s29] =	ssyncadd.s32 $0xFFFFFFFF  }
0xb5: {  	_ =	strace $0x90000048  }
0xb6: {  	_ =	sfence  }
0xb7: {  	s30 =	sld [smem:$0x0];
	_ =	sdelay $0x2  }
0xb8: {  	s31 =	sshll.u32 s1, $0xD;
	s1 =	sshrl.u32 s1, $0x2  }
0xb9: {  	s3 =	sand.u32 $0x4000, s31;
	s1 =	sadd.s32 s1, s30  }
0xba: {  	s0 =	sor.u32 s3, s0;
	s1 =	sshll.u32 s1, $0x11  }
0xbb: {  	s0 =	sor.u32 s1, s0  }
0xbc: {  	s0 =	sadd.s32 $0x8F2B, s0  }
0xbd: {  	[sflag:s0] =	ssyncadd.remote.s32 $0x1  }
0xbe: {  	_ =	sfence.sel $0xFFFF  }
0xbf: {  	[dreg:$0x0] =	wrdreg $0xFFFFFFFF;
	(pc) =	sbr.abs _section_cstart, $3  }
0xc0: {  	[dreg:$0x1] =	wrdreg $0xFFFFFFFF  }
0xc1: {  	_ =	task.clear_ibuf [dreg:s6], $0x2FFFF;
	_ =	strace $0x9FFFFFFF  }
0xc2: {  	(tm) =	ssettm $0x7FFFFFFF  }
0xc3: {  	_ =	shalt  }
tec
execute0_lowered:
.L_overlay_start_1:
0x0: {  	(tag) =	ssettag $0x1  }
0x1: {  	s1 =	srdreg.scid  }
0x2: {  	s0 =	stileid.u32;
	s4 =	rddreg [dreg:$0x0]  }
0x3: {  	s2 =	rddreg [dreg:$0x1];
	s3 =	simm.s32 $0x0;
	s6 =	smul.u32 $0x5000, s0  }
0x4: {  	s17 =	simm.s32 $0x1;
	s18 =	simm.s32 $0x6800;
	s29 =	smul.u32 $0x14000, s0  }
0x5: {  	s19 =	simm.s32 $0x80;
	s5 =	sand.u32 $0x1, s1;
	s30 =	smul.u32 $0x50000, s0  }
0x6: {  	s20 =	simm.s32 $0x2800;
	s21 =	simm.s32 $0x0;
	s7 =	smul.u32 $0x2800, s5  }
0x7: {  	[smem:$0x7FF] =	sst s3;
	s8 =	smul.u32 $0x140000, s5;
	s5 =	ssub.s32 $0x2, s5  }
0x8: {  	s1 =	rddreg [dreg:$0x2];
	_ =	strace $0x80000047;
	s9 =	sshrl.u32 s5, $0x1  }
0x9: {  	s31 =	sshrl.u32 s30, $0x2;
	s6 =	sadd.s32 s7, s6;
	s7 =	sadd.s32 s29, s8  }
0xa: {  	s9 =	ssub.s32 s5, s9;
	s5 =	sadd.s32 s31, s2;
	s6 =	sshrl.u32 s6, $0x3  }
0xb: {  	s7 =	sshrl.u32 s7, $0x3;
	s8 =	sadd.s32 $0x2000, s5;
	s10 =	sadd.s32 $0x6000, s5  }
0xc: {  	s11 =	sadd.s32 $0x8000, s5;
	s12 =	sadd.s32 $0xA000, s5;
	s13 =	sadd.s32 $0xC000, s5  }
0xd: {  	s14 =	sadd.s32 $0xE000, s5;
	s15 =	sadd.s32 $0x10000, s5;
	s6 =	sadd.s32 s6, s4  }
0xe: {  	s16 =	sadd.s32 $0x12000, s5;
	s7 =	sadd.s32 s7, s4;
	s4 =	sadd.s32 $0x4E00, s6  }
0xf: {  	v0 =	vimm.f32 $1.000000000e+00;
	v1 =	vimm.f32 $0.0e+00;
	s6 =	sadd.s32 $0xEE00, s7;
	s7 =	smax.u32 s9, $0x1;
	s9 =	sadd.s32 $0x4000, s5  }
.LBB2_1:
0x10: {  	[tilespmem:s3], [sflag:$0x1] =	stream.linear.gather [hbm4b:s4+s3], $0x2800, $0x38;
	[tilespmem:$0x1C800] =	vst v63  }
0x11: {  	_ =	swait.ge [sflag:s17], $0x2800  }
0x12: {  	[sflag:s17] =	ssyncset.done $0x0  }
0x13: {  	s22 =	simm.s32 $0x0;
	s23 =	simm.s32 $0x200;
	[sflag:s17] =	ssyncadd.s32 $0xFFFFD800  }
.LBB2_2:
0x14: {  	p0 =	sne.s32 s23, $0xFE00;
	[tilespmem:s22+$0x2870] =	vst v0  }
0x15: {  	[tilespmem:s22+$0x2800] =	vst v0  }
0x16: {  	[tilespmem:s22+$0x2810] =	vst v0  }
.Ltmp0:
0x17: {  	[tilespmem:s22+$0x2820] =	vst v0;
	(pc) =	sbr.rel @p0 .LBB2_2-.Ltmp0, $4  }
0x18: {  	[tilespmem:s22+$0x2830] =	vst v0  }
0x19: {  	[tilespmem:s22+$0x2840] =	vst v0  }
0x1a: {  	[tilespmem:s22+$0x2850] =	vst v0  }
0x1b: {  	[tilespmem:s22+$0x2860] =	vst v0;
	s22 =	sshra.s32 s23, $0x2;
	s23 =	sadd.s32 $0x200, s23  }
0x1c: {  	[tilespmem:s22+$0x2870] =	vst v0  }
0x1d: {  	[tilespmem:s22+$0x2800] =	vst v0  }
0x1e: {  	[tilespmem:s22+$0x2810] =	vst v0  }
0x1f: {  	[tilespmem:s22+$0x2820] =	vst v0  }
0x20: {  	[tilespmem:s22+$0x2830] =	vst v0  }
0x21: {  	[tilespmem:s22+$0x2840] =	vst v0  }
0x22: {  	[tilespmem:s22+$0x2850] =	vst v0  }
0x23: {  	[tilespmem:s22+$0x2860] =	vst v0;
	s22 =	simm.s32 $0x0;
	s23 =	simm.s32 $0x200  }
.LBB2_4:
0x24: {  	p0 =	sne.s32 s23, $0x7E00;
	[tilespmem:s22+$0x6870] =	vst v1  }
0x25: {  	[tilespmem:s22+$0x6800] =	vst v1  }
0x26: {  	[tilespmem:s22+$0x6810] =	vst v1  }
.Ltmp1:
0x27: {  	[tilespmem:s22+$0x6820] =	vst v1;
	(pc) =	sbr.rel @p0 .LBB2_4-.Ltmp1, $4  }
0x28: {  	[tilespmem:s22+$0x6830] =	vst v1  }
0x29: {  	[tilespmem:s22+$0x6840] =	vst v1  }
0x2a: {  	[tilespmem:s22+$0x6850] =	vst v1  }
0x2b: {  	[tilespmem:s22+$0x6860] =	vst v1;
	s22 =	sshra.s32 s23, $0x2;
	s23 =	sadd.s32 $0x200, s23  }
0x2c: {  	[tilespmem:s22+$0x6870] =	vst v1  }
0x2d: {  	[tilespmem:s22+$0x6800] =	vst v1  }
0x2e: {  	[tilespmem:s22+$0x6810] =	vst v1  }
0x2f: {  	[tilespmem:s22+$0x6820] =	vst v1  }
0x30: {  	[tilespmem:s22+$0x6830] =	vst v1  }
0x31: {  	[tilespmem:s22+$0x6840] =	vst v1  }
0x32: {  	[tilespmem:s22+$0x6850] =	vst v1  }
0x33: {  	[tilespmem:s22+$0x6860] =	vst v1  }
0x34: {  	[spmem:s5] =	stream.linear.scatter [tilespmem:s18], [sflag:$0x1], $0x2000, $0x38;
	[tilespmem:$0x1C800] =	vst v63  }
0x35: {  	_ =	swait.ge [sflag:s17], $0x2000  }
0x36: {  	[sflag:s17] =	ssyncset.done $0x0  }
0x37: {  	[sflag:s17] =	ssyncadd.s32 $0xFFFFE000  }
0x38: {  	[spmem:s8] =	stream.linear.scatter [tilespmem:s18], [sflag:$0x1], $0x2000, $0x38;
	[tilespmem:$0x1C800] =	vst v63  }
0x39: {  	_ =	swait.ge [sflag:s17], $0x2000  }
0x3a: {  	[sflag:s17] =	ssyncset.done $0x0  }
0x3b: {  	[sflag:s17] =	ssyncadd.s32 $0xFFFFE000  }
0x3c: {  	[spmem:s9] =	stream.linear.scatter [tilespmem:s18], [sflag:$0x1], $0x2000, $0x38;
	[tilespmem:$0x1C800] =	vst v63  }
0x3d: {  	_ =	swait.ge [sflag:s17], $0x2000  }
0x3e: {  	[sflag:s17] =	ssyncset.done $0x0  }
0x3f: {  	[sflag:s17] =	ssyncadd.s32 $0xFFFFE000  }
0x40: {  	[spmem:s10] =	stream.linear.scatter [tilespmem:s18], [sflag:$0x1], $0x2000, $0x38;
	[tilespmem:$0x1C800] =	vst v63  }
0x41: {  	_ =	swait.ge [sflag:s17], $0x2000  }
0x42: {  	[sflag:s17] =	ssyncset.done $0x0  }
0x43: {  	[sflag:s17] =	ssyncadd.s32 $0xFFFFE000  }
0x44: {  	[spmem:s11] =	stream.linear.scatter [tilespmem:s18], [sflag:$0x1], $0x2000, $0x38;
	[tilespmem:$0x1C800] =	vst v63  }
0x45: {  	_ =	swait.ge [sflag:s17], $0x2000  }
0x46: {  	[sflag:s17] =	ssyncset.done $0x0  }
0x47: {  	[sflag:s17] =	ssyncadd.s32 $0xFFFFE000  }
0x48: {  	[spmem:s12] =	stream.linear.scatter [tilespmem:s18], [sflag:$0x1], $0x2000, $0x38;
	[tilespmem:$0x1C800] =	vst v63  }
0x49: {  	_ =	swait.ge [sflag:s17], $0x2000  }
0x4a: {  	[sflag:s17] =	ssyncset.done $0x0  }
0x4b: {  	[sflag:s17] =	ssyncadd.s32 $0xFFFFE000  }
0x4c: {  	[spmem:s13] =	stream.linear.scatter [tilespmem:s18], [sflag:$0x1], $0x2000, $0x38;
	[tilespmem:$0x1C800] =	vst v63  }
0x4d: {  	_ =	swait.ge [sflag:s17], $0x2000  }
0x4e: {  	[sflag:s17] =	ssyncset.done $0x0  }
0x4f: {  	[sflag:s17] =	ssyncadd.s32 $0xFFFFE000  }
0x50: {  	[spmem:s14] =	stream.linear.scatter [tilespmem:s18], [sflag:$0x1], $0x2000, $0x38;
	[tilespmem:$0x1C800] =	vst v63  }
0x51: {  	_ =	swait.ge [sflag:s17], $0x2000  }
0x52: {  	[sflag:s17] =	ssyncset.done $0x0  }
0x53: {  	[sflag:s17] =	ssyncadd.s32 $0xFFFFE000  }
0x54: {  	[spmem:s15] =	stream.linear.scatter [tilespmem:s18], [sflag:$0x1], $0x2000, $0x38;
	[tilespmem:$0x1C800] =	vst v63  }
0x55: {  	_ =	swait.ge [sflag:s17], $0x2000  }
0x56: {  	[sflag:s17] =	ssyncset.done $0x0  }
0x57: {  	[sflag:s17] =	ssyncadd.s32 $0xFFFFE000  }
0x58: {  	[spmem:s16] =	stream.linear.scatter [tilespmem:s18], [sflag:$0x1], $0x2000, $0x38;
	[tilespmem:$0x1C800] =	vst v63  }
0x59: {  	_ =	swait.ge [sflag:s17], $0x2000  }
0x5a: {  	[sflag:s17] =	ssyncset.done $0x0  }
0x5b: {  	[sflag:s17] =	ssyncadd.s32 $0xFFFFE000  }
0x5c: {  	s31 =	simm.s32 $0x0;
	[bflag:$0x0] =	sbarrier.arrive $0xFFFF  }
0x5d: {  	[spmem:s2] =	stream.indirect.scatter.add.f32 [tilespmem:s20], [sflag:$0x1], $0x80, s31, s19, $0xb8;
	[tilespmem:$0x1C800] =	vst v63  }
0x5e: {  	_ =	swait.ge [sflag:s17], $0x4000  }
0x5f: {  	s22 =	simm.s32 $0x200;
	[sflag:s17] =	ssyncset.done $0x0  }
.LBB2_6:
0x60: {  	s23 =	sshra.s32 s22, $0x2;
	[sflag:s17] =	ssyncadd.s32 $0xFFFFC000;
	p0 =	sne.s32 s22, $0x9E00  }
0x61: {  	[spmem:s2] =	stream.indirect.scatter.add.f32 [tilespmem:s20], [sflag:$0x1], $0x80, s23, s19, $0xb8;
	[tilespmem:$0x1C800] =	vst v63  }
.Ltmp2:
0x62: {  	_ = 	snop;
	(pc) =	sbr.rel @p0 .LBB2_6-.Ltmp2, $4  }
0x63: {  	_ = 	snop  }
0x64: {  	s22 =	sadd.s32 $0x200, s22  }
0x65: {  	_ =	swait.ge [sflag:s17], $0x4000  }
0x66: {  	[sflag:s17] =	ssyncset.done $0x0  }
0x67: {  	[sflag:s17] =	ssyncadd.s32 $0xFFFFC000;
	s21 =	sadd.s32 $0x1, s21  }
0x68: {  	s22 =	sshll.u32 s0, $0x6;
	s23 =	sshrl.u32 s5, $0x3;
	p0 =	sne.s32 s21, s7  }
.Ltmp3:
0x69: {  	[bflag:$0x0] =	sbarrier.arrive $0xFFFF;
	s22 =	sor.u32 $0x1C01, s22;
	(pc) =	sbr.rel @p0 .LBB2_1-.Ltmp3, $4  }
0x6a: {  	[hbm:s6], [sflag:s22] =	dma.local [spmem:s23], $0x2800  }
0x6b: {  	_ =	swait.ge [sflag:s17], $0x2800  }
0x6c: {  	[sflag:s17] =	ssyncset.done $0x0  }
0x6d: {  	[sflag:s17] =	ssyncadd.s32 $0xFFFFD800  }
0x6e: {  	_ =	sfence.sel $0x180000  }
0x6f: {  	[bflag:$0x0] =	sbarrier.arrive $0xFFFF  }
0x70: {  	p0 =	sne.s32 s0, $0x0;
	_ =	strace $0x90000047  }
0x71: {  	s0 =	sadd.s32 @!p0 $0x100000, s1;
	[bflag:$0x2] =	sbarrier.arrive $0xFFFF  }
0x72: {  	[sflag:s0] =	ssyncadd.tile.s32 @!p0 $0x1;
	_ =	shalt  }
.Lfunc_end2:
_tile_overlayer_lowered:
.L_overlay_start_2:
0x73: {  	(tag) =	ssettag $0x2  }
0x74: {  	s0 =	rddreg [dreg:$0x0];
	s2 =	stileid.u32  }
0x75: {  	s1 =	rddreg [dreg:$0x1];
	p0 =	sne.s32 s2, $0x0  }
0x76: {  	s3 =	rddreg [dreg:$0x2];
	[bflag:$0x3] =	sbarrier.arrive $0xFFFF;
	s2 =	simm.s32 @!p0 $0x1C01  }
0x77: {  	[timem:s3], [sflag:s2] =	dma.local @!p0 [hbm:s0], s1  }
0x78: {  	s0 =	simm.s32 @!p0 $0x1  }
0x79: {  	_ =	swait.ge @!p0 [sflag:s0], s1  }
0x7a: {  	s1 =	ssub.s32 @!p0 $0x0, s1;
	[sflag:s0] =	ssyncset.done @!p0 $0x0  }
0x7b: {  	[sflag:s0] =	ssyncadd.s32 @!p0 s1  }
0x7c: {  	[bflag:$0x3] =	sbarrier.arrive $0xFFFF  }
0x7d: {  	_ =	shalt  }

// kernel: kernel.13.cloned.1.call-start
scs
__scs_entry_jumppad:
0x0: {  	(pc) =	sbr.rel $0x88, $3  }
0x1: {  	(tag) =	ssettag $0x0;
	lr =	simm.s32 $0x1  }
0x2: {  	[smem:$0x3F96] =	sst lr;
	_ =	strace $0xD0000000  }
0x3: {  	_ = 	snop  }
0x4: {  	_ = 	snop  }
0x5: {  	_ = 	snop  }
0x6: {  	_ = 	snop  }
0x7: {  	_ = 	snop  }
__scs_overlays_trampoline_lowered:
0x8: {  	[smem:$0x3FA5] =	sst s0  }
0x9: {  	[smem:$0x3FA6] =	sst s1  }
0xa: {  	[smem:$0x3FA7] =	sst s2  }
0xb: {  	[smem:$0x3FA8] =	sst s3  }
0xc: {  	[smem:$0x3FA9] =	sst s4  }
0xd: {  	[smem:$0x3FAA] =	sst s5  }
0xe: {  	[smem:$0x3FAB] =	sst s6  }
0xf: {  	[smem:$0x3FAC] =	sst s7  }
0x10: {  	[smem:$0x3FAD] =	sst s8  }
0x11: {  	[smem:$0x3FAE] =	sst s9;
	s0 =	simm.s32 @!p0 $0x0  }
0x12: {  	s1 =	sld [smem:$0x3F94];
	s0 =	simm.s32 @p0 $0x1  }
0x13: {  	[smem:$0x3FAF] =	sst s0;
	s0 =	simm.s32 @!p1 $0x0  }
0x14: {  	s2 =	sld [smem:$0x3F93];
	s0 =	simm.s32 @p1 $0x1  }
0x15: {  	[smem:$0x3FB0] =	sst s0;
	s0 =	simm.s32 @!p2 $0x0  }
0x16: {  	s3 =	sld [smem:$0x3FDB];
	s0 =	simm.s32 @p2 $0x1  }
0x17: {  	s4 =	simm.s32 $0x1BF5;
	[smem:$0x3FB2] =	sst s0  }
0x18: {  	s0 =	sld [smem:$0x3F95];
	_ =	swait.ge [sflag:s4], $0x0  }
0x19: {  	s7 =	sld [smem:$0x3F96]  }
0x1a: {  	s8 =	sadd.s32 $0xFFFFE003, lr  }
0x1b: {  	s9 =	sadd.s32 $0xFFFFFEF7, lr;
	s5 =	simm.s32 $0xFFFFFFFF;
	p2 =	slt.u32 s8, $0xFFFFF086  }
0x1c: {  	p1 =	slt.u32 s9, $0xF7A;
	s5 =	simm.s32 @!p2 $0x0  }
0x1d: {  	s5 =	simm.s32 @p1 $0x1;
	p0 =	seq.s32 s7, s2  }
0x1e: {  	s7 =	smul.u32 @!p0 $0xF7A, s2;
	p2 =	seq.s32 @!p0 s5, $0x0  }
0x1f: {  	s9 =	smul.u32 $0xF7A, s1;
	s8 =	simm.s32 @!p0 $0x1BF5;
	p2 =	por !p2, p0  }
0x20: {  	[sflag:s8] =	ssyncset.s32 @!p0 $0xFFFFF086;
	s6 =	sadd.s32 @!p0 s3, s7;
	s7 =	simm.s32 @!p0 $0x108  }
0x21: {  	s3 =	sadd.s32 s3, s9;
	s6 =	sadd.s32 @!p0 $0x88, s6;
	s7 =	simm.s32 @p2 $0x1082  }
0x22: {  	[simem:s7], [sflag:s8] =	dma.local @!p0 [hbm:s6], $0xF7A  }
0x23: {  	s9 =	sor.u32 $0xD0000000, s2;
	s6 =	simm.s32 $0x108;
	_ =	swait.ge @!p0 [sflag:s8], $0x0  }
0x24: {  	s3 =	sadd.s32 $0x88, s3;
	s6 =	simm.s32 @!p1 $0x1082;
	[sflag:s4] =	ssyncset.s32 $0xFFFFF086  }
0x25: {  	[simem:s6], [sflag:s4] =	dma.local [hbm:s3], $0xF7A  }
0x26: {  	[smem:$0x3F96] =	sst s1;
	(tag) =	ssettag s2;
	_ =	strace s9  }
0x27: {  	s1 =	sld [smem:$0x3FA6]  }
0x28: {  	s2 =	sld [smem:$0x3FA7]  }
0x29: {  	s4 =	sld [smem:$0x3FA9]  }
0x2a: {  	p0 =	seq.s32 s5, $0x0;
	s5 =	sld [smem:$0x3FAA]  }
0x2b: {  	s6 =	sld [smem:$0x3FAB]  }
0x2c: {  	s7 =	sld [smem:$0x3FAC]  }
0x2d: {  	s3 =	simm.s32 $0x108;
	s8 =	sld [smem:$0x3FAD]  }
0x2e: {  	s3 =	simm.s32 @!p0 $0x1082;
	s9 =	sld [smem:$0x3FAE]  }
0x2f: {  	lr =	sadd.s32 s0, s3;
	s0 =	sld [smem:$0x3FA5]  }
0x30: {  	s3 =	sld [smem:$0x3FA8]  }
0x31: {  	[smem:$0x3FB1] =	sst s10  }
0x32: {  	s10 =	sld [smem:$0x3FAF];
	_ =	sdelay $0x3  }
0x33: {  	p0 =	seq.s32 s10, $0x1;
	s10 =	sld [smem:$0x3FB1];
	_ =	sdelay $0x3  }
0x34: {  	[smem:$0x3FB1] =	sst s10  }
0x35: {  	s10 =	sld [smem:$0x3FB0];
	_ =	sdelay $0x3  }
0x36: {  	p1 =	seq.s32 s10, $0x1;
	s10 =	sld [smem:$0x3FB1];
	_ =	sdelay $0x3  }
0x37: {  	[smem:$0x3FB1] =	sst s10  }
0x38: {  	s10 =	sld [smem:$0x3FB2]  }
0x39: {  	_ = 	snop;
	(pc) =	sbr.ind lr, $3  }
0x3a: {  	_ = 	snop  }
0x3b: {  	_ = 	snop  }
0x3c: {  	p2 =	seq.s32 s10, $0x1;
	s10 =	sld [smem:$0x3FB1]  }
0x3d: {  	_ =	shalt  }
0x3e: {  	_ =	shalt  }
0x3f: {  	_ =	shalt  }
0x40: {  	_ =	shalt  }
0x41: {  	_ =	shalt  }
0x42: {  	_ =	shalt  }
0x43: {  	_ =	shalt  }
0x44: {  	_ =	shalt  }
0x45: {  	_ =	shalt  }
0x46: {  	_ =	shalt  }
0x47: {  	_ =	shalt  }
0x48: {  	_ =	shalt  }
0x49: {  	_ =	shalt  }
0x4a: {  	_ =	shalt  }
0x4b: {  	_ =	shalt  }
0x4c: {  	_ =	shalt  }
0x4d: {  	_ =	shalt  }
0x4e: {  	_ =	shalt  }
0x4f: {  	_ =	shalt  }
0x50: {  	_ =	shalt  }
0x51: {  	_ =	shalt  }
0x52: {  	_ =	shalt  }
0x53: {  	_ =	shalt  }
0x54: {  	_ =	shalt  }
0x55: {  	_ =	shalt  }
0x56: {  	_ =	shalt  }
0x57: {  	_ =	shalt  }
0x58: {  	_ =	shalt  }
0x59: {  	_ =	shalt  }
0x5a: {  	_ =	shalt  }
0x5b: {  	_ =	shalt  }
0x5c: {  	_ =	shalt  }
0x5d: {  	_ =	shalt  }
0x5e: {  	_ =	shalt  }
0x5f: {  	_ =	shalt  }
0x60: {  	_ =	shalt  }
0x61: {  	_ =	shalt  }
0x62: {  	_ =	shalt  }
0x63: {  	_ =	shalt  }
0x64: {  	_ =	shalt  }
0x65: {  	_ =	shalt  }
0x66: {  	_ =	shalt  }
0x67: {  	_ =	shalt  }
0x68: {  	_ =	shalt  }
0x69: {  	_ =	shalt  }
0x6a: {  	_ =	shalt  }
0x6b: {  	_ =	shalt  }
0x6c: {  	_ =	shalt  }
0x6d: {  	_ =	shalt  }
0x6e: {  	_ =	shalt  }
0x6f: {  	_ =	shalt  }
0x70: {  	_ =	shalt  }
0x71: {  	_ =	shalt  }
0x72: {  	_ =	shalt  }
0x73: {  	_ =	shalt  }
0x74: {  	_ =	shalt  }
0x75: {  	_ =	shalt  }
0x76: {  	_ =	shalt  }
0x77: {  	_ =	shalt  }
0x78: {  	_ =	shalt  }
0x79: {  	_ =	shalt  }
0x7a: {  	_ =	shalt  }
0x7b: {  	_ =	shalt  }
0x7c: {  	_ =	shalt  }
0x7d: {  	_ =	shalt  }
0x7e: {  	_ =	shalt  }
0x7f: {  	_ =	shalt  }
0x80: {  	_ =	shalt  }
0x81: {  	_ =	shalt  }
0x82: {  	_ =	shalt  }
0x83: {  	_ =	shalt  }
0x84: {  	_ =	shalt  }
0x85: {  	_ =	shalt  }
0x86: {  	_ =	shalt  }
0x87: {  	_ =	shalt  }
.Lfunc_end0:
.L_simem_size_0:
called_computation.1_lowered:
.L_overlay_start_0:
0x88: {  	s2 =	sld [smem:$0x3FD9]  }
0x89: {  	s3 =	sld [smem:$0x3FFE];
	_ =	sdelay $0x1  }
0x8a: {  	s1 =	srdreg.scid  }
0x8b: {  	s0 =	sand.u32 $0x1, s1  }
0x8c: {  	s16 =	sshll.u32 s0, $0xA;
	s2 =	sadd.s32 s3, s2  }
0x8d: {  	s2 =	sadd.s32 s2, s16  }
0x8e: {  	[smem:$0x3FBD] =	sst s2  }
0x8f: {  	_ = 	snop  }
0x90: {  	(tm) =	ssettm $0x1  }
0x91: {  	s17 =	sld [smem:$0x3FFB];
	_ =	sdelay $0x3  }
0x92: {  	_ =	strace s17  }
0x93: {  	s2 =	sld [smem:$0x3FFC];
	_ =	sdelay $0x3  }
0x94: {  	_ =	strace s2  }
0x95: {  	s2 =	sld [smem:$0x3FFD];
	_ =	sdelay $0x3  }
0x96: {  	_ =	strace s2  }
0x97: {  	_ =	strace $0x8FFFFFFF  }
0x98: {  	s18 =	sld [smem:$0x3FDB];
	_ =	sdelay $0x1  }
0x99: {  	s19 =	simm.s32 $_scs_section_size  }
0x9a: {  	s4 =	simm.s32 $_size__tile_overlayer_lowered;
	s5 =	simm.s32 $_tile_overlayer_lowered  }
0x9b: {  	s22 =	simm.s32 $0x1BFF;
	s21 =	sshll.u32 s5, $0x1;
	s2 =	sadd.s32 s19, s18  }
0x9c: {  	s6 =	simm.s32 $0x0;
	s20 =	sshll.u32 s4, $0x1;
	s4 =	sadd.s32 s21, s2  }
0x9d: {  	[timem:s6], [sflag:s22] =	dma.local [hbm:s4], s20  }
0x9e: {  	_ =	swait.ge [sflag:s22], s20  }
0x9f: {  	s3 =	ssub.s32 $0x0, s20;
	[sflag:s22] =	ssyncset.done $0x0  }
0xa0: {  	[sflag:s22] =	ssyncadd.s32 s3;
	_ =	sdelay $0x1  }
0xa1: {  	s23 =	simm.s32 $0x1B8B  }
0xa2: {  	_ =	swait.ge [sflag:s23], $0x1  }
0xa3: {  	[sflag:s23] =	ssyncset.done $0x0  }
0xa4: {  	s25 =	simm.s32 $0x1B8E;
	s24 =	sld [smem:$0x3FFE];
	[sflag:s23] =	ssyncadd.s32 $0xFFFFFFFF  }
0xa5: {  	s26 =	simm.s32 $execute0_lowered;
	[smem:$0x3FD2] =	sst s25  }
0xa6: {  	s4 =	sshll.u32 s26, $0x1;
	_ =	strace $0x80000049;
	[dreg:$0x1] =	wrdreg $0xFFFFFFFF  }
0xa7: {  	s28 =	simm.s32 $_size_execute0_lowered;
	s2 =	sadd.s32 s2, s4;
	[dreg:$0x0] =	wrdreg $0x0  }
0xa8: {  	s4 =	sshll.u32 s28, $0x1;
	[dreg:$0x2] =	wrdreg s2  }
0xa9: {  	[dreg:$0x3] =	wrdreg s4  }
0xaa: {  	[dreg:$0x4] =	wrdreg $0xC0  }
0xab: {  	_ =	task [dreg:s6], $0x5FFFF  }
0xac: {  	[dreg:$0x1] =	wrdreg $0xFFFFFFFF  }
0xad: {  	[dreg:$0x0] =	wrdreg $0x60  }
0xae: {  	[dreg:$0x2] =	wrdreg s24  }
0xaf: {  	[dreg:$0x3] =	wrdreg $0xA8000  }
0xb0: {  	[dreg:$0x4] =	wrdreg $0x9  }
0xb1: {  	_ =	task.clear_ibuf [dreg:s6], $0x5FFFF;
	_ =	strace $0x90000049  }
0xb2: {  	s29 =	simm.s32 $0x9;
	_ =	strace $0x8000004B  }
0xb3: {  	_ =	swait.ge [sflag:s29], $0x1  }
0xb4: {  	[sflag:s29] =	ssyncadd.s32 $0xFFFFFFFF  }
0xb5: {  	_ =	strace $0x9000004B  }
0xb6: {  	_ =	sfence  }
0xb7: {  	s30 =	sld [smem:$0x0];
	_ =	sdelay $0x2  }
0xb8: {  	s31 =	sshll.u32 s1, $0xD;
	s1 =	sshrl.u32 s1, $0x2  }
0xb9: {  	s3 =	sand.u32 $0x4000, s31;
	s1 =	sadd.s32 s1, s30  }
0xba: {  	s0 =	sor.u32 s3, s0;
	s1 =	sshll.u32 s1, $0x11  }
0xbb: {  	s0 =	sor.u32 s1, s0  }
0xbc: {  	s0 =	sadd.s32 $0x8F2B, s0  }
0xbd: {  	[sflag:s0] =	ssyncadd.remote.s32 $0x1  }
0xbe: {  	_ =	sfence.sel $0xFFFF  }
0xbf: {  	[dreg:$0x0] =	wrdreg $0xFFFFFFFF;
	(pc) =	sbr.abs _section_cstart, $3  }
0xc0: {  	[dreg:$0x1] =	wrdreg $0xFFFFFFFF  }
0xc1: {  	_ =	task.clear_ibuf [dreg:s6], $0x2FFFF;
	_ =	strace $0x9FFFFFFF  }
0xc2: {  	(tm) =	ssettm $0x7FFFFFFF  }
0xc3: {  	_ =	shalt  }
tec
execute0_lowered:
.L_overlay_start_1:
0x0: {  	(tag) =	ssettag $0x1  }
0x1: {  	s0 =	rddreg [dreg:$0x0]  }
0x2: {  	s1 =	rddreg [dreg:$0x1];
	s2 =	srdreg.scid;
	s3 =	simm.s32 $0x0  }
0x3: {  	s28 =	simm.s32 $0x2;
	s29 =	simm.s32 $0x3;
	s30 =	simm.s32 $0x4  }
0x4: {  	s31 =	simm.s32 $0x2700;
	s7 =	sand.u32 $0x1, s2;
	s2 =	stileid.u32  }
0x5: {  	[smem:$0x7FF] =	sst s3;
	s4 =	sadd.s32 $0x36E00, s0;
	s6 =	smul.u32 $0x140000, s7  }
0x6: {  	s5 =	sadd.s32 $0x90E00, s0;
	s13 =	sadd.s32 $0x5EE00, s0;
	s8 =	smul.u32 $0x14000, s2  }
0x7: {  	s14 =	sadd.s32 $0x4E00, s0;
	s18 =	smul.u32 $0x50000, s2;
	s9 =	ssub.s32 $0x2, s7  }
0x8: {  	_ =	strace $0x8000004A;
	s10 =	smul.u32 $0x5000, s2;
	s19 =	sshrl.u32 s9, $0x1  }
0x9: {  	p0 =	seq.s32 s7, $0x1;
	s6 =	sadd.s32 s8, s6;
	s16 =	ssub.s32 s9, s19  }
0xa: {  	s20 =	sshrl.u32 s18, $0x2;
	s21 =	sshrl.u32 s10, $0x3;
	s6 =	sshrl.u32 s6, $0x3  }
0xb: {  	s22 =	sadd.s32 $0x280, s21;
	s23 =	sadd.s32 s13, s21;
	s24 =	sadd.s32 s14, s21  }
0xc: {  	s26 =	sadd.s32 $0x500, s21;
	s8 =	sadd.s32 $0x780, s21;
	s16 =	smax.u32 s16, $0x1  }
0xd: {  	s21 =	simm.s32 $0x2800;
	s0 =	sadd.s32 s6, s0;
	[dreg:$0x3] =	wrdreg s23  }
0xe: {  	s6 =	sadd.s32 s20, s1;
	[dreg:$0x4] =	wrdreg s24;
	s25 =	sadd.s32 s13, s22  }
0xf: {  	s10 =	sadd.s32 s14, s22;
	s11 =	sadd.s32 s13, s26;
	s12 =	sadd.s32 s14, s26  }
.Ltmp0:
0x10: {  	s13 =	sadd.s32 s13, s8;
	s14 =	sadd.s32 s14, s8;
	(pc) =	sbr.rel .LBB2_1-.Ltmp0, $4  }
0x11: {  	s22 =	simm.s32 $0x5;
	s23 =	simm.s32 $0x1400;
	s24 =	simm.s32 $0x80  }
0x12: {  	s26 =	simm.s32 $0x1;
	[dreg:$0x5] =	wrdreg s25;
	s15 =	sadd.s32 $0xB8E00, s0  }
0x13: {  	s17 =	sadd.s32 $0x4000, s6;
	s18 =	sadd.s32 $0x8000, s6;
	s19 =	sadd.s32 $0xC000, s6  }
0x14: {  	v0 =	vimm.f32 $0.0e+00;
	s20 =	sadd.s32 $0x10000, s6;
	s25 =	simm.s32 $0x6800;
	s0 =	simm.s32 $0x2780  }
.LBB2_10:
0x15: {  	[tilespmem:s25], [sflag:$0x2] =	stream.indirect.gather [hbm4b:s4+s24], $0x80, s8, s24, $0xb8;
	[tilespmem:$0x1E800] =	vst v63  }
.LBB2_14:
0x16: {  	_ =	swait.ge [sflag:s26], $0x4000  }
0x17: {  	[sflag:s26] =	ssyncset.done $0x0  }
0x18: {  	[sflag:s26] =	ssyncadd.s32 $0xFFFFC000  }
0x19: {  	[spmem:s1] =	stream.indirect.scatter.add.f32 [tilespmem:s21], [sflag:$0x3], $0x80, s31, s24, $0xb8;
	[tilespmem:$0x1E800] =	vst v63  }
0x1a: {  	_ =	swait.ge [sflag:s28], $0x4000  }
0x1b: {  	[sflag:s28] =	ssyncset.done $0x0  }
0x1c: {  	[sflag:s28] =	ssyncadd.s32 $0xFFFFC000  }
0x1d: {  	_ =	swait.ge [sflag:s29], $0x4000  }
0x1e: {  	[sflag:s29] =	ssyncset.done $0x0  }
0x1f: {  	[sflag:s29] =	ssyncadd.s32 $0xFFFFC000  }
0x20: {  	[spmem:s1] =	stream.indirect.scatter.add.f32 [tilespmem:s25], [sflag:$0x4], $0x80, s0, s24, $0xb8;
	[tilespmem:$0x1E800] =	vst v63  }
0x21: {  	_ =	swait.ge [sflag:s30], $0x4000  }
0x22: {  	s7 =	sshll.u32 s2, $0x6;
	s3 =	sadd.s32 $0x1, s3;
	[sflag:s30] =	ssyncset.done $0x0  }
0x23: {  	s8 =	sshrl.u32 s6, $0x3;
	p1 =	sne.s32 s3, s16;
	[sflag:s30] =	ssyncadd.s32 $0xFFFFC000  }
.Ltmp1:
0x24: {  	s7 =	sor.u32 $0x1C05, s7;
	[bflag:$0x0] =	sbarrier.arrive $0xFFFF;
	(pc) =	sbr.rel @!p1 .LBB2_15-.Ltmp1, $4  }
0x25: {  	[hbm:s15], [sflag:s7] =	dma.local [spmem:s8], $0x2800  }
0x26: {  	_ =	swait.ge [sflag:s22], $0x2800  }
0x27: {  	[sflag:s22] =	ssyncset.done $0x0  }
0x28: {  	[sflag:s22] =	ssyncadd.s32 $0xFFFFD800  }
.LBB2_1:
0x29: {  	s7 =	simm.s32 $0x0;
	s8 =	simm.s32 $0x200  }
.LBB2_2:
0x2a: {  	p1 =	sne.s32 s8, $0xFE00;
	[tilespmem:s7+$0x2870] =	vst v0  }
0x2b: {  	[tilespmem:s7+$0x2800] =	vst v0  }
0x2c: {  	[tilespmem:s7+$0x2810] =	vst v0  }
.Ltmp2:
0x2d: {  	[tilespmem:s7+$0x2820] =	vst v0;
	(pc) =	sbr.rel @p1 .LBB2_2-.Ltmp2, $4  }
0x2e: {  	[tilespmem:s7+$0x2830] =	vst v0  }
0x2f: {  	[tilespmem:s7+$0x2840] =	vst v0  }
0x30: {  	[tilespmem:s7+$0x2850] =	vst v0  }
0x31: {  	[tilespmem:s7+$0x2860] =	vst v0;
	s7 =	sshra.s32 s8, $0x2;
	s8 =	sadd.s32 $0x200, s8  }
0x32: {  	[tilespmem:s7+$0x2870] =	vst v0  }
0x33: {  	[tilespmem:s7+$0x2800] =	vst v0  }
0x34: {  	[tilespmem:s7+$0x2810] =	vst v0  }
0x35: {  	[tilespmem:s7+$0x2820] =	vst v0  }
0x36: {  	[tilespmem:s7+$0x2830] =	vst v0  }
0x37: {  	[tilespmem:s7+$0x2840] =	vst v0  }
0x38: {  	[tilespmem:s7+$0x2850] =	vst v0  }
0x39: {  	[tilespmem:s7+$0x2860] =	vst v0  }
0x3a: {  	[spmem:s6] =	stream.linear.scatter [tilespmem:s21], [sflag:$0x5], $0x4000, $0x38;
	[tilespmem:$0x1E800] =	vst v63  }
0x3b: {  	_ =	swait.ge [sflag:s22], $0x4000  }
0x3c: {  	[sflag:s22] =	ssyncset.done $0x0  }
0x3d: {  	[sflag:s22] =	ssyncadd.s32 $0xFFFFC000  }
0x3e: {  	[spmem:s17] =	stream.linear.scatter [tilespmem:s21], [sflag:$0x5], $0x4000, $0x38;
	[tilespmem:$0x1E800] =	vst v63  }
0x3f: {  	_ =	swait.ge [sflag:s22], $0x4000  }
0x40: {  	[sflag:s22] =	ssyncset.done $0x0  }
0x41: {  	[sflag:s22] =	ssyncadd.s32 $0xFFFFC000  }
0x42: {  	[spmem:s18] =	stream.linear.scatter [tilespmem:s21], [sflag:$0x5], $0x4000, $0x38;
	[tilespmem:$0x1E800] =	vst v63  }
0x43: {  	_ =	swait.ge [sflag:s22], $0x4000  }
0x44: {  	[sflag:s22] =	ssyncset.done $0x0  }
0x45: {  	[sflag:s22] =	ssyncadd.s32 $0xFFFFC000  }
0x46: {  	[spmem:s19] =	stream.linear.scatter [tilespmem:s21], [sflag:$0x5], $0x4000, $0x38;
	[tilespmem:$0x1E800] =	vst v63  }
0x47: {  	_ =	swait.ge [sflag:s22], $0x4000  }
0x48: {  	[sflag:s22] =	ssyncset.done $0x0  }
0x49: {  	[sflag:s22] =	ssyncadd.s32 $0xFFFFC000  }
0x4a: {  	[spmem:s20] =	stream.linear.scatter [tilespmem:s21], [sflag:$0x5], $0x4000, $0x38;
	[tilespmem:$0x1E800] =	vst v63  }
.Ltmp3:
0x4b: {  	_ =	swait.ge [sflag:s22], $0x4000;
	(pc) =	sbr.rel @!p0 .LBB2_4-.Ltmp3, $4  }
0x4c: {  	[sflag:s22] =	ssyncset.done $0x0  }
0x4d: {  	[sflag:s22] =	ssyncadd.s32 $0xFFFFC000  }
0x4e: {  	[bflag:$0x0] =	sbarrier.arrive $0xFFFF  }
0x4f: {  	s7 =	simm.s32 $0x0  }
0x50: {  	[tilespmem:s7], [sflag:$0x5] =	stream.linear.gather [hbm4b:s13+s7], $0x1400, $0x38;
	[tilespmem:$0x1E800] =	vst v63  }
0x51: {  	_ =	swait.ge [sflag:s22], $0x1400  }
0x52: {  	[sflag:s22] =	ssyncset.done $0x0  }
0x53: {  	[sflag:s22] =	ssyncadd.s32 $0xFFFFEC00  }
0x54: {  	[tilespmem:s23], [sflag:$0x5] =	stream.linear.gather [hbm4b:s14+s7], $0x1400, $0x38;
	[tilespmem:$0x1E800] =	vst v63  }
0x55: {  	_ =	swait.ge [sflag:s22], $0x1400  }
0x56: {  	[sflag:s22] =	ssyncset.done $0x0  }
0x57: {  	[sflag:s22] =	ssyncadd.s32 $0xFFFFEC00  }
0x58: {  	[tilespmem:s21], [sflag:$0x1] =	stream.indirect.gather [hbm4b:s5+s24], $0x80, s7, s24, $0xb8;
	[tilespmem:$0x1E800] =	vst v63  }
0x59: {  	_ = 	snop  }
0x5a: {  	[tilespmem:s25], [sflag:$0x2] =	stream.indirect.gather [hbm4b:s5+s24], $0x80, s24, s24, $0xb8;
	[tilespmem:$0x1E800] =	vst v63  }
0x5b: {  	_ =	swait.ge [sflag:s26], $0x4000  }
0x5c: {  	[sflag:s26] =	ssyncset.done $0x0  }
0x5d: {  	s9 =	simm.s32 $0x1400;
	[sflag:s26] =	ssyncadd.s32 $0xFFFFC000  }
0x5e: {  	[spmem:s1] =	stream.indirect.scatter.add.f32 [tilespmem:s21], [sflag:$0x3], $0x80, s9, s24, $0xb8;
	[tilespmem:$0x1E800] =	vst v63  }
0x5f: {  	_ =	swait.ge [sflag:s28], $0x4000  }
0x60: {  	[sflag:s28] =	ssyncset.done $0x0  }
0x61: {  	[sflag:s28] =	ssyncadd.s32 $0xFFFFC000  }
0x62: {  	_ =	swait.ge [sflag:s29], $0x4000  }
0x63: {  	[sflag:s29] =	ssyncset.done $0x0  }
0x64: {  	s8 =	simm.s32 $0x100;
	[sflag:s29] =	ssyncadd.s32 $0xFFFFC000  }
0x65: {  	[tilespmem:s21], [sflag:$0x1] =	stream.indirect.gather [hbm4b:s5+s24], $0x80, s8, s24, $0xb8;
	[tilespmem:$0x1E800] =	vst v63  }
0x66: {  	s9 =	simm.s32 $0x1480  }
0x67: {  	[spmem:s1] =	stream.indirect.scatter.add.f32 [tilespmem:s25], [sflag:$0x4], $0x80, s9, s24, $0xb8;
	[tilespmem:$0x1E800] =	vst v63  }
0x68: {  	_ =	swait.ge [sflag:s30], $0x4000  }
0x69: {  	[sflag:s30] =	ssyncset.done $0x0  }
0x6a: {  	s7 =	simm.s32 $0x400;
	s8 =	simm.s32 $0x180;
	[sflag:s30] =	ssyncadd.s32 $0xFFFFC000  }
.LBB2_12:
0x6b: {  	[tilespmem:s25], [sflag:$0x2] =	stream.indirect.gather [hbm4b:s5+s24], $0x80, s8, s24, $0xb8;
	[tilespmem:$0x1E800] =	vst v63  }
0x6c: {  	s8 =	smov.u32 s7  }
0x6d: {  	p1 =	sne.s32 s7, $0x4800;
	s7 =	sadd.s32 $0x400, s7;
	_ =	swait.ge [sflag:s26], $0x4000  }
0x6e: {  	s8 =	sshra.s32 s8, $0x2;
	[sflag:s26] =	ssyncset.done $0x0  }
0x6f: {  	s9 =	sadd.s32 $0x1400, s8;
	[sflag:s26] =	ssyncadd.s32 $0xFFFFC000  }
0x70: {  	[spmem:s1] =	stream.indirect.scatter.add.f32 [tilespmem:s21], [sflag:$0x3], $0x80, s9, s24, $0xb8;
	[tilespmem:$0x1E800] =	vst v63  }
0x71: {  	_ =	swait.ge [sflag:s28], $0x4000  }
0x72: {  	[sflag:s28] =	ssyncset.done $0x0  }
0x73: {  	[sflag:s28] =	ssyncadd.s32 $0xFFFFC000  }
0x74: {  	_ =	swait.ge [sflag:s29], $0x4000  }
0x75: {  	[sflag:s29] =	ssyncset.done $0x0  }
0x76: {  	s9 =	sadd.s32 $0x100, s8;
	[sflag:s29] =	ssyncadd.s32 $0xFFFFC000  }
0x77: {  	[tilespmem:s21], [sflag:$0x1] =	stream.indirect.gather [hbm4b:s5+s24], $0x80, s9, s24, $0xb8;
	[tilespmem:$0x1E800] =	vst v63  }
.Ltmp4:
0x78: {  	s9 =	sadd.s32 $0x1480, s8;
	(pc) =	sbr.rel @p1 .LBB2_12-.Ltmp4, $4  }
0x79: {  	[spmem:s1] =	stream.indirect.scatter.add.f32 [tilespmem:s25], [sflag:$0x4], $0x80, s9, s24, $0xb8;
	[tilespmem:$0x1E800] =	vst v63  }
0x7a: {  	_ =	swait.ge [sflag:s30], $0x4000  }
0x7b: {  	[sflag:s30] =	ssyncset.done $0x0  }
0x7c: {  	s8 =	sadd.s32 $0x180, s8;
	[sflag:s30] =	ssyncadd.s32 $0xFFFFC000  }
.Ltmp5:
0x7d: {  	(pc) =	sbr.rel .LBB2_14-.Ltmp5, $2  }
0x7e: {  	_ =	sdelay $0x2  }
0x7f: {  	[tilespmem:s25], [sflag:$0x2] =	stream.indirect.gather [hbm4b:s5+s24], $0x80, s8, s24, $0xb8;
	[tilespmem:$0x1E800] =	vst v63  }
.LBB2_4:
0x80: {  	s8 =	rddreg [dreg:$0x3]  }
0x81: {  	[tilespmem:s7], [sflag:$0x5] =	stream.linear.gather [hbm4b:s8+s7], $0x1400, $0x38;
	[tilespmem:$0x1E800] =	vst v63  }
0x82: {  	_ =	swait.ge [sflag:s22], $0x1400  }
0x83: {  	[sflag:s22] =	ssyncset.done $0x0  }
0x84: {  	s9 =	rddreg [dreg:$0x4];
	[sflag:s22] =	ssyncadd.s32 $0xFFFFEC00  }
0x85: {  	[tilespmem:s23], [sflag:$0x5] =	stream.linear.gather [hbm4b:s9+s7], $0x1400, $0x38;
	[tilespmem:$0x1E800] =	vst v63  }
0x86: {  	_ =	swait.ge [sflag:s22], $0x1400  }
0x87: {  	[sflag:s22] =	ssyncset.done $0x0  }
0x88: {  	[sflag:s22] =	ssyncadd.s32 $0xFFFFEC00  }
0x89: {  	[tilespmem:s21], [sflag:$0x1] =	stream.indirect.gather [hbm4b:s4+s24], $0x80, s7, s24, $0xb8;
	[tilespmem:$0x1E800] =	vst v63  }
0x8a: {  	_ = 	snop  }
0x8b: {  	[tilespmem:s25], [sflag:$0x2] =	stream.indirect.gather [hbm4b:s4+s24], $0x80, s24, s24, $0xb8;
	[tilespmem:$0x1E800] =	vst v63  }
0x8c: {  	_ =	swait.ge [sflag:s26], $0x4000  }
0x8d: {  	[sflag:s26] =	ssyncset.done $0x0  }
0x8e: {  	s9 =	simm.s32 $0x1400;
	[sflag:s26] =	ssyncadd.s32 $0xFFFFC000  }
0x8f: {  	[spmem:s1] =	stream.indirect.scatter.add.f32 [tilespmem:s21], [sflag:$0x3], $0x80, s9, s24, $0xb8;
	[tilespmem:$0x1E800] =	vst v63  }
0x90: {  	_ =	swait.ge [sflag:s28], $0x4000  }
0x91: {  	[sflag:s28] =	ssyncset.done $0x0  }
0x92: {  	[sflag:s28] =	ssyncadd.s32 $0xFFFFC000  }
0x93: {  	_ =	swait.ge [sflag:s29], $0x4000  }
0x94: {  	[sflag:s29] =	ssyncset.done $0x0  }
0x95: {  	s8 =	simm.s32 $0x100;
	[sflag:s29] =	ssyncadd.s32 $0xFFFFC000  }
0x96: {  	[tilespmem:s21], [sflag:$0x1] =	stream.indirect.gather [hbm4b:s4+s24], $0x80, s8, s24, $0xb8;
	[tilespmem:$0x1E800] =	vst v63  }
0x97: {  	s9 =	simm.s32 $0x1480  }
0x98: {  	[spmem:s1] =	stream.indirect.scatter.add.f32 [tilespmem:s25], [sflag:$0x4], $0x80, s9, s24, $0xb8;
	[tilespmem:$0x1E800] =	vst v63  }
0x99: {  	_ =	swait.ge [sflag:s30], $0x4000  }
0x9a: {  	[sflag:s30] =	ssyncset.done $0x0  }
0x9b: {  	s7 =	simm.s32 $0x400;
	s8 =	simm.s32 $0x180;
	[sflag:s30] =	ssyncadd.s32 $0xFFFFC000  }
.LBB2_5:
0x9c: {  	[tilespmem:s25], [sflag:$0x2] =	stream.indirect.gather [hbm4b:s4+s24], $0x80, s8, s24, $0xb8;
	[tilespmem:$0x1E800] =	vst v63  }
0x9d: {  	s8 =	smov.u32 s7  }
0x9e: {  	p1 =	sne.s32 s7, $0x4800;
	s7 =	sadd.s32 $0x400, s7;
	_ =	swait.ge [sflag:s26], $0x4000  }
0x9f: {  	s8 =	sshra.s32 s8, $0x2;
	[sflag:s26] =	ssyncset.done $0x0  }
0xa0: {  	s9 =	sadd.s32 $0x1400, s8;
	[sflag:s26] =	ssyncadd.s32 $0xFFFFC000  }
0xa1: {  	[spmem:s1] =	stream.indirect.scatter.add.f32 [tilespmem:s21], [sflag:$0x3], $0x80, s9, s24, $0xb8;
	[tilespmem:$0x1E800] =	vst v63  }
0xa2: {  	_ =	swait.ge [sflag:s28], $0x4000  }
0xa3: {  	[sflag:s28] =	ssyncset.done $0x0  }
0xa4: {  	[sflag:s28] =	ssyncadd.s32 $0xFFFFC000  }
0xa5: {  	_ =	swait.ge [sflag:s29], $0x4000  }
0xa6: {  	[sflag:s29] =	ssyncset.done $0x0  }
0xa7: {  	s9 =	sadd.s32 $0x100, s8;
	[sflag:s29] =	ssyncadd.s32 $0xFFFFC000  }
0xa8: {  	[tilespmem:s21], [sflag:$0x1] =	stream.indirect.gather [hbm4b:s4+s24], $0x80, s9, s24, $0xb8;
	[tilespmem:$0x1E800] =	vst v63  }
.Ltmp6:
0xa9: {  	s9 =	sadd.s32 $0x1480, s8;
	(pc) =	sbr.rel @p1 .LBB2_5-.Ltmp6, $4  }
0xaa: {  	[spmem:s1] =	stream.indirect.scatter.add.f32 [tilespmem:s25], [sflag:$0x4], $0x80, s9, s24, $0xb8;
	[tilespmem:$0x1E800] =	vst v63  }
0xab: {  	_ =	swait.ge [sflag:s30], $0x4000  }
0xac: {  	[sflag:s30] =	ssyncset.done $0x0  }
0xad: {  	s8 =	sadd.s32 $0x180, s8;
	[sflag:s30] =	ssyncadd.s32 $0xFFFFC000  }
0xae: {  	[tilespmem:s25], [sflag:$0x2] =	stream.indirect.gather [hbm4b:s4+s24], $0x80, s8, s24, $0xb8;
	[tilespmem:$0x1E800] =	vst v63  }
0xaf: {  	_ =	swait.ge [sflag:s26], $0x4000  }
0xb0: {  	[sflag:s26] =	ssyncset.done $0x0  }
0xb1: {  	[sflag:s26] =	ssyncadd.s32 $0xFFFFC000  }
0xb2: {  	[spmem:s1] =	stream.indirect.scatter.add.f32 [tilespmem:s21], [sflag:$0x3], $0x80, s31, s24, $0xb8;
	[tilespmem:$0x1E800] =	vst v63  }
0xb3: {  	_ =	swait.ge [sflag:s28], $0x4000  }
0xb4: {  	[sflag:s28] =	ssyncset.done $0x0  }
0xb5: {  	[sflag:s28] =	ssyncadd.s32 $0xFFFFC000  }
0xb6: {  	_ =	swait.ge [sflag:s29], $0x4000  }
0xb7: {  	[sflag:s29] =	ssyncset.done $0x0  }
0xb8: {  	[sflag:s29] =	ssyncadd.s32 $0xFFFFC000  }
0xb9: {  	[spmem:s1] =	stream.indirect.scatter.add.f32 [tilespmem:s25], [sflag:$0x4], $0x80, s0, s24, $0xb8;
	[tilespmem:$0x1E800] =	vst v63  }
0xba: {  	_ =	swait.ge [sflag:s30], $0x4000  }
0xbb: {  	[sflag:s30] =	ssyncset.done $0x0  }
0xbc: {  	s7 =	simm.s32 $0x0;
	s9 =	rddreg [dreg:$0x5];
	[sflag:s30] =	ssyncadd.s32 $0xFFFFC000  }
0xbd: {  	[tilespmem:s7], [sflag:$0x5] =	stream.linear.gather [hbm4b:s9+s7], $0x1400, $0x38;
	[tilespmem:$0x1E800] =	vst v63  }
0xbe: {  	_ =	swait.ge [sflag:s22], $0x1400  }
0xbf: {  	[sflag:s22] =	ssyncset.done $0x0  }
0xc0: {  	[sflag:s22] =	ssyncadd.s32 $0xFFFFEC00  }
0xc1: {  	[tilespmem:s23], [sflag:$0x5] =	stream.linear.gather [hbm4b:s10+s7], $0x1400, $0x38;
	[tilespmem:$0x1E800] =	vst v63  }
0xc2: {  	_ =	swait.ge [sflag:s22], $0x1400  }
0xc3: {  	[sflag:s22] =	ssyncset.done $0x0  }
0xc4: {  	[sflag:s22] =	ssyncadd.s32 $0xFFFFEC00  }
0xc5: {  	[tilespmem:s21], [sflag:$0x1] =	stream.indirect.gather [hbm4b:s4+s24], $0x80, s7, s24, $0xb8;
	[tilespmem:$0x1E800] =	vst v63  }
0xc6: {  	_ = 	snop  }
0xc7: {  	[tilespmem:s25], [sflag:$0x2] =	stream.indirect.gather [hbm4b:s4+s24], $0x80, s24, s24, $0xb8;
	[tilespmem:$0x1E800] =	vst v63  }
0xc8: {  	_ =	swait.ge [sflag:s26], $0x4000  }
0xc9: {  	[sflag:s26] =	ssyncset.done $0x0  }
0xca: {  	s9 =	simm.s32 $0x1400;
	[sflag:s26] =	ssyncadd.s32 $0xFFFFC000  }
0xcb: {  	[spmem:s1] =	stream.indirect.scatter.add.f32 [tilespmem:s21], [sflag:$0x3], $0x80, s9, s24, $0xb8;
	[tilespmem:$0x1E800] =	vst v63  }
0xcc: {  	_ =	swait.ge [sflag:s28], $0x4000  }
0xcd: {  	[sflag:s28] =	ssyncset.done $0x0  }
0xce: {  	[sflag:s28] =	ssyncadd.s32 $0xFFFFC000  }
0xcf: {  	_ =	swait.ge [sflag:s29], $0x4000  }
0xd0: {  	[sflag:s29] =	ssyncset.done $0x0  }
0xd1: {  	s8 =	simm.s32 $0x100;
	[sflag:s29] =	ssyncadd.s32 $0xFFFFC000  }
0xd2: {  	[tilespmem:s21], [sflag:$0x1] =	stream.indirect.gather [hbm4b:s4+s24], $0x80, s8, s24, $0xb8;
	[tilespmem:$0x1E800] =	vst v63  }
0xd3: {  	s9 =	simm.s32 $0x1480  }
0xd4: {  	[spmem:s1] =	stream.indirect.scatter.add.f32 [tilespmem:s25], [sflag:$0x4], $0x80, s9, s24, $0xb8;
	[tilespmem:$0x1E800] =	vst v63  }
0xd5: {  	_ =	swait.ge [sflag:s30], $0x4000  }
0xd6: {  	[sflag:s30] =	ssyncset.done $0x0  }
0xd7: {  	s7 =	simm.s32 $0x400;
	s8 =	simm.s32 $0x180;
	[sflag:s30] =	ssyncadd.s32 $0xFFFFC000  }
.LBB2_7:
0xd8: {  	[tilespmem:s25], [sflag:$0x2] =	stream.indirect.gather [hbm4b:s4+s24], $0x80, s8, s24, $0xb8;
	[tilespmem:$0x1E800] =	vst v63  }
0xd9: {  	s8 =	smov.u32 s7  }
0xda: {  	p1 =	sne.s32 s7, $0x4800;
	s7 =	sadd.s32 $0x400, s7;
	_ =	swait.ge [sflag:s26], $0x4000  }
0xdb: {  	s8 =	sshra.s32 s8, $0x2;
	[sflag:s26] =	ssyncset.done $0x0  }
0xdc: {  	s9 =	sadd.s32 $0x1400, s8;
	[sflag:s26] =	ssyncadd.s32 $0xFFFFC000  }
0xdd: {  	[spmem:s1] =	stream.indirect.scatter.add.f32 [tilespmem:s21], [sflag:$0x3], $0x80, s9, s24, $0xb8;
	[tilespmem:$0x1E800] =	vst v63  }
0xde: {  	_ =	swait.ge [sflag:s28], $0x4000  }
0xdf: {  	[sflag:s28] =	ssyncset.done $0x0  }
0xe0: {  	[sflag:s28] =	ssyncadd.s32 $0xFFFFC000  }
0xe1: {  	_ =	swait.ge [sflag:s29], $0x4000  }
0xe2: {  	[sflag:s29] =	ssyncset.done $0x0  }
0xe3: {  	s9 =	sadd.s32 $0x100, s8;
	[sflag:s29] =	ssyncadd.s32 $0xFFFFC000  }
0xe4: {  	[tilespmem:s21], [sflag:$0x1] =	stream.indirect.gather [hbm4b:s4+s24], $0x80, s9, s24, $0xb8;
	[tilespmem:$0x1E800] =	vst v63  }
.Ltmp7:
0xe5: {  	s9 =	sadd.s32 $0x1480, s8;
	(pc) =	sbr.rel @p1 .LBB2_7-.Ltmp7, $4  }
0xe6: {  	[spmem:s1] =	stream.indirect.scatter.add.f32 [tilespmem:s25], [sflag:$0x4], $0x80, s9, s24, $0xb8;
	[tilespmem:$0x1E800] =	vst v63  }
0xe7: {  	_ =	swait.ge [sflag:s30], $0x4000  }
0xe8: {  	[sflag:s30] =	ssyncset.done $0x0  }
0xe9: {  	s8 =	sadd.s32 $0x180, s8;
	[sflag:s30] =	ssyncadd.s32 $0xFFFFC000  }
0xea: {  	[tilespmem:s25], [sflag:$0x2] =	stream.indirect.gather [hbm4b:s4+s24], $0x80, s8, s24, $0xb8;
	[tilespmem:$0x1E800] =	vst v63  }
0xeb: {  	_ =	swait.ge [sflag:s26], $0x4000  }
0xec: {  	[sflag:s26] =	ssyncset.done $0x0  }
0xed: {  	[sflag:s26] =	ssyncadd.s32 $0xFFFFC000  }
0xee: {  	[spmem:s1] =	stream.indirect.scatter.add.f32 [tilespmem:s21], [sflag:$0x3], $0x80, s31, s24, $0xb8;
	[tilespmem:$0x1E800] =	vst v63  }
0xef: {  	_ =	swait.ge [sflag:s28], $0x4000  }
0xf0: {  	[sflag:s28] =	ssyncset.done $0x0  }
0xf1: {  	[sflag:s28] =	ssyncadd.s32 $0xFFFFC000  }
0xf2: {  	_ =	swait.ge [sflag:s29], $0x4000  }
0xf3: {  	[sflag:s29] =	ssyncset.done $0x0  }
0xf4: {  	[sflag:s29] =	ssyncadd.s32 $0xFFFFC000  }
0xf5: {  	[spmem:s1] =	stream.indirect.scatter.add.f32 [tilespmem:s25], [sflag:$0x4], $0x80, s0, s24, $0xb8;
	[tilespmem:$0x1E800] =	vst v63  }
0xf6: {  	_ =	swait.ge [sflag:s30], $0x4000  }
0xf7: {  	[sflag:s30] =	ssyncset.done $0x0  }
0xf8: {  	s7 =	simm.s32 $0x0;
	[sflag:s30] =	ssyncadd.s32 $0xFFFFC000  }
0xf9: {  	[tilespmem:s7], [sflag:$0x5] =	stream.linear.gather [hbm4b:s11+s7], $0x1400, $0x38;
	[tilespmem:$0x1E800] =	vst v63  }
0xfa: {  	_ =	swait.ge [sflag:s22], $0x1400  }
0xfb: {  	[sflag:s22] =	ssyncset.done $0x0  }
0xfc: {  	[sflag:s22] =	ssyncadd.s32 $0xFFFFEC00  }
0xfd: {  	[tilespmem:s23], [sflag:$0x5] =	stream.linear.gather [hbm4b:s12+s7], $0x1400, $0x38;
	[tilespmem:$0x1E800] =	vst v63  }
0xfe: {  	_ =	swait.ge [sflag:s22], $0x1400  }
0xff: {  	[sflag:s22] =	ssyncset.done $0x0  }
0x100: {  	[sflag:s22] =	ssyncadd.s32 $0xFFFFEC00  }
0x101: {  	[tilespmem:s21], [sflag:$0x1] =	stream.indirect.gather [hbm4b:s4+s24], $0x80, s7, s24, $0xb8;
	[tilespmem:$0x1E800] =	vst v63  }
0x102: {  	_ = 	snop  }
0x103: {  	[tilespmem:s25], [sflag:$0x2] =	stream.indirect.gather [hbm4b:s4+s24], $0x80, s24, s24, $0xb8;
	[tilespmem:$0x1E800] =	vst v63  }
0x104: {  	_ =	swait.ge [sflag:s26], $0x4000  }
0x105: {  	[sflag:s26] =	ssyncset.done $0x0  }
0x106: {  	s9 =	simm.s32 $0x1400;
	[sflag:s26] =	ssyncadd.s32 $0xFFFFC000  }
0x107: {  	[spmem:s1] =	stream.indirect.scatter.add.f32 [tilespmem:s21], [sflag:$0x3], $0x80, s9, s24, $0xb8;
	[tilespmem:$0x1E800] =	vst v63  }
0x108: {  	_ =	swait.ge [sflag:s28], $0x4000  }
0x109: {  	[sflag:s28] =	ssyncset.done $0x0  }
0x10a: {  	[sflag:s28] =	ssyncadd.s32 $0xFFFFC000  }
0x10b: {  	_ =	swait.ge [sflag:s29], $0x4000  }
0x10c: {  	[sflag:s29] =	ssyncset.done $0x0  }
0x10d: {  	s8 =	simm.s32 $0x100;
	[sflag:s29] =	ssyncadd.s32 $0xFFFFC000  }
0x10e: {  	[tilespmem:s21], [sflag:$0x1] =	stream.indirect.gather [hbm4b:s4+s24], $0x80, s8, s24, $0xb8;
	[tilespmem:$0x1E800] =	vst v63  }
0x10f: {  	s9 =	simm.s32 $0x1480  }
0x110: {  	[spmem:s1] =	stream.indirect.scatter.add.f32 [tilespmem:s25], [sflag:$0x4], $0x80, s9, s24, $0xb8;
	[tilespmem:$0x1E800] =	vst v63  }
0x111: {  	_ =	swait.ge [sflag:s30], $0x4000  }
0x112: {  	[sflag:s30] =	ssyncset.done $0x0  }
0x113: {  	s7 =	simm.s32 $0x400;
	s8 =	simm.s32 $0x180;
	[sflag:s30] =	ssyncadd.s32 $0xFFFFC000  }
.LBB2_9:
0x114: {  	[tilespmem:s25], [sflag:$0x2] =	stream.indirect.gather [hbm4b:s4+s24], $0x80, s8, s24, $0xb8;
	[tilespmem:$0x1E800] =	vst v63  }
0x115: {  	s8 =	smov.u32 s7  }
0x116: {  	p1 =	seq.s32 s7, $0x4800;
	s7 =	sadd.s32 $0x400, s7;
	_ =	swait.ge [sflag:s26], $0x4000  }
0x117: {  	s8 =	sshra.s32 s8, $0x2;
	[sflag:s26] =	ssyncset.done $0x0  }
0x118: {  	s9 =	sadd.s32 $0x1400, s8;
	[sflag:s26] =	ssyncadd.s32 $0xFFFFC000  }
0x119: {  	[spmem:s1] =	stream.indirect.scatter.add.f32 [tilespmem:s21], [sflag:$0x3], $0x80, s9, s24, $0xb8;
	[tilespmem:$0x1E800] =	vst v63  }
0x11a: {  	_ =	swait.ge [sflag:s28], $0x4000  }
0x11b: {  	[sflag:s28] =	ssyncset.done $0x0  }
0x11c: {  	[sflag:s28] =	ssyncadd.s32 $0xFFFFC000  }
0x11d: {  	_ =	swait.ge [sflag:s29], $0x4000  }
0x11e: {  	[sflag:s29] =	ssyncset.done $0x0  }
0x11f: {  	s9 =	sadd.s32 $0x100, s8;
	[sflag:s29] =	ssyncadd.s32 $0xFFFFC000  }
0x120: {  	[tilespmem:s21], [sflag:$0x1] =	stream.indirect.gather [hbm4b:s4+s24], $0x80, s9, s24, $0xb8;
	[tilespmem:$0x1E800] =	vst v63  }
.Ltmp8:
0x121: {  	s9 =	sadd.s32 $0x1480, s8;
	(pc) =	sbr.rel @!p1 .LBB2_9-.Ltmp8, $4  }
0x122: {  	[spmem:s1] =	stream.indirect.scatter.add.f32 [tilespmem:s25], [sflag:$0x4], $0x80, s9, s24, $0xb8;
	[tilespmem:$0x1E800] =	vst v63  }
0x123: {  	_ =	swait.ge [sflag:s30], $0x4000  }
0x124: {  	[sflag:s30] =	ssyncset.done $0x0  }
0x125: {  	s8 =	sadd.s32 $0x180, s8;
	[sflag:s30] =	ssyncadd.s32 $0xFFFFC000  }
.Ltmp9:
0x126: {  	_ = 	snop;
	(pc) =	sbr.rel .LBB2_10-.Ltmp9, $1  }
0x127: {  	_ =	sdelay $0x3  }
.LBB2_15:
0x128: {  	_ =	sfence.sel $0x180000  }
0x129: {  	[bflag:$0x0] =	sbarrier.arrive $0xFFFF  }
0x12a: {  	_ =	strace $0x9000004A  }
0x12b: {  	[bflag:$0x2] =	sbarrier.arrive $0xFFFF  }
0x12c: {  	p0 =	sne.s32 s2, $0x0;
	s0 =	rddreg [dreg:$0x2]  }
0x12d: {  	s0 =	sadd.s32 @!p0 $0x100000, s0  }
0x12e: {  	[sflag:s0] =	ssyncadd.tile.s32 @!p0 $0x1;
	_ =	shalt  }
.Lfunc_end2:
_tile_overlayer_lowered:
.L_overlay_start_2:
0x12f: {  	(tag) =	ssettag $0x2  }
0x130: {  	s0 =	rddreg [dreg:$0x0];
	s2 =	stileid.u32  }
0x131: {  	s1 =	rddreg [dreg:$0x1];
	p0 =	sne.s32 s2, $0x0  }
0x132: {  	s3 =	rddreg [dreg:$0x2];
	[bflag:$0x3] =	sbarrier.arrive $0xFFFF;
	s2 =	simm.s32 @!p0 $0x1C05  }
0x133: {  	[timem:s3], [sflag:s2] =	dma.local @!p0 [hbm:s0], s1  }
0x134: {  	s0 =	simm.s32 @!p0 $0x5  }
0x135: {  	_ =	swait.ge @!p0 [sflag:s0], s1  }
0x136: {  	s1 =	ssub.s32 @!p0 $0x0, s1;
	[sflag:s0] =	ssyncset.done @!p0 $0x0  }
0x137: {  	[sflag:s0] =	ssyncadd.s32 @!p0 s1  }
0x138: {  	[bflag:$0x3] =	sbarrier.arrive $0xFFFF  }
0x139: {  	_ =	shalt  }

// kernel: kernel.16.cloned.1.call-start
scs
__scs_entry_jumppad:
0x0: {  	(pc) =	sbr.rel $0x88, $3  }
0x1: {  	(tag) =	ssettag $0x0;
	lr =	simm.s32 $0x1  }
0x2: {  	[smem:$0x3F96] =	sst lr;
	_ =	strace $0xD0000000  }
0x3: {  	_ = 	snop  }
0x4: {  	_ = 	snop  }
0x5: {  	_ = 	snop  }
0x6: {  	_ = 	snop  }
0x7: {  	_ = 	snop  }
__scs_overlays_trampoline_lowered:
0x8: {  	[smem:$0x3FA5] =	sst s0  }
0x9: {  	[smem:$0x3FA6] =	sst s1  }
0xa: {  	[smem:$0x3FA7] =	sst s2  }
0xb: {  	[smem:$0x3FA8] =	sst s3  }
0xc: {  	[smem:$0x3FA9] =	sst s4  }
0xd: {  	[smem:$0x3FAA] =	sst s5  }
0xe: {  	[smem:$0x3FAB] =	sst s6  }
0xf: {  	[smem:$0x3FAC] =	sst s7  }
0x10: {  	[smem:$0x3FAD] =	sst s8  }
0x11: {  	[smem:$0x3FAE] =	sst s9;
	s0 =	simm.s32 @!p0 $0x0  }
0x12: {  	s1 =	sld [smem:$0x3F94];
	s0 =	simm.s32 @p0 $0x1  }
0x13: {  	[smem:$0x3FAF] =	sst s0;
	s0 =	simm.s32 @!p1 $0x0  }
0x14: {  	s2 =	sld [smem:$0x3F93];
	s0 =	simm.s32 @p1 $0x1  }
0x15: {  	[smem:$0x3FB0] =	sst s0;
	s0 =	simm.s32 @!p2 $0x0  }
0x16: {  	s3 =	sld [smem:$0x3FDB];
	s0 =	simm.s32 @p2 $0x1  }
0x17: {  	s4 =	simm.s32 $0x1BF5;
	[smem:$0x3FB2] =	sst s0  }
0x18: {  	s0 =	sld [smem:$0x3F95];
	_ =	swait.ge [sflag:s4], $0x0  }
0x19: {  	s7 =	sld [smem:$0x3F96]  }
0x1a: {  	s8 =	sadd.s32 $0xFFFFE003, lr  }
0x1b: {  	s9 =	sadd.s32 $0xFFFFFEF7, lr;
	s5 =	simm.s32 $0xFFFFFFFF;
	p2 =	slt.u32 s8, $0xFFFFF086  }
0x1c: {  	p1 =	slt.u32 s9, $0xF7A;
	s5 =	simm.s32 @!p2 $0x0  }
0x1d: {  	s5 =	simm.s32 @p1 $0x1;
	p0 =	seq.s32 s7, s2  }
0x1e: {  	s7 =	smul.u32 @!p0 $0xF7A, s2;
	p2 =	seq.s32 @!p0 s5, $0x0  }
0x1f: {  	s9 =	smul.u32 $0xF7A, s1;
	s8 =	simm.s32 @!p0 $0x1BF5;
	p2 =	por !p2, p0  }
0x20: {  	[sflag:s8] =	ssyncset.s32 @!p0 $0xFFFFF086;
	s6 =	sadd.s32 @!p0 s3, s7;
	s7 =	simm.s32 @!p0 $0x108  }
0x21: {  	s3 =	sadd.s32 s3, s9;
	s6 =	sadd.s32 @!p0 $0x88, s6;
	s7 =	simm.s32 @p2 $0x1082  }
0x22: {  	[simem:s7], [sflag:s8] =	dma.local @!p0 [hbm:s6], $0xF7A  }
0x23: {  	s9 =	sor.u32 $0xD0000000, s2;
	s6 =	simm.s32 $0x108;
	_ =	swait.ge @!p0 [sflag:s8], $0x0  }
0x24: {  	s3 =	sadd.s32 $0x88, s3;
	s6 =	simm.s32 @!p1 $0x1082;
	[sflag:s4] =	ssyncset.s32 $0xFFFFF086  }
0x25: {  	[simem:s6], [sflag:s4] =	dma.local [hbm:s3], $0xF7A  }
0x26: {  	[smem:$0x3F96] =	sst s1;
	(tag) =	ssettag s2;
	_ =	strace s9  }
0x27: {  	s1 =	sld [smem:$0x3FA6]  }
0x28: {  	s2 =	sld [smem:$0x3FA7]  }
0x29: {  	s4 =	sld [smem:$0x3FA9]  }
0x2a: {  	p0 =	seq.s32 s5, $0x0;
	s5 =	sld [smem:$0x3FAA]  }
0x2b: {  	s6 =	sld [smem:$0x3FAB]  }
0x2c: {  	s7 =	sld [smem:$0x3FAC]  }
0x2d: {  	s3 =	simm.s32 $0x108;
	s8 =	sld [smem:$0x3FAD]  }
0x2e: {  	s3 =	simm.s32 @!p0 $0x1082;
	s9 =	sld [smem:$0x3FAE]  }
0x2f: {  	lr =	sadd.s32 s0, s3;
	s0 =	sld [smem:$0x3FA5]  }
0x30: {  	s3 =	sld [smem:$0x3FA8]  }
0x31: {  	[smem:$0x3FB1] =	sst s10  }
0x32: {  	s10 =	sld [smem:$0x3FAF];
	_ =	sdelay $0x3  }
0x33: {  	p0 =	seq.s32 s10, $0x1;
	s10 =	sld [smem:$0x3FB1];
	_ =	sdelay $0x3  }
0x34: {  	[smem:$0x3FB1] =	sst s10  }
0x35: {  	s10 =	sld [smem:$0x3FB0];
	_ =	sdelay $0x3  }
0x36: {  	p1 =	seq.s32 s10, $0x1;
	s10 =	sld [smem:$0x3FB1];
	_ =	sdelay $0x3  }
0x37: {  	[smem:$0x3FB1] =	sst s10  }
0x38: {  	s10 =	sld [smem:$0x3FB2]  }
0x39: {  	_ = 	snop;
	(pc) =	sbr.ind lr, $3  }
0x3a: {  	_ = 	snop  }
0x3b: {  	_ = 	snop  }
0x3c: {  	p2 =	seq.s32 s10, $0x1;
	s10 =	sld [smem:$0x3FB1]  }
0x3d: {  	_ =	shalt  }
0x3e: {  	_ =	shalt  }
0x3f: {  	_ =	shalt  }
0x40: {  	_ =	shalt  }
0x41: {  	_ =	shalt  }
0x42: {  	_ =	shalt  }
0x43: {  	_ =	shalt  }
0x44: {  	_ =	shalt  }
0x45: {  	_ =	shalt  }
0x46: {  	_ =	shalt  }
0x47: {  	_ =	shalt  }
0x48: {  	_ =	shalt  }
0x49: {  	_ =	shalt  }
0x4a: {  	_ =	shalt  }
0x4b: {  	_ =	shalt  }
0x4c: {  	_ =	shalt  }
0x4d: {  	_ =	shalt  }
0x4e: {  	_ =	shalt  }
0x4f: {  	_ =	shalt  }
0x50: {  	_ =	shalt  }
0x51: {  	_ =	shalt  }
0x52: {  	_ =	shalt  }
0x53: {  	_ =	shalt  }
0x54: {  	_ =	shalt  }
0x55: {  	_ =	shalt  }
0x56: {  	_ =	shalt  }
0x57: {  	_ =	shalt  }
0x58: {  	_ =	shalt  }
0x59: {  	_ =	shalt  }
0x5a: {  	_ =	shalt  }
0x5b: {  	_ =	shalt  }
0x5c: {  	_ =	shalt  }
0x5d: {  	_ =	shalt  }
0x5e: {  	_ =	shalt  }
0x5f: {  	_ =	shalt  }
0x60: {  	_ =	shalt  }
0x61: {  	_ =	shalt  }
0x62: {  	_ =	shalt  }
0x63: {  	_ =	shalt  }
0x64: {  	_ =	shalt  }
0x65: {  	_ =	shalt  }
0x66: {  	_ =	shalt  }
0x67: {  	_ =	shalt  }
0x68: {  	_ =	shalt  }
0x69: {  	_ =	shalt  }
0x6a: {  	_ =	shalt  }
0x6b: {  	_ =	shalt  }
0x6c: {  	_ =	shalt  }
0x6d: {  	_ =	shalt  }
0x6e: {  	_ =	shalt  }
0x6f: {  	_ =	shalt  }
0x70: {  	_ =	shalt  }
0x71: {  	_ =	shalt  }
0x72: {  	_ =	shalt  }
0x73: {  	_ =	shalt  }
0x74: {  	_ =	shalt  }
0x75: {  	_ =	shalt  }
0x76: {  	_ =	shalt  }
0x77: {  	_ =	shalt  }
0x78: {  	_ =	shalt  }
0x79: {  	_ =	shalt  }
0x7a: {  	_ =	shalt  }
0x7b: {  	_ =	shalt  }
0x7c: {  	_ =	shalt  }
0x7d: {  	_ =	shalt  }
0x7e: {  	_ =	shalt  }
0x7f: {  	_ =	shalt  }
0x80: {  	_ =	shalt  }
0x81: {  	_ =	shalt  }
0x82: {  	_ =	shalt  }
0x83: {  	_ =	shalt  }
0x84: {  	_ =	shalt  }
0x85: {  	_ =	shalt  }
0x86: {  	_ =	shalt  }
0x87: {  	_ =	shalt  }
.Lfunc_end0:
.L_simem_size_0:
called_computation.2_lowered:
.L_overlay_start_0:
0x88: {  	s2 =	sld [smem:$0x3FD9]  }
0x89: {  	s3 =	sld [smem:$0x3FFE];
	_ =	sdelay $0x1  }
0x8a: {  	s1 =	srdreg.scid  }
0x8b: {  	s0 =	sand.u32 $0x1, s1  }
0x8c: {  	s16 =	sshll.u32 s0, $0xA;
	s2 =	sadd.s32 s3, s2  }
0x8d: {  	s2 =	sadd.s32 s2, s16  }
0x8e: {  	[smem:$0x3FBD] =	sst s2  }
0x8f: {  	_ = 	snop  }
0x90: {  	(tm) =	ssettm $0x1  }
0x91: {  	s17 =	sld [smem:$0x3FFB];
	_ =	sdelay $0x3  }
0x92: {  	_ =	strace s17  }
0x93: {  	s2 =	sld [smem:$0x3FFC];
	_ =	sdelay $0x3  }
0x94: {  	_ =	strace s2  }
0x95: {  	s2 =	sld [smem:$0x3FFD];
	_ =	sdelay $0x3  }
0x96: {  	_ =	strace s2  }
0x97: {  	_ =	strace $0x8FFFFFFF  }
0x98: {  	s18 =	sld [smem:$0x3FDB];
	_ =	sdelay $0x1  }
0x99: {  	s19 =	simm.s32 $_scs_section_size  }
0x9a: {  	s4 =	simm.s32 $_size__tile_overlayer_lowered;
	s5 =	simm.s32 $_tile_overlayer_lowered  }
0x9b: {  	s22 =	simm.s32 $0x1BFF;
	s21 =	sshll.u32 s5, $0x1;
	s2 =	sadd.s32 s19, s18  }
0x9c: {  	s6 =	simm.s32 $0x0;
	s20 =	sshll.u32 s4, $0x1;
	s4 =	sadd.s32 s21, s2  }
0x9d: {  	[timem:s6], [sflag:s22] =	dma.local [hbm:s4], s20  }
0x9e: {  	_ =	swait.ge [sflag:s22], s20  }
0x9f: {  	s3 =	ssub.s32 $0x0, s20;
	[sflag:s22] =	ssyncset.done $0x0  }
0xa0: {  	[sflag:s22] =	ssyncadd.s32 s3;
	_ =	sdelay $0x1  }
0xa1: {  	s23 =	simm.s32 $0x1B8B  }
0xa2: {  	_ =	swait.ge [sflag:s23], $0x1  }
0xa3: {  	[sflag:s23] =	ssyncset.done $0x0  }
0xa4: {  	s25 =	simm.s32 $0x1B8E;
	s24 =	sld [smem:$0x3FFE];
	[sflag:s23] =	ssyncadd.s32 $0xFFFFFFFF  }
0xa5: {  	s26 =	simm.s32 $execute0_lowered;
	[smem:$0x3FD2] =	sst s25  }
0xa6: {  	s4 =	sshll.u32 s26, $0x1;
	_ =	strace $0x8000004C;
	[dreg:$0x1] =	wrdreg $0xFFFFFFFF  }
0xa7: {  	s28 =	simm.s32 $_size_execute0_lowered;
	s2 =	sadd.s32 s2, s4;
	[dreg:$0x0] =	wrdreg $0x0  }
0xa8: {  	s4 =	sshll.u32 s28, $0x1;
	[dreg:$0x2] =	wrdreg s2  }
0xa9: {  	[dreg:$0x3] =	wrdreg s4  }
0xaa: {  	[dreg:$0x4] =	wrdreg $0xC0  }
0xab: {  	_ =	task [dreg:s6], $0x5FFFF  }
0xac: {  	[dreg:$0x1] =	wrdreg $0xFFFFFFFF  }
0xad: {  	[dreg:$0x0] =	wrdreg $0x60  }
0xae: {  	[dreg:$0x2] =	wrdreg s24  }
0xaf: {  	[dreg:$0x3] =	wrdreg $0xA8000  }
0xb0: {  	[dreg:$0x4] =	wrdreg $0x9  }
0xb1: {  	_ =	task.clear_ibuf [dreg:s6], $0x5FFFF;
	_ =	strace $0x9000004C  }
0xb2: {  	s29 =	simm.s32 $0x9;
	_ =	strace $0x8000004E  }
0xb3: {  	_ =	swait.ge [sflag:s29], $0x1  }
0xb4: {  	[sflag:s29] =	ssyncadd.s32 $0xFFFFFFFF  }
0xb5: {  	_ =	strace $0x9000004E  }
0xb6: {  	_ =	sfence  }
0xb7: {  	s30 =	sld [smem:$0x0];
	_ =	sdelay $0x2  }
0xb8: {  	s31 =	sshll.u32 s1, $0xD;
	s1 =	sshrl.u32 s1, $0x2  }
0xb9: {  	s3 =	sand.u32 $0x4000, s31;
	s1 =	sadd.s32 s1, s30  }
0xba: {  	s0 =	sor.u32 s3, s0;
	s1 =	sshll.u32 s1, $0x11  }
0xbb: {  	s0 =	sor.u32 s1, s0  }
0xbc: {  	s0 =	sadd.s32 $0x8F2B, s0  }
0xbd: {  	[sflag:s0] =	ssyncadd.remote.s32 $0x1  }
0xbe: {  	_ =	sfence.sel $0xFFFF  }
0xbf: {  	[dreg:$0x0] =	wrdreg $0xFFFFFFFF;
	(pc) =	sbr.abs _section_cstart, $3  }
0xc0: {  	[dreg:$0x1] =	wrdreg $0xFFFFFFFF  }
0xc1: {  	_ =	task.clear_ibuf [dreg:s6], $0x2FFFF;
	_ =	strace $0x9FFFFFFF  }
0xc2: {  	(tm) =	ssettm $0x7FFFFFFF  }
0xc3: {  	_ =	shalt  }
tec
execute0_lowered:
.L_overlay_start_1:
0x0: {  	(tag) =	ssettag $0x1  }
0x1: {  	s0 =	rddreg [dreg:$0x0]  }
0x2: {  	s1 =	rddreg [dreg:$0x1];
	s2 =	srdreg.scid;
	s3 =	simm.s32 $0x0  }
0x3: {  	s28 =	simm.s32 $0x2;
	s29 =	simm.s32 $0x3;
	s30 =	simm.s32 $0x4  }
0x4: {  	s31 =	simm.s32 $0x2700;
	s7 =	sand.u32 $0x1, s2;
	s2 =	stileid.u32  }
0x5: {  	[smem:$0x7FF] =	sst s3;
	s4 =	sadd.s32 $0x36E00, s0;
	s6 =	smul.u32 $0x140000, s7  }
0x6: {  	s5 =	sadd.s32 $0x90E00, s0;
	s13 =	sadd.s32 $0x5EE00, s0;
	s8 =	smul.u32 $0x14000, s2  }
0x7: {  	s14 =	sadd.s32 $0x4E00, s0;
	s18 =	smul.u32 $0x50000, s2;
	s9 =	ssub.s32 $0x2, s7  }
0x8: {  	_ =	strace $0x8000004D;
	s10 =	smul.u32 $0x5000, s2;
	s19 =	sshrl.u32 s9, $0x1  }
0x9: {  	p0 =	seq.s32 s7, $0x1;
	s6 =	sadd.s32 s8, s6;
	s16 =	ssub.s32 s9, s19  }
0xa: {  	s20 =	sshrl.u32 s18, $0x2;
	s21 =	sshrl.u32 s10, $0x3;
	s6 =	sshrl.u32 s6, $0x3  }
0xb: {  	s22 =	sadd.s32 $0x280, s21;
	s23 =	sadd.s32 s13, s21;
	s24 =	sadd.s32 s14, s21  }
0xc: {  	s26 =	sadd.s32 $0x500, s21;
	s8 =	sadd.s32 $0x780, s21;
	s16 =	smax.u32 s16, $0x1  }
0xd: {  	s21 =	simm.s32 $0x2800;
	s0 =	sadd.s32 s6, s0;
	[dreg:$0x3] =	wrdreg s23  }
0xe: {  	s6 =	sadd.s32 s20, s1;
	[dreg:$0x4] =	wrdreg s24;
	s25 =	sadd.s32 s13, s22  }
0xf: {  	s10 =	sadd.s32 s14, s22;
	s11 =	sadd.s32 s13, s26;
	s12 =	sadd.s32 s14, s26  }
.Ltmp0:
0x10: {  	s13 =	sadd.s32 s13, s8;
	s14 =	sadd.s32 s14, s8;
	(pc) =	sbr.rel .LBB2_1-.Ltmp0, $4  }
0x11: {  	s22 =	simm.s32 $0x5;
	s23 =	simm.s32 $0x1400;
	s24 =	simm.s32 $0x80  }
0x12: {  	s26 =	simm.s32 $0x1;
	[dreg:$0x5] =	wrdreg s25;
	s15 =	sadd.s32 $0xB8E00, s0  }
0x13: {  	s17 =	sadd.s32 $0x4000, s6;
	s18 =	sadd.s32 $0x8000, s6;
	s19 =	sadd.s32 $0xC000, s6  }
0x14: {  	v0 =	vimm.f32 $0.0e+00;
	s20 =	sadd.s32 $0x10000, s6;
	s25 =	simm.s32 $0x6800;
	s0 =	simm.s32 $0x2780  }
.LBB2_10:
0x15: {  	[tilespmem:s25], [sflag:$0x2] =	stream.indirect.gather [hbm4b:s4+s24], $0x80, s8, s24, $0xb8;
	[tilespmem:$0x1E800] =	vst v63  }
.LBB2_14:
0x16: {  	_ =	swait.ge [sflag:s26], $0x4000  }
0x17: {  	[sflag:s26] =	ssyncset.done $0x0  }
0x18: {  	[sflag:s26] =	ssyncadd.s32 $0xFFFFC000  }
0x19: {  	[spmem:s1] =	stream.indirect.scatter.add.f32 [tilespmem:s21], [sflag:$0x3], $0x80, s31, s24, $0xb8;
	[tilespmem:$0x1E800] =	vst v63  }
0x1a: {  	_ =	swait.ge [sflag:s28], $0x4000  }
0x1b: {  	[sflag:s28] =	ssyncset.done $0x0  }
0x1c: {  	[sflag:s28] =	ssyncadd.s32 $0xFFFFC000  }
0x1d: {  	_ =	swait.ge [sflag:s29], $0x4000  }
0x1e: {  	[sflag:s29] =	ssyncset.done $0x0  }
0x1f: {  	[sflag:s29] =	ssyncadd.s32 $0xFFFFC000  }
0x20: {  	[spmem:s1] =	stream.indirect.scatter.add.f32 [tilespmem:s25], [sflag:$0x4], $0x80, s0, s24, $0xb8;
	[tilespmem:$0x1E800] =	vst v63  }
0x21: {  	_ =	swait.ge [sflag:s30], $0x4000  }
0x22: {  	s7 =	sshll.u32 s2, $0x6;
	s3 =	sadd.s32 $0x1, s3;
	[sflag:s30] =	ssyncset.done $0x0  }
0x23: {  	s8 =	sshrl.u32 s6, $0x3;
	p1 =	sne.s32 s3, s16;
	[sflag:s30] =	ssyncadd.s32 $0xFFFFC000  }
.Ltmp1:
0x24: {  	s7 =	sor.u32 $0x1C05, s7;
	[bflag:$0x0] =	sbarrier.arrive $0xFFFF;
	(pc) =	sbr.rel @!p1 .LBB2_15-.Ltmp1, $4  }
0x25: {  	[hbm:s15], [sflag:s7] =	dma.local [spmem:s8], $0x2800  }
0x26: {  	_ =	swait.ge [sflag:s22], $0x2800  }
0x27: {  	[sflag:s22] =	ssyncset.done $0x0  }
0x28: {  	[sflag:s22] =	ssyncadd.s32 $0xFFFFD800  }
.LBB2_1:
0x29: {  	s7 =	simm.s32 $0x0;
	s8 =	simm.s32 $0x200  }
.LBB2_2:
0x2a: {  	p1 =	sne.s32 s8, $0xFE00;
	[tilespmem:s7+$0x2870] =	vst v0  }
0x2b: {  	[tilespmem:s7+$0x2800] =	vst v0  }
0x2c: {  	[tilespmem:s7+$0x2810] =	vst v0  }
.Ltmp2:
0x2d: {  	[tilespmem:s7+$0x2820] =	vst v0;
	(pc) =	sbr.rel @p1 .LBB2_2-.Ltmp2, $4  }
0x2e: {  	[tilespmem:s7+$0x2830] =	vst v0  }
0x2f: {  	[tilespmem:s7+$0x2840] =	vst v0  }
0x30: {  	[tilespmem:s7+$0x2850] =	vst v0  }
0x31: {  	[tilespmem:s7+$0x2860] =	vst v0;
	s7 =	sshra.s32 s8, $0x2;
	s8 =	sadd.s32 $0x200, s8  }
0x32: {  	[tilespmem:s7+$0x2870] =	vst v0  }
0x33: {  	[tilespmem:s7+$0x2800] =	vst v0  }
0x34: {  	[tilespmem:s7+$0x2810] =	vst v0  }
0x35: {  	[tilespmem:s7+$0x2820] =	vst v0  }
0x36: {  	[tilespmem:s7+$0x2830] =	vst v0  }
0x37: {  	[tilespmem:s7+$0x2840] =	vst v0  }
0x38: {  	[tilespmem:s7+$0x2850] =	vst v0  }
0x39: {  	[tilespmem:s7+$0x2860] =	vst v0  }
0x3a: {  	[spmem:s6] =	stream.linear.scatter [tilespmem:s21], [sflag:$0x5], $0x4000, $0x38;
	[tilespmem:$0x1E800] =	vst v63  }
0x3b: {  	_ =	swait.ge [sflag:s22], $0x4000  }
0x3c: {  	[sflag:s22] =	ssyncset.done $0x0  }
0x3d: {  	[sflag:s22] =	ssyncadd.s32 $0xFFFFC000  }
0x3e: {  	[spmem:s17] =	stream.linear.scatter [tilespmem:s21], [sflag:$0x5], $0x4000, $0x38;
	[tilespmem:$0x1E800] =	vst v63  }
0x3f: {  	_ =	swait.ge [sflag:s22], $0x4000  }
0x40: {  	[sflag:s22] =	ssyncset.done $0x0  }
0x41: {  	[sflag:s22] =	ssyncadd.s32 $0xFFFFC000  }
0x42: {  	[spmem:s18] =	stream.linear.scatter [tilespmem:s21], [sflag:$0x5], $0x4000, $0x38;
	[tilespmem:$0x1E800] =	vst v63  }
0x43: {  	_ =	swait.ge [sflag:s22], $0x4000  }
0x44: {  	[sflag:s22] =	ssyncset.done $0x0  }
0x45: {  	[sflag:s22] =	ssyncadd.s32 $0xFFFFC000  }
0x46: {  	[spmem:s19] =	stream.linear.scatter [tilespmem:s21], [sflag:$0x5], $0x4000, $0x38;
	[tilespmem:$0x1E800] =	vst v63  }
0x47: {  	_ =	swait.ge [sflag:s22], $0x4000  }
0x48: {  	[sflag:s22] =	ssyncset.done $0x0  }
0x49: {  	[sflag:s22] =	ssyncadd.s32 $0xFFFFC000  }
0x4a: {  	[spmem:s20] =	stream.linear.scatter [tilespmem:s21], [sflag:$0x5], $0x4000, $0x38;
	[tilespmem:$0x1E800] =	vst v63  }
.Ltmp3:
0x4b: {  	_ =	swait.ge [sflag:s22], $0x4000;
	(pc) =	sbr.rel @!p0 .LBB2_4-.Ltmp3, $4  }
0x4c: {  	[sflag:s22] =	ssyncset.done $0x0  }
0x4d: {  	[sflag:s22] =	ssyncadd.s32 $0xFFFFC000  }
0x4e: {  	[bflag:$0x0] =	sbarrier.arrive $0xFFFF  }
0x4f: {  	s7 =	simm.s32 $0x0  }
0x50: {  	[tilespmem:s7], [sflag:$0x5] =	stream.linear.gather [hbm4b:s13+s7], $0x1400, $0x38;
	[tilespmem:$0x1E800] =	vst v63  }
0x51: {  	_ =	swait.ge [sflag:s22], $0x1400  }
0x52: {  	[sflag:s22] =	ssyncset.done $0x0  }
0x53: {  	[sflag:s22] =	ssyncadd.s32 $0xFFFFEC00  }
0x54: {  	[tilespmem:s23], [sflag:$0x5] =	stream.linear.gather [hbm4b:s14+s7], $0x1400, $0x38;
	[tilespmem:$0x1E800] =	vst v63  }
0x55: {  	_ =	swait.ge [sflag:s22], $0x1400  }
0x56: {  	[sflag:s22] =	ssyncset.done $0x0  }
0x57: {  	[sflag:s22] =	ssyncadd.s32 $0xFFFFEC00  }
0x58: {  	[tilespmem:s21], [sflag:$0x1] =	stream.indirect.gather [hbm4b:s5+s24], $0x80, s7, s24, $0xb8;
	[tilespmem:$0x1E800] =	vst v63  }
0x59: {  	_ = 	snop  }
0x5a: {  	[tilespmem:s25], [sflag:$0x2] =	stream.indirect.gather [hbm4b:s5+s24], $0x80, s24, s24, $0xb8;
	[tilespmem:$0x1E800] =	vst v63  }
0x5b: {  	_ =	swait.ge [sflag:s26], $0x4000  }
0x5c: {  	[sflag:s26] =	ssyncset.done $0x0  }
0x5d: {  	s9 =	simm.s32 $0x1400;
	[sflag:s26] =	ssyncadd.s32 $0xFFFFC000  }
0x5e: {  	[spmem:s1] =	stream.indirect.scatter.add.f32 [tilespmem:s21], [sflag:$0x3], $0x80, s9, s24, $0xb8;
	[tilespmem:$0x1E800] =	vst v63  }
0x5f: {  	_ =	swait.ge [sflag:s28], $0x4000  }
0x60: {  	[sflag:s28] =	ssyncset.done $0x0  }
0x61: {  	[sflag:s28] =	ssyncadd.s32 $0xFFFFC000  }
0x62: {  	_ =	swait.ge [sflag:s29], $0x4000  }
0x63: {  	[sflag:s29] =	ssyncset.done $0x0  }
0x64: {  	s8 =	simm.s32 $0x100;
	[sflag:s29] =	ssyncadd.s32 $0xFFFFC000  }
0x65: {  	[tilespmem:s21], [sflag:$0x1] =	stream.indirect.gather [hbm4b:s5+s24], $0x80, s8, s24, $0xb8;
	[tilespmem:$0x1E800] =	vst v63  }
0x66: {  	s9 =	simm.s32 $0x1480  }
0x67: {  	[spmem:s1] =	stream.indirect.scatter.add.f32 [tilespmem:s25], [sflag:$0x4], $0x80, s9, s24, $0xb8;
	[tilespmem:$0x1E800] =	vst v63  }
0x68: {  	_ =	swait.ge [sflag:s30], $0x4000  }
0x69: {  	[sflag:s30] =	ssyncset.done $0x0  }
0x6a: {  	s7 =	simm.s32 $0x400;
	s8 =	simm.s32 $0x180;
	[sflag:s30] =	ssyncadd.s32 $0xFFFFC000  }
.LBB2_12:
0x6b: {  	[tilespmem:s25], [sflag:$0x2] =	stream.indirect.gather [hbm4b:s5+s24], $0x80, s8, s24, $0xb8;
	[tilespmem:$0x1E800] =	vst v63  }
0x6c: {  	s8 =	smov.u32 s7  }
0x6d: {  	p1 =	sne.s32 s7, $0x4800;
	s7 =	sadd.s32 $0x400, s7;
	_ =	swait.ge [sflag:s26], $0x4000  }
0x6e: {  	s8 =	sshra.s32 s8, $0x2;
	[sflag:s26] =	ssyncset.done $0x0  }
0x6f: {  	s9 =	sadd.s32 $0x1400, s8;
	[sflag:s26] =	ssyncadd.s32 $0xFFFFC000  }
0x70: {  	[spmem:s1] =	stream.indirect.scatter.add.f32 [tilespmem:s21], [sflag:$0x3], $0x80, s9, s24, $0xb8;
	[tilespmem:$0x1E800] =	vst v63  }
0x71: {  	_ =	swait.ge [sflag:s28], $0x4000  }
0x72: {  	[sflag:s28] =	ssyncset.done $0x0  }
0x73: {  	[sflag:s28] =	ssyncadd.s32 $0xFFFFC000  }
0x74: {  	_ =	swait.ge [sflag:s29], $0x4000  }
0x75: {  	[sflag:s29] =	ssyncset.done $0x0  }
0x76: {  	s9 =	sadd.s32 $0x100, s8;
	[sflag:s29] =	ssyncadd.s32 $0xFFFFC000  }
0x77: {  	[tilespmem:s21], [sflag:$0x1] =	stream.indirect.gather [hbm4b:s5+s24], $0x80, s9, s24, $0xb8;
	[tilespmem:$0x1E800] =	vst v63  }
.Ltmp4:
0x78: {  	s9 =	sadd.s32 $0x1480, s8;
	(pc) =	sbr.rel @p1 .LBB2_12-.Ltmp4, $4  }
0x79: {  	[spmem:s1] =	stream.indirect.scatter.add.f32 [tilespmem:s25], [sflag:$0x4], $0x80, s9, s24, $0xb8;
	[tilespmem:$0x1E800] =	vst v63  }
0x7a: {  	_ =	swait.ge [sflag:s30], $0x4000  }
0x7b: {  	[sflag:s30] =	ssyncset.done $0x0  }
0x7c: {  	s8 =	sadd.s32 $0x180, s8;
	[sflag:s30] =	ssyncadd.s32 $0xFFFFC000  }
.Ltmp5:
0x7d: {  	(pc) =	sbr.rel .LBB2_14-.Ltmp5, $2  }
0x7e: {  	_ =	sdelay $0x2  }
0x7f: {  	[tilespmem:s25], [sflag:$0x2] =	stream.indirect.gather [hbm4b:s5+s24], $0x80, s8, s24, $0xb8;
	[tilespmem:$0x1E800] =	vst v63  }
.LBB2_4:
0x80: {  	s8 =	rddreg [dreg:$0x3]  }
0x81: {  	[tilespmem:s7], [sflag:$0x5] =	stream.linear.gather [hbm4b:s8+s7], $0x1400, $0x38;
	[tilespmem:$0x1E800] =	vst v63  }
0x82: {  	_ =	swait.ge [sflag:s22], $0x1400  }
0x83: {  	[sflag:s22] =	ssyncset.done $0x0  }
0x84: {  	s9 =	rddreg [dreg:$0x4];
	[sflag:s22] =	ssyncadd.s32 $0xFFFFEC00  }
0x85: {  	[tilespmem:s23], [sflag:$0x5] =	stream.linear.gather [hbm4b:s9+s7], $0x1400, $0x38;
	[tilespmem:$0x1E800] =	vst v63  }
0x86: {  	_ =	swait.ge [sflag:s22], $0x1400  }
0x87: {  	[sflag:s22] =	ssyncset.done $0x0  }
0x88: {  	[sflag:s22] =	ssyncadd.s32 $0xFFFFEC00  }
0x89: {  	[tilespmem:s21], [sflag:$0x1] =	stream.indirect.gather [hbm4b:s4+s24], $0x80, s7, s24, $0xb8;
	[tilespmem:$0x1E800] =	vst v63  }
0x8a: {  	_ = 	snop  }
0x8b: {  	[tilespmem:s25], [sflag:$0x2] =	stream.indirect.gather [hbm4b:s4+s24], $0x80, s24, s24, $0xb8;
	[tilespmem:$0x1E800] =	vst v63  }
0x8c: {  	_ =	swait.ge [sflag:s26], $0x4000  }
0x8d: {  	[sflag:s26] =	ssyncset.done $0x0  }
0x8e: {  	s9 =	simm.s32 $0x1400;
	[sflag:s26] =	ssyncadd.s32 $0xFFFFC000  }
0x8f: {  	[spmem:s1] =	stream.indirect.scatter.add.f32 [tilespmem:s21], [sflag:$0x3], $0x80, s9, s24, $0xb8;
	[tilespmem:$0x1E800] =	vst v63  }
0x90: {  	_ =	swait.ge [sflag:s28], $0x4000  }
0x91: {  	[sflag:s28] =	ssyncset.done $0x0  }
0x92: {  	[sflag:s28] =	ssyncadd.s32 $0xFFFFC000  }
0x93: {  	_ =	swait.ge [sflag:s29], $0x4000  }
0x94: {  	[sflag:s29] =	ssyncset.done $0x0  }
0x95: {  	s8 =	simm.s32 $0x100;
	[sflag:s29] =	ssyncadd.s32 $0xFFFFC000  }
0x96: {  	[tilespmem:s21], [sflag:$0x1] =	stream.indirect.gather [hbm4b:s4+s24], $0x80, s8, s24, $0xb8;
	[tilespmem:$0x1E800] =	vst v63  }
0x97: {  	s9 =	simm.s32 $0x1480  }
0x98: {  	[spmem:s1] =	stream.indirect.scatter.add.f32 [tilespmem:s25], [sflag:$0x4], $0x80, s9, s24, $0xb8;
	[tilespmem:$0x1E800] =	vst v63  }
0x99: {  	_ =	swait.ge [sflag:s30], $0x4000  }
0x9a: {  	[sflag:s30] =	ssyncset.done $0x0  }
0x9b: {  	s7 =	simm.s32 $0x400;
	s8 =	simm.s32 $0x180;
	[sflag:s30] =	ssyncadd.s32 $0xFFFFC000  }
.LBB2_5:
0x9c: {  	[tilespmem:s25], [sflag:$0x2] =	stream.indirect.gather [hbm4b:s4+s24], $0x80, s8, s24, $0xb8;
	[tilespmem:$0x1E800] =	vst v63  }
0x9d: {  	s8 =	smov.u32 s7  }
0x9e: {  	p1 =	sne.s32 s7, $0x4800;
	s7 =	sadd.s32 $0x400, s7;
	_ =	swait.ge [sflag:s26], $0x4000  }
0x9f: {  	s8 =	sshra.s32 s8, $0x2;
	[sflag:s26] =	ssyncset.done $0x0  }
0xa0: {  	s9 =	sadd.s32 $0x1400, s8;
	[sflag:s26] =	ssyncadd.s32 $0xFFFFC000  }
0xa1: {  	[spmem:s1] =	stream.indirect.scatter.add.f32 [tilespmem:s21], [sflag:$0x3], $0x80, s9, s24, $0xb8;
	[tilespmem:$0x1E800] =	vst v63  }
0xa2: {  	_ =	swait.ge [sflag:s28], $0x4000  }
0xa3: {  	[sflag:s28] =	ssyncset.done $0x0  }
0xa4: {  	[sflag:s28] =	ssyncadd.s32 $0xFFFFC000  }
0xa5: {  	_ =	swait.ge [sflag:s29], $0x4000  }
0xa6: {  	[sflag:s29] =	ssyncset.done $0x0  }
0xa7: {  	s9 =	sadd.s32 $0x100, s8;
	[sflag:s29] =	ssyncadd.s32 $0xFFFFC000  }
0xa8: {  	[tilespmem:s21], [sflag:$0x1] =	stream.indirect.gather [hbm4b:s4+s24], $0x80, s9, s24, $0xb8;
	[tilespmem:$0x1E800] =	vst v63  }
.Ltmp6:
0xa9: {  	s9 =	sadd.s32 $0x1480, s8;
	(pc) =	sbr.rel @p1 .LBB2_5-.Ltmp6, $4  }
0xaa: {  	[spmem:s1] =	stream.indirect.scatter.add.f32 [tilespmem:s25], [sflag:$0x4], $0x80, s9, s24, $0xb8;
	[tilespmem:$0x1E800] =	vst v63  }
0xab: {  	_ =	swait.ge [sflag:s30], $0x4000  }
0xac: {  	[sflag:s30] =	ssyncset.done $0x0  }
0xad: {  	s8 =	sadd.s32 $0x180, s8;
	[sflag:s30] =	ssyncadd.s32 $0xFFFFC000  }
0xae: {  	[tilespmem:s25], [sflag:$0x2] =	stream.indirect.gather [hbm4b:s4+s24], $0x80, s8, s24, $0xb8;
	[tilespmem:$0x1E800] =	vst v63  }
0xaf: {  	_ =	swait.ge [sflag:s26], $0x4000  }
0xb0: {  	[sflag:s26] =	ssyncset.done $0x0  }
0xb1: {  	[sflag:s26] =	ssyncadd.s32 $0xFFFFC000  }
0xb2: {  	[spmem:s1] =	stream.indirect.scatter.add.f32 [tilespmem:s21], [sflag:$0x3], $0x80, s31, s24, $0xb8;
	[tilespmem:$0x1E800] =	vst v63  }
0xb3: {  	_ =	swait.ge [sflag:s28], $0x4000  }
0xb4: {  	[sflag:s28] =	ssyncset.done $0x0  }
0xb5: {  	[sflag:s28] =	ssyncadd.s32 $0xFFFFC000  }
0xb6: {  	_ =	swait.ge [sflag:s29], $0x4000  }
0xb7: {  	[sflag:s29] =	ssyncset.done $0x0  }
0xb8: {  	[sflag:s29] =	ssyncadd.s32 $0xFFFFC000  }
0xb9: {  	[spmem:s1] =	stream.indirect.scatter.add.f32 [tilespmem:s25], [sflag:$0x4], $0x80, s0, s24, $0xb8;
	[tilespmem:$0x1E800] =	vst v63  }
0xba: {  	_ =	swait.ge [sflag:s30], $0x4000  }
0xbb: {  	[sflag:s30] =	ssyncset.done $0x0  }
0xbc: {  	s7 =	simm.s32 $0x0;
	s9 =	rddreg [dreg:$0x5];
	[sflag:s30] =	ssyncadd.s32 $0xFFFFC000  }
0xbd: {  	[tilespmem:s7], [sflag:$0x5] =	stream.linear.gather [hbm4b:s9+s7], $0x1400, $0x38;
	[tilespmem:$0x1E800] =	vst v63  }
0xbe: {  	_ =	swait.ge [sflag:s22], $0x1400  }
0xbf: {  	[sflag:s22] =	ssyncset.done $0x0  }
0xc0: {  	[sflag:s22] =	ssyncadd.s32 $0xFFFFEC00  }
0xc1: {  	[tilespmem:s23], [sflag:$0x5] =	stream.linear.gather [hbm4b:s10+s7], $0x1400, $0x38;
	[tilespmem:$0x1E800] =	vst v63  }
0xc2: {  	_ =	swait.ge [sflag:s22], $0x1400  }
0xc3: {  	[sflag:s22] =	ssyncset.done $0x0  }
0xc4: {  	[sflag:s22] =	ssyncadd.s32 $0xFFFFEC00  }
0xc5: {  	[tilespmem:s21], [sflag:$0x1] =	stream.indirect.gather [hbm4b:s4+s24], $0x80, s7, s24, $0xb8;
	[tilespmem:$0x1E800] =	vst v63  }
0xc6: {  	_ = 	snop  }
0xc7: {  	[tilespmem:s25], [sflag:$0x2] =	stream.indirect.gather [hbm4b:s4+s24], $0x80, s24, s24, $0xb8;
	[tilespmem:$0x1E800] =	vst v63  }
0xc8: {  	_ =	swait.ge [sflag:s26], $0x4000  }
0xc9: {  	[sflag:s26] =	ssyncset.done $0x0  }
0xca: {  	s9 =	simm.s32 $0x1400;
	[sflag:s26] =	ssyncadd.s32 $0xFFFFC000  }
0xcb: {  	[spmem:s1] =	stream.indirect.scatter.add.f32 [tilespmem:s21], [sflag:$0x3], $0x80, s9, s24, $0xb8;
	[tilespmem:$0x1E800] =	vst v63  }
0xcc: {  	_ =	swait.ge [sflag:s28], $0x4000  }
0xcd: {  	[sflag:s28] =	ssyncset.done $0x0  }
0xce: {  	[sflag:s28] =	ssyncadd.s32 $0xFFFFC000  }
0xcf: {  	_ =	swait.ge [sflag:s29], $0x4000  }
0xd0: {  	[sflag:s29] =	ssyncset.done $0x0  }
0xd1: {  	s8 =	simm.s32 $0x100;
	[sflag:s29] =	ssyncadd.s32 $0xFFFFC000  }
0xd2: {  	[tilespmem:s21], [sflag:$0x1] =	stream.indirect.gather [hbm4b:s4+s24], $0x80, s8, s24, $0xb8;
	[tilespmem:$0x1E800] =	vst v63  }
0xd3: {  	s9 =	simm.s32 $0x1480  }
0xd4: {  	[spmem:s1] =	stream.indirect.scatter.add.f32 [tilespmem:s25], [sflag:$0x4], $0x80, s9, s24, $0xb8;
	[tilespmem:$0x1E800] =	vst v63  }
0xd5: {  	_ =	swait.ge [sflag:s30], $0x4000  }
0xd6: {  	[sflag:s30] =	ssyncset.done $0x0  }
0xd7: {  	s7 =	simm.s32 $0x400;
	s8 =	simm.s32 $0x180;
	[sflag:s30] =	ssyncadd.s32 $0xFFFFC000  }
.LBB2_7:
0xd8: {  	[tilespmem:s25], [sflag:$0x2] =	stream.indirect.gather [hbm4b:s4+s24], $0x80, s8, s24, $0xb8;
	[tilespmem:$0x1E800] =	vst v63  }
0xd9: {  	s8 =	smov.u32 s7  }
0xda: {  	p1 =	sne.s32 s7, $0x4800;
	s7 =	sadd.s32 $0x400, s7;
	_ =	swait.ge [sflag:s26], $0x4000  }
0xdb: {  	s8 =	sshra.s32 s8, $0x2;
	[sflag:s26] =	ssyncset.done $0x0  }
0xdc: {  	s9 =	sadd.s32 $0x1400, s8;
	[sflag:s26] =	ssyncadd.s32 $0xFFFFC000  }
0xdd: {  	[spmem:s1] =	stream.indirect.scatter.add.f32 [tilespmem:s21], [sflag:$0x3], $0x80, s9, s24, $0xb8;
	[tilespmem:$0x1E800] =	vst v63  }
0xde: {  	_ =	swait.ge [sflag:s28], $0x4000  }
0xdf: {  	[sflag:s28] =	ssyncset.done $0x0  }
0xe0: {  	[sflag:s28] =	ssyncadd.s32 $0xFFFFC000  }
0xe1: {  	_ =	swait.ge [sflag:s29], $0x4000  }
0xe2: {  	[sflag:s29] =	ssyncset.done $0x0  }
0xe3: {  	s9 =	sadd.s32 $0x100, s8;
	[sflag:s29] =	ssyncadd.s32 $0xFFFFC000  }
0xe4: {  	[tilespmem:s21], [sflag:$0x1] =	stream.indirect.gather [hbm4b:s4+s24], $0x80, s9, s24, $0xb8;
	[tilespmem:$0x1E800] =	vst v63  }
.Ltmp7:
0xe5: {  	s9 =	sadd.s32 $0x1480, s8;
	(pc) =	sbr.rel @p1 .LBB2_7-.Ltmp7, $4  }
0xe6: {  	[spmem:s1] =	stream.indirect.scatter.add.f32 [tilespmem:s25], [sflag:$0x4], $0x80, s9, s24, $0xb8;
	[tilespmem:$0x1E800] =	vst v63  }
0xe7: {  	_ =	swait.ge [sflag:s30], $0x4000  }
0xe8: {  	[sflag:s30] =	ssyncset.done $0x0  }
0xe9: {  	s8 =	sadd.s32 $0x180, s8;
	[sflag:s30] =	ssyncadd.s32 $0xFFFFC000  }
0xea: {  	[tilespmem:s25], [sflag:$0x2] =	stream.indirect.gather [hbm4b:s4+s24], $0x80, s8, s24, $0xb8;
	[tilespmem:$0x1E800] =	vst v63  }
0xeb: {  	_ =	swait.ge [sflag:s26], $0x4000  }
0xec: {  	[sflag:s26] =	ssyncset.done $0x0  }
0xed: {  	[sflag:s26] =	ssyncadd.s32 $0xFFFFC000  }
0xee: {  	[spmem:s1] =	stream.indirect.scatter.add.f32 [tilespmem:s21], [sflag:$0x3], $0x80, s31, s24, $0xb8;
	[tilespmem:$0x1E800] =	vst v63  }
0xef: {  	_ =	swait.ge [sflag:s28], $0x4000  }
0xf0: {  	[sflag:s28] =	ssyncset.done $0x0  }
0xf1: {  	[sflag:s28] =	ssyncadd.s32 $0xFFFFC000  }
0xf2: {  	_ =	swait.ge [sflag:s29], $0x4000  }
0xf3: {  	[sflag:s29] =	ssyncset.done $0x0  }
0xf4: {  	[sflag:s29] =	ssyncadd.s32 $0xFFFFC000  }
0xf5: {  	[spmem:s1] =	stream.indirect.scatter.add.f32 [tilespmem:s25], [sflag:$0x4], $0x80, s0, s24, $0xb8;
	[tilespmem:$0x1E800] =	vst v63  }
0xf6: {  	_ =	swait.ge [sflag:s30], $0x4000  }
0xf7: {  	[sflag:s30] =	ssyncset.done $0x0  }
0xf8: {  	s7 =	simm.s32 $0x0;
	[sflag:s30] =	ssyncadd.s32 $0xFFFFC000  }
0xf9: {  	[tilespmem:s7], [sflag:$0x5] =	stream.linear.gather [hbm4b:s11+s7], $0x1400, $0x38;
	[tilespmem:$0x1E800] =	vst v63  }
0xfa: {  	_ =	swait.ge [sflag:s22], $0x1400  }
0xfb: {  	[sflag:s22] =	ssyncset.done $0x0  }
0xfc: {  	[sflag:s22] =	ssyncadd.s32 $0xFFFFEC00  }
0xfd: {  	[tilespmem:s23], [sflag:$0x5] =	stream.linear.gather [hbm4b:s12+s7], $0x1400, $0x38;
	[tilespmem:$0x1E800] =	vst v63  }
0xfe: {  	_ =	swait.ge [sflag:s22], $0x1400  }
0xff: {  	[sflag:s22] =	ssyncset.done $0x0  }
0x100: {  	[sflag:s22] =	ssyncadd.s32 $0xFFFFEC00  }
0x101: {  	[tilespmem:s21], [sflag:$0x1] =	stream.indirect.gather [hbm4b:s4+s24], $0x80, s7, s24, $0xb8;
	[tilespmem:$0x1E800] =	vst v63  }
0x102: {  	_ = 	snop  }
0x103: {  	[tilespmem:s25], [sflag:$0x2] =	stream.indirect.gather [hbm4b:s4+s24], $0x80, s24, s24, $0xb8;
	[tilespmem:$0x1E800] =	vst v63  }
0x104: {  	_ =	swait.ge [sflag:s26], $0x4000  }
0x105: {  	[sflag:s26] =	ssyncset.done $0x0  }
0x106: {  	s9 =	simm.s32 $0x1400;
	[sflag:s26] =	ssyncadd.s32 $0xFFFFC000  }
0x107: {  	[spmem:s1] =	stream.indirect.scatter.add.f32 [tilespmem:s21], [sflag:$0x3], $0x80, s9, s24, $0xb8;
	[tilespmem:$0x1E800] =	vst v63  }
0x108: {  	_ =	swait.ge [sflag:s28], $0x4000  }
0x109: {  	[sflag:s28] =	ssyncset.done $0x0  }
0x10a: {  	[sflag:s28] =	ssyncadd.s32 $0xFFFFC000  }
0x10b: {  	_ =	swait.ge [sflag:s29], $0x4000  }
0x10c: {  	[sflag:s29] =	ssyncset.done $0x0  }
0x10d: {  	s8 =	simm.s32 $0x100;
	[sflag:s29] =	ssyncadd.s32 $0xFFFFC000  }
0x10e: {  	[tilespmem:s21], [sflag:$0x1] =	stream.indirect.gather [hbm4b:s4+s24], $0x80, s8, s24, $0xb8;
	[tilespmem:$0x1E800] =	vst v63  }
0x10f: {  	s9 =	simm.s32 $0x1480  }
0x110: {  	[spmem:s1] =	stream.indirect.scatter.add.f32 [tilespmem:s25], [sflag:$0x4], $0x80, s9, s24, $0xb8;
	[tilespmem:$0x1E800] =	vst v63  }
0x111: {  	_ =	swait.ge [sflag:s30], $0x4000  }
0x112: {  	[sflag:s30] =	ssyncset.done $0x0  }
0x113: {  	s7 =	simm.s32 $0x400;
	s8 =	simm.s32 $0x180;
	[sflag:s30] =	ssyncadd.s32 $0xFFFFC000  }
.LBB2_9:
0x114: {  	[tilespmem:s25], [sflag:$0x2] =	stream.indirect.gather [hbm4b:s4+s24], $0x80, s8, s24, $0xb8;
	[tilespmem:$0x1E800] =	vst v63  }
0x115: {  	s8 =	smov.u32 s7  }
0x116: {  	p1 =	seq.s32 s7, $0x4800;
	s7 =	sadd.s32 $0x400, s7;
	_ =	swait.ge [sflag:s26], $0x4000  }
0x117: {  	s8 =	sshra.s32 s8, $0x2;
	[sflag:s26] =	ssyncset.done $0x0  }
0x118: {  	s9 =	sadd.s32 $0x1400, s8;
	[sflag:s26] =	ssyncadd.s32 $0xFFFFC000  }
0x119: {  	[spmem:s1] =	stream.indirect.scatter.add.f32 [tilespmem:s21], [sflag:$0x3], $0x80, s9, s24, $0xb8;
	[tilespmem:$0x1E800] =	vst v63  }
0x11a: {  	_ =	swait.ge [sflag:s28], $0x4000  }
0x11b: {  	[sflag:s28] =	ssyncset.done $0x0  }
0x11c: {  	[sflag:s28] =	ssyncadd.s32 $0xFFFFC000  }
0x11d: {  	_ =	swait.ge [sflag:s29], $0x4000  }
0x11e: {  	[sflag:s29] =	ssyncset.done $0x0  }
0x11f: {  	s9 =	sadd.s32 $0x100, s8;
	[sflag:s29] =	ssyncadd.s32 $0xFFFFC000  }
0x120: {  	[tilespmem:s21], [sflag:$0x1] =	stream.indirect.gather [hbm4b:s4+s24], $0x80, s9, s24, $0xb8;
	[tilespmem:$0x1E800] =	vst v63  }
.Ltmp8:
0x121: {  	s9 =	sadd.s32 $0x1480, s8;
	(pc) =	sbr.rel @!p1 .LBB2_9-.Ltmp8, $4  }
0x122: {  	[spmem:s1] =	stream.indirect.scatter.add.f32 [tilespmem:s25], [sflag:$0x4], $0x80, s9, s24, $0xb8;
	[tilespmem:$0x1E800] =	vst v63  }
0x123: {  	_ =	swait.ge [sflag:s30], $0x4000  }
0x124: {  	[sflag:s30] =	ssyncset.done $0x0  }
0x125: {  	s8 =	sadd.s32 $0x180, s8;
	[sflag:s30] =	ssyncadd.s32 $0xFFFFC000  }
.Ltmp9:
0x126: {  	_ = 	snop;
	(pc) =	sbr.rel .LBB2_10-.Ltmp9, $1  }
0x127: {  	_ =	sdelay $0x3  }
.LBB2_15:
0x128: {  	_ =	sfence.sel $0x180000  }
0x129: {  	[bflag:$0x0] =	sbarrier.arrive $0xFFFF  }
0x12a: {  	_ =	strace $0x9000004D  }
0x12b: {  	[bflag:$0x2] =	sbarrier.arrive $0xFFFF  }
0x12c: {  	p0 =	sne.s32 s2, $0x0;
	s0 =	rddreg [dreg:$0x2]  }
0x12d: {  	s0 =	sadd.s32 @!p0 $0x100000, s0  }
0x12e: {  	[sflag:s0] =	ssyncadd.tile.s32 @!p0 $0x1;
	_ =	shalt  }
.Lfunc_end2:
_tile_overlayer_lowered:
.L_overlay_start_2:
0x12f: {  	(tag) =	ssettag $0x2  }
0x130: {  	s0 =	rddreg [dreg:$0x0];
	s2 =	stileid.u32  }
0x131: {  	s1 =	rddreg [dreg:$0x1];
	p0 =	sne.s32 s2, $0x0  }
0x132: {  	s3 =	rddreg [dreg:$0x2];
	[bflag:$0x3] =	sbarrier.arrive $0xFFFF;
	s2 =	simm.s32 @!p0 $0x1C05  }
0x133: {  	[timem:s3], [sflag:s2] =	dma.local @!p0 [hbm:s0], s1  }
0x134: {  	s0 =	simm.s32 @!p0 $0x5  }
0x135: {  	_ =	swait.ge @!p0 [sflag:s0], s1  }
0x136: {  	s1 =	ssub.s32 @!p0 $0x0, s1;
	[sflag:s0] =	ssyncset.done @!p0 $0x0  }
0x137: {  	[sflag:s0] =	ssyncadd.s32 @!p0 s1  }
0x138: {  	[bflag:$0x3] =	sbarrier.arrive $0xFFFF  }
0x139: {  	_ =	shalt  }

// kernel: kernel.19.cloned.1.call-start
scs
__scs_entry_jumppad:
0x0: {  	(pc) =	sbr.rel $0x88, $3  }
0x1: {  	(tag) =	ssettag $0x0;
	lr =	simm.s32 $0x1  }
0x2: {  	[smem:$0x3F96] =	sst lr;
	_ =	strace $0xD0000000  }
0x3: {  	_ = 	snop  }
0x4: {  	_ = 	snop  }
0x5: {  	_ = 	snop  }
0x6: {  	_ = 	snop  }
0x7: {  	_ = 	snop  }
__scs_overlays_trampoline_lowered:
0x8: {  	[smem:$0x3FA5] =	sst s0  }
0x9: {  	[smem:$0x3FA6] =	sst s1  }
0xa: {  	[smem:$0x3FA7] =	sst s2  }
0xb: {  	[smem:$0x3FA8] =	sst s3  }
0xc: {  	[smem:$0x3FA9] =	sst s4  }
0xd: {  	[smem:$0x3FAA] =	sst s5  }
0xe: {  	[smem:$0x3FAB] =	sst s6  }
0xf: {  	[smem:$0x3FAC] =	sst s7  }
0x10: {  	[smem:$0x3FAD] =	sst s8  }
0x11: {  	[smem:$0x3FAE] =	sst s9;
	s0 =	simm.s32 @!p0 $0x0  }
0x12: {  	s1 =	sld [smem:$0x3F94];
	s0 =	simm.s32 @p0 $0x1  }
0x13: {  	[smem:$0x3FAF] =	sst s0;
	s0 =	simm.s32 @!p1 $0x0  }
0x14: {  	s2 =	sld [smem:$0x3F93];
	s0 =	simm.s32 @p1 $0x1  }
0x15: {  	[smem:$0x3FB0] =	sst s0;
	s0 =	simm.s32 @!p2 $0x0  }
0x16: {  	s3 =	sld [smem:$0x3FDB];
	s0 =	simm.s32 @p2 $0x1  }
0x17: {  	s4 =	simm.s32 $0x1BF5;
	[smem:$0x3FB2] =	sst s0  }
0x18: {  	s0 =	sld [smem:$0x3F95];
	_ =	swait.ge [sflag:s4], $0x0  }
0x19: {  	s7 =	sld [smem:$0x3F96]  }
0x1a: {  	s8 =	sadd.s32 $0xFFFFE003, lr  }
0x1b: {  	s9 =	sadd.s32 $0xFFFFFEF7, lr;
	s5 =	simm.s32 $0xFFFFFFFF;
	p2 =	slt.u32 s8, $0xFFFFF086  }
0x1c: {  	p1 =	slt.u32 s9, $0xF7A;
	s5 =	simm.s32 @!p2 $0x0  }
0x1d: {  	s5 =	simm.s32 @p1 $0x1;
	p0 =	seq.s32 s7, s2  }
0x1e: {  	s7 =	smul.u32 @!p0 $0xF7A, s2;
	p2 =	seq.s32 @!p0 s5, $0x0  }
0x1f: {  	s9 =	smul.u32 $0xF7A, s1;
	s8 =	simm.s32 @!p0 $0x1BF5;
	p2 =	por !p2, p0  }
0x20: {  	[sflag:s8] =	ssyncset.s32 @!p0 $0xFFFFF086;
	s6 =	sadd.s32 @!p0 s3, s7;
	s7 =	simm.s32 @!p0 $0x108  }
0x21: {  	s3 =	sadd.s32 s3, s9;
	s6 =	sadd.s32 @!p0 $0x88, s6;
	s7 =	simm.s32 @p2 $0x1082  }
0x22: {  	[simem:s7], [sflag:s8] =	dma.local @!p0 [hbm:s6], $0xF7A  }
0x23: {  	s9 =	sor.u32 $0xD0000000, s2;
	s6 =	simm.s32 $0x108;
	_ =	swait.ge @!p0 [sflag:s8], $0x0  }
0x24: {  	s3 =	sadd.s32 $0x88, s3;
	s6 =	simm.s32 @!p1 $0x1082;
	[sflag:s4] =	ssyncset.s32 $0xFFFFF086  }
0x25: {  	[simem:s6], [sflag:s4] =	dma.local [hbm:s3], $0xF7A  }
0x26: {  	[smem:$0x3F96] =	sst s1;
	(tag) =	ssettag s2;
	_ =	strace s9  }
0x27: {  	s1 =	sld [smem:$0x3FA6]  }
0x28: {  	s2 =	sld [smem:$0x3FA7]  }
0x29: {  	s4 =	sld [smem:$0x3FA9]  }
0x2a: {  	p0 =	seq.s32 s5, $0x0;
	s5 =	sld [smem:$0x3FAA]  }
0x2b: {  	s6 =	sld [smem:$0x3FAB]  }
0x2c: {  	s7 =	sld [smem:$0x3FAC]  }
0x2d: {  	s3 =	simm.s32 $0x108;
	s8 =	sld [smem:$0x3FAD]  }
0x2e: {  	s3 =	simm.s32 @!p0 $0x1082;
	s9 =	sld [smem:$0x3FAE]  }
0x2f: {  	lr =	sadd.s32 s0, s3;
	s0 =	sld [smem:$0x3FA5]  }
0x30: {  	s3 =	sld [smem:$0x3FA8]  }
0x31: {  	[smem:$0x3FB1] =	sst s10  }
0x32: {  	s10 =	sld [smem:$0x3FAF];
	_ =	sdelay $0x3  }
0x33: {  	p0 =	seq.s32 s10, $0x1;
	s10 =	sld [smem:$0x3FB1];
	_ =	sdelay $0x3  }
0x34: {  	[smem:$0x3FB1] =	sst s10  }
0x35: {  	s10 =	sld [smem:$0x3FB0];
	_ =	sdelay $0x3  }
0x36: {  	p1 =	seq.s32 s10, $0x1;
	s10 =	sld [smem:$0x3FB1];
	_ =	sdelay $0x3  }
0x37: {  	[smem:$0x3FB1] =	sst s10  }
0x38: {  	s10 =	sld [smem:$0x3FB2]  }
0x39: {  	_ = 	snop;
	(pc) =	sbr.ind lr, $3  }
0x3a: {  	_ = 	snop  }
0x3b: {  	_ = 	snop  }
0x3c: {  	p2 =	seq.s32 s10, $0x1;
	s10 =	sld [smem:$0x3FB1]  }
0x3d: {  	_ =	shalt  }
0x3e: {  	_ =	shalt  }
0x3f: {  	_ =	shalt  }
0x40: {  	_ =	shalt  }
0x41: {  	_ =	shalt  }
0x42: {  	_ =	shalt  }
0x43: {  	_ =	shalt  }
0x44: {  	_ =	shalt  }
0x45: {  	_ =	shalt  }
0x46: {  	_ =	shalt  }
0x47: {  	_ =	shalt  }
0x48: {  	_ =	shalt  }
0x49: {  	_ =	shalt  }
0x4a: {  	_ =	shalt  }
0x4b: {  	_ =	shalt  }
0x4c: {  	_ =	shalt  }
0x4d: {  	_ =	shalt  }
0x4e: {  	_ =	shalt  }
0x4f: {  	_ =	shalt  }
0x50: {  	_ =	shalt  }
0x51: {  	_ =	shalt  }
0x52: {  	_ =	shalt  }
0x53: {  	_ =	shalt  }
0x54: {  	_ =	shalt  }
0x55: {  	_ =	shalt  }
0x56: {  	_ =	shalt  }
0x57: {  	_ =	shalt  }
0x58: {  	_ =	shalt  }
0x59: {  	_ =	shalt  }
0x5a: {  	_ =	shalt  }
0x5b: {  	_ =	shalt  }
0x5c: {  	_ =	shalt  }
0x5d: {  	_ =	shalt  }
0x5e: {  	_ =	shalt  }
0x5f: {  	_ =	shalt  }
0x60: {  	_ =	shalt  }
0x61: {  	_ =	shalt  }
0x62: {  	_ =	shalt  }
0x63: {  	_ =	shalt  }
0x64: {  	_ =	shalt  }
0x65: {  	_ =	shalt  }
0x66: {  	_ =	shalt  }
0x67: {  	_ =	shalt  }
0x68: {  	_ =	shalt  }
0x69: {  	_ =	shalt  }
0x6a: {  	_ =	shalt  }
0x6b: {  	_ =	shalt  }
0x6c: {  	_ =	shalt  }
0x6d: {  	_ =	shalt  }
0x6e: {  	_ =	shalt  }
0x6f: {  	_ =	shalt  }
0x70: {  	_ =	shalt  }
0x71: {  	_ =	shalt  }
0x72: {  	_ =	shalt  }
0x73: {  	_ =	shalt  }
0x74: {  	_ =	shalt  }
0x75: {  	_ =	shalt  }
0x76: {  	_ =	shalt  }
0x77: {  	_ =	shalt  }
0x78: {  	_ =	shalt  }
0x79: {  	_ =	shalt  }
0x7a: {  	_ =	shalt  }
0x7b: {  	_ =	shalt  }
0x7c: {  	_ =	shalt  }
0x7d: {  	_ =	shalt  }
0x7e: {  	_ =	shalt  }
0x7f: {  	_ =	shalt  }
0x80: {  	_ =	shalt  }
0x81: {  	_ =	shalt  }
0x82: {  	_ =	shalt  }
0x83: {  	_ =	shalt  }
0x84: {  	_ =	shalt  }
0x85: {  	_ =	shalt  }
0x86: {  	_ =	shalt  }
0x87: {  	_ =	shalt  }
.Lfunc_end0:
.L_simem_size_0:
called_computation.3_lowered:
.L_overlay_start_0:
0x88: {  	s2 =	sld [smem:$0x3FD9]  }
0x89: {  	s3 =	sld [smem:$0x3FFE];
	_ =	sdelay $0x1  }
0x8a: {  	s1 =	srdreg.scid  }
0x8b: {  	s0 =	sand.u32 $0x1, s1  }
0x8c: {  	s16 =	sshll.u32 s0, $0xA;
	s2 =	sadd.s32 s3, s2  }
0x8d: {  	s2 =	sadd.s32 s2, s16  }
0x8e: {  	[smem:$0x3FBD] =	sst s2  }
0x8f: {  	_ = 	snop  }
0x90: {  	(tm) =	ssettm $0x1  }
0x91: {  	s17 =	sld [smem:$0x3FFB];
	_ =	sdelay $0x3  }
0x92: {  	_ =	strace s17  }
0x93: {  	s2 =	sld [smem:$0x3FFC];
	_ =	sdelay $0x3  }
0x94: {  	_ =	strace s2  }
0x95: {  	s2 =	sld [smem:$0x3FFD];
	_ =	sdelay $0x3  }
0x96: {  	_ =	strace s2  }
0x97: {  	_ =	strace $0x8FFFFFFF  }
0x98: {  	s18 =	sld [smem:$0x3FDB];
	_ =	sdelay $0x1  }
0x99: {  	s19 =	simm.s32 $_scs_section_size  }
0x9a: {  	s4 =	simm.s32 $_size__tile_overlayer_lowered;
	s5 =	simm.s32 $_tile_overlayer_lowered  }
0x9b: {  	s22 =	simm.s32 $0x1BFF;
	s21 =	sshll.u32 s5, $0x1;
	s2 =	sadd.s32 s19, s18  }
0x9c: {  	s6 =	simm.s32 $0x0;
	s20 =	sshll.u32 s4, $0x1;
	s4 =	sadd.s32 s21, s2  }
0x9d: {  	[timem:s6], [sflag:s22] =	dma.local [hbm:s4], s20  }
0x9e: {  	_ =	swait.ge [sflag:s22], s20  }
0x9f: {  	s3 =	ssub.s32 $0x0, s20;
	[sflag:s22] =	ssyncset.done $0x0  }
0xa0: {  	[sflag:s22] =	ssyncadd.s32 s3;
	_ =	sdelay $0x1  }
0xa1: {  	s23 =	simm.s32 $0x1B8B  }
0xa2: {  	_ =	swait.ge [sflag:s23], $0x1  }
0xa3: {  	[sflag:s23] =	ssyncset.done $0x0  }
0xa4: {  	s25 =	simm.s32 $0x1B8E;
	s24 =	sld [smem:$0x3FFE];
	[sflag:s23] =	ssyncadd.s32 $0xFFFFFFFF  }
0xa5: {  	s26 =	simm.s32 $execute0_lowered;
	[smem:$0x3FD2] =	sst s25  }
0xa6: {  	s4 =	sshll.u32 s26, $0x1;
	_ =	strace $0x8000004F;
	[dreg:$0x1] =	wrdreg $0xFFFFFFFF  }
0xa7: {  	s28 =	simm.s32 $_size_execute0_lowered;
	s2 =	sadd.s32 s2, s4;
	[dreg:$0x0] =	wrdreg $0x0  }
0xa8: {  	s4 =	sshll.u32 s28, $0x1;
	[dreg:$0x2] =	wrdreg s2  }
0xa9: {  	[dreg:$0x3] =	wrdreg s4  }
0xaa: {  	[dreg:$0x4] =	wrdreg $0xC0  }
0xab: {  	_ =	task [dreg:s6], $0x5FFFF  }
0xac: {  	[dreg:$0x1] =	wrdreg $0xFFFFFFFF  }
0xad: {  	[dreg:$0x0] =	wrdreg $0x60  }
0xae: {  	[dreg:$0x2] =	wrdreg s24  }
0xaf: {  	[dreg:$0x3] =	wrdreg $0xA8000  }
0xb0: {  	[dreg:$0x4] =	wrdreg $0x9  }
0xb1: {  	_ =	task.clear_ibuf [dreg:s6], $0x5FFFF;
	_ =	strace $0x9000004F  }
0xb2: {  	s29 =	simm.s32 $0x9;
	_ =	strace $0x80000051  }
0xb3: {  	_ =	swait.ge [sflag:s29], $0x1  }
0xb4: {  	[sflag:s29] =	ssyncadd.s32 $0xFFFFFFFF  }
0xb5: {  	_ =	strace $0x90000051  }
0xb6: {  	_ =	sfence  }
0xb7: {  	s30 =	sld [smem:$0x0];
	_ =	sdelay $0x2  }
0xb8: {  	s31 =	sshll.u32 s1, $0xD;
	s1 =	sshrl.u32 s1, $0x2  }
0xb9: {  	s3 =	sand.u32 $0x4000, s31;
	s1 =	sadd.s32 s1, s30  }
0xba: {  	s0 =	sor.u32 s3, s0;
	s1 =	sshll.u32 s1, $0x11  }
0xbb: {  	s0 =	sor.u32 s1, s0  }
0xbc: {  	s0 =	sadd.s32 $0x8F2B, s0  }
0xbd: {  	[sflag:s0] =	ssyncadd.remote.s32 $0x1  }
0xbe: {  	_ =	sfence.sel $0xFFFF  }
0xbf: {  	[dreg:$0x0] =	wrdreg $0xFFFFFFFF;
	(pc) =	sbr.abs _section_cstart, $3  }
0xc0: {  	[dreg:$0x1] =	wrdreg $0xFFFFFFFF  }
0xc1: {  	_ =	task.clear_ibuf [dreg:s6], $0x2FFFF;
	_ =	strace $0x9FFFFFFF  }
0xc2: {  	(tm) =	ssettm $0x7FFFFFFF  }
0xc3: {  	_ =	shalt  }
tec
execute0_lowered:
.L_overlay_start_1:
0x0: {  	(tag) =	ssettag $0x1  }
0x1: {  	s0 =	rddreg [dreg:$0x0]  }
0x2: {  	s1 =	rddreg [dreg:$0x1];
	s2 =	srdreg.scid;
	s3 =	simm.s32 $0x0  }
0x3: {  	s28 =	simm.s32 $0x2;
	s29 =	simm.s32 $0x3;
	s30 =	simm.s32 $0x4  }
0x4: {  	s31 =	simm.s32 $0x2700;
	s7 =	sand.u32 $0x1, s2;
	s2 =	stileid.u32  }
0x5: {  	[smem:$0x7FF] =	sst s3;
	s4 =	sadd.s32 $0x36E00, s0;
	s6 =	smul.u32 $0x140000, s7  }
0x6: {  	s5 =	sadd.s32 $0x90E00, s0;
	s13 =	sadd.s32 $0x5EE00, s0;
	s8 =	smul.u32 $0x14000, s2  }
0x7: {  	s14 =	sadd.s32 $0x4E00, s0;
	s18 =	smul.u32 $0x50000, s2;
	s9 =	ssub.s32 $0x2, s7  }
0x8: {  	_ =	strace $0x80000050;
	s10 =	smul.u32 $0x5000, s2;
	s19 =	sshrl.u32 s9, $0x1  }
0x9: {  	p0 =	seq.s32 s7, $0x1;
	s6 =	sadd.s32 s8, s6;
	s16 =	ssub.s32 s9, s19  }
0xa: {  	s20 =	sshrl.u32 s18, $0x2;
	s21 =	sshrl.u32 s10, $0x3;
	s6 =	sshrl.u32 s6, $0x3  }
0xb: {  	s22 =	sadd.s32 $0x280, s21;
	s23 =	sadd.s32 s13, s21;
	s24 =	sadd.s32 s14, s21  }
0xc: {  	s26 =	sadd.s32 $0x500, s21;
	s8 =	sadd.s32 $0x780, s21;
	s16 =	smax.u32 s16, $0x1  }
0xd: {  	s21 =	simm.s32 $0x2800;
	s0 =	sadd.s32 s6, s0;
	[dreg:$0x3] =	wrdreg s23  }
0xe: {  	s6 =	sadd.s32 s20, s1;
	[dreg:$0x4] =	wrdreg s24;
	s25 =	sadd.s32 s13, s22  }
0xf: {  	s10 =	sadd.s32 s14, s22;
	s11 =	sadd.s32 s13, s26;
	s12 =	sadd.s32 s14, s26  }
.Ltmp0:
0x10: {  	s13 =	sadd.s32 s13, s8;
	s14 =	sadd.s32 s14, s8;
	(pc) =	sbr.rel .LBB2_1-.Ltmp0, $4  }
0x11: {  	s22 =	simm.s32 $0x5;
	s23 =	simm.s32 $0x1400;
	s24 =	simm.s32 $0x80  }
0x12: {  	s26 =	simm.s32 $0x1;
	[dreg:$0x5] =	wrdreg s25;
	s15 =	sadd.s32 $0xB8E00, s0  }
0x13: {  	s17 =	sadd.s32 $0x4000, s6;
	s18 =	sadd.s32 $0x8000, s6;
	s19 =	sadd.s32 $0xC000, s6  }
0x14: {  	v0 =	vimm.f32 $0.0e+00;
	s20 =	sadd.s32 $0x10000, s6;
	s25 =	simm.s32 $0x6800;
	s0 =	simm.s32 $0x2780  }
.LBB2_10:
0x15: {  	[tilespmem:s25], [sflag:$0x2] =	stream.indirect.gather [hbm4b:s4+s24], $0x80, s8, s24, $0xb8;
	[tilespmem:$0x1E800] =	vst v63  }
.LBB2_14:
0x16: {  	_ =	swait.ge [sflag:s26], $0x4000  }
0x17: {  	[sflag:s26] =	ssyncset.done $0x0  }
0x18: {  	[sflag:s26] =	ssyncadd.s32 $0xFFFFC000  }
0x19: {  	[spmem:s1] =	stream.indirect.scatter.add.f32 [tilespmem:s21], [sflag:$0x3], $0x80, s31, s24, $0xb8;
	[tilespmem:$0x1E800] =	vst v63  }
0x1a: {  	_ =	swait.ge [sflag:s28], $0x4000  }
0x1b: {  	[sflag:s28] =	ssyncset.done $0x0  }
0x1c: {  	[sflag:s28] =	ssyncadd.s32 $0xFFFFC000  }
0x1d: {  	_ =	swait.ge [sflag:s29], $0x4000  }
0x1e: {  	[sflag:s29] =	ssyncset.done $0x0  }
0x1f: {  	[sflag:s29] =	ssyncadd.s32 $0xFFFFC000  }
0x20: {  	[spmem:s1] =	stream.indirect.scatter.add.f32 [tilespmem:s25], [sflag:$0x4], $0x80, s0, s24, $0xb8;
	[tilespmem:$0x1E800] =	vst v63  }
0x21: {  	_ =	swait.ge [sflag:s30], $0x4000  }
0x22: {  	s7 =	sshll.u32 s2, $0x6;
	s3 =	sadd.s32 $0x1, s3;
	[sflag:s30] =	ssyncset.done $0x0  }
0x23: {  	s8 =	sshrl.u32 s6, $0x3;
	p1 =	sne.s32 s3, s16;
	[sflag:s30] =	ssyncadd.s32 $0xFFFFC000  }
.Ltmp1:
0x24: {  	s7 =	sor.u32 $0x1C05, s7;
	[bflag:$0x0] =	sbarrier.arrive $0xFFFF;
	(pc) =	sbr.rel @!p1 .LBB2_15-.Ltmp1, $4  }
0x25: {  	[hbm:s15], [sflag:s7] =	dma.local [spmem:s8], $0x2800  }
0x26: {  	_ =	swait.ge [sflag:s22], $0x2800  }
0x27: {  	[sflag:s22] =	ssyncset.done $0x0  }
0x28: {  	[sflag:s22] =	ssyncadd.s32 $0xFFFFD800  }
.LBB2_1:
0x29: {  	s7 =	simm.s32 $0x0;
	s8 =	simm.s32 $0x200  }
.LBB2_2:
0x2a: {  	p1 =	sne.s32 s8, $0xFE00;
	[tilespmem:s7+$0x2870] =	vst v0  }
0x2b: {  	[tilespmem:s7+$0x2800] =	vst v0  }
0x2c: {  	[tilespmem:s7+$0x2810] =	vst v0  }
.Ltmp2:
0x2d: {  	[tilespmem:s7+$0x2820] =	vst v0;
	(pc) =	sbr.rel @p1 .LBB2_2-.Ltmp2, $4  }
0x2e: {  	[tilespmem:s7+$0x2830] =	vst v0  }
0x2f: {  	[tilespmem:s7+$0x2840] =	vst v0  }
0x30: {  	[tilespmem:s7+$0x2850] =	vst v0  }
0x31: {  	[tilespmem:s7+$0x2860] =	vst v0;
	s7 =	sshra.s32 s8, $0x2;
	s8 =	sadd.s32 $0x200, s8  }
0x32: {  	[tilespmem:s7+$0x2870] =	vst v0  }
0x33: {  	[tilespmem:s7+$0x2800] =	vst v0  }
0x34: {  	[tilespmem:s7+$0x2810] =	vst v0  }
0x35: {  	[tilespmem:s7+$0x2820] =	vst v0  }
0x36: {  	[tilespmem:s7+$0x2830] =	vst v0  }
0x37: {  	[tilespmem:s7+$0x2840] =	vst v0  }
0x38: {  	[tilespmem:s7+$0x2850] =	vst v0  }
0x39: {  	[tilespmem:s7+$0x2860] =	vst v0  }
0x3a: {  	[spmem:s6] =	stream.linear.scatter [tilespmem:s21], [sflag:$0x5], $0x4000, $0x38;
	[tilespmem:$0x1E800] =	vst v63  }
0x3b: {  	_ =	swait.ge [sflag:s22], $0x4000  }
0x3c: {  	[sflag:s22] =	ssyncset.done $0x0  }
0x3d: {  	[sflag:s22] =	ssyncadd.s32 $0xFFFFC000  }
0x3e: {  	[spmem:s17] =	stream.linear.scatter [tilespmem:s21], [sflag:$0x5], $0x4000, $0x38;
	[tilespmem:$0x1E800] =	vst v63  }
0x3f: {  	_ =	swait.ge [sflag:s22], $0x4000  }
0x40: {  	[sflag:s22] =	ssyncset.done $0x0  }
0x41: {  	[sflag:s22] =	ssyncadd.s32 $0xFFFFC000  }
0x42: {  	[spmem:s18] =	stream.linear.scatter [tilespmem:s21], [sflag:$0x5], $0x4000, $0x38;
	[tilespmem:$0x1E800] =	vst v63  }
0x43: {  	_ =	swait.ge [sflag:s22], $0x4000  }
0x44: {  	[sflag:s22] =	ssyncset.done $0x0  }
0x45: {  	[sflag:s22] =	ssyncadd.s32 $0xFFFFC000  }
0x46: {  	[spmem:s19] =	stream.linear.scatter [tilespmem:s21], [sflag:$0x5], $0x4000, $0x38;
	[tilespmem:$0x1E800] =	vst v63  }
0x47: {  	_ =	swait.ge [sflag:s22], $0x4000  }
0x48: {  	[sflag:s22] =	ssyncset.done $0x0  }
0x49: {  	[sflag:s22] =	ssyncadd.s32 $0xFFFFC000  }
0x4a: {  	[spmem:s20] =	stream.linear.scatter [tilespmem:s21], [sflag:$0x5], $0x4000, $0x38;
	[tilespmem:$0x1E800] =	vst v63  }
.Ltmp3:
0x4b: {  	_ =	swait.ge [sflag:s22], $0x4000;
	(pc) =	sbr.rel @!p0 .LBB2_4-.Ltmp3, $4  }
0x4c: {  	[sflag:s22] =	ssyncset.done $0x0  }
0x4d: {  	[sflag:s22] =	ssyncadd.s32 $0xFFFFC000  }
0x4e: {  	[bflag:$0x0] =	sbarrier.arrive $0xFFFF  }
0x4f: {  	s7 =	simm.s32 $0x0  }
0x50: {  	[tilespmem:s7], [sflag:$0x5] =	stream.linear.gather [hbm4b:s13+s7], $0x1400, $0x38;
	[tilespmem:$0x1E800] =	vst v63  }
0x51: {  	_ =	swait.ge [sflag:s22], $0x1400  }
0x52: {  	[sflag:s22] =	ssyncset.done $0x0  }
0x53: {  	[sflag:s22] =	ssyncadd.s32 $0xFFFFEC00  }
0x54: {  	[tilespmem:s23], [sflag:$0x5] =	stream.linear.gather [hbm4b:s14+s7], $0x1400, $0x38;
	[tilespmem:$0x1E800] =	vst v63  }
0x55: {  	_ =	swait.ge [sflag:s22], $0x1400  }
0x56: {  	[sflag:s22] =	ssyncset.done $0x0  }
0x57: {  	[sflag:s22] =	ssyncadd.s32 $0xFFFFEC00  }
0x58: {  	[tilespmem:s21], [sflag:$0x1] =	stream.indirect.gather [hbm4b:s5+s24], $0x80, s7, s24, $0xb8;
	[tilespmem:$0x1E800] =	vst v63  }
0x59: {  	_ = 	snop  }
0x5a: {  	[tilespmem:s25], [sflag:$0x2] =	stream.indirect.gather [hbm4b:s5+s24], $0x80, s24, s24, $0xb8;
	[tilespmem:$0x1E800] =	vst v63  }
0x5b: {  	_ =	swait.ge [sflag:s26], $0x4000  }
0x5c: {  	[sflag:s26] =	ssyncset.done $0x0  }
0x5d: {  	s9 =	simm.s32 $0x1400;
	[sflag:s26] =	ssyncadd.s32 $0xFFFFC000  }
0x5e: {  	[spmem:s1] =	stream.indirect.scatter.add.f32 [tilespmem:s21], [sflag:$0x3], $0x80, s9, s24, $0xb8;
	[tilespmem:$0x1E800] =	vst v63  }
0x5f: {  	_ =	swait.ge [sflag:s28], $0x4000  }
0x60: {  	[sflag:s28] =	ssyncset.done $0x0  }
0x61: {  	[sflag:s28] =	ssyncadd.s32 $0xFFFFC000  }
0x62: {  	_ =	swait.ge [sflag:s29], $0x4000  }
0x63: {  	[sflag:s29] =	ssyncset.done $0x0  }
0x64: {  	s8 =	simm.s32 $0x100;
	[sflag:s29] =	ssyncadd.s32 $0xFFFFC000  }
0x65: {  	[tilespmem:s21], [sflag:$0x1] =	stream.indirect.gather [hbm4b:s5+s24], $0x80, s8, s24, $0xb8;
	[tilespmem:$0x1E800] =	vst v63  }
0x66: {  	s9 =	simm.s32 $0x1480  }
0x67: {  	[spmem:s1] =	stream.indirect.scatter.add.f32 [tilespmem:s25], [sflag:$0x4], $0x80, s9, s24, $0xb8;
	[tilespmem:$0x1E800] =	vst v63  }
0x68: {  	_ =	swait.ge [sflag:s30], $0x4000  }
0x69: {  	[sflag:s30] =	ssyncset.done $0x0  }
0x6a: {  	s7 =	simm.s32 $0x400;
	s8 =	simm.s32 $0x180;
	[sflag:s30] =	ssyncadd.s32 $0xFFFFC000  }
.LBB2_12:
0x6b: {  	[tilespmem:s25], [sflag:$0x2] =	stream.indirect.gather [hbm4b:s5+s24], $0x80, s8, s24, $0xb8;
	[tilespmem:$0x1E800] =	vst v63  }
0x6c: {  	s8 =	smov.u32 s7  }
0x6d: {  	p1 =	sne.s32 s7, $0x4800;
	s7 =	sadd.s32 $0x400, s7;
	_ =	swait.ge [sflag:s26], $0x4000  }
0x6e: {  	s8 =	sshra.s32 s8, $0x2;
	[sflag:s26] =	ssyncset.done $0x0  }
0x6f: {  	s9 =	sadd.s32 $0x1400, s8;
	[sflag:s26] =	ssyncadd.s32 $0xFFFFC000  }
0x70: {  	[spmem:s1] =	stream.indirect.scatter.add.f32 [tilespmem:s21], [sflag:$0x3], $0x80, s9, s24, $0xb8;
	[tilespmem:$0x1E800] =	vst v63  }
0x71: {  	_ =	swait.ge [sflag:s28], $0x4000  }
0x72: {  	[sflag:s28] =	ssyncset.done $0x0  }
0x73: {  	[sflag:s28] =	ssyncadd.s32 $0xFFFFC000  }
0x74: {  	_ =	swait.ge [sflag:s29], $0x4000  }
0x75: {  	[sflag:s29] =	ssyncset.done $0x0  }
0x76: {  	s9 =	sadd.s32 $0x100, s8;
	[sflag:s29] =	ssyncadd.s32 $0xFFFFC000  }
0x77: {  	[tilespmem:s21], [sflag:$0x1] =	stream.indirect.gather [hbm4b:s5+s24], $0x80, s9, s24, $0xb8;
	[tilespmem:$0x1E800] =	vst v63  }
.Ltmp4:
0x78: {  	s9 =	sadd.s32 $0x1480, s8;
	(pc) =	sbr.rel @p1 .LBB2_12-.Ltmp4, $4  }
0x79: {  	[spmem:s1] =	stream.indirect.scatter.add.f32 [tilespmem:s25], [sflag:$0x4], $0x80, s9, s24, $0xb8;
	[tilespmem:$0x1E800] =	vst v63  }
0x7a: {  	_ =	swait.ge [sflag:s30], $0x4000  }
0x7b: {  	[sflag:s30] =	ssyncset.done $0x0  }
0x7c: {  	s8 =	sadd.s32 $0x180, s8;
	[sflag:s30] =	ssyncadd.s32 $0xFFFFC000  }
.Ltmp5:
0x7d: {  	(pc) =	sbr.rel .LBB2_14-.Ltmp5, $2  }
0x7e: {  	_ =	sdelay $0x2  }
0x7f: {  	[tilespmem:s25], [sflag:$0x2] =	stream.indirect.gather [hbm4b:s5+s24], $0x80, s8, s24, $0xb8;
	[tilespmem:$0x1E800] =	vst v63  }
.LBB2_4:
0x80: {  	s8 =	rddreg [dreg:$0x3]  }
0x81: {  	[tilespmem:s7], [sflag:$0x5] =	stream.linear.gather [hbm4b:s8+s7], $0x1400, $0x38;
	[tilespmem:$0x1E800] =	vst v63  }
0x82: {  	_ =	swait.ge [sflag:s22], $0x1400  }
0x83: {  	[sflag:s22] =	ssyncset.done $0x0  }
0x84: {  	s9 =	rddreg [dreg:$0x4];
	[sflag:s22] =	ssyncadd.s32 $0xFFFFEC00  }
0x85: {  	[tilespmem:s23], [sflag:$0x5] =	stream.linear.gather [hbm4b:s9+s7], $0x1400, $0x38;
	[tilespmem:$0x1E800] =	vst v63  }
0x86: {  	_ =	swait.ge [sflag:s22], $0x1400  }
0x87: {  	[sflag:s22] =	ssyncset.done $0x0  }
0x88: {  	[sflag:s22] =	ssyncadd.s32 $0xFFFFEC00  }
0x89: {  	[tilespmem:s21], [sflag:$0x1] =	stream.indirect.gather [hbm4b:s4+s24], $0x80, s7, s24, $0xb8;
	[tilespmem:$0x1E800] =	vst v63  }
0x8a: {  	_ = 	snop  }
0x8b: {  	[tilespmem:s25], [sflag:$0x2] =	stream.indirect.gather [hbm4b:s4+s24], $0x80, s24, s24, $0xb8;
	[tilespmem:$0x1E800] =	vst v63  }
0x8c: {  	_ =	swait.ge [sflag:s26], $0x4000  }
0x8d: {  	[sflag:s26] =	ssyncset.done $0x0  }
0x8e: {  	s9 =	simm.s32 $0x1400;
	[sflag:s26] =	ssyncadd.s32 $0xFFFFC000  }
0x8f: {  	[spmem:s1] =	stream.indirect.scatter.add.f32 [tilespmem:s21], [sflag:$0x3], $0x80, s9, s24, $0xb8;
	[tilespmem:$0x1E800] =	vst v63  }
0x90: {  	_ =	swait.ge [sflag:s28], $0x4000  }
0x91: {  	[sflag:s28] =	ssyncset.done $0x0  }
0x92: {  	[sflag:s28] =	ssyncadd.s32 $0xFFFFC000  }
0x93: {  	_ =	swait.ge [sflag:s29], $0x4000  }
0x94: {  	[sflag:s29] =	ssyncset.done $0x0  }
0x95: {  	s8 =	simm.s32 $0x100;
	[sflag:s29] =	ssyncadd.s32 $0xFFFFC000  }
0x96: {  	[tilespmem:s21], [sflag:$0x1] =	stream.indirect.gather [hbm4b:s4+s24], $0x80, s8, s24, $0xb8;
	[tilespmem:$0x1E800] =	vst v63  }
0x97: {  	s9 =	simm.s32 $0x1480  }
0x98: {  	[spmem:s1] =	stream.indirect.scatter.add.f32 [tilespmem:s25], [sflag:$0x4], $0x80, s9, s24, $0xb8;
	[tilespmem:$0x1E800] =	vst v63  }
0x99: {  	_ =	swait.ge [sflag:s30], $0x4000  }
0x9a: {  	[sflag:s30] =	ssyncset.done $0x0  }
0x9b: {  	s7 =	simm.s32 $0x400;
	s8 =	simm.s32 $0x180;
	[sflag:s30] =	ssyncadd.s32 $0xFFFFC000  }
.LBB2_5:
0x9c: {  	[tilespmem:s25], [sflag:$0x2] =	stream.indirect.gather [hbm4b:s4+s24], $0x80, s8, s24, $0xb8;
	[tilespmem:$0x1E800] =	vst v63  }
0x9d: {  	s8 =	smov.u32 s7  }
0x9e: {  	p1 =	sne.s32 s7, $0x4800;
	s7 =	sadd.s32 $0x400, s7;
	_ =	swait.ge [sflag:s26], $0x4000  }
0x9f: {  	s8 =	sshra.s32 s8, $0x2;
	[sflag:s26] =	ssyncset.done $0x0  }
0xa0: {  	s9 =	sadd.s32 $0x1400, s8;
	[sflag:s26] =	ssyncadd.s32 $0xFFFFC000  }
0xa1: {  	[spmem:s1] =	stream.indirect.scatter.add.f32 [tilespmem:s21], [sflag:$0x3], $0x80, s9, s24, $0xb8;
	[tilespmem:$0x1E800] =	vst v63  }
0xa2: {  	_ =	swait.ge [sflag:s28], $0x4000  }
0xa3: {  	[sflag:s28] =	ssyncset.done $0x0  }
0xa4: {  	[sflag:s28] =	ssyncadd.s32 $0xFFFFC000  }
0xa5: {  	_ =	swait.ge [sflag:s29], $0x4000  }
0xa6: {  	[sflag:s29] =	ssyncset.done $0x0  }
0xa7: {  	s9 =	sadd.s32 $0x100, s8;
	[sflag:s29] =	ssyncadd.s32 $0xFFFFC000  }
0xa8: {  	[tilespmem:s21], [sflag:$0x1] =	stream.indirect.gather [hbm4b:s4+s24], $0x80, s9, s24, $0xb8;
	[tilespmem:$0x1E800] =	vst v63  }
.Ltmp6:
0xa9: {  	s9 =	sadd.s32 $0x1480, s8;
	(pc) =	sbr.rel @p1 .LBB2_5-.Ltmp6, $4  }
0xaa: {  	[spmem:s1] =	stream.indirect.scatter.add.f32 [tilespmem:s25], [sflag:$0x4], $0x80, s9, s24, $0xb8;
	[tilespmem:$0x1E800] =	vst v63  }
0xab: {  	_ =	swait.ge [sflag:s30], $0x4000  }
0xac: {  	[sflag:s30] =	ssyncset.done $0x0  }
0xad: {  	s8 =	sadd.s32 $0x180, s8;
	[sflag:s30] =	ssyncadd.s32 $0xFFFFC000  }
0xae: {  	[tilespmem:s25], [sflag:$0x2] =	stream.indirect.gather [hbm4b:s4+s24], $0x80, s8, s24, $0xb8;
	[tilespmem:$0x1E800] =	vst v63  }
0xaf: {  	_ =	swait.ge [sflag:s26], $0x4000  }
0xb0: {  	[sflag:s26] =	ssyncset.done $0x0  }
0xb1: {  	[sflag:s26] =	ssyncadd.s32 $0xFFFFC000  }
0xb2: {  	[spmem:s1] =	stream.indirect.scatter.add.f32 [tilespmem:s21], [sflag:$0x3], $0x80, s31, s24, $0xb8;
	[tilespmem:$0x1E800] =	vst v63  }
0xb3: {  	_ =	swait.ge [sflag:s28], $0x4000  }
0xb4: {  	[sflag:s28] =	ssyncset.done $0x0  }
0xb5: {  	[sflag:s28] =	ssyncadd.s32 $0xFFFFC000  }
0xb6: {  	_ =	swait.ge [sflag:s29], $0x4000  }
0xb7: {  	[sflag:s29] =	ssyncset.done $0x0  }
0xb8: {  	[sflag:s29] =	ssyncadd.s32 $0xFFFFC000  }
0xb9: {  	[spmem:s1] =	stream.indirect.scatter.add.f32 [tilespmem:s25], [sflag:$0x4], $0x80, s0, s24, $0xb8;
	[tilespmem:$0x1E800] =	vst v63  }
0xba: {  	_ =	swait.ge [sflag:s30], $0x4000  }
0xbb: {  	[sflag:s30] =	ssyncset.done $0x0  }
0xbc: {  	s7 =	simm.s32 $0x0;
	s9 =	rddreg [dreg:$0x5];
	[sflag:s30] =	ssyncadd.s32 $0xFFFFC000  }
0xbd: {  	[tilespmem:s7], [sflag:$0x5] =	stream.linear.gather [hbm4b:s9+s7], $0x1400, $0x38;
	[tilespmem:$0x1E800] =	vst v63  }
0xbe: {  	_ =	swait.ge [sflag:s22], $0x1400  }
0xbf: {  	[sflag:s22] =	ssyncset.done $0x0  }
0xc0: {  	[sflag:s22] =	ssyncadd.s32 $0xFFFFEC00  }
0xc1: {  	[tilespmem:s23], [sflag:$0x5] =	stream.linear.gather [hbm4b:s10+s7], $0x1400, $0x38;
	[tilespmem:$0x1E800] =	vst v63  }
0xc2: {  	_ =	swait.ge [sflag:s22], $0x1400  }
0xc3: {  	[sflag:s22] =	ssyncset.done $0x0  }
0xc4: {  	[sflag:s22] =	ssyncadd.s32 $0xFFFFEC00  }
0xc5: {  	[tilespmem:s21], [sflag:$0x1] =	stream.indirect.gather [hbm4b:s4+s24], $0x80, s7, s24, $0xb8;
	[tilespmem:$0x1E800] =	vst v63  }
0xc6: {  	_ = 	snop  }
0xc7: {  	[tilespmem:s25], [sflag:$0x2] =	stream.indirect.gather [hbm4b:s4+s24], $0x80, s24, s24, $0xb8;
	[tilespmem:$0x1E800] =	vst v63  }
0xc8: {  	_ =	swait.ge [sflag:s26], $0x4000  }
0xc9: {  	[sflag:s26] =	ssyncset.done $0x0  }
0xca: {  	s9 =	simm.s32 $0x1400;
	[sflag:s26] =	ssyncadd.s32 $0xFFFFC000  }
0xcb: {  	[spmem:s1] =	stream.indirect.scatter.add.f32 [tilespmem:s21], [sflag:$0x3], $0x80, s9, s24, $0xb8;
	[tilespmem:$0x1E800] =	vst v63  }
0xcc: {  	_ =	swait.ge [sflag:s28], $0x4000  }
0xcd: {  	[sflag:s28] =	ssyncset.done $0x0  }
0xce: {  	[sflag:s28] =	ssyncadd.s32 $0xFFFFC000  }
0xcf: {  	_ =	swait.ge [sflag:s29], $0x4000  }
0xd0: {  	[sflag:s29] =	ssyncset.done $0x0  }
0xd1: {  	s8 =	simm.s32 $0x100;
	[sflag:s29] =	ssyncadd.s32 $0xFFFFC000  }
0xd2: {  	[tilespmem:s21], [sflag:$0x1] =	stream.indirect.gather [hbm4b:s4+s24], $0x80, s8, s24, $0xb8;
	[tilespmem:$0x1E800] =	vst v63  }
0xd3: {  	s9 =	simm.s32 $0x1480  }
0xd4: {  	[spmem:s1] =	stream.indirect.scatter.add.f32 [tilespmem:s25], [sflag:$0x4], $0x80, s9, s24, $0xb8;
	[tilespmem:$0x1E800] =	vst v63  }
0xd5: {  	_ =	swait.ge [sflag:s30], $0x4000  }
0xd6: {  	[sflag:s30] =	ssyncset.done $0x0  }
0xd7: {  	s7 =	simm.s32 $0x400;
	s8 =	simm.s32 $0x180;
	[sflag:s30] =	ssyncadd.s32 $0xFFFFC000  }
.LBB2_7:
0xd8: {  	[tilespmem:s25], [sflag:$0x2] =	stream.indirect.gather [hbm4b:s4+s24], $0x80, s8, s24, $0xb8;
	[tilespmem:$0x1E800] =	vst v63  }
0xd9: {  	s8 =	smov.u32 s7  }
0xda: {  	p1 =	sne.s32 s7, $0x4800;
	s7 =	sadd.s32 $0x400, s7;
	_ =	swait.ge [sflag:s26], $0x4000  }
0xdb: {  	s8 =	sshra.s32 s8, $0x2;
	[sflag:s26] =	ssyncset.done $0x0  }
0xdc: {  	s9 =	sadd.s32 $0x1400, s8;
	[sflag:s26] =	ssyncadd.s32 $0xFFFFC000  }
0xdd: {  	[spmem:s1] =	stream.indirect.scatter.add.f32 [tilespmem:s21], [sflag:$0x3], $0x80, s9, s24, $0xb8;
	[tilespmem:$0x1E800] =	vst v63  }
0xde: {  	_ =	swait.ge [sflag:s28], $0x4000  }
0xdf: {  	[sflag:s28] =	ssyncset.done $0x0  }
0xe0: {  	[sflag:s28] =	ssyncadd.s32 $0xFFFFC000  }
0xe1: {  	_ =	swait.ge [sflag:s29], $0x4000  }
0xe2: {  	[sflag:s29] =	ssyncset.done $0x0  }
0xe3: {  	s9 =	sadd.s32 $0x100, s8;
	[sflag:s29] =	ssyncadd.s32 $0xFFFFC000  }
0xe4: {  	[tilespmem:s21], [sflag:$0x1] =	stream.indirect.gather [hbm4b:s4+s24], $0x80, s9, s24, $0xb8;
	[tilespmem:$0x1E800] =	vst v63  }
.Ltmp7:
0xe5: {  	s9 =	sadd.s32 $0x1480, s8;
	(pc) =	sbr.rel @p1 .LBB2_7-.Ltmp7, $4  }
0xe6: {  	[spmem:s1] =	stream.indirect.scatter.add.f32 [tilespmem:s25], [sflag:$0x4], $0x80, s9, s24, $0xb8;
	[tilespmem:$0x1E800] =	vst v63  }
0xe7: {  	_ =	swait.ge [sflag:s30], $0x4000  }
0xe8: {  	[sflag:s30] =	ssyncset.done $0x0  }
0xe9: {  	s8 =	sadd.s32 $0x180, s8;
	[sflag:s30] =	ssyncadd.s32 $0xFFFFC000  }
0xea: {  	[tilespmem:s25], [sflag:$0x2] =	stream.indirect.gather [hbm4b:s4+s24], $0x80, s8, s24, $0xb8;
	[tilespmem:$0x1E800] =	vst v63  }
0xeb: {  	_ =	swait.ge [sflag:s26], $0x4000  }
0xec: {  	[sflag:s26] =	ssyncset.done $0x0  }
0xed: {  	[sflag:s26] =	ssyncadd.s32 $0xFFFFC000  }
0xee: {  	[spmem:s1] =	stream.indirect.scatter.add.f32 [tilespmem:s21], [sflag:$0x3], $0x80, s31, s24, $0xb8;
	[tilespmem:$0x1E800] =	vst v63  }
0xef: {  	_ =	swait.ge [sflag:s28], $0x4000  }
0xf0: {  	[sflag:s28] =	ssyncset.done $0x0  }
0xf1: {  	[sflag:s28] =	ssyncadd.s32 $0xFFFFC000  }
0xf2: {  	_ =	swait.ge [sflag:s29], $0x4000  }
0xf3: {  	[sflag:s29] =	ssyncset.done $0x0  }
0xf4: {  	[sflag:s29] =	ssyncadd.s32 $0xFFFFC000  }
0xf5: {  	[spmem:s1] =	stream.indirect.scatter.add.f32 [tilespmem:s25], [sflag:$0x4], $0x80, s0, s24, $0xb8;
	[tilespmem:$0x1E800] =	vst v63  }
0xf6: {  	_ =	swait.ge [sflag:s30], $0x4000  }
0xf7: {  	[sflag:s30] =	ssyncset.done $0x0  }
0xf8: {  	s7 =	simm.s32 $0x0;
	[sflag:s30] =	ssyncadd.s32 $0xFFFFC000  }
0xf9: {  	[tilespmem:s7], [sflag:$0x5] =	stream.linear.gather [hbm4b:s11+s7], $0x1400, $0x38;
	[tilespmem:$0x1E800] =	vst v63  }
0xfa: {  	_ =	swait.ge [sflag:s22], $0x1400  }
0xfb: {  	[sflag:s22] =	ssyncset.done $0x0  }
0xfc: {  	[sflag:s22] =	ssyncadd.s32 $0xFFFFEC00  }
0xfd: {  	[tilespmem:s23], [sflag:$0x5] =	stream.linear.gather [hbm4b:s12+s7], $0x1400, $0x38;
	[tilespmem:$0x1E800] =	vst v63  }
0xfe: {  	_ =	swait.ge [sflag:s22], $0x1400  }
0xff: {  	[sflag:s22] =	ssyncset.done $0x0  }
0x100: {  	[sflag:s22] =	ssyncadd.s32 $0xFFFFEC00  }
0x101: {  	[tilespmem:s21], [sflag:$0x1] =	stream.indirect.gather [hbm4b:s4+s24], $0x80, s7, s24, $0xb8;
	[tilespmem:$0x1E800] =	vst v63  }
0x102: {  	_ = 	snop  }
0x103: {  	[tilespmem:s25], [sflag:$0x2] =	stream.indirect.gather [hbm4b:s4+s24], $0x80, s24, s24, $0xb8;
	[tilespmem:$0x1E800] =	vst v63  }
0x104: {  	_ =	swait.ge [sflag:s26], $0x4000  }
0x105: {  	[sflag:s26] =	ssyncset.done $0x0  }
0x106: {  	s9 =	simm.s32 $0x1400;
	[sflag:s26] =	ssyncadd.s32 $0xFFFFC000  }
0x107: {  	[spmem:s1] =	stream.indirect.scatter.add.f32 [tilespmem:s21], [sflag:$0x3], $0x80, s9, s24, $0xb8;
	[tilespmem:$0x1E800] =	vst v63  }
0x108: {  	_ =	swait.ge [sflag:s28], $0x4000  }
0x109: {  	[sflag:s28] =	ssyncset.done $0x0  }
0x10a: {  	[sflag:s28] =	ssyncadd.s32 $0xFFFFC000  }
0x10b: {  	_ =	swait.ge [sflag:s29], $0x4000  }
0x10c: {  	[sflag:s29] =	ssyncset.done $0x0  }
0x10d: {  	s8 =	simm.s32 $0x100;
	[sflag:s29] =	ssyncadd.s32 $0xFFFFC000  }
0x10e: {  	[tilespmem:s21], [sflag:$0x1] =	stream.indirect.gather [hbm4b:s4+s24], $0x80, s8, s24, $0xb8;
	[tilespmem:$0x1E800] =	vst v63  }
0x10f: {  	s9 =	simm.s32 $0x1480  }
0x110: {  	[spmem:s1] =	stream.indirect.scatter.add.f32 [tilespmem:s25], [sflag:$0x4], $0x80, s9, s24, $0xb8;
	[tilespmem:$0x1E800] =	vst v63  }
0x111: {  	_ =	swait.ge [sflag:s30], $0x4000  }
0x112: {  	[sflag:s30] =	ssyncset.done $0x0  }
0x113: {  	s7 =	simm.s32 $0x400;
	s8 =	simm.s32 $0x180;
	[sflag:s30] =	ssyncadd.s32 $0xFFFFC000  }
.LBB2_9:
0x114: {  	[tilespmem:s25], [sflag:$0x2] =	stream.indirect.gather [hbm4b:s4+s24], $0x80, s8, s24, $0xb8;
	[tilespmem:$0x1E800] =	vst v63  }
0x115: {  	s8 =	smov.u32 s7  }
0x116: {  	p1 =	seq.s32 s7, $0x4800;
	s7 =	sadd.s32 $0x400, s7;
	_ =	swait.ge [sflag:s26], $0x4000  }
0x117: {  	s8 =	sshra.s32 s8, $0x2;
	[sflag:s26] =	ssyncset.done $0x0  }
0x118: {  	s9 =	sadd.s32 $0x1400, s8;
	[sflag:s26] =	ssyncadd.s32 $0xFFFFC000  }
0x119: {  	[spmem:s1] =	stream.indirect.scatter.add.f32 [tilespmem:s21], [sflag:$0x3], $0x80, s9, s24, $0xb8;
	[tilespmem:$0x1E800] =	vst v63  }
0x11a: {  	_ =	swait.ge [sflag:s28], $0x4000  }
0x11b: {  	[sflag:s28] =	ssyncset.done $0x0  }
0x11c: {  	[sflag:s28] =	ssyncadd.s32 $0xFFFFC000  }
0x11d: {  	_ =	swait.ge [sflag:s29], $0x4000  }
0x11e: {  	[sflag:s29] =	ssyncset.done $0x0  }
0x11f: {  	s9 =	sadd.s32 $0x100, s8;
	[sflag:s29] =	ssyncadd.s32 $0xFFFFC000  }
0x120: {  	[tilespmem:s21], [sflag:$0x1] =	stream.indirect.gather [hbm4b:s4+s24], $0x80, s9, s24, $0xb8;
	[tilespmem:$0x1E800] =	vst v63  }
.Ltmp8:
0x121: {  	s9 =	sadd.s32 $0x1480, s8;
	(pc) =	sbr.rel @!p1 .LBB2_9-.Ltmp8, $4  }
0x122: {  	[spmem:s1] =	stream.indirect.scatter.add.f32 [tilespmem:s25], [sflag:$0x4], $0x80, s9, s24, $0xb8;
	[tilespmem:$0x1E800] =	vst v63  }
0x123: {  	_ =	swait.ge [sflag:s30], $0x4000  }
0x124: {  	[sflag:s30] =	ssyncset.done $0x0  }
0x125: {  	s8 =	sadd.s32 $0x180, s8;
	[sflag:s30] =	ssyncadd.s32 $0xFFFFC000  }
.Ltmp9:
0x126: {  	_ = 	snop;
	(pc) =	sbr.rel .LBB2_10-.Ltmp9, $1  }
0x127: {  	_ =	sdelay $0x3  }
.LBB2_15:
0x128: {  	_ =	sfence.sel $0x180000  }
0x129: {  	[bflag:$0x0] =	sbarrier.arrive $0xFFFF  }
0x12a: {  	_ =	strace $0x90000050  }
0x12b: {  	[bflag:$0x2] =	sbarrier.arrive $0xFFFF  }
0x12c: {  	p0 =	sne.s32 s2, $0x0;
	s0 =	rddreg [dreg:$0x2]  }
0x12d: {  	s0 =	sadd.s32 @!p0 $0x100000, s0  }
0x12e: {  	[sflag:s0] =	ssyncadd.tile.s32 @!p0 $0x1;
	_ =	shalt  }
.Lfunc_end2:
_tile_overlayer_lowered:
.L_overlay_start_2:
0x12f: {  	(tag) =	ssettag $0x2  }
0x130: {  	s0 =	rddreg [dreg:$0x0];
	s2 =	stileid.u32  }
0x131: {  	s1 =	rddreg [dreg:$0x1];
	p0 =	sne.s32 s2, $0x0  }
0x132: {  	s3 =	rddreg [dreg:$0x2];
	[bflag:$0x3] =	sbarrier.arrive $0xFFFF;
	s2 =	simm.s32 @!p0 $0x1C05  }
0x133: {  	[timem:s3], [sflag:s2] =	dma.local @!p0 [hbm:s0], s1  }
0x134: {  	s0 =	simm.s32 @!p0 $0x5  }
0x135: {  	_ =	swait.ge @!p0 [sflag:s0], s1  }
0x136: {  	s1 =	ssub.s32 @!p0 $0x0, s1;
	[sflag:s0] =	ssyncset.done @!p0 $0x0  }
0x137: {  	[sflag:s0] =	ssyncadd.s32 @!p0 s1  }
0x138: {  	[bflag:$0x3] =	sbarrier.arrive $0xFFFF  }
0x139: {  	_ =	shalt  }

</sc_bundles>
